<compile_context>
chip_gen: v7x
topology: tpu7x:2x2x1
jax: 0.10.2.dev20260603
libtpu: 0.0.44.dev20260713+nightly
codegen_flags: <defaults>
</compile_context>

<pallas_src>
import functools

import jax
import jax.numpy as jnp
from jax import lax
from jax.experimental import pallas as pl
from jax.experimental.pallas import tpu as pltpu
from jax.experimental.pallas import tpu_sc as plsc

N = 10000
E = 320000
B = 64
IN_DIM = 128
HID = 256

NC = 2
NS = 16
NW = NC * NS
L = 16

CH = 80
STG1 = (3200, 3200, 3600)
STG2 = (3200,) * 6 + (800,)
EPW = E // NW
EPT = E // NS
RPT = 632
RPT_LAST = N - 15 * RPT

@functools.cache
def _mesh():
    return plsc.VectorSubcoreMesh(core_axis_name="c", subcore_axis_name="s",
                                  num_cores=NC, num_subcores=NS)


def _deg_body(src_hbm, dst_hbm, out_hbm, sidx, didx, hs, hd):
    c = lax.axis_index("c")
    s = lax.axis_index("s")
    w = c * NS + s
    base = w * EPW
    pltpu.sync_copy(src_hbm.at[pl.ds(base, EPW)], sidx)
    pltpu.sync_copy(dst_hbm.at[pl.ds(base, EPW)], didx)

    zeros = jnp.zeros((L,), jnp.float32)

    def zstep(i, carry):
        hs[pl.ds(i * L, L)] = zeros
        hd[pl.ds(i * L, L)] = zeros
        return carry

    lax.fori_loop(0, N // L, zstep, 0)

    ones = jnp.ones((L,), jnp.float32)

    def hstep(i, carry):
        plsc.addupdate_scatter(hs, [sidx[pl.ds(i * L, L)]], ones)
        plsc.addupdate_scatter(hd, [didx[pl.ds(i * L, L)]], ones)
        return carry

    lax.fori_loop(0, EPW // L, hstep, 0)

    pltpu.sync_copy(hs, out_hbm.at[w, 0])
    pltpu.sync_copy(hd, out_hbm.at[NW + w, 0])


@functools.cache
def _deg_call():
    return functools.partial(
        pl.kernel,
        out_type=jax.ShapeDtypeStruct((2 * NW, 1, N), jnp.float32),
        mesh=_mesh(),
        compiler_params=pltpu.CompilerParams(needs_layout_passes=False),
        scratch_types=[
            pltpu.VMEM((EPW,), jnp.int32),
            pltpu.VMEM((EPW,), jnp.int32),
            pltpu.VMEM((N,), jnp.float32),
            pltpu.VMEM((N,), jnp.float32),
        ],
    )(_deg_body)


def _rowcopy(src_ref, dst_ref, s, dst_base=0):
    @pl.when(s < NS - 1)
    def _():
        off = pl.multiple_of(s * RPT, 8)
        doff = pl.multiple_of(dst_base + s * RPT, 8)
        pltpu.sync_copy(src_ref.at[pl.ds(off, RPT)],
                        dst_ref.at[pl.ds(doff, RPT)])

    @pl.when(s == NS - 1)
    def _():
        off = (NS - 1) * RPT
        doff = pl.multiple_of(dst_base + (NS - 1) * RPT, 8)
        pltpu.sync_copy(src_ref.at[pl.ds(off, RPT_LAST)],
                        dst_ref.at[pl.ds(doff, RPT_LAST)])


def _pipe(table, sidx, didx, rows0, rows1, acc, sem0, sem1, nch):
    def g(i, r, sem):
        off = pl.multiple_of(i * CH, 8)
        pltpu.async_copy(table.at[sidx.at[pl.ds(off, CH)]], r, sem)

    def wg(r, sem):
        pltpu.make_async_copy(table.at[sidx.at[pl.ds(0, CH)]], r, sem).wait()

    def sc(i, r):
        pltpu.sync_copy(r, acc.at[didx.at[i]], add=True)

    g(0, rows0, sem0)

    def pair(j, carry):
        g(2 * j + 1, rows1, sem1)
        wg(rows0, sem0)
        sc(2 * j, rows0)
        g(2 * j + 2, rows0, sem0)
        wg(rows1, sem1)
        sc(2 * j + 1, rows1)
        return carry

    if nch % 2 == 0:
        lax.fori_loop(0, nch // 2 - 1, pair, 0)
        g(nch - 1, rows1, sem1)
        wg(rows0, sem0)
        sc(nch - 2, rows0)
        wg(rows1, sem1)
        sc(nch - 1, rows1)
    else:
        lax.fori_loop(0, (nch - 1) // 2, pair, 0)
        wg(rows0, sem0)
        sc(nch - 1, rows0)


def _agg1_body(table, srcf, dstr, zer, out0, out1, sidx, didx, rows0, rows1,
               acc, sem0, sem1):
    c = lax.axis_index("c")
    s = lax.axis_index("s")
    w = c * NS + s
    _rowcopy(zer, acc, s)
    plsc.subcore_barrier()
    ebase, cbase = 0, 0
    for stg in STG1:
        nch = stg // CH
        eoff = pl.multiple_of(w * EPW + ebase, 8)
        pltpu.sync_copy(srcf.at[pl.ds(eoff, stg)], sidx.at[pl.ds(0, stg)])
        pltpu.sync_copy(dstr.at[w, pl.ds(cbase, nch)],
                        didx.at[pl.ds(0, nch)])
        _pipe(table, sidx, didx, rows0, rows1, acc, sem0, sem1, nch)
        ebase += stg
        cbase += nch
    plsc.subcore_barrier()

    @pl.when(c == 0)
    def _():
        _rowcopy(acc, out0, s)

    @pl.when(c == 1)
    def _():
        _rowcopy(acc, out1, s)


@functools.cache
def _agg1_call():
    return functools.partial(
        pl.kernel,
        out_type=(
            jax.ShapeDtypeStruct((N, IN_DIM), jnp.float32),
            jax.ShapeDtypeStruct((N, IN_DIM), jnp.float32),
        ),
        mesh=_mesh(),
        scratch_types=[
            pltpu.VMEM((max(STG1),), jnp.int32),
            pltpu.VMEM((max(STG1) // CH, CH), jnp.int32),
            pltpu.VMEM((CH, IN_DIM), jnp.float32),
            pltpu.VMEM((CH, IN_DIM), jnp.float32),
            pltpu.VMEM_SHARED((N, IN_DIM), jnp.float32),
            pltpu.SemaphoreType.DMA,
            pltpu.SemaphoreType.DMA,
        ],
    )(_agg1_body)


def _agg2_body(tabs, srcf, dstr, zer, out, sidx, didx, rows0, rows1, acc,
               sem0, sem1):
    c = lax.axis_index("c")
    s = lax.axis_index("s")
    coff = c * N
    _rowcopy(zer, acc, s)
    plsc.subcore_barrier()

    ebase, cbase = 0, 0
    for stg in STG2:
        nch = stg // CH
        eoff = pl.multiple_of(s * EPT + ebase, 8)
        pltpu.sync_copy(srcf.at[pl.ds(eoff, stg)], sidx.at[pl.ds(0, stg)])
        pltpu.sync_copy(dstr.at[s, pl.ds(cbase, nch)],
                        didx.at[pl.ds(0, nch)])

        def astep(i, carry):
            sidx[pl.ds(i * L, L)] = sidx[pl.ds(i * L, L)] + coff
            return carry

        lax.fori_loop(0, stg // L, astep, 0)
        _pipe(tabs, sidx, didx, rows0, rows1, acc, sem0, sem1, nch)
        ebase += stg
        cbase += nch
    plsc.subcore_barrier()
    _rowcopy(acc, out, s, dst_base=coff)


@functools.cache
def _agg2_call():
    return functools.partial(
        pl.kernel,
        out_type=jax.ShapeDtypeStruct((2 * N, IN_DIM), jnp.float32),
        mesh=_mesh(),
        scratch_types=[
            pltpu.VMEM((max(STG2),), jnp.int32),
            pltpu.VMEM((max(STG2) // CH, CH), jnp.int32),
            pltpu.VMEM((CH, IN_DIM), jnp.float32),
            pltpu.VMEM((CH, IN_DIM), jnp.float32),
            pltpu.VMEM_SHARED((N, IN_DIM), jnp.float32),
            pltpu.SemaphoreType.DMA,
            pltpu.SemaphoreType.DMA,
        ],
    )(_agg2_body)


def _prescale_body(hists_ref, x_ref, xs_ref, rod_ref, rid_ref):
    h = hists_ref[...]
    cnt_src = jnp.sum(h[:NW], axis=0)
    cnt_dst = jnp.sum(h[NW:], axis=0)
    rod = lax.rsqrt(jnp.maximum(cnt_src, 1.0)).reshape(N, 1)
    rid = lax.rsqrt(jnp.maximum(cnt_dst, 1.0)).reshape(N, 1)
    rod_ref[...] = rod
    rid_ref[...] = rid
    xs_ref[...] = x_ref[...] * rod


def _prescale_call(hists, x):
    return pl.pallas_call(
        _prescale_body,
        out_shape=(
            jax.ShapeDtypeStruct((N, IN_DIM), jnp.float32),
            jax.ShapeDtypeStruct((N, 1), jnp.float32),
            jax.ShapeDtypeStruct((N, 1), jnp.float32),
        ),
    )(hists, x)


def _dot3(a, w):
    ah = a.astype(jnp.bfloat16)
    al = (a - ah.astype(jnp.float32)).astype(jnp.bfloat16)
    wh = w.astype(jnp.bfloat16)
    wl = (w - wh.astype(jnp.float32)).astype(jnp.bfloat16)
    d = functools.partial(jnp.dot, preferred_element_type=jnp.float32)
    r = d(ah, wh)
    r = r + d(ah, wl)
    r = r + d(al, wh)
    return r


def _layer1_body(p0, p1, rid, rod, W1, b1, tabs_ref):
    agg = (p0[...] + p1[...]) * rid[...]
    h = _dot3(agg, W1[...]) + b1[...]
    h = jnp.maximum(h, 0.0) * rod[...]
    tabs_ref[:N, :] = h[:, :IN_DIM]
    tabs_ref[N:, :] = h[:, IN_DIM:]


def _layer1_call(p0, p1, rid, rod, W1, b1):
    return pl.pallas_call(
        _layer1_body,
        out_shape=jax.ShapeDtypeStruct((2 * N, IN_DIM), jnp.float32),
    )(p0, p1, rid, rod, W1, b1)


def _ln(z, g, b):
    mu = jnp.mean(z, axis=-1, keepdims=True)
    var = jnp.mean((z - mu) ** 2, axis=-1, keepdims=True)
    return (z - mu) * lax.rsqrt(var + 1e-5) * g + b


def _final_body(qq, rid, gid, W2, b2, Wm1, bm1, g1, be1, Wm2, bm2, g2,
                be2, Wo, bo, out_ref):
    agg = jnp.concatenate([qq[:N, :], qq[N:, :]], axis=1) * rid[...]
    h2 = _dot3(agg, W2[...]) + b2[...]
    h2 = jnp.maximum(h2, 0.0)
    onehot = (lax.broadcasted_iota(jnp.int32, (B, N), 0) == gid[...]).astype(
        jnp.bfloat16)
    cnt = jnp.maximum(
        jnp.sum(onehot.astype(jnp.float32), axis=1, keepdims=True), 1.0)
    h2h = h2.astype(jnp.bfloat16)
    h2l = (h2 - h2h.astype(jnp.float32)).astype(jnp.bfloat16)
    d = functools.partial(jnp.dot, preferred_element_type=jnp.float32)
    pooled = (d(onehot, h2h) + d(onehot, h2l)) / cnt
    z = jnp.dot(pooled, Wm1[...], preferred_element_type=jnp.float32,
                precision=lax.Precision.HIGHEST) + bm1[...]
    z = _ln(z, g1[...], be1[...])
    z = jnp.where(z > 0, z, 0.01 * z)
    z = jnp.dot(z, Wm2[...], preferred_element_type=jnp.float32,
                precision=lax.Precision.HIGHEST) + bm2[...]
    z = _ln(z, g2[...], be2[...])
    z = jnp.where(z > 0, z, 0.01 * z)
    out_ref[...] = jnp.dot(z, Wo[...], preferred_element_type=jnp.float32,
                           precision=lax.Precision.HIGHEST) + bo[...]


def _final_call(qq, rid, gid, W2, b2, Wm1, bm1, g1, be1, Wm2, bm2, g2,
                be2, Wo, bo):
    return pl.pallas_call(
        _final_body,
        out_shape=jax.ShapeDtypeStruct((B, 1), jnp.float32),
    )(qq, rid, gid, W2, b2, Wm1, bm1, g1, be1, Wm2, bm2, g2, be2, Wo, bo)


def kernel(x, edge_index, graph_ids, W1, b1, W2, b2, Wm1, bm1, g1, be1, Wm2,
           bm2, g2, be2, Wo, bo):
    src = edge_index[0]
    dst = edge_index[1]
    dstr1 = dst.reshape(NW, EPW // CH, CH)
    dstr2 = dst.reshape(NS, EPT // CH, CH)
    zer = jnp.zeros((N, IN_DIM), jnp.float32)

    hists = _deg_call()(src, dst).reshape(2 * NW, N)
    xs, rod, rid = _prescale_call(hists, x)
    p0, p1 = _agg1_call()(xs, src, dstr1, zer)
    tabs = _layer1_call(p0, p1, rid, rod, W1, b1.reshape(1, HID))
    qq = _agg2_call()(tabs, src, dstr2, zer)
    out = _final_call(qq, rid, graph_ids.reshape(1, N), W2,
                      b2.reshape(1, HID), Wm1, bm1.reshape(1, 1024), g1.reshape(1, 1024),
                      be1.reshape(1, 1024), Wm2, bm2.reshape(1, 512), g2.reshape(1, 512),
                      be2.reshape(1, 512), Wo, bo.reshape(1, 1))
    return out[:, 0]

# --- scband reference (transcript-rebuilt; emitter-appended) ---
"""Pipeline reference for scband-solv-gnnv2-37778532335670 (READ-ONLY COPY).

The authoritative reference and input builder live on the scoring server;
editing this copy changes nothing except your own understanding.
"""

import jax, jax.numpy as jnp
import numpy as np

N = 10000
E = 320000
B = 64
IN_DIM = 128
HID = 256


def setup_inputs(seed: int = 0):
    key = jax.random.key(seed)
    ks = jax.random.split(key, 20)
    inp = {}
    inp["x"] = jax.random.normal(ks[0], (N, IN_DIM), dtype=jnp.float32)
    inp["edge_index"] = jax.random.randint(ks[1], (2, E), 0, N, dtype=jnp.int32)
    inp["graph_ids"] = jnp.sort(jax.random.randint(ks[2], (N,), 0, B, dtype=jnp.int32))

    def glorot(k, shape):
        lim = float(np.sqrt(6.0 / (shape[0] + shape[1])))
        return jax.random.uniform(k, shape, dtype=jnp.float32, minval=-lim, maxval=lim)

    inp["W1"] = glorot(ks[3], (IN_DIM, HID)); inp["b1"] = jnp.zeros((HID,), jnp.float32)
    inp["W2"] = glorot(ks[4], (HID, HID)); inp["b2"] = jnp.zeros((HID,), jnp.float32)
    inp["Wm1"] = glorot(ks[5], (HID, 1024)); inp["bm1"] = jnp.zeros((1024,), jnp.float32)
    inp["g1"] = jnp.ones((1024,), jnp.float32); inp["be1"] = jnp.zeros((1024,), jnp.float32)
    inp["Wm2"] = glorot(ks[6], (1024, 512)); inp["bm2"] = jnp.zeros((512,), jnp.float32)
    inp["g2"] = jnp.ones((512,), jnp.float32); inp["be2"] = jnp.zeros((512,), jnp.float32)
    inp["Wo"] = glorot(ks[7], (512, 1)); inp["bo"] = jnp.zeros((1,), jnp.float32)
    return inp


def _graph_conv(x, src, dst, W, b, n):
    # DGL GraphConv, norm='both', allow_zero_in_degree=True (degrees clamped to >=1)
    out_deg = jnp.clip(jnp.bincount(src, length=n), 1).astype(x.dtype)
    in_deg = jnp.clip(jnp.bincount(dst, length=n), 1).astype(x.dtype)
    h = x * (out_deg ** -0.5)[:, None]
    agg = jnp.zeros((n, h.shape[1]), h.dtype).at[dst].add(h[src])
    agg = agg * (in_deg ** -0.5)[:, None]
    return agg @ W + b


def _layer_norm(x, g, b):
    mu = jnp.mean(x, axis=-1, keepdims=True)
    var = jnp.var(x, axis=-1, keepdims=True)
    return (x - mu) / jnp.sqrt(var + 1e-5) * g + b


def reference(x, edge_index, graph_ids, W1, b1, W2, b2, Wm1, bm1, g1, be1, Wm2, bm2, g2, be2, Wo, bo):
    src = edge_index[0]
    dst = edge_index[1]
    h = jax.nn.relu(_graph_conv(x, src, dst, W1, b1, N))
    h = jax.nn.relu(_graph_conv(h, src, dst, W2, b2, N))
    # dgl.mean_nodes over the batched graph
    counts = jnp.clip(jnp.bincount(graph_ids, length=B), 1).astype(h.dtype)
    node_mean = jax.ops.segment_sum(h, graph_ids, num_segments=B) / counts[:, None]
    # MLPBlock(hidden_dim, n_classes, [1024, 512], mode='NAD', activation=LeakyReLU)
    z = _layer_norm(node_mean @ Wm1 + bm1, g1, be1)
    z = jax.nn.leaky_relu(z, 0.01)
    z = _layer_norm(z @ Wm2 + bm2, g2, be2)
    z = jax.nn.leaky_relu(z, 0.01)
    out = z @ Wo + bo
    return out.squeeze(-1)

if __name__ == "__main__":
    import jax
    _d = setup_inputs()
    print(jax.jit(kernel)(*tuple(_d.values())))

</pallas_src>

<mosaic_0001>
#map = affine_map<(d0, d1) -> (0)>
#map1 = affine_map<(d0, d1) -> (0, 0, 0)>
module attributes {stable_mosaic.version = 14 : i64} {
  func.func @_deg_body(%arg0: i32, %arg1: i32, %arg2: memref<320000xi32, #tpu.memory_space<hbm>>, %arg3: memref<320000xi32, #tpu.memory_space<hbm>>, %arg4: memref<64x1x10000xf32, #tpu.memory_space<hbm>>, %arg5: memref<10000xi32, #tpu.memory_space<vmem>>, %arg6: memref<10000xi32, #tpu.memory_space<vmem>>, %arg7: memref<10000xf32, #tpu.memory_space<vmem>>, %arg8: memref<10000xf32, #tpu.memory_space<vmem>>) attributes {dimension_semantics = [#tpu.dimension_semantics<core_parallel>, #tpu.dimension_semantics<subcore_parallel>], iteration_bounds = array<i64: 2, 16>, scalar_prefetch = 0 : i64, scratch_operands = 4 : i64, tpu.core_type = #tpu.core_type<sc_vector_subcore>, window_params = [{transform_indices = #map}, {transform_indices = #map}, {transform_indices = #map1}]} {
    %mul3A = arith.constant 16 : i32
    %mul3A_0 = arith.muli %arg0, %mul3A : i32
    %add3A = arith.addi %mul3A_0, %arg1 : i32
    %mul3A_1 = arith.constant 10000 : i32
    %mul3A_2 = arith.muli %add3A, %mul3A_1 : i32
    "tpu.region"() ({
      %run_scoped3A_20 = tpu.sem_alloc : memref<!tpu.dma_semaphore, #tpu.memory_space<semaphore_mem>>
      %dma_start3A = tpu.memref_slice %arg2[%mul3A_2] : memref<320000xi32, #tpu.memory_space<hbm>> -> memref<10000xi32, #tpu.memory_space<hbm>>
      %dma_start3A_21 = tpu.memref_slice %arg2[%mul3A_2] : memref<320000xi32, #tpu.memory_space<hbm>> -> memref<10000xi32, #tpu.memory_space<hbm>>
      tpu.enqueue_dma source(%dma_start3A_21 : memref<10000xi32, #tpu.memory_space<hbm>>) target(%arg5 : memref<10000xi32, #tpu.memory_space<vmem>>) target_semaphore(%run_scoped3A_20 : memref<!tpu.dma_semaphore, #tpu.memory_space<semaphore_mem>>)
      %dma_wait3A = tpu.memref_slice %arg2[%mul3A_2] : memref<320000xi32, #tpu.memory_space<hbm>> -> memref<10000xi32, #tpu.memory_space<hbm>>
      %dma_wait3A_22 = tpu.memref_slice %arg2[%mul3A_2] : memref<320000xi32, #tpu.memory_space<hbm>> -> memref<10000xi32, #tpu.memory_space<hbm>>
      tpu.wait_dma2 semaphore(%run_scoped3A_20 : memref<!tpu.dma_semaphore, #tpu.memory_space<semaphore_mem>>) src(%dma_wait3A_22 : memref<10000xi32, #tpu.memory_space<hbm>>) dst(%arg5 : memref<10000xi32, #tpu.memory_space<vmem>>)
      tpu.yield
    }) : () -> ()
    "tpu.region"() ({
      %run_scoped3A_20 = tpu.sem_alloc : memref<!tpu.dma_semaphore, #tpu.memory_space<semaphore_mem>>
      %dma_start3A = tpu.memref_slice %arg3[%mul3A_2] : memref<320000xi32, #tpu.memory_space<hbm>> -> memref<10000xi32, #tpu.memory_space<hbm>>
      %dma_start3A_21 = tpu.memref_slice %arg3[%mul3A_2] : memref<320000xi32, #tpu.memory_space<hbm>> -> memref<10000xi32, #tpu.memory_space<hbm>>
      tpu.enqueue_dma source(%dma_start3A_21 : memref<10000xi32, #tpu.memory_space<hbm>>) target(%arg6 : memref<10000xi32, #tpu.memory_space<vmem>>) target_semaphore(%run_scoped3A_20 : memref<!tpu.dma_semaphore, #tpu.memory_space<semaphore_mem>>)
      %dma_wait3A = tpu.memref_slice %arg3[%mul3A_2] : memref<320000xi32, #tpu.memory_space<hbm>> -> memref<10000xi32, #tpu.memory_space<hbm>>
      %dma_wait3A_22 = tpu.memref_slice %arg3[%mul3A_2] : memref<320000xi32, #tpu.memory_space<hbm>> -> memref<10000xi32, #tpu.memory_space<hbm>>
      tpu.wait_dma2 semaphore(%run_scoped3A_20 : memref<!tpu.dma_semaphore, #tpu.memory_space<semaphore_mem>>) src(%dma_wait3A_22 : memref<10000xi32, #tpu.memory_space<hbm>>) dst(%arg6 : memref<10000xi32, #tpu.memory_space<vmem>>)
      tpu.yield
    }) : () -> ()
    %broadcast_in_dim3A = arith.constant 0.000000e+00 : f32
    %broadcast_in_dim3A_3 = vector.broadcast %broadcast_in_dim3A : f32 to vector<16xf32>
    %scan3A = arith.constant 0 : i32
    %scan3A_4 = arith.constant 0 : i32
    %scan3A_5 = arith.constant 625 : i32
    %scan3A_6 = arith.addi %scan3A_4, %scan3A_5 : i32
    %scan3A_7 = arith.constant 1 : i32
    scf.for %scan3A_20 = %scan3A_4 to %scan3A_6 step %scan3A_7  : i32 {
      %mul3A_21 = arith.constant 16 : i32
      %mul3A_22 = arith.muli %scan3A_20, %mul3A_21 : i32
      %swap3A = arith.index_cast %mul3A_22 : i32 to index
      %swap3A_23 = tpu.vector_load %arg7[%swap3A] {strides = array<i32>} : memref<10000xf32, #tpu.memory_space<vmem>>, vector<16xf32>,
      tpu.vector_store %arg7[%swap3A], %broadcast_in_dim3A_3 {strides = array<i32>} : memref<10000xf32, #tpu.memory_space<vmem>>, vector<16xf32>,
      %mul3A_24 = arith.constant 16 : i32
      %mul3A_25 = arith.muli %scan3A_20, %mul3A_24 : i32
      %swap3A_26 = arith.index_cast %mul3A_25 : i32 to index
      %swap3A_27 = tpu.vector_load %arg8[%swap3A_26] {strides = array<i32>} : memref<10000xf32, #tpu.memory_space<vmem>>, vector<16xf32>,
      tpu.vector_store %arg8[%swap3A_26], %broadcast_in_dim3A_3 {strides = array<i32>} : memref<10000xf32, #tpu.memory_space<vmem>>, vector<16xf32>,
    }
    %scan3A_8 = arith.constant 625 : i32
    %broadcast_in_dim3A_9 = arith.constant 1.000000e+00 : f32
    %broadcast_in_dim3A_10 = vector.broadcast %broadcast_in_dim3A_9 : f32 to vector<16xf32>
    %scan3A_11 = arith.constant 0 : i32
    %scan3A_12 = arith.constant 0 : i32
    %scan3A_13 = arith.constant 625 : i32
    %scan3A_14 = arith.addi %scan3A_12, %scan3A_13 : i32
    %scan3A_15 = arith.constant 1 : i32
    scf.for %scan3A_20 = %scan3A_12 to %scan3A_14 step %scan3A_15  : i32 {
      %mul3A_21 = arith.constant 16 : i32
      %mul3A_22 = arith.muli %scan3A_20, %mul3A_21 : i32
      %get3A = arith.index_cast %mul3A_22 : i32 to index
      %get3A_23 = tpu.vector_load %arg5[%get3A] {strides = array<i32>} : memref<10000xi32, #tpu.memory_space<vmem>>, vector<16xi32>,
      tpu.vector_store_idx %arg7[%get3A_23], %broadcast_in_dim3A_10 {add = true} : memref<10000xf32, #tpu.memory_space<vmem>>[vector<16xi32>], vector<16xf32>,
      %mul3A_24 = arith.constant 16 : i32
      %mul3A_25 = arith.muli %scan3A_20, %mul3A_24 : i32
      %get3A_26 = arith.index_cast %mul3A_25 : i32 to index
      %get3A_27 = tpu.vector_load %arg6[%get3A_26] {strides = array<i32>} : memref<10000xi32, #tpu.memory_space<vmem>>, vector<16xi32>,
      tpu.vector_store_idx %arg8[%get3A_27], %broadcast_in_dim3A_10 {add = true} : memref<10000xf32, #tpu.memory_space<vmem>>[vector<16xi32>], vector<16xf32>,
    }
    %scan3A_16 = arith.constant 625 : i32
    %run_scoped3A = arith.constant 0 : i32
    "tpu.region"() ({
      %run_scoped3A_20 = tpu.sem_alloc : memref<!tpu.dma_semaphore, #tpu.memory_space<semaphore_mem>>
      %dma_start3A = arith.constant 0 : i32
      %dma_start3A_21 = tpu.memref_slice %arg4[%add3A, %run_scoped3A, %dma_start3A] : memref<64x1x10000xf32, #tpu.memory_space<hbm>> -> memref<1x1x10000xf32, #tpu.memory_space<hbm>>
      %dma_start3A_22 = tpu.memref_squeeze %dma_start3A_21 : memref<1x1x10000xf32, #tpu.memory_space<hbm>> -> memref<10000xf32, #tpu.memory_space<hbm>>
      %dma_start3A_23 = arith.constant 0 : i32
      %dma_start3A_24 = tpu.memref_slice %arg4[%add3A, %run_scoped3A, %dma_start3A_23] : memref<64x1x10000xf32, #tpu.memory_space<hbm>> -> memref<1x1x10000xf32, #tpu.memory_space<hbm>>
      %dma_start3A_25 = tpu.memref_squeeze %dma_start3A_24 : memref<1x1x10000xf32, #tpu.memory_space<hbm>> -> memref<10000xf32, #tpu.memory_space<hbm>>
      tpu.enqueue_dma source(%arg7 : memref<10000xf32, #tpu.memory_space<vmem>>) target(%dma_start3A_25 : memref<10000xf32, #tpu.memory_space<hbm>>) target_semaphore(%run_scoped3A_20 : memref<!tpu.dma_semaphore, #tpu.memory_space<semaphore_mem>>)
      %dma_wait3A = arith.constant 0 : i32
      %dma_wait3A_26 = tpu.memref_slice %arg4[%add3A, %run_scoped3A, %dma_wait3A] : memref<64x1x10000xf32, #tpu.memory_space<hbm>> -> memref<1x1x10000xf32, #tpu.memory_space<hbm>>
      %dma_wait3A_27 = tpu.memref_squeeze %dma_wait3A_26 : memref<1x1x10000xf32, #tpu.memory_space<hbm>> -> memref<10000xf32, #tpu.memory_space<hbm>>
      %dma_wait3A_28 = arith.constant 0 : i32
      %dma_wait3A_29 = tpu.memref_slice %arg4[%add3A, %run_scoped3A, %dma_wait3A_28] : memref<64x1x10000xf32, #tpu.memory_space<hbm>> -> memref<1x1x10000xf32, #tpu.memory_space<hbm>>
      %dma_wait3A_30 = tpu.memref_squeeze %dma_wait3A_29 : memref<1x1x10000xf32, #tpu.memory_space<hbm>> -> memref<10000xf32, #tpu.memory_space<hbm>>
      tpu.wait_dma2 semaphore(%run_scoped3A_20 : memref<!tpu.dma_semaphore, #tpu.memory_space<semaphore_mem>>) src(%arg7 : memref<10000xf32, #tpu.memory_space<vmem>>) dst(%dma_wait3A_30 : memref<10000xf32, #tpu.memory_space<hbm>>)
      tpu.yield
    }) : () -> ()
    %add3A_17 = arith.constant 32 : i32
    %add3A_18 = arith.addi %add3A_17, %add3A : i32
    %run_scoped3A_19 = arith.constant 0 : i32
    "tpu.region"() ({
      %run_scoped3A_20 = tpu.sem_alloc : memref<!tpu.dma_semaphore, #tpu.memory_space<semaphore_mem>>
      %dma_start3A = arith.constant 0 : i32
      %dma_start3A_21 = tpu.memref_slice %arg4[%add3A_18, %run_scoped3A_19, %dma_start3A] : memref<64x1x10000xf32, #tpu.memory_space<hbm>> -> memref<1x1x10000xf32, #tpu.memory_space<hbm>>
      %dma_start3A_22 = tpu.memref_squeeze %dma_start3A_21 : memref<1x1x10000xf32, #tpu.memory_space<hbm>> -> memref<10000xf32, #tpu.memory_space<hbm>>
      %dma_start3A_23 = arith.constant 0 : i32
      %dma_start3A_24 = tpu.memref_slice %arg4[%add3A_18, %run_scoped3A_19, %dma_start3A_23] : memref<64x1x10000xf32, #tpu.memory_space<hbm>> -> memref<1x1x10000xf32, #tpu.memory_space<hbm>>
      %dma_start3A_25 = tpu.memref_squeeze %dma_start3A_24 : memref<1x1x10000xf32, #tpu.memory_space<hbm>> -> memref<10000xf32, #tpu.memory_space<hbm>>
      tpu.enqueue_dma source(%arg8 : memref<10000xf32, #tpu.memory_space<vmem>>) target(%dma_start3A_25 : memref<10000xf32, #tpu.memory_space<hbm>>) target_semaphore(%run_scoped3A_20 : memref<!tpu.dma_semaphore, #tpu.memory_space<semaphore_mem>>)
      %dma_wait3A = arith.constant 0 : i32
      %dma_wait3A_26 = tpu.memref_slice %arg4[%add3A_18, %run_scoped3A_19, %dma_wait3A] : memref<64x1x10000xf32, #tpu.memory_space<hbm>> -> memref<1x1x10000xf32, #tpu.memory_space<hbm>>
      %dma_wait3A_27 = tpu.memref_squeeze %dma_wait3A_26 : memref<1x1x10000xf32, #tpu.memory_space<hbm>> -> memref<10000xf32, #tpu.memory_space<hbm>>
      %dma_wait3A_28 = arith.constant 0 : i32
      %dma_wait3A_29 = tpu.memref_slice %arg4[%add3A_18, %run_scoped3A_19, %dma_wait3A_28] : memref<64x1x10000xf32, #tpu.memory_space<hbm>> -> memref<1x1x10000xf32, #tpu.memory_space<hbm>>
      %dma_wait3A_30 = tpu.memref_squeeze %dma_wait3A_29 : memref<1x1x10000xf32, #tpu.memory_space<hbm>> -> memref<10000xf32, #tpu.memory_space<hbm>>
      tpu.wait_dma2 semaphore(%run_scoped3A_20 : memref<!tpu.dma_semaphore, #tpu.memory_space<semaphore_mem>>) src(%arg8 : memref<10000xf32, #tpu.memory_space<vmem>>) dst(%dma_wait3A_30 : memref<10000xf32, #tpu.memory_space<hbm>>)
      tpu.yield
    }) : () -> ()
    return
  }
}

#map = affine_map<(d0, d1) -> (0, 0)>
#map1 = affine_map<(d0, d1) -> (0)>
#map2 = affine_map<(d0, d1) -> (0, 0, 0)>
module attributes {stable_mosaic.version = 14 : i64} {
  func.func @_agg2_body(%arg0: i32, %arg1: i32, %arg2: memref<20000x128xf32, #tpu.memory_space<hbm>>, %arg3: memref<320000xi32, #tpu.memory_space<hbm>>, %arg4: memref<16x250x80xi32, #tpu.memory_space<hbm>>, %arg5: memref<10000x128xf32, #tpu.memory_space<hbm>>, %arg6: memref<20000x128xf32, #tpu.memory_space<hbm>>, %arg7: memref<3200xi32, #tpu.memory_space<vmem>>, %arg8: memref<40x80xi32, #tpu.memory_space<vmem>>, %arg9: memref<80x128xf32, #tpu.memory_space<vmem>>, %arg10: memref<80x128xf32, #tpu.memory_space<vmem>>, %arg11: memref<10000x128xf32, #tpu.memory_space<vmem_shared>>, %arg12: memref<!tpu.dma_semaphore, #tpu.memory_space<semaphore_mem>>, %arg13: memref<!tpu.dma_semaphore, #tpu.memory_space<semaphore_mem>>) attributes {dimension_semantics = [#tpu.dimension_semantics<core_parallel>, #tpu.dimension_semantics<subcore_parallel>], iteration_bounds = array<i64: 2, 16>, scalar_prefetch = 0 : i64, scratch_operands = 7 : i64, tpu.core_type = #tpu.core_type<sc_vector_subcore>, window_params = [{transform_indices = #map}, {transform_indices = #map1}, {transform_indices = #map2}, {transform_indices = #map}, {transform_indices = #map}]} {
    %mul3A = arith.constant 10000 : i32
    %mul3A_0 = arith.muli %arg0, %mul3A : i32
    %lt3A = arith.constant 15 : i32
    %lt3A_1 = arith.cmpi slt, %arg1, %lt3A : i32
    %convert_element_type3A = arith.extui %lt3A_1 : i1 to i32
    %cond3A = arith.constant 0 : i32
    %cond3A_2 = arith.cmpi ne, %convert_element_type3A, %cond3A : i32
    scf.if %cond3A_2 {
      %mul3A_299 = arith.constant 632 : i32
      %mul3A_300 = arith.muli %arg1, %mul3A_299 : i32
      %multiple_of3A_301 = tpu.assume_multiple %mul3A_300, 8 : i32
      %mul3A_302 = arith.constant 632 : i32
      %mul3A_303 = arith.muli %arg1, %mul3A_302 : i32
      %add3A_304 = arith.constant 0 : i32
      %add3A_305 = arith.addi %add3A_304, %mul3A_303 : i32
      %multiple_of3A_306 = tpu.assume_multiple %add3A_305, 8 : i32
      "tpu.region"() ({
        %run_scoped3A_307 = tpu.sem_alloc : memref<!tpu.dma_semaphore, #tpu.memory_space<semaphore_mem>>
        %dma_start3A_308 = arith.constant 0 : i32
        %dma_start3A_309 = tpu.memref_slice %arg11[%multiple_of3A_306, %dma_start3A_308] : memref<10000x128xf32, #tpu.memory_space<vmem_shared>> -> memref<632x128xf32, #tpu.memory_space<vmem_shared>>
        %dma_start3A_310 = arith.constant 0 : i32
        %dma_start3A_311 = tpu.memref_slice %arg5[%multiple_of3A_301, %dma_start3A_310] : memref<10000x128xf32, #tpu.memory_space<hbm>> -> memref<632x128xf32, #tpu.memory_space<hbm>>
        tpu.enqueue_dma source(%dma_start3A_311 : memref<632x128xf32, #tpu.memory_space<hbm>>) target(%dma_start3A_309 : memref<632x128xf32, #tpu.memory_space<vmem_shared>>) target_semaphore(%run_scoped3A_307 : memref<!tpu.dma_semaphore, #tpu.memory_space<semaphore_mem>>)
        %dma_wait3A_312 = arith.constant 0 : i32
        %dma_wait3A_313 = tpu.memref_slice %arg11[%multiple_of3A_306, %dma_wait3A_312] : memref<10000x128xf32, #tpu.memory_space<vmem_shared>> -> memref<632x128xf32, #tpu.memory_space<vmem_shared>>
        %dma_wait3A_314 = arith.constant 0 : i32
        %dma_wait3A_315 = tpu.memref_slice %arg5[%multiple_of3A_301, %dma_wait3A_314] : memref<10000x128xf32, #tpu.memory_space<hbm>> -> memref<632x128xf32, #tpu.memory_space<hbm>>
        tpu.wait_dma2 semaphore(%run_scoped3A_307 : memref<!tpu.dma_semaphore, #tpu.memory_space<semaphore_mem>>) src(%dma_wait3A_315 : memref<632x128xf32, #tpu.memory_space<hbm>>) dst(%dma_wait3A_313 : memref<632x128xf32, #tpu.memory_space<vmem_shared>>)
        tpu.yield
      }) : () -> ()
    } else {
    }
    %eq3A = arith.constant 15 : i32
    %eq3A_3 = arith.cmpi eq, %arg1, %eq3A : i32
    %convert_element_type3A_4 = arith.extui %eq3A_3 : i1 to i32
    %cond3A_5 = arith.constant 0 : i32
    %cond3A_6 = arith.cmpi ne, %convert_element_type3A_4, %cond3A_5 : i32
    scf.if %cond3A_6 {
      %multiple_of3A_299 = arith.constant 9480 : i32
      %multiple_of3A_300 = tpu.assume_multiple %multiple_of3A_299, 8 : i32
      "tpu.region"() ({
        %run_scoped3A_301 = tpu.sem_alloc : memref<!tpu.dma_semaphore, #tpu.memory_space<semaphore_mem>>
        %dma_start3A_302 = arith.constant 0 : i32
        %dma_start3A_303 = tpu.memref_slice %arg11[%multiple_of3A_300, %dma_start3A_302] : memref<10000x128xf32, #tpu.memory_space<vmem_shared>> -> memref<520x128xf32, #tpu.memory_space<vmem_shared>>
        %dma_start3A_304 = arith.constant 9480 : i32
        %dma_start3A_305 = arith.constant 0 : i32
        %dma_start3A_306 = tpu.memref_slice %arg5[%dma_start3A_304, %dma_start3A_305] : memref<10000x128xf32, #tpu.memory_space<hbm>> -> memref<520x128xf32, #tpu.memory_space<hbm>>
        tpu.enqueue_dma source(%dma_start3A_306 : memref<520x128xf32, #tpu.memory_space<hbm>>) target(%dma_start3A_303 : memref<520x128xf32, #tpu.memory_space<vmem_shared>>) target_semaphore(%run_scoped3A_301 : memref<!tpu.dma_semaphore, #tpu.memory_space<semaphore_mem>>)
        %dma_wait3A_307 = arith.constant 0 : i32
        %dma_wait3A_308 = tpu.memref_slice %arg11[%multiple_of3A_300, %dma_wait3A_307] : memref<10000x128xf32, #tpu.memory_space<vmem_shared>> -> memref<520x128xf32, #tpu.memory_space<vmem_shared>>
        %dma_wait3A_309 = arith.constant 9480 : i32
        %dma_wait3A_310 = arith.constant 0 : i32
        %dma_wait3A_311 = tpu.memref_slice %arg5[%dma_wait3A_309, %dma_wait3A_310] : memref<10000x128xf32, #tpu.memory_space<hbm>> -> memref<520x128xf32, #tpu.memory_space<hbm>>
        tpu.wait_dma2 semaphore(%run_scoped3A_301 : memref<!tpu.dma_semaphore, #tpu.memory_space<semaphore_mem>>) src(%dma_wait3A_311 : memref<520x128xf32, #tpu.memory_space<hbm>>) dst(%dma_wait3A_308 : memref<520x128xf32, #tpu.memory_space<vmem_shared>>)
        tpu.yield
      }) : () -> ()
    } else {
    }
    %barrier3A = arith.constant 0 : index
    tpu.barrier barrier_id(%barrier3A)
    %mul3A_7 = arith.constant 20000 : i32
    %mul3A_8 = arith.muli %arg1, %mul3A_7 : i32
    %add3A = arith.constant 0 : i32
    %add3A_9 = arith.addi %mul3A_8, %add3A : i32
    %multiple_of3A = tpu.assume_multiple %add3A_9, 8 : i32
    "tpu.region"() ({
      %run_scoped3A_299 = tpu.sem_alloc : memref<!tpu.dma_semaphore, #tpu.memory_space<semaphore_mem>>
      %dma_start3A_300 = arith.constant 0 : i32
      %dma_start3A_301 = tpu.memref_slice %arg7[%dma_start3A_300] : memref<3200xi32, #tpu.memory_space<vmem>> -> memref<3200xi32, #tpu.memory_space<vmem>>
      %dma_start3A_302 = tpu.memref_slice %arg3[%multiple_of3A] : memref<320000xi32, #tpu.memory_space<hbm>> -> memref<3200xi32, #tpu.memory_space<hbm>>
      %dma_start3A_303 = arith.constant 0 : i32
      %dma_start3A_304 = tpu.memref_slice %arg7[%dma_start3A_303] : memref<3200xi32, #tpu.memory_space<vmem>> -> memref<3200xi32, #tpu.memory_space<vmem>>
      %dma_start3A_305 = tpu.memref_slice %arg3[%multiple_of3A] : memref<320000xi32, #tpu.memory_space<hbm>> -> memref<3200xi32, #tpu.memory_space<hbm>>
      tpu.enqueue_dma source(%dma_start3A_305 : memref<3200xi32, #tpu.memory_space<hbm>>) target(%dma_start3A_304 : memref<3200xi32, #tpu.memory_space<vmem>>) target_semaphore(%run_scoped3A_299 : memref<!tpu.dma_semaphore, #tpu.memory_space<semaphore_mem>>)
      %dma_wait3A_306 = arith.constant 0 : i32
      %dma_wait3A_307 = tpu.memref_slice %arg7[%dma_wait3A_306] : memref<3200xi32, #tpu.memory_space<vmem>> -> memref<3200xi32, #tpu.memory_space<vmem>>
      %dma_wait3A_308 = tpu.memref_slice %arg3[%multiple_of3A] : memref<320000xi32, #tpu.memory_space<hbm>> -> memref<3200xi32, #tpu.memory_space<hbm>>
      %dma_wait3A_309 = arith.constant 0 : i32
      %dma_wait3A_310 = tpu.memref_slice %arg7[%dma_wait3A_309] : memref<3200xi32, #tpu.memory_space<vmem>> -> memref<3200xi32, #tpu.memory_space<vmem>>
      %dma_wait3A_311 = tpu.memref_slice %arg3[%multiple_of3A] : memref<320000xi32, #tpu.memory_space<hbm>> -> memref<3200xi32, #tpu.memory_space<hbm>>
      tpu.wait_dma2 semaphore(%run_scoped3A_299 : memref<!tpu.dma_semaphore, #tpu.memory_space<semaphore_mem>>) src(%dma_wait3A_311 : memref<3200xi32, #tpu.memory_space<hbm>>) dst(%dma_wait3A_310 : memref<3200xi32, #tpu.memory_space<vmem>>)
      tpu.yield
    }) : () -> ()
    "tpu.region"() ({
      %run_scoped3A_299 = tpu.sem_alloc : memref<!tpu.dma_semaphore, #tpu.memory_space<semaphore_mem>>
      %dma_start3A_300 = arith.constant 0 : i32
      %dma_start3A_301 = arith.constant 0 : i32
      %dma_start3A_302 = tpu.memref_slice %arg8[%dma_start3A_300, %dma_start3A_301] : memref<40x80xi32, #tpu.memory_space<vmem>> -> memref<40x80xi32, #tpu.memory_space<vmem>>
      %dma_start3A_303 = arith.constant 0 : i32
      %dma_start3A_304 = arith.constant 0 : i32
      %dma_start3A_305 = tpu.memref_slice %arg4[%arg1, %dma_start3A_303, %dma_start3A_304] : memref<16x250x80xi32, #tpu.memory_space<hbm>> -> memref<1x40x80xi32, #tpu.memory_space<hbm>>
      %dma_start3A_306 = tpu.memref_squeeze %dma_start3A_305 : memref<1x40x80xi32, #tpu.memory_space<hbm>> -> memref<40x80xi32, #tpu.memory_space<hbm>>
      %dma_start3A_307 = arith.constant 0 : i32
      %dma_start3A_308 = arith.constant 0 : i32
      %dma_start3A_309 = tpu.memref_slice %arg8[%dma_start3A_307, %dma_start3A_308] : memref<40x80xi32, #tpu.memory_space<vmem>> -> memref<40x80xi32, #tpu.memory_space<vmem>>
      %dma_start3A_310 = arith.constant 0 : i32
      %dma_start3A_311 = arith.constant 0 : i32
      %dma_start3A_312 = tpu.memref_slice %arg4[%arg1, %dma_start3A_310, %dma_start3A_311] : memref<16x250x80xi32, #tpu.memory_space<hbm>> -> memref<1x40x80xi32, #tpu.memory_space<hbm>>
      %dma_start3A_313 = tpu.memref_squeeze %dma_start3A_312 : memref<1x40x80xi32, #tpu.memory_space<hbm>> -> memref<40x80xi32, #tpu.memory_space<hbm>>
      tpu.enqueue_dma source(%dma_start3A_313 : memref<40x80xi32, #tpu.memory_space<hbm>>) target(%dma_start3A_309 : memref<40x80xi32, #tpu.memory_space<vmem>>) target_semaphore(%run_scoped3A_299 : memref<!tpu.dma_semaphore, #tpu.memory_space<semaphore_mem>>)
      %dma_wait3A_314 = arith.constant 0 : i32
      %dma_wait3A_315 = arith.constant 0 : i32
      %dma_wait3A_316 = tpu.memref_slice %arg8[%dma_wait3A_314, %dma_wait3A_315] : memref<40x80xi32, #tpu.memory_space<vmem>> -> memref<40x80xi32, #tpu.memory_space<vmem>>
      %dma_wait3A_317 = arith.constant 0 : i32
      %dma_wait3A_318 = arith.constant 0 : i32
      %dma_wait3A_319 = tpu.memref_slice %arg4[%arg1, %dma_wait3A_317, %dma_wait3A_318] : memref<16x250x80xi32, #tpu.memory_space<hbm>> -> memref<1x40x80xi32, #tpu.memory_space<hbm>>
      %dma_wait3A_320 = tpu.memref_squeeze %dma_wait3A_319 : memref<1x40x80xi32, #tpu.memory_space<hbm>> -> memref<40x80xi32, #tpu.memory_space<hbm>>
      %dma_wait3A_321 = arith.constant 0 : i32
      %dma_wait3A_322 = arith.constant 0 : i32
      %dma_wait3A_323 = tpu.memref_slice %arg8[%dma_wait3A_321, %dma_wait3A_322] : memref<40x80xi32, #tpu.memory_space<vmem>> -> memref<40x80xi32, #tpu.memory_space<vmem>>
      %dma_wait3A_324 = arith.constant 0 : i32
      %dma_wait3A_325 = arith.constant 0 : i32
      %dma_wait3A_326 = tpu.memref_slice %arg4[%arg1, %dma_wait3A_324, %dma_wait3A_325] : memref<16x250x80xi32, #tpu.memory_space<hbm>> -> memref<1x40x80xi32, #tpu.memory_space<hbm>>
      %dma_wait3A_327 = tpu.memref_squeeze %dma_wait3A_326 : memref<1x40x80xi32, #tpu.memory_space<hbm>> -> memref<40x80xi32, #tpu.memory_space<hbm>>
      tpu.wait_dma2 semaphore(%run_scoped3A_299 : memref<!tpu.dma_semaphore, #tpu.memory_space<semaphore_mem>>) src(%dma_wait3A_327 : memref<40x80xi32, #tpu.memory_space<hbm>>) dst(%dma_wait3A_323 : memref<40x80xi32, #tpu.memory_space<vmem>>)
      tpu.yield
    }) : () -> ()
    %scan3A = arith.constant 0 : i32
    %scan3A_10 = arith.constant 0 : i32
    %scan3A_11 = arith.constant 200 : i32
    %scan3A_12 = arith.addi %scan3A_10, %scan3A_11 : i32
    %scan3A_13 = arith.constant 1 : i32
    scf.for %scan3A_299 = %scan3A_10 to %scan3A_12 step %scan3A_13  : i32 {
      %mul3A_300 = arith.constant 16 : i32
      %mul3A_301 = arith.muli %scan3A_299, %mul3A_300 : i32
      %get3A = arith.index_cast %mul3A_301 : i32 to index
      %get3A_302 = tpu.vector_load %arg7[%get3A] {strides = array<i32>} : memref<3200xi32, #tpu.memory_space<vmem>>, vector<16xi32>,
      %get3A_303 = vector.shape_cast %get3A_302 : vector<16xi32> to vector<16xi32>
      %add3A_304 = vector.broadcast %mul3A_0 : i32 to vector<16xi32>
      %add3A_305 = arith.addi %get3A_303, %add3A_304 : vector<16xi32>
      %mul3A_306 = arith.constant 16 : i32
      %mul3A_307 = arith.muli %scan3A_299, %mul3A_306 : i32
      %swap3A = arith.index_cast %mul3A_307 : i32 to index
      %swap3A_308 = tpu.vector_load %arg7[%swap3A] {strides = array<i32>} : memref<3200xi32, #tpu.memory_space<vmem>>, vector<16xi32>,
      %swap3A_309 = vector.shape_cast %swap3A_308 : vector<16xi32> to vector<16xi32>
      %swap3A_310 = vector.shape_cast %add3A_305 : vector<16xi32> to vector<16xi32>
      tpu.vector_store %arg7[%swap3A], %swap3A_310 {strides = array<i32>} : memref<3200xi32, #tpu.memory_space<vmem>>, vector<16xi32>,
    }
    %scan3A_14 = arith.constant 200 : i32
    %multiple_of3A_15 = arith.constant 0 : i32
    %multiple_of3A_16 = tpu.assume_multiple %multiple_of3A_15, 8 : i32
    %dma_start3A = tpu.memref_slice %arg7[%multiple_of3A_16] : memref<3200xi32, #tpu.memory_space<vmem>> -> memref<80xi32, #tpu.memory_space<vmem>>
    %dma_start3A_17 = arith.constant 0 : i32
    %dma_start3A_18 = arith.constant 0 : i32
    %dma_start3A_19 = tpu.memref_slice %arg2[%dma_start3A_17, %dma_start3A_18] : memref<20000x128xf32, #tpu.memory_space<hbm>> -> memref<20000x128xf32, #tpu.memory_space<hbm>>
    tpu.enqueue_indirect_dma source(%dma_start3A_19 : memref<20000x128xf32, #tpu.memory_space<hbm>>) target(%arg9 : memref<80x128xf32, #tpu.memory_space<vmem>>) offsets(%dma_start3A : memref<80xi32, #tpu.memory_space<vmem>>) semaphore(%arg12 : memref<!tpu.dma_semaphore, #tpu.memory_space<semaphore_mem>>)
    %scan3A_20 = arith.constant 0 : i32
    %scan3A_21 = arith.constant 0 : i32
    %scan3A_22 = arith.constant 19 : i32
    %scan3A_23 = arith.addi %scan3A_21, %scan3A_22 : i32
    %scan3A_24 = arith.constant 1 : i32
    scf.for %scan3A_299 = %scan3A_21 to %scan3A_23 step %scan3A_24  : i32 {
      %mul3A_300 = arith.constant 2 : i32
      %mul3A_301 = arith.muli %mul3A_300, %scan3A_299 : i32
      %add3A_302 = arith.constant 1 : i32
      %add3A_303 = arith.addi %mul3A_301, %add3A_302 : i32
      %mul3A_304 = arith.constant 80 : i32
      %mul3A_305 = arith.muli %add3A_303, %mul3A_304 : i32
      %multiple_of3A_306 = tpu.assume_multiple %mul3A_305, 8 : i32
      %dma_start3A_307 = tpu.memref_slice %arg7[%multiple_of3A_306] : memref<3200xi32, #tpu.memory_space<vmem>> -> memref<80xi32, #tpu.memory_space<vmem>>
      %dma_start3A_308 = arith.constant 0 : i32
      %dma_start3A_309 = arith.constant 0 : i32
      %dma_start3A_310 = tpu.memref_slice %arg2[%dma_start3A_308, %dma_start3A_309] : memref<20000x128xf32, #tpu.memory_space<hbm>> -> memref<20000x128xf32, #tpu.memory_space<hbm>>
      tpu.enqueue_indirect_dma source(%dma_start3A_310 : memref<20000x128xf32, #tpu.memory_space<hbm>>) target(%arg10 : memref<80x128xf32, #tpu.memory_space<vmem>>) offsets(%dma_start3A_307 : memref<80xi32, #tpu.memory_space<vmem>>) semaphore(%arg13 : memref<!tpu.dma_semaphore, #tpu.memory_space<semaphore_mem>>)
      %dma_wait3A_311 = arith.constant 0 : i32
      %dma_wait3A_312 = tpu.memref_slice %arg7[%dma_wait3A_311] : memref<3200xi32, #tpu.memory_space<vmem>> -> memref<80xi32, #tpu.memory_space<vmem>>
      %dma_wait3A_313 = arith.constant 0 : i32
      %dma_wait3A_314 = arith.constant 0 : i32
      %dma_wait3A_315 = tpu.memref_slice %arg2[%dma_wait3A_313, %dma_wait3A_314] : memref<20000x128xf32, #tpu.memory_space<hbm>> -> memref<20000x128xf32, #tpu.memory_space<hbm>>
      tpu.wait_indirect_dma semaphore(%arg12 : memref<!tpu.dma_semaphore, #tpu.memory_space<semaphore_mem>>) src(%dma_wait3A_315 : memref<20000x128xf32, #tpu.memory_space<hbm>>) dst(%arg9 : memref<80x128xf32, #tpu.memory_space<vmem>>)
      %mul3A_316 = arith.constant 2 : i32
      %mul3A_317 = arith.muli %mul3A_316, %scan3A_299 : i32
      "tpu.region"() ({
        %run_scoped3A_338 = tpu.sem_alloc : memref<!tpu.dma_semaphore, #tpu.memory_space<semaphore_mem>>
        %dma_start3A_339 = arith.constant 0 : i32
        %dma_start3A_340 = tpu.memref_slice %arg8[%mul3A_317, %dma_start3A_339] : memref<40x80xi32, #tpu.memory_space<vmem>> -> memref<1x80xi32, #tpu.memory_space<vmem>>
        %dma_start3A_341 = tpu.memref_squeeze %dma_start3A_340 : memref<1x80xi32, #tpu.memory_space<vmem>> -> memref<80xi32, #tpu.memory_space<vmem>>
        %dma_start3A_342 = arith.constant 0 : i32
        %dma_start3A_343 = arith.constant 0 : i32
        %dma_start3A_344 = tpu.memref_slice %arg11[%dma_start3A_342, %dma_start3A_343] : memref<10000x128xf32, #tpu.memory_space<vmem_shared>> -> memref<10000x128xf32, #tpu.memory_space<vmem_shared>>
        tpu.enqueue_indirect_dma source(%arg9 : memref<80x128xf32, #tpu.memory_space<vmem>>) target(%dma_start3A_344 : memref<10000x128xf32, #tpu.memory_space<vmem_shared>>) offsets(%dma_start3A_341 : memref<80xi32, #tpu.memory_space<vmem>>) semaphore(%run_scoped3A_338 : memref<!tpu.dma_semaphore, #tpu.memory_space<semaphore_mem>>) {add = true}
        %dma_wait3A_345 = arith.constant 0 : i32
        %dma_wait3A_346 = tpu.memref_slice %arg8[%mul3A_317, %dma_wait3A_345] : memref<40x80xi32, #tpu.memory_space<vmem>> -> memref<1x80xi32, #tpu.memory_space<vmem>>
        %dma_wait3A_347 = tpu.memref_squeeze %dma_wait3A_346 : memref<1x80xi32, #tpu.memory_space<vmem>> -> memref<80xi32, #tpu.memory_space<vmem>>
        %dma_wait3A_348 = arith.constant 0 : i32
        %dma_wait3A_349 = arith.constant 0 : i32
        %dma_wait3A_350 = tpu.memref_slice %arg11[%dma_wait3A_348, %dma_wait3A_349] : memref<10000x128xf32, #tpu.memory_space<vmem_shared>> -> memref<10000x128xf32, #tpu.memory_space<vmem_shared>>
        tpu.wait_indirect_dma semaphore(%run_scoped3A_338 : memref<!tpu.dma_semaphore, #tpu.memory_space<semaphore_mem>>) src(%arg9 : memref<80x128xf32, #tpu.memory_space<vmem>>) dst(%dma_wait3A_350 : memref<10000x128xf32, #tpu.memory_space<vmem_shared>>)
        tpu.yield
      }) : () -> ()
      %mul3A_318 = arith.constant 2 : i32
      %mul3A_319 = arith.muli %mul3A_318, %scan3A_299 : i32
      %add3A_320 = arith.constant 2 : i32
      %add3A_321 = arith.addi %mul3A_319, %add3A_320 : i32
      %mul3A_322 = arith.constant 80 : i32
      %mul3A_323 = arith.muli %add3A_321, %mul3A_322 : i32
      %multiple_of3A_324 = tpu.assume_multiple %mul3A_323, 8 : i32
      %dma_start3A_325 = tpu.memref_slice %arg7[%multiple_of3A_324] : memref<3200xi32, #tpu.memory_space<vmem>> -> memref<80xi32, #tpu.memory_space<vmem>>
      %dma_start3A_326 = arith.constant 0 : i32
      %dma_start3A_327 = arith.constant 0 : i32
      %dma_start3A_328 = tpu.memref_slice %arg2[%dma_start3A_326, %dma_start3A_327] : memref<20000x128xf32, #tpu.memory_space<hbm>> -> memref<20000x128xf32, #tpu.memory_space<hbm>>
      tpu.enqueue_indirect_dma source(%dma_start3A_328 : memref<20000x128xf32, #tpu.memory_space<hbm>>) target(%arg9 : memref<80x128xf32, #tpu.memory_space<vmem>>) offsets(%dma_start3A_325 : memref<80xi32, #tpu.memory_space<vmem>>) semaphore(%arg12 : memref<!tpu.dma_semaphore, #tpu.memory_space<semaphore_mem>>)
      %dma_wait3A_329 = arith.constant 0 : i32
      %dma_wait3A_330 = tpu.memref_slice %arg7[%dma_wait3A_329] : memref<3200xi32, #tpu.memory_space<vmem>> -> memref<80xi32, #tpu.memory_space<vmem>>
      %dma_wait3A_331 = arith.constant 0 : i32
      %dma_wait3A_332 = arith.constant 0 : i32
      %dma_wait3A_333 = tpu.memref_slice %arg2[%dma_wait3A_331, %dma_wait3A_332] : memref<20000x128xf32, #tpu.memory_space<hbm>> -> memref<20000x128xf32, #tpu.memory_space<hbm>>
      tpu.wait_indirect_dma semaphore(%arg13 : memref<!tpu.dma_semaphore, #tpu.memory_space<semaphore_mem>>) src(%dma_wait3A_333 : memref<20000x128xf32, #tpu.memory_space<hbm>>) dst(%arg10 : memref<80x128xf32, #tpu.memory_space<vmem>>)
      %mul3A_334 = arith.constant 2 : i32
      %mul3A_335 = arith.muli %mul3A_334, %scan3A_299 : i32
      %add3A_336 = arith.constant 1 : i32
      %add3A_337 = arith.addi %mul3A_335, %add3A_336 : i32
      "tpu.region"() ({
        %run_scoped3A_338 = tpu.sem_alloc : memref<!tpu.dma_semaphore, #tpu.memory_space<semaphore_mem>>
        %dma_start3A_339 = arith.constant 0 : i32
        %dma_start3A_340 = tpu.memref_slice %arg8[%add3A_337, %dma_start3A_339] : memref<40x80xi32, #tpu.memory_space<vmem>> -> memref<1x80xi32, #tpu.memory_space<vmem>>
        %dma_start3A_341 = tpu.memref_squeeze %dma_start3A_340 : memref<1x80xi32, #tpu.memory_space<vmem>> -> memref<80xi32, #tpu.memory_space<vmem>>
        %dma_start3A_342 = arith.constant 0 : i32
        %dma_start3A_343 = arith.constant 0 : i32
        %dma_start3A_344 = tpu.memref_slice %arg11[%dma_start3A_342, %dma_start3A_343] : memref<10000x128xf32, #tpu.memory_space<vmem_shared>> -> memref<10000x128xf32, #tpu.memory_space<vmem_shared>>
        tpu.enqueue_indirect_dma source(%arg10 : memref<80x128xf32, #tpu.memory_space<vmem>>) target(%dma_start3A_344 : memref<10000x128xf32, #tpu.memory_space<vmem_shared>>) offsets(%dma_start3A_341 : memref<80xi32, #tpu.memory_space<vmem>>) semaphore(%run_scoped3A_338 : memref<!tpu.dma_semaphore, #tpu.memory_space<semaphore_mem>>) {add = true}
        %dma_wait3A_345 = arith.constant 0 : i32
        %dma_wait3A_346 = tpu.memref_slice %arg8[%add3A_337, %dma_wait3A_345] : memref<40x80xi32, #tpu.memory_space<vmem>> -> memref<1x80xi32, #tpu.memory_space<vmem>>
        %dma_wait3A_347 = tpu.memref_squeeze %dma_wait3A_346 : memref<1x80xi32, #tpu.memory_space<vmem>> -> memref<80xi32, #tpu.memory_space<vmem>>
        %dma_wait3A_348 = arith.constant 0 : i32
        %dma_wait3A_349 = arith.constant 0 : i32
        %dma_wait3A_350 = tpu.memref_slice %arg11[%dma_wait3A_348, %dma_wait3A_349] : memref<10000x128xf32, #tpu.memory_space<vmem_shared>> -> memref<10000x128xf32, #tpu.memory_space<vmem_shared>>
        tpu.wait_indirect_dma semaphore(%run_scoped3A_338 : memref<!tpu.dma_semaphore, #tpu.memory_space<semaphore_mem>>) src(%arg10 : memref<80x128xf32, #tpu.memory_space<vmem>>) dst(%dma_wait3A_350 : memref<10000x128xf32, #tpu.memory_space<vmem_shared>>)
        tpu.yield
      }) : () -> ()
    }
    %scan3A_25 = arith.constant 19 : i32
    %multiple_of3A_26 = arith.constant 3120 : i32
    %multiple_of3A_27 = tpu.assume_multiple %multiple_of3A_26, 8 : i32
    %dma_start3A_28 = tpu.memref_slice %arg7[%multiple_of3A_27] : memref<3200xi32, #tpu.memory_space<vmem>> -> memref<80xi32, #tpu.memory_space<vmem>>
    %dma_start3A_29 = arith.constant 0 : i32
    %dma_start3A_30 = arith.constant 0 : i32
    %dma_start3A_31 = tpu.memref_slice %arg2[%dma_start3A_29, %dma_start3A_30] : memref<20000x128xf32, #tpu.memory_space<hbm>> -> memref<20000x128xf32, #tpu.memory_space<hbm>>
    tpu.enqueue_indirect_dma source(%dma_start3A_31 : memref<20000x128xf32, #tpu.memory_space<hbm>>) target(%arg10 : memref<80x128xf32, #tpu.memory_space<vmem>>) offsets(%dma_start3A_28 : memref<80xi32, #tpu.memory_space<vmem>>) semaphore(%arg13 : memref<!tpu.dma_semaphore, #tpu.memory_space<semaphore_mem>>)
    %dma_wait3A = arith.constant 0 : i32
    %dma_wait3A_32 = tpu.memref_slice %arg7[%dma_wait3A] : memref<3200xi32, #tpu.memory_space<vmem>> -> memref<80xi32, #tpu.memory_space<vmem>>
    %dma_wait3A_33 = arith.constant 0 : i32
    %dma_wait3A_34 = arith.constant 0 : i32
    %dma_wait3A_35 = tpu.memref_slice %arg2[%dma_wait3A_33, %dma_wait3A_34] : memref<20000x128xf32, #tpu.memory_space<hbm>> -> memref<20000x128xf32, #tpu.memory_space<hbm>>
    tpu.wait_indirect_dma semaphore(%arg12 : memref<!tpu.dma_semaphore, #tpu.memory_space<semaphore_mem>>) src(%dma_wait3A_35 : memref<20000x128xf32, #tpu.memory_space<hbm>>) dst(%arg9 : memref<80x128xf32, #tpu.memory_space<vmem>>)
    %run_scoped3A = arith.constant 38 : i32
    "tpu.region"() ({
      %run_scoped3A_299 = tpu.sem_alloc : memref<!tpu.dma_semaphore, #tpu.memory_space<semaphore_mem>>
      %dma_start3A_300 = arith.constant 0 : i32
      %dma_start3A_301 = tpu.memref_slice %arg8[%run_scoped3A, %dma_start3A_300] : memref<40x80xi32, #tpu.memory_space<vmem>> -> memref<1x80xi32, #tpu.memory_space<vmem>>
      %dma_start3A_302 = tpu.memref_squeeze %dma_start3A_301 : memref<1x80xi32, #tpu.memory_space<vmem>> -> memref<80xi32, #tpu.memory_space<vmem>>
      %dma_start3A_303 = arith.constant 0 : i32
      %dma_start3A_304 = arith.constant 0 : i32
      %dma_start3A_305 = tpu.memref_slice %arg11[%dma_start3A_303, %dma_start3A_304] : memref<10000x128xf32, #tpu.memory_space<vmem_shared>> -> memref<10000x128xf32, #tpu.memory_space<vmem_shared>>
      tpu.enqueue_indirect_dma source(%arg9 : memref<80x128xf32, #tpu.memory_space<vmem>>) target(%dma_start3A_305 : memref<10000x128xf32, #tpu.memory_space<vmem_shared>>) offsets(%dma_start3A_302 : memref<80xi32, #tpu.memory_space<vmem>>) semaphore(%run_scoped3A_299 : memref<!tpu.dma_semaphore, #tpu.memory_space<semaphore_mem>>) {add = true}
      %dma_wait3A_306 = arith.constant 0 : i32
      %dma_wait3A_307 = tpu.memref_slice %arg8[%run_scoped3A, %dma_wait3A_306] : memref<40x80xi32, #tpu.memory_space<vmem>> -> memref<1x80xi32, #tpu.memory_space<vmem>>
      %dma_wait3A_308 = tpu.memref_squeeze %dma_wait3A_307 : memref<1x80xi32, #tpu.memory_space<vmem>> -> memref<80xi32, #tpu.memory_space<vmem>>
      %dma_wait3A_309 = arith.constant 0 : i32
      %dma_wait3A_310 = arith.constant 0 : i32
      %dma_wait3A_311 = tpu.memref_slice %arg11[%dma_wait3A_309, %dma_wait3A_310] : memref<10000x128xf32, #tpu.memory_space<vmem_shared>> -> memref<10000x128xf32, #tpu.memory_space<vmem_shared>>
      tpu.wait_indirect_dma semaphore(%run_scoped3A_299 : memref<!tpu.dma_semaphore, #tpu.memory_space<semaphore_mem>>) src(%arg9 : memref<80x128xf32, #tpu.memory_space<vmem>>) dst(%dma_wait3A_311 : memref<10000x128xf32, #tpu.memory_space<vmem_shared>>)
      tpu.yield
    }) : () -> ()
    %dma_wait3A_36 = arith.constant 0 : i32
    %dma_wait3A_37 = tpu.memref_slice %arg7[%dma_wait3A_36] : memref<3200xi32, #tpu.memory_space<vmem>> -> memref<80xi32, #tpu.memory_space<vmem>>
    %dma_wait3A_38 = arith.constant 0 : i32
    %dma_wait3A_39 = arith.constant 0 : i32
    %dma_wait3A_40 = tpu.memref_slice %arg2[%dma_wait3A_38, %dma_wait3A_39] : memref<20000x128xf32, #tpu.memory_space<hbm>> -> memref<20000x128xf32, #tpu.memory_space<hbm>>
    tpu.wait_indirect_dma semaphore(%arg13 : memref<!tpu.dma_semaphore, #tpu.memory_space<semaphore_mem>>) src(%dma_wait3A_40 : memref<20000x128xf32, #tpu.memory_space<hbm>>) dst(%arg10 : memref<80x128xf32, #tpu.memory_space<vmem>>)
    %run_scoped3A_41 = arith.constant 39 : i32
    "tpu.region"() ({
      %run_scoped3A_299 = tpu.sem_alloc : memref<!tpu.dma_semaphore, #tpu.memory_space<semaphore_mem>>
      %dma_start3A_300 = arith.constant 0 : i32
      %dma_start3A_301 = tpu.memref_slice %arg8[%run_scoped3A_41, %dma_start3A_300] : memref<40x80xi32, #tpu.memory_space<vmem>> -> memref<1x80xi32, #tpu.memory_space<vmem>>
      %dma_start3A_302 = tpu.memref_squeeze %dma_start3A_301 : memref<1x80xi32, #tpu.memory_space<vmem>> -> memref<80xi32, #tpu.memory_space<vmem>>
      %dma_start3A_303 = arith.constant 0 : i32
      %dma_start3A_304 = arith.constant 0 : i32
      %dma_start3A_305 = tpu.memref_slice %arg11[%dma_start3A_303, %dma_start3A_304] : memref<10000x128xf32, #tpu.memory_space<vmem_shared>> -> memref<10000x128xf32, #tpu.memory_space<vmem_shared>>
      tpu.enqueue_indirect_dma source(%arg10 : memref<80x128xf32, #tpu.memory_space<vmem>>) target(%dma_start3A_305 : memref<10000x128xf32, #tpu.memory_space<vmem_shared>>) offsets(%dma_start3A_302 : memref<80xi32, #tpu.memory_space<vmem>>) semaphore(%run_scoped3A_299 : memref<!tpu.dma_semaphore, #tpu.memory_space<semaphore_mem>>) {add = true}
      %dma_wait3A_306 = arith.constant 0 : i32
      %dma_wait3A_307 = tpu.memref_slice %arg8[%run_scoped3A_41, %dma_wait3A_306] : memref<40x80xi32, #tpu.memory_space<vmem>> -> memref<1x80xi32, #tpu.memory_space<vmem>>
      %dma_wait3A_308 = tpu.memref_squeeze %dma_wait3A_307 : memref<1x80xi32, #tpu.memory_space<vmem>> -> memref<80xi32, #tpu.memory_space<vmem>>
      %dma_wait3A_309 = arith.constant 0 : i32
      %dma_wait3A_310 = arith.constant 0 : i32
      %dma_wait3A_311 = tpu.memref_slice %arg11[%dma_wait3A_309, %dma_wait3A_310] : memref<10000x128xf32, #tpu.memory_space<vmem_shared>> -> memref<10000x128xf32, #tpu.memory_space<vmem_shared>>
      tpu.wait_indirect_dma semaphore(%run_scoped3A_299 : memref<!tpu.dma_semaphore, #tpu.memory_space<semaphore_mem>>) src(%arg10 : memref<80x128xf32, #tpu.memory_space<vmem>>) dst(%dma_wait3A_311 : memref<10000x128xf32, #tpu.memory_space<vmem_shared>>)
      tpu.yield
    }) : () -> ()
    %mul3A_42 = arith.constant 20000 : i32
    %mul3A_43 = arith.muli %arg1, %mul3A_42 : i32
    %add3A_44 = arith.constant 3200 : i32
    %add3A_45 = arith.addi %mul3A_43, %add3A_44 : i32
    %multiple_of3A_46 = tpu.assume_multiple %add3A_45, 8 : i32
    "tpu.region"() ({
      %run_scoped3A_299 = tpu.sem_alloc : memref<!tpu.dma_semaphore, #tpu.memory_space<semaphore_mem>>
      %dma_start3A_300 = arith.constant 0 : i32
      %dma_start3A_301 = tpu.memref_slice %arg7[%dma_start3A_300] : memref<3200xi32, #tpu.memory_space<vmem>> -> memref<3200xi32, #tpu.memory_space<vmem>>
      %dma_start3A_302 = tpu.memref_slice %arg3[%multiple_of3A_46] : memref<320000xi32, #tpu.memory_space<hbm>> -> memref<3200xi32, #tpu.memory_space<hbm>>
      %dma_start3A_303 = arith.constant 0 : i32
      %dma_start3A_304 = tpu.memref_slice %arg7[%dma_start3A_303] : memref<3200xi32, #tpu.memory_space<vmem>> -> memref<3200xi32, #tpu.memory_space<vmem>>
      %dma_start3A_305 = tpu.memref_slice %arg3[%multiple_of3A_46] : memref<320000xi32, #tpu.memory_space<hbm>> -> memref<3200xi32, #tpu.memory_space<hbm>>
      tpu.enqueue_dma source(%dma_start3A_305 : memref<3200xi32, #tpu.memory_space<hbm>>) target(%dma_start3A_304 : memref<3200xi32, #tpu.memory_space<vmem>>) target_semaphore(%run_scoped3A_299 : memref<!tpu.dma_semaphore, #tpu.memory_space<semaphore_mem>>)
      %dma_wait3A_306 = arith.constant 0 : i32
      %dma_wait3A_307 = tpu.memref_slice %arg7[%dma_wait3A_306] : memref<3200xi32, #tpu.memory_space<vmem>> -> memref<3200xi32, #tpu.memory_space<vmem>>
      %dma_wait3A_308 = tpu.memref_slice %arg3[%multiple_of3A_46] : memref<320000xi32, #tpu.memory_space<hbm>> -> memref<3200xi32, #tpu.memory_space<hbm>>
      %dma_wait3A_309 = arith.constant 0 : i32
      %dma_wait3A_310 = tpu.memref_slice %arg7[%dma_wait3A_309] : memref<3200xi32, #tpu.memory_space<vmem>> -> memref<3200xi32, #tpu.memory_space<vmem>>
      %dma_wait3A_311 = tpu.memref_slice %arg3[%multiple_of3A_46] : memref<320000xi32, #tpu.memory_space<hbm>> -> memref<3200xi32, #tpu.memory_space<hbm>>
      tpu.wait_dma2 semaphore(%run_scoped3A_299 : memref<!tpu.dma_semaphore, #tpu.memory_space<semaphore_mem>>) src(%dma_wait3A_311 : memref<3200xi32, #tpu.memory_space<hbm>>) dst(%dma_wait3A_310 : memref<3200xi32, #tpu.memory_space<vmem>>)
      tpu.yield
    }) : () -> ()
    "tpu.region"() ({
      %run_scoped3A_299 = tpu.sem_alloc : memref<!tpu.dma_semaphore, #tpu.memory_space<semaphore_mem>>
      %dma_start3A_300 = arith.constant 0 : i32
      %dma_start3A_301 = arith.constant 0 : i32
      %dma_start3A_302 = tpu.memref_slice %arg8[%dma_start3A_300, %dma_start3A_301] : memref<40x80xi32, #tpu.memory_space<vmem>> -> memref<40x80xi32, #tpu.memory_space<vmem>>
      %dma_start3A_303 = arith.constant 40 : i32
      %dma_start3A_304 = arith.constant 0 : i32
      %dma_start3A_305 = tpu.memref_slice %arg4[%arg1, %dma_start3A_303, %dma_start3A_304] : memref<16x250x80xi32, #tpu.memory_space<hbm>> -> memref<1x40x80xi32, #tpu.memory_space<hbm>>
      %dma_start3A_306 = tpu.memref_squeeze %dma_start3A_305 : memref<1x40x80xi32, #tpu.memory_space<hbm>> -> memref<40x80xi32, #tpu.memory_space<hbm>>
      %dma_start3A_307 = arith.constant 0 : i32
      %dma_start3A_308 = arith.constant 0 : i32
      %dma_start3A_309 = tpu.memref_slice %arg8[%dma_start3A_307, %dma_start3A_308] : memref<40x80xi32, #tpu.memory_space<vmem>> -> memref<40x80xi32, #tpu.memory_space<vmem>>
      %dma_start3A_310 = arith.constant 40 : i32
      %dma_start3A_311 = arith.constant 0 : i32
      %dma_start3A_312 = tpu.memref_slice %arg4[%arg1, %dma_start3A_310, %dma_start3A_311] : memref<16x250x80xi32, #tpu.memory_space<hbm>> -> memref<1x40x80xi32, #tpu.memory_space<hbm>>
      %dma_start3A_313 = tpu.memref_squeeze %dma_start3A_312 : memref<1x40x80xi32, #tpu.memory_space<hbm>> -> memref<40x80xi32, #tpu.memory_space<hbm>>
      tpu.enqueue_dma source(%dma_start3A_313 : memref<40x80xi32, #tpu.memory_space<hbm>>) target(%dma_start3A_309 : memref<40x80xi32, #tpu.memory_space<vmem>>) target_semaphore(%run_scoped3A_299 : memref<!tpu.dma_semaphore, #tpu.memory_space<semaphore_mem>>)
      %dma_wait3A_314 = arith.constant 0 : i32
      %dma_wait3A_315 = arith.constant 0 : i32
      %dma_wait3A_316 = tpu.memref_slice %arg8[%dma_wait3A_314, %dma_wait3A_315] : memref<40x80xi32, #tpu.memory_space<vmem>> -> memref<40x80xi32, #tpu.memory_space<vmem>>
      %dma_wait3A_317 = arith.constant 40 : i32
      %dma_wait3A_318 = arith.constant 0 : i32
      %dma_wait3A_319 = tpu.memref_slice %arg4[%arg1, %dma_wait3A_317, %dma_wait3A_318] : memref<16x250x80xi32, #tpu.memory_space<hbm>> -> memref<1x40x80xi32, #tpu.memory_space<hbm>>
      %dma_wait3A_320 = tpu.memref_squeeze %dma_wait3A_319 : memref<1x40x80xi32, #tpu.memory_space<hbm>> -> memref<40x80xi32, #tpu.memory_space<hbm>>
      %dma_wait3A_321 = arith.constant 0 : i32
      %dma_wait3A_322 = arith.constant 0 : i32
      %dma_wait3A_323 = tpu.memref_slice %arg8[%dma_wait3A_321, %dma_wait3A_322] : memref<40x80xi32, #tpu.memory_space<vmem>> -> memref<40x80xi32, #tpu.memory_space<vmem>>
      %dma_wait3A_324 = arith.constant 40 : i32
      %dma_wait3A_325 = arith.constant 0 : i32
      %dma_wait3A_326 = tpu.memref_slice %arg4[%arg1, %dma_wait3A_324, %dma_wait3A_325] : memref<16x250x80xi32, #tpu.memory_space<hbm>> -> memref<1x40x80xi32, #tpu.memory_space<hbm>>
      %dma_wait3A_327 = tpu.memref_squeeze %dma_wait3A_326 : memref<1x40x80xi32, #tpu.memory_space<hbm>> -> memref<40x80xi32, #tpu.memory_space<hbm>>
      tpu.wait_dma2 semaphore(%run_scoped3A_299 : memref<!tpu.dma_semaphore, #tpu.memory_space<semaphore_mem>>) src(%dma_wait3A_327 : memref<40x80xi32, #tpu.memory_space<hbm>>) dst(%dma_wait3A_323 : memref<40x80xi32, #tpu.memory_space<vmem>>)
      tpu.yield
    }) : () -> ()
    %scan3A_47 = arith.constant 0 : i32
    %scan3A_48 = arith.constant 0 : i32
    %scan3A_49 = arith.constant 200 : i32
    %scan3A_50 = arith.addi %scan3A_48, %scan3A_49 : i32
    %scan3A_51 = arith.constant 1 : i32
    scf.for %scan3A_299 = %scan3A_48 to %scan3A_50 step %scan3A_51  : i32 {
      %mul3A_300 = arith.constant 16 : i32
      %mul3A_301 = arith.muli %scan3A_299, %mul3A_300 : i32
      %get3A = arith.index_cast %mul3A_301 : i32 to index
      %get3A_302 = tpu.vector_load %arg7[%get3A] {strides = array<i32>} : memref<3200xi32, #tpu.memory_space<vmem>>, vector<16xi32>,
      %get3A_303 = vector.shape_cast %get3A_302 : vector<16xi32> to vector<16xi32>
      %add3A_304 = vector.broadcast %mul3A_0 : i32 to vector<16xi32>
      %add3A_305 = arith.addi %get3A_303, %add3A_304 : vector<16xi32>
      %mul3A_306 = arith.constant 16 : i32
      %mul3A_307 = arith.muli %scan3A_299, %mul3A_306 : i32
      %swap3A = arith.index_cast %mul3A_307 : i32 to index
      %swap3A_308 = tpu.vector_load %arg7[%swap3A] {strides = array<i32>} : memref<3200xi32, #tpu.memory_space<vmem>>, vector<16xi32>,
      %swap3A_309 = vector.shape_cast %swap3A_308 : vector<16xi32> to vector<16xi32>
      %swap3A_310 = vector.shape_cast %add3A_305 : vector<16xi32> to vector<16xi32>
      tpu.vector_store %arg7[%swap3A], %swap3A_310 {strides = array<i32>} : memref<3200xi32, #tpu.memory_space<vmem>>, vector<16xi32>,
    }
    %scan3A_52 = arith.constant 200 : i32
    %multiple_of3A_53 = arith.constant 0 : i32
    %multiple_of3A_54 = tpu.assume_multiple %multiple_of3A_53, 8 : i32
    %dma_start3A_55 = tpu.memref_slice %arg7[%multiple_of3A_54] : memref<3200xi32, #tpu.memory_space<vmem>> -> memref<80xi32, #tpu.memory_space<vmem>>
    %dma_start3A_56 = arith.constant 0 : i32
    %dma_start3A_57 = arith.constant 0 : i32
    %dma_start3A_58 = tpu.memref_slice %arg2[%dma_start3A_56, %dma_start3A_57] : memref<20000x128xf32, #tpu.memory_space<hbm>> -> memref<20000x128xf32, #tpu.memory_space<hbm>>
    tpu.enqueue_indirect_dma source(%dma_start3A_58 : memref<20000x128xf32, #tpu.memory_space<hbm>>) target(%arg9 : memref<80x128xf32, #tpu.memory_space<vmem>>) offsets(%dma_start3A_55 : memref<80xi32, #tpu.memory_space<vmem>>) semaphore(%arg12 : memref<!tpu.dma_semaphore, #tpu.memory_space<semaphore_mem>>)
    %scan3A_59 = arith.constant 0 : i32
    %scan3A_60 = arith.constant 0 : i32
    %scan3A_61 = arith.constant 19 : i32
    %scan3A_62 = arith.addi %scan3A_60, %scan3A_61 : i32
    %scan3A_63 = arith.constant 1 : i32
    scf.for %scan3A_299 = %scan3A_60 to %scan3A_62 step %scan3A_63  : i32 {
      %mul3A_300 = arith.constant 2 : i32
      %mul3A_301 = arith.muli %mul3A_300, %scan3A_299 : i32
      %add3A_302 = arith.constant 1 : i32
      %add3A_303 = arith.addi %mul3A_301, %add3A_302 : i32
      %mul3A_304 = arith.constant 80 : i32
      %mul3A_305 = arith.muli %add3A_303, %mul3A_304 : i32
      %multiple_of3A_306 = tpu.assume_multiple %mul3A_305, 8 : i32
      %dma_start3A_307 = tpu.memref_slice %arg7[%multiple_of3A_306] : memref<3200xi32, #tpu.memory_space<vmem>> -> memref<80xi32, #tpu.memory_space<vmem>>
      %dma_start3A_308 = arith.constant 0 : i32
      %dma_start3A_309 = arith.constant 0 : i32
      %dma_start3A_310 = tpu.memref_slice %arg2[%dma_start3A_308, %dma_start3A_309] : memref<20000x128xf32, #tpu.memory_space<hbm>> -> memref<20000x128xf32, #tpu.memory_space<hbm>>
      tpu.enqueue_indirect_dma source(%dma_start3A_310 : memref<20000x128xf32, #tpu.memory_space<hbm>>) target(%arg10 : memref<80x128xf32, #tpu.memory_space<vmem>>) offsets(%dma_start3A_307 : memref<80xi32, #tpu.memory_space<vmem>>) semaphore(%arg13 : memref<!tpu.dma_semaphore, #tpu.memory_space<semaphore_mem>>)
      %dma_wait3A_311 = arith.constant 0 : i32
      %dma_wait3A_312 = tpu.memref_slice %arg7[%dma_wait3A_311] : memref<3200xi32, #tpu.memory_space<vmem>> -> memref<80xi32, #tpu.memory_space<vmem>>
      %dma_wait3A_313 = arith.constant 0 : i32
      %dma_wait3A_314 = arith.constant 0 : i32
      %dma_wait3A_315 = tpu.memref_slice %arg2[%dma_wait3A_313, %dma_wait3A_314] : memref<20000x128xf32, #tpu.memory_space<hbm>> -> memref<20000x128xf32, #tpu.memory_space<hbm>>
      tpu.wait_indirect_dma semaphore(%arg12 : memref<!tpu.dma_semaphore, #tpu.memory_space<semaphore_mem>>) src(%dma_wait3A_315 : memref<20000x128xf32, #tpu.memory_space<hbm>>) dst(%arg9 : memref<80x128xf32, #tpu.memory_space<vmem>>)
      %mul3A_316 = arith.constant 2 : i32
      %mul3A_317 = arith.muli %mul3A_316, %scan3A_299 : i32
      "tpu.region"() ({
        %run_scoped3A_338 = tpu.sem_alloc : memref<!tpu.dma_semaphore, #tpu.memory_space<semaphore_mem>>
        %dma_start3A_339 = arith.constant 0 : i32
        %dma_start3A_340 = tpu.memref_slice %arg8[%mul3A_317, %dma_start3A_339] : memref<40x80xi32, #tpu.memory_space<vmem>> -> memref<1x80xi32, #tpu.memory_space<vmem>>
        %dma_start3A_341 = tpu.memref_squeeze %dma_start3A_340 : memref<1x80xi32, #tpu.memory_space<vmem>> -> memref<80xi32, #tpu.memory_space<vmem>>
        %dma_start3A_342 = arith.constant 0 : i32
        %dma_start3A_343 = arith.constant 0 : i32
        %dma_start3A_344 = tpu.memref_slice %arg11[%dma_start3A_342, %dma_start3A_343] : memref<10000x128xf32, #tpu.memory_space<vmem_shared>> -> memref<10000x128xf32, #tpu.memory_space<vmem_shared>>
        tpu.enqueue_indirect_dma source(%arg9 : memref<80x128xf32, #tpu.memory_space<vmem>>) target(%dma_start3A_344 : memref<10000x128xf32, #tpu.memory_space<vmem_shared>>) offsets(%dma_start3A_341 : memref<80xi32, #tpu.memory_space<vmem>>) semaphore(%run_scoped3A_338 : memref<!tpu.dma_semaphore, #tpu.memory_space<semaphore_mem>>) {add = true}
        %dma_wait3A_345 = arith.constant 0 : i32
        %dma_wait3A_346 = tpu.memref_slice %arg8[%mul3A_317, %dma_wait3A_345] : memref<40x80xi32, #tpu.memory_space<vmem>> -> memref<1x80xi32, #tpu.memory_space<vmem>>
        %dma_wait3A_347 = tpu.memref_squeeze %dma_wait3A_346 : memref<1x80xi32, #tpu.memory_space<vmem>> -> memref<80xi32, #tpu.memory_space<vmem>>
        %dma_wait3A_348 = arith.constant 0 : i32
        %dma_wait3A_349 = arith.constant 0 : i32
        %dma_wait3A_350 = tpu.memref_slice %arg11[%dma_wait3A_348, %dma_wait3A_349] : memref<10000x128xf32, #tpu.memory_space<vmem_shared>> -> memref<10000x128xf32, #tpu.memory_space<vmem_shared>>
        tpu.wait_indirect_dma semaphore(%run_scoped3A_338 : memref<!tpu.dma_semaphore, #tpu.memory_space<semaphore_mem>>) src(%arg9 : memref<80x128xf32, #tpu.memory_space<vmem>>) dst(%dma_wait3A_350 : memref<10000x128xf32, #tpu.memory_space<vmem_shared>>)
        tpu.yield
      }) : () -> ()
      %mul3A_318 = arith.constant 2 : i32
      %mul3A_319 = arith.muli %mul3A_318, %scan3A_299 : i32
      %add3A_320 = arith.constant 2 : i32
      %add3A_321 = arith.addi %mul3A_319, %add3A_320 : i32
      %mul3A_322 = arith.constant 80 : i32
      %mul3A_323 = arith.muli %add3A_321, %mul3A_322 : i32
      %multiple_of3A_324 = tpu.assume_multiple %mul3A_323, 8 : i32
      %dma_start3A_325 = tpu.memref_slice %arg7[%multiple_of3A_324] : memref<3200xi32, #tpu.memory_space<vmem>> -> memref<80xi32, #tpu.memory_space<vmem>>
      %dma_start3A_326 = arith.constant 0 : i32
      %dma_start3A_327 = arith.constant 0 : i32
      %dma_start3A_328 = tpu.memref_slice %arg2[%dma_start3A_326, %dma_start3A_327] : memref<20000x128xf32, #tpu.memory_space<hbm>> -> memref<20000x128xf32, #tpu.memory_space<hbm>>
      tpu.enqueue_indirect_dma source(%dma_start3A_328 : memref<20000x128xf32, #tpu.memory_space<hbm>>) target(%arg9 : memref<80x128xf32, #tpu.memory_space<vmem>>) offsets(%dma_start3A_325 : memref<80xi32, #tpu.memory_space<vmem>>) semaphore(%arg12 : memref<!tpu.dma_semaphore, #tpu.memory_space<semaphore_mem>>)
      %dma_wait3A_329 = arith.constant 0 : i32
      %dma_wait3A_330 = tpu.memref_slice %arg7[%dma_wait3A_329] : memref<3200xi32, #tpu.memory_space<vmem>> -> memref<80xi32, #tpu.memory_space<vmem>>
      %dma_wait3A_331 = arith.constant 0 : i32
      %dma_wait3A_332 = arith.constant 0 : i32
      %dma_wait3A_333 = tpu.memref_slice %arg2[%dma_wait3A_331, %dma_wait3A_332] : memref<20000x128xf32, #tpu.memory_space<hbm>> -> memref<20000x128xf32, #tpu.memory_space<hbm>>
      tpu.wait_indirect_dma semaphore(%arg13 : memref<!tpu.dma_semaphore, #tpu.memory_space<semaphore_mem>>) src(%dma_wait3A_333 : memref<20000x128xf32, #tpu.memory_space<hbm>>) dst(%arg10 : memref<80x128xf32, #tpu.memory_space<vmem>>)
      %mul3A_334 = arith.constant 2 : i32
      %mul3A_335 = arith.muli %mul3A_334, %scan3A_299 : i32
      %add3A_336 = arith.constant 1 : i32
      %add3A_337 = arith.addi %mul3A_335, %add3A_336 : i32
      "tpu.region"() ({
        %run_scoped3A_338 = tpu.sem_alloc : memref<!tpu.dma_semaphore, #tpu.memory_space<semaphore_mem>>
        %dma_start3A_339 = arith.constant 0 : i32
        %dma_start3A_340 = tpu.memref_slice %arg8[%add3A_337, %dma_start3A_339] : memref<40x80xi32, #tpu.memory_space<vmem>> -> memref<1x80xi32, #tpu.memory_space<vmem>>
        %dma_start3A_341 = tpu.memref_squeeze %dma_start3A_340 : memref<1x80xi32, #tpu.memory_space<vmem>> -> memref<80xi32, #tpu.memory_space<vmem>>
        %dma_start3A_342 = arith.constant 0 : i32
        %dma_start3A_343 = arith.constant 0 : i32
        %dma_start3A_344 = tpu.memref_slice %arg11[%dma_start3A_342, %dma_start3A_343] : memref<10000x128xf32, #tpu.memory_space<vmem_shared>> -> memref<10000x128xf32, #tpu.memory_space<vmem_shared>>
        tpu.enqueue_indirect_dma source(%arg10 : memref<80x128xf32, #tpu.memory_space<vmem>>) target(%dma_start3A_344 : memref<10000x128xf32, #tpu.memory_space<vmem_shared>>) offsets(%dma_start3A_341 : memref<80xi32, #tpu.memory_space<vmem>>) semaphore(%run_scoped3A_338 : memref<!tpu.dma_semaphore, #tpu.memory_space<semaphore_mem>>) {add = true}
        %dma_wait3A_345 = arith.constant 0 : i32
        %dma_wait3A_346 = tpu.memref_slice %arg8[%add3A_337, %dma_wait3A_345] : memref<40x80xi32, #tpu.memory_space<vmem>> -> memref<1x80xi32, #tpu.memory_space<vmem>>
        %dma_wait3A_347 = tpu.memref_squeeze %dma_wait3A_346 : memref<1x80xi32, #tpu.memory_space<vmem>> -> memref<80xi32, #tpu.memory_space<vmem>>
        %dma_wait3A_348 = arith.constant 0 : i32
        %dma_wait3A_349 = arith.constant 0 : i32
        %dma_wait3A_350 = tpu.memref_slice %arg11[%dma_wait3A_348, %dma_wait3A_349] : memref<10000x128xf32, #tpu.memory_space<vmem_shared>> -> memref<10000x128xf32, #tpu.memory_space<vmem_shared>>
        tpu.wait_indirect_dma semaphore(%run_scoped3A_338 : memref<!tpu.dma_semaphore, #tpu.memory_space<semaphore_mem>>) src(%arg10 : memref<80x128xf32, #tpu.memory_space<vmem>>) dst(%dma_wait3A_350 : memref<10000x128xf32, #tpu.memory_space<vmem_shared>>)
        tpu.yield
      }) : () -> ()
    }
    %scan3A_64 = arith.constant 19 : i32
    %multiple_of3A_65 = arith.constant 3120 : i32
    %multiple_of3A_66 = tpu.assume_multiple %multiple_of3A_65, 8 : i32
    %dma_start3A_67 = tpu.memref_slice %arg7[%multiple_of3A_66] : memref<3200xi32, #tpu.memory_space<vmem>> -> memref<80xi32, #tpu.memory_space<vmem>>
    %dma_start3A_68 = arith.constant 0 : i32
    %dma_start3A_69 = arith.constant 0 : i32
    %dma_start3A_70 = tpu.memref_slice %arg2[%dma_start3A_68, %dma_start3A_69] : memref<20000x128xf32, #tpu.memory_space<hbm>> -> memref<20000x128xf32, #tpu.memory_space<hbm>>
    tpu.enqueue_indirect_dma source(%dma_start3A_70 : memref<20000x128xf32, #tpu.memory_space<hbm>>) target(%arg10 : memref<80x128xf32, #tpu.memory_space<vmem>>) offsets(%dma_start3A_67 : memref<80xi32, #tpu.memory_space<vmem>>) semaphore(%arg13 : memref<!tpu.dma_semaphore, #tpu.memory_space<semaphore_mem>>)
    %dma_wait3A_71 = arith.constant 0 : i32
    %dma_wait3A_72 = tpu.memref_slice %arg7[%dma_wait3A_71] : memref<3200xi32, #tpu.memory_space<vmem>> -> memref<80xi32, #tpu.memory_space<vmem>>
    %dma_wait3A_73 = arith.constant 0 : i32
    %dma_wait3A_74 = arith.constant 0 : i32
    %dma_wait3A_75 = tpu.memref_slice %arg2[%dma_wait3A_73, %dma_wait3A_74] : memref<20000x128xf32, #tpu.memory_space<hbm>> -> memref<20000x128xf32, #tpu.memory_space<hbm>>
    tpu.wait_indirect_dma semaphore(%arg12 : memref<!tpu.dma_semaphore, #tpu.memory_space<semaphore_mem>>) src(%dma_wait3A_75 : memref<20000x128xf32, #tpu.memory_space<hbm>>) dst(%arg9 : memref<80x128xf32, #tpu.memory_space<vmem>>)
    %run_scoped3A_76 = arith.constant 38 : i32
    "tpu.region"() ({
      %run_scoped3A_299 = tpu.sem_alloc : memref<!tpu.dma_semaphore, #tpu.memory_space<semaphore_mem>>
      %dma_start3A_300 = arith.constant 0 : i32
      %dma_start3A_301 = tpu.memref_slice %arg8[%run_scoped3A_76, %dma_start3A_300] : memref<40x80xi32, #tpu.memory_space<vmem>> -> memref<1x80xi32, #tpu.memory_space<vmem>>
      %dma_start3A_302 = tpu.memref_squeeze %dma_start3A_301 : memref<1x80xi32, #tpu.memory_space<vmem>> -> memref<80xi32, #tpu.memory_space<vmem>>
      %dma_start3A_303 = arith.constant 0 : i32
      %dma_start3A_304 = arith.constant 0 : i32
      %dma_start3A_305 = tpu.memref_slice %arg11[%dma_start3A_303, %dma_start3A_304] : memref<10000x128xf32, #tpu.memory_space<vmem_shared>> -> memref<10000x128xf32, #tpu.memory_space<vmem_shared>>
      tpu.enqueue_indirect_dma source(%arg9 : memref<80x128xf32, #tpu.memory_space<vmem>>) target(%dma_start3A_305 : memref<10000x128xf32, #tpu.memory_space<vmem_shared>>) offsets(%dma_start3A_302 : memref<80xi32, #tpu.memory_space<vmem>>) semaphore(%run_scoped3A_299 : memref<!tpu.dma_semaphore, #tpu.memory_space<semaphore_mem>>) {add = true}
      %dma_wait3A_306 = arith.constant 0 : i32
      %dma_wait3A_307 = tpu.memref_slice %arg8[%run_scoped3A_76, %dma_wait3A_306] : memref<40x80xi32, #tpu.memory_space<vmem>> -> memref<1x80xi32, #tpu.memory_space<vmem>>
      %dma_wait3A_308 = tpu.memref_squeeze %dma_wait3A_307 : memref<1x80xi32, #tpu.memory_space<vmem>> -> memref<80xi32, #tpu.memory_space<vmem>>
      %dma_wait3A_309 = arith.constant 0 : i32
      %dma_wait3A_310 = arith.constant 0 : i32
      %dma_wait3A_311 = tpu.memref_slice %arg11[%dma_wait3A_309, %dma_wait3A_310] : memref<10000x128xf32, #tpu.memory_space<vmem_shared>> -> memref<10000x128xf32, #tpu.memory_space<vmem_shared>>
      tpu.wait_indirect_dma semaphore(%run_scoped3A_299 : memref<!tpu.dma_semaphore, #tpu.memory_space<semaphore_mem>>) src(%arg9 : memref<80x128xf32, #tpu.memory_space<vmem>>) dst(%dma_wait3A_311 : memref<10000x128xf32, #tpu.memory_space<vmem_shared>>)
      tpu.yield
    }) : () -> ()
    %dma_wait3A_77 = arith.constant 0 : i32
    %dma_wait3A_78 = tpu.memref_slice %arg7[%dma_wait3A_77] : memref<3200xi32, #tpu.memory_space<vmem>> -> memref<80xi32, #tpu.memory_space<vmem>>
    %dma_wait3A_79 = arith.constant 0 : i32
    %dma_wait3A_80 = arith.constant 0 : i32
    %dma_wait3A_81 = tpu.memref_slice %arg2[%dma_wait3A_79, %dma_wait3A_80] : memref<20000x128xf32, #tpu.memory_space<hbm>> -> memref<20000x128xf32, #tpu.memory_space<hbm>>
    tpu.wait_indirect_dma semaphore(%arg13 : memref<!tpu.dma_semaphore, #tpu.memory_space<semaphore_mem>>) src(%dma_wait3A_81 : memref<20000x128xf32, #tpu.memory_space<hbm>>) dst(%arg10 : memref<80x128xf32, #tpu.memory_space<vmem>>)
    %run_scoped3A_82 = arith.constant 39 : i32
    "tpu.region"() ({
      %run_scoped3A_299 = tpu.sem_alloc : memref<!tpu.dma_semaphore, #tpu.memory_space<semaphore_mem>>
      %dma_start3A_300 = arith.constant 0 : i32
      %dma_start3A_301 = tpu.memref_slice %arg8[%run_scoped3A_82, %dma_start3A_300] : memref<40x80xi32, #tpu.memory_space<vmem>> -> memref<1x80xi32, #tpu.memory_space<vmem>>
      %dma_start3A_302 = tpu.memref_squeeze %dma_start3A_301 : memref<1x80xi32, #tpu.memory_space<vmem>> -> memref<80xi32, #tpu.memory_space<vmem>>
      %dma_start3A_303 = arith.constant 0 : i32
      %dma_start3A_304 = arith.constant 0 : i32
      %dma_start3A_305 = tpu.memref_slice %arg11[%dma_start3A_303, %dma_start3A_304] : memref<10000x128xf32, #tpu.memory_space<vmem_shared>> -> memref<10000x128xf32, #tpu.memory_space<vmem_shared>>
      tpu.enqueue_indirect_dma source(%arg10 : memref<80x128xf32, #tpu.memory_space<vmem>>) target(%dma_start3A_305 : memref<10000x128xf32, #tpu.memory_space<vmem_shared>>) offsets(%dma_start3A_302 : memref<80xi32, #tpu.memory_space<vmem>>) semaphore(%run_scoped3A_299 : memref<!tpu.dma_semaphore, #tpu.memory_space<semaphore_mem>>) {add = true}
      %dma_wait3A_306 = arith.constant 0 : i32
      %dma_wait3A_307 = tpu.memref_slice %arg8[%run_scoped3A_82, %dma_wait3A_306] : memref<40x80xi32, #tpu.memory_space<vmem>> -> memref<1x80xi32, #tpu.memory_space<vmem>>
      %dma_wait3A_308 = tpu.memref_squeeze %dma_wait3A_307 : memref<1x80xi32, #tpu.memory_space<vmem>> -> memref<80xi32, #tpu.memory_space<vmem>>
      %dma_wait3A_309 = arith.constant 0 : i32
      %dma_wait3A_310 = arith.constant 0 : i32
      %dma_wait3A_311 = tpu.memref_slice %arg11[%dma_wait3A_309, %dma_wait3A_310] : memref<10000x128xf32, #tpu.memory_space<vmem_shared>> -> memref<10000x128xf32, #tpu.memory_space<vmem_shared>>
      tpu.wait_indirect_dma semaphore(%run_scoped3A_299 : memref<!tpu.dma_semaphore, #tpu.memory_space<semaphore_mem>>) src(%arg10 : memref<80x128xf32, #tpu.memory_space<vmem>>) dst(%dma_wait3A_311 : memref<10000x128xf32, #tpu.memory_space<vmem_shared>>)
      tpu.yield
    }) : () -> ()
    %mul3A_83 = arith.constant 20000 : i32
    %mul3A_84 = arith.muli %arg1, %mul3A_83 : i32
    %add3A_85 = arith.constant 6400 : i32
    %add3A_86 = arith.addi %mul3A_84, %add3A_85 : i32
    %multiple_of3A_87 = tpu.assume_multiple %add3A_86, 8 : i32
    "tpu.region"() ({
      %run_scoped3A_299 = tpu.sem_alloc : memref<!tpu.dma_semaphore, #tpu.memory_space<semaphore_mem>>
      %dma_start3A_300 = arith.constant 0 : i32
      %dma_start3A_301 = tpu.memref_slice %arg7[%dma_start3A_300] : memref<3200xi32, #tpu.memory_space<vmem>> -> memref<3200xi32, #tpu.memory_space<vmem>>
      %dma_start3A_302 = tpu.memref_slice %arg3[%multiple_of3A_87] : memref<320000xi32, #tpu.memory_space<hbm>> -> memref<3200xi32, #tpu.memory_space<hbm>>
      %dma_start3A_303 = arith.constant 0 : i32
      %dma_start3A_304 = tpu.memref_slice %arg7[%dma_start3A_303] : memref<3200xi32, #tpu.memory_space<vmem>> -> memref<3200xi32, #tpu.memory_space<vmem>>
      %dma_start3A_305 = tpu.memref_slice %arg3[%multiple_of3A_87] : memref<320000xi32, #tpu.memory_space<hbm>> -> memref<3200xi32, #tpu.memory_space<hbm>>
      tpu.enqueue_dma source(%dma_start3A_305 : memref<3200xi32, #tpu.memory_space<hbm>>) target(%dma_start3A_304 : memref<3200xi32, #tpu.memory_space<vmem>>) target_semaphore(%run_scoped3A_299 : memref<!tpu.dma_semaphore, #tpu.memory_space<semaphore_mem>>)
      %dma_wait3A_306 = arith.constant 0 : i32
      %dma_wait3A_307 = tpu.memref_slice %arg7[%dma_wait3A_306] : memref<3200xi32, #tpu.memory_space<vmem>> -> memref<3200xi32, #tpu.memory_space<vmem>>
      %dma_wait3A_308 = tpu.memref_slice %arg3[%multiple_of3A_87] : memref<320000xi32, #tpu.memory_space<hbm>> -> memref<3200xi32, #tpu.memory_space<hbm>>
      %dma_wait3A_309 = arith.constant 0 : i32
      %dma_wait3A_310 = tpu.memref_slice %arg7[%dma_wait3A_309] : memref<3200xi32, #tpu.memory_space<vmem>> -> memref<3200xi32, #tpu.memory_space<vmem>>
      %dma_wait3A_311 = tpu.memref_slice %arg3[%multiple_of3A_87] : memref<320000xi32, #tpu.memory_space<hbm>> -> memref<3200xi32, #tpu.memory_space<hbm>>
      tpu.wait_dma2 semaphore(%run_scoped3A_299 : memref<!tpu.dma_semaphore, #tpu.memory_space<semaphore_mem>>) src(%dma_wait3A_311 : memref<3200xi32, #tpu.memory_space<hbm>>) dst(%dma_wait3A_310 : memref<3200xi32, #tpu.memory_space<vmem>>)
      tpu.yield
    }) : () -> ()
    "tpu.region"() ({
      %run_scoped3A_299 = tpu.sem_alloc : memref<!tpu.dma_semaphore, #tpu.memory_space<semaphore_mem>>
      %dma_start3A_300 = arith.constant 0 : i32
      %dma_start3A_301 = arith.constant 0 : i32
      %dma_start3A_302 = tpu.memref_slice %arg8[%dma_start3A_300, %dma_start3A_301] : memref<40x80xi32, #tpu.memory_space<vmem>> -> memref<40x80xi32, #tpu.memory_space<vmem>>
      %dma_start3A_303 = arith.constant 80 : i32
      %dma_start3A_304 = arith.constant 0 : i32
      %dma_start3A_305 = tpu.memref_slice %arg4[%arg1, %dma_start3A_303, %dma_start3A_304] : memref<16x250x80xi32, #tpu.memory_space<hbm>> -> memref<1x40x80xi32, #tpu.memory_space<hbm>>
      %dma_start3A_306 = tpu.memref_squeeze %dma_start3A_305 : memref<1x40x80xi32, #tpu.memory_space<hbm>> -> memref<40x80xi32, #tpu.memory_space<hbm>>
      %dma_start3A_307 = arith.constant 0 : i32
      %dma_start3A_308 = arith.constant 0 : i32
      %dma_start3A_309 = tpu.memref_slice %arg8[%dma_start3A_307, %dma_start3A_308] : memref<40x80xi32, #tpu.memory_space<vmem>> -> memref<40x80xi32, #tpu.memory_space<vmem>>
      %dma_start3A_310 = arith.constant 80 : i32
      %dma_start3A_311 = arith.constant 0 : i32
      %dma_start3A_312 = tpu.memref_slice %arg4[%arg1, %dma_start3A_310, %dma_start3A_311] : memref<16x250x80xi32, #tpu.memory_space<hbm>> -> memref<1x40x80xi32, #tpu.memory_space<hbm>>
      %dma_start3A_313 = tpu.memref_squeeze %dma_start3A_312 : memref<1x40x80xi32, #tpu.memory_space<hbm>> -> memref<40x80xi32, #tpu.memory_space<hbm>>
      tpu.enqueue_dma source(%dma_start3A_313 : memref<40x80xi32, #tpu.memory_space<hbm>>) target(%dma_start3A_309 : memref<40x80xi32, #tpu.memory_space<vmem>>) target_semaphore(%run_scoped3A_299 : memref<!tpu.dma_semaphore, #tpu.memory_space<semaphore_mem>>)
      %dma_wait3A_314 = arith.constant 0 : i32
      %dma_wait3A_315 = arith.constant 0 : i32
      %dma_wait3A_316 = tpu.memref_slice %arg8[%dma_wait3A_314, %dma_wait3A_315] : memref<40x80xi32, #tpu.memory_space<vmem>> -> memref<40x80xi32, #tpu.memory_space<vmem>>
      %dma_wait3A_317 = arith.constant 80 : i32
      %dma_wait3A_318 = arith.constant 0 : i32
      %dma_wait3A_319 = tpu.memref_slice %arg4[%arg1, %dma_wait3A_317, %dma_wait3A_318] : memref<16x250x80xi32, #tpu.memory_space<hbm>> -> memref<1x40x80xi32, #tpu.memory_space<hbm>>
      %dma_wait3A_320 = tpu.memref_squeeze %dma_wait3A_319 : memref<1x40x80xi32, #tpu.memory_space<hbm>> -> memref<40x80xi32, #tpu.memory_space<hbm>>
      %dma_wait3A_321 = arith.constant 0 : i32
      %dma_wait3A_322 = arith.constant 0 : i32
      %dma_wait3A_323 = tpu.memref_slice %arg8[%dma_wait3A_321, %dma_wait3A_322] : memref<40x80xi32, #tpu.memory_space<vmem>> -> memref<40x80xi32, #tpu.memory_space<vmem>>
      %dma_wait3A_324 = arith.constant 80 : i32
      %dma_wait3A_325 = arith.constant 0 : i32
      %dma_wait3A_326 = tpu.memref_slice %arg4[%arg1, %dma_wait3A_324, %dma_wait3A_325] : memref<16x250x80xi32, #tpu.memory_space<hbm>> -> memref<1x40x80xi32, #tpu.memory_space<hbm>>
      %dma_wait3A_327 = tpu.memref_squeeze %dma_wait3A_326 : memref<1x40x80xi32, #tpu.memory_space<hbm>> -> memref<40x80xi32, #tpu.memory_space<hbm>>
      tpu.wait_dma2 semaphore(%run_scoped3A_299 : memref<!tpu.dma_semaphore, #tpu.memory_space<semaphore_mem>>) src(%dma_wait3A_327 : memref<40x80xi32, #tpu.memory_space<hbm>>) dst(%dma_wait3A_323 : memref<40x80xi32, #tpu.memory_space<vmem>>)
      tpu.yield
    }) : () -> ()
    %scan3A_88 = arith.constant 0 : i32
    %scan3A_89 = arith.constant 0 : i32
    %scan3A_90 = arith.constant 200 : i32
    %scan3A_91 = arith.addi %scan3A_89, %scan3A_90 : i32
    %scan3A_92 = arith.constant 1 : i32
    scf.for %scan3A_299 = %scan3A_89 to %scan3A_91 step %scan3A_92  : i32 {
      %mul3A_300 = arith.constant 16 : i32
      %mul3A_301 = arith.muli %scan3A_299, %mul3A_300 : i32
      %get3A = arith.index_cast %mul3A_301 : i32 to index
      %get3A_302 = tpu.vector_load %arg7[%get3A] {strides = array<i32>} : memref<3200xi32, #tpu.memory_space<vmem>>, vector<16xi32>,
      %get3A_303 = vector.shape_cast %get3A_302 : vector<16xi32> to vector<16xi32>
      %add3A_304 = vector.broadcast %mul3A_0 : i32 to vector<16xi32>
      %add3A_305 = arith.addi %get3A_303, %add3A_304 : vector<16xi32>
      %mul3A_306 = arith.constant 16 : i32
      %mul3A_307 = arith.muli %scan3A_299, %mul3A_306 : i32
      %swap3A = arith.index_cast %mul3A_307 : i32 to index
      %swap3A_308 = tpu.vector_load %arg7[%swap3A] {strides = array<i32>} : memref<3200xi32, #tpu.memory_space<vmem>>, vector<16xi32>,
      %swap3A_309 = vector.shape_cast %swap3A_308 : vector<16xi32> to vector<16xi32>
      %swap3A_310 = vector.shape_cast %add3A_305 : vector<16xi32> to vector<16xi32>
      tpu.vector_store %arg7[%swap3A], %swap3A_310 {strides = array<i32>} : memref<3200xi32, #tpu.memory_space<vmem>>, vector<16xi32>,
    }
    %scan3A_93 = arith.constant 200 : i32
    %multiple_of3A_94 = arith.constant 0 : i32
    %multiple_of3A_95 = tpu.assume_multiple %multiple_of3A_94, 8 : i32
    %dma_start3A_96 = tpu.memref_slice %arg7[%multiple_of3A_95] : memref<3200xi32, #tpu.memory_space<vmem>> -> memref<80xi32, #tpu.memory_space<vmem>>
    %dma_start3A_97 = arith.constant 0 : i32
    %dma_start3A_98 = arith.constant 0 : i32
    %dma_start3A_99 = tpu.memref_slice %arg2[%dma_start3A_97, %dma_start3A_98] : memref<20000x128xf32, #tpu.memory_space<hbm>> -> memref<20000x128xf32, #tpu.memory_space<hbm>>
    tpu.enqueue_indirect_dma source(%dma_start3A_99 : memref<20000x128xf32, #tpu.memory_space<hbm>>) target(%arg9 : memref<80x128xf32, #tpu.memory_space<vmem>>) offsets(%dma_start3A_96 : memref<80xi32, #tpu.memory_space<vmem>>) semaphore(%arg12 : memref<!tpu.dma_semaphore, #tpu.memory_space<semaphore_mem>>)
    %scan3A_100 = arith.constant 0 : i32
    %scan3A_101 = arith.constant 0 : i32
    %scan3A_102 = arith.constant 19 : i32
    %scan3A_103 = arith.addi %scan3A_101, %scan3A_102 : i32
    %scan3A_104 = arith.constant 1 : i32
    scf.for %scan3A_299 = %scan3A_101 to %scan3A_103 step %scan3A_104  : i32 {
      %mul3A_300 = arith.constant 2 : i32
      %mul3A_301 = arith.muli %mul3A_300, %scan3A_299 : i32
      %add3A_302 = arith.constant 1 : i32
      %add3A_303 = arith.addi %mul3A_301, %add3A_302 : i32
      %mul3A_304 = arith.constant 80 : i32
      %mul3A_305 = arith.muli %add3A_303, %mul3A_304 : i32
      %multiple_of3A_306 = tpu.assume_multiple %mul3A_305, 8 : i32
      %dma_start3A_307 = tpu.memref_slice %arg7[%multiple_of3A_306] : memref<3200xi32, #tpu.memory_space<vmem>> -> memref<80xi32, #tpu.memory_space<vmem>>
      %dma_start3A_308 = arith.constant 0 : i32
      %dma_start3A_309 = arith.constant 0 : i32
      %dma_start3A_310 = tpu.memref_slice %arg2[%dma_start3A_308, %dma_start3A_309] : memref<20000x128xf32, #tpu.memory_space<hbm>> -> memref<20000x128xf32, #tpu.memory_space<hbm>>
      tpu.enqueue_indirect_dma source(%dma_start3A_310 : memref<20000x128xf32, #tpu.memory_space<hbm>>) target(%arg10 : memref<80x128xf32, #tpu.memory_space<vmem>>) offsets(%dma_start3A_307 : memref<80xi32, #tpu.memory_space<vmem>>) semaphore(%arg13 : memref<!tpu.dma_semaphore, #tpu.memory_space<semaphore_mem>>)
      %dma_wait3A_311 = arith.constant 0 : i32
      %dma_wait3A_312 = tpu.memref_slice %arg7[%dma_wait3A_311] : memref<3200xi32, #tpu.memory_space<vmem>> -> memref<80xi32, #tpu.memory_space<vmem>>
      %dma_wait3A_313 = arith.constant 0 : i32
      %dma_wait3A_314 = arith.constant 0 : i32
      %dma_wait3A_315 = tpu.memref_slice %arg2[%dma_wait3A_313, %dma_wait3A_314] : memref<20000x128xf32, #tpu.memory_space<hbm>> -> memref<20000x128xf32, #tpu.memory_space<hbm>>
      tpu.wait_indirect_dma semaphore(%arg12 : memref<!tpu.dma_semaphore, #tpu.memory_space<semaphore_mem>>) src(%dma_wait3A_315 : memref<20000x128xf32, #tpu.memory_space<hbm>>) dst(%arg9 : memref<80x128xf32, #tpu.memory_space<vmem>>)
      %mul3A_316 = arith.constant 2 : i32
      %mul3A_317 = arith.muli %mul3A_316, %scan3A_299 : i32
      "tpu.region"() ({
        %run_scoped3A_338 = tpu.sem_alloc : memref<!tpu.dma_semaphore, #tpu.memory_space<semaphore_mem>>
        %dma_start3A_339 = arith.constant 0 : i32
        %dma_start3A_340 = tpu.memref_slice %arg8[%mul3A_317, %dma_start3A_339] : memref<40x80xi32, #tpu.memory_space<vmem>> -> memref<1x80xi32, #tpu.memory_space<vmem>>
        %dma_start3A_341 = tpu.memref_squeeze %dma_start3A_340 : memref<1x80xi32, #tpu.memory_space<vmem>> -> memref<80xi32, #tpu.memory_space<vmem>>
        %dma_start3A_342 = arith.constant 0 : i32
        %dma_start3A_343 = arith.constant 0 : i32
        %dma_start3A_344 = tpu.memref_slice %arg11[%dma_start3A_342, %dma_start3A_343] : memref<10000x128xf32, #tpu.memory_space<vmem_shared>> -> memref<10000x128xf32, #tpu.memory_space<vmem_shared>>
        tpu.enqueue_indirect_dma source(%arg9 : memref<80x128xf32, #tpu.memory_space<vmem>>) target(%dma_start3A_344 : memref<10000x128xf32, #tpu.memory_space<vmem_shared>>) offsets(%dma_start3A_341 : memref<80xi32, #tpu.memory_space<vmem>>) semaphore(%run_scoped3A_338 : memref<!tpu.dma_semaphore, #tpu.memory_space<semaphore_mem>>) {add = true}
        %dma_wait3A_345 = arith.constant 0 : i32
        %dma_wait3A_346 = tpu.memref_slice %arg8[%mul3A_317, %dma_wait3A_345] : memref<40x80xi32, #tpu.memory_space<vmem>> -> memref<1x80xi32, #tpu.memory_space<vmem>>
        %dma_wait3A_347 = tpu.memref_squeeze %dma_wait3A_346 : memref<1x80xi32, #tpu.memory_space<vmem>> -> memref<80xi32, #tpu.memory_space<vmem>>
        %dma_wait3A_348 = arith.constant 0 : i32
        %dma_wait3A_349 = arith.constant 0 : i32
        %dma_wait3A_350 = tpu.memref_slice %arg11[%dma_wait3A_348, %dma_wait3A_349] : memref<10000x128xf32, #tpu.memory_space<vmem_shared>> -> memref<10000x128xf32, #tpu.memory_space<vmem_shared>>
        tpu.wait_indirect_dma semaphore(%run_scoped3A_338 : memref<!tpu.dma_semaphore, #tpu.memory_space<semaphore_mem>>) src(%arg9 : memref<80x128xf32, #tpu.memory_space<vmem>>) dst(%dma_wait3A_350 : memref<10000x128xf32, #tpu.memory_space<vmem_shared>>)
        tpu.yield
      }) : () -> ()
      %mul3A_318 = arith.constant 2 : i32
      %mul3A_319 = arith.muli %mul3A_318, %scan3A_299 : i32
      %add3A_320 = arith.constant 2 : i32
      %add3A_321 = arith.addi %mul3A_319, %add3A_320 : i32
      %mul3A_322 = arith.constant 80 : i32
      %mul3A_323 = arith.muli %add3A_321, %mul3A_322 : i32
      %multiple_of3A_324 = tpu.assume_multiple %mul3A_323, 8 : i32
      %dma_start3A_325 = tpu.memref_slice %arg7[%multiple_of3A_324] : memref<3200xi32, #tpu.memory_space<vmem>> -> memref<80xi32, #tpu.memory_space<vmem>>
      %dma_start3A_326 = arith.constant 0 : i32
      %dma_start3A_327 = arith.constant 0 : i32
      %dma_start3A_328 = tpu.memref_slice %arg2[%dma_start3A_326, %dma_start3A_327] : memref<20000x128xf32, #tpu.memory_space<hbm>> -> memref<20000x128xf32, #tpu.memory_space<hbm>>
      tpu.enqueue_indirect_dma source(%dma_start3A_328 : memref<20000x128xf32, #tpu.memory_space<hbm>>) target(%arg9 : memref<80x128xf32, #tpu.memory_space<vmem>>) offsets(%dma_start3A_325 : memref<80xi32, #tpu.memory_space<vmem>>) semaphore(%arg12 : memref<!tpu.dma_semaphore, #tpu.memory_space<semaphore_mem>>)
      %dma_wait3A_329 = arith.constant 0 : i32
      %dma_wait3A_330 = tpu.memref_slice %arg7[%dma_wait3A_329] : memref<3200xi32, #tpu.memory_space<vmem>> -> memref<80xi32, #tpu.memory_space<vmem>>
      %dma_wait3A_331 = arith.constant 0 : i32
      %dma_wait3A_332 = arith.constant 0 : i32
      %dma_wait3A_333 = tpu.memref_slice %arg2[%dma_wait3A_331, %dma_wait3A_332] : memref<20000x128xf32, #tpu.memory_space<hbm>> -> memref<20000x128xf32, #tpu.memory_space<hbm>>
      tpu.wait_indirect_dma semaphore(%arg13 : memref<!tpu.dma_semaphore, #tpu.memory_space<semaphore_mem>>) src(%dma_wait3A_333 : memref<20000x128xf32, #tpu.memory_space<hbm>>) dst(%arg10 : memref<80x128xf32, #tpu.memory_space<vmem>>)
      %mul3A_334 = arith.constant 2 : i32
      %mul3A_335 = arith.muli %mul3A_334, %scan3A_299 : i32
      %add3A_336 = arith.constant 1 : i32
      %add3A_337 = arith.addi %mul3A_335, %add3A_336 : i32
      "tpu.region"() ({
        %run_scoped3A_338 = tpu.sem_alloc : memref<!tpu.dma_semaphore, #tpu.memory_space<semaphore_mem>>
        %dma_start3A_339 = arith.constant 0 : i32
        %dma_start3A_340 = tpu.memref_slice %arg8[%add3A_337, %dma_start3A_339] : memref<40x80xi32, #tpu.memory_space<vmem>> -> memref<1x80xi32, #tpu.memory_space<vmem>>
        %dma_start3A_341 = tpu.memref_squeeze %dma_start3A_340 : memref<1x80xi32, #tpu.memory_space<vmem>> -> memref<80xi32, #tpu.memory_space<vmem>>
        %dma_start3A_342 = arith.constant 0 : i32
        %dma_start3A_343 = arith.constant 0 : i32
        %dma_start3A_344 = tpu.memref_slice %arg11[%dma_start3A_342, %dma_start3A_343] : memref<10000x128xf32, #tpu.memory_space<vmem_shared>> -> memref<10000x128xf32, #tpu.memory_space<vmem_shared>>
        tpu.enqueue_indirect_dma source(%arg10 : memref<80x128xf32, #tpu.memory_space<vmem>>) target(%dma_start3A_344 : memref<10000x128xf32, #tpu.memory_space<vmem_shared>>) offsets(%dma_start3A_341 : memref<80xi32, #tpu.memory_space<vmem>>) semaphore(%run_scoped3A_338 : memref<!tpu.dma_semaphore, #tpu.memory_space<semaphore_mem>>) {add = true}
        %dma_wait3A_345 = arith.constant 0 : i32
        %dma_wait3A_346 = tpu.memref_slice %arg8[%add3A_337, %dma_wait3A_345] : memref<40x80xi32, #tpu.memory_space<vmem>> -> memref<1x80xi32, #tpu.memory_space<vmem>>
        %dma_wait3A_347 = tpu.memref_squeeze %dma_wait3A_346 : memref<1x80xi32, #tpu.memory_space<vmem>> -> memref<80xi32, #tpu.memory_space<vmem>>
        %dma_wait3A_348 = arith.constant 0 : i32
        %dma_wait3A_349 = arith.constant 0 : i32
        %dma_wait3A_350 = tpu.memref_slice %arg11[%dma_wait3A_348, %dma_wait3A_349] : memref<10000x128xf32, #tpu.memory_space<vmem_shared>> -> memref<10000x128xf32, #tpu.memory_space<vmem_shared>>
        tpu.wait_indirect_dma semaphore(%run_scoped3A_338 : memref<!tpu.dma_semaphore, #tpu.memory_space<semaphore_mem>>) src(%arg10 : memref<80x128xf32, #tpu.memory_space<vmem>>) dst(%dma_wait3A_350 : memref<10000x128xf32, #tpu.memory_space<vmem_shared>>)
        tpu.yield
      }) : () -> ()
    }
    %scan3A_105 = arith.constant 19 : i32
    %multiple_of3A_106 = arith.constant 3120 : i32
    %multiple_of3A_107 = tpu.assume_multiple %multiple_of3A_106, 8 : i32
    %dma_start3A_108 = tpu.memref_slice %arg7[%multiple_of3A_107] : memref<3200xi32, #tpu.memory_space<vmem>> -> memref<80xi32, #tpu.memory_space<vmem>>
    %dma_start3A_109 = arith.constant 0 : i32
    %dma_start3A_110 = arith.constant 0 : i32
    %dma_start3A_111 = tpu.memref_slice %arg2[%dma_start3A_109, %dma_start3A_110] : memref<20000x128xf32, #tpu.memory_space<hbm>> -> memref<20000x128xf32, #tpu.memory_space<hbm>>
    tpu.enqueue_indirect_dma source(%dma_start3A_111 : memref<20000x128xf32, #tpu.memory_space<hbm>>) target(%arg10 : memref<80x128xf32, #tpu.memory_space<vmem>>) offsets(%dma_start3A_108 : memref<80xi32, #tpu.memory_space<vmem>>) semaphore(%arg13 : memref<!tpu.dma_semaphore, #tpu.memory_space<semaphore_mem>>)
    %dma_wait3A_112 = arith.constant 0 : i32
    %dma_wait3A_113 = tpu.memref_slice %arg7[%dma_wait3A_112] : memref<3200xi32, #tpu.memory_space<vmem>> -> memref<80xi32, #tpu.memory_space<vmem>>
    %dma_wait3A_114 = arith.constant 0 : i32
    %dma_wait3A_115 = arith.constant 0 : i32
    %dma_wait3A_116 = tpu.memref_slice %arg2[%dma_wait3A_114, %dma_wait3A_115] : memref<20000x128xf32, #tpu.memory_space<hbm>> -> memref<20000x128xf32, #tpu.memory_space<hbm>>
    tpu.wait_indirect_dma semaphore(%arg12 : memref<!tpu.dma_semaphore, #tpu.memory_space<semaphore_mem>>) src(%dma_wait3A_116 : memref<20000x128xf32, #tpu.memory_space<hbm>>) dst(%arg9 : memref<80x128xf32, #tpu.memory_space<vmem>>)
    %run_scoped3A_117 = arith.constant 38 : i32
    "tpu.region"() ({
      %run_scoped3A_299 = tpu.sem_alloc : memref<!tpu.dma_semaphore, #tpu.memory_space<semaphore_mem>>
      %dma_start3A_300 = arith.constant 0 : i32
      %dma_start3A_301 = tpu.memref_slice %arg8[%run_scoped3A_117, %dma_start3A_300] : memref<40x80xi32, #tpu.memory_space<vmem>> -> memref<1x80xi32, #tpu.memory_space<vmem>>
      %dma_start3A_302 = tpu.memref_squeeze %dma_start3A_301 : memref<1x80xi32, #tpu.memory_space<vmem>> -> memref<80xi32, #tpu.memory_space<vmem>>
      %dma_start3A_303 = arith.constant 0 : i32
      %dma_start3A_304 = arith.constant 0 : i32
      %dma_start3A_305 = tpu.memref_slice %arg11[%dma_start3A_303, %dma_start3A_304] : memref<10000x128xf32, #tpu.memory_space<vmem_shared>> -> memref<10000x128xf32, #tpu.memory_space<vmem_shared>>
      tpu.enqueue_indirect_dma source(%arg9 : memref<80x128xf32, #tpu.memory_space<vmem>>) target(%dma_start3A_305 : memref<10000x128xf32, #tpu.memory_space<vmem_shared>>) offsets(%dma_start3A_302 : memref<80xi32, #tpu.memory_space<vmem>>) semaphore(%run_scoped3A_299 : memref<!tpu.dma_semaphore, #tpu.memory_space<semaphore_mem>>) {add = true}
      %dma_wait3A_306 = arith.constant 0 : i32
      %dma_wait3A_307 = tpu.memref_slice %arg8[%run_scoped3A_117, %dma_wait3A_306] : memref<40x80xi32, #tpu.memory_space<vmem>> -> memref<1x80xi32, #tpu.memory_space<vmem>>
      %dma_wait3A_308 = tpu.memref_squeeze %dma_wait3A_307 : memref<1x80xi32, #tpu.memory_space<vmem>> -> memref<80xi32, #tpu.memory_space<vmem>>
      %dma_wait3A_309 = arith.constant 0 : i32
      %dma_wait3A_310 = arith.constant 0 : i32
      %dma_wait3A_311 = tpu.memref_slice %arg11[%dma_wait3A_309, %dma_wait3A_310] : memref<10000x128xf32, #tpu.memory_space<vmem_shared>> -> memref<10000x128xf32, #tpu.memory_space<vmem_shared>>
      tpu.wait_indirect_dma semaphore(%run_scoped3A_299 : memref<!tpu.dma_semaphore, #tpu.memory_space<semaphore_mem>>) src(%arg9 : memref<80x128xf32, #tpu.memory_space<vmem>>) dst(%dma_wait3A_311 : memref<10000x128xf32, #tpu.memory_space<vmem_shared>>)
      tpu.yield
    }) : () -> ()
    %dma_wait3A_118 = arith.constant 0 : i32
    %dma_wait3A_119 = tpu.memref_slice %arg7[%dma_wait3A_118] : memref<3200xi32, #tpu.memory_space<vmem>> -> memref<80xi32, #tpu.memory_space<vmem>>
    %dma_wait3A_120 = arith.constant 0 : i32
    %dma_wait3A_121 = arith.constant 0 : i32
    %dma_wait3A_122 = tpu.memref_slice %arg2[%dma_wait3A_120, %dma_wait3A_121] : memref<20000x128xf32, #tpu.memory_space<hbm>> -> memref<20000x128xf32, #tpu.memory_space<hbm>>
    tpu.wait_indirect_dma semaphore(%arg13 : memref<!tpu.dma_semaphore, #tpu.memory_space<semaphore_mem>>) src(%dma_wait3A_122 : memref<20000x128xf32, #tpu.memory_space<hbm>>) dst(%arg10 : memref<80x128xf32, #tpu.memory_space<vmem>>)
    %run_scoped3A_123 = arith.constant 39 : i32
    "tpu.region"() ({
      %run_scoped3A_299 = tpu.sem_alloc : memref<!tpu.dma_semaphore, #tpu.memory_space<semaphore_mem>>
      %dma_start3A_300 = arith.constant 0 : i32
      %dma_start3A_301 = tpu.memref_slice %arg8[%run_scoped3A_123, %dma_start3A_300] : memref<40x80xi32, #tpu.memory_space<vmem>> -> memref<1x80xi32, #tpu.memory_space<vmem>>
      %dma_start3A_302 = tpu.memref_squeeze %dma_start3A_301 : memref<1x80xi32, #tpu.memory_space<vmem>> -> memref<80xi32, #tpu.memory_space<vmem>>
      %dma_start3A_303 = arith.constant 0 : i32
      %dma_start3A_304 = arith.constant 0 : i32
      %dma_start3A_305 = tpu.memref_slice %arg11[%dma_start3A_303, %dma_start3A_304] : memref<10000x128xf32, #tpu.memory_space<vmem_shared>> -> memref<10000x128xf32, #tpu.memory_space<vmem_shared>>
      tpu.enqueue_indirect_dma source(%arg10 : memref<80x128xf32, #tpu.memory_space<vmem>>) target(%dma_start3A_305 : memref<10000x128xf32, #tpu.memory_space<vmem_shared>>) offsets(%dma_start3A_302 : memref<80xi32, #tpu.memory_space<vmem>>) semaphore(%run_scoped3A_299 : memref<!tpu.dma_semaphore, #tpu.memory_space<semaphore_mem>>) {add = true}
      %dma_wait3A_306 = arith.constant 0 : i32
      %dma_wait3A_307 = tpu.memref_slice %arg8[%run_scoped3A_123, %dma_wait3A_306] : memref<40x80xi32, #tpu.memory_space<vmem>> -> memref<1x80xi32, #tpu.memory_space<vmem>>
      %dma_wait3A_308 = tpu.memref_squeeze %dma_wait3A_307 : memref<1x80xi32, #tpu.memory_space<vmem>> -> memref<80xi32, #tpu.memory_space<vmem>>
      %dma_wait3A_309 = arith.constant 0 : i32
      %dma_wait3A_310 = arith.constant 0 : i32
      %dma_wait3A_311 = tpu.memref_slice %arg11[%dma_wait3A_309, %dma_wait3A_310] : memref<10000x128xf32, #tpu.memory_space<vmem_shared>> -> memref<10000x128xf32, #tpu.memory_space<vmem_shared>>
      tpu.wait_indirect_dma semaphore(%run_scoped3A_299 : memref<!tpu.dma_semaphore, #tpu.memory_space<semaphore_mem>>) src(%arg10 : memref<80x128xf32, #tpu.memory_space<vmem>>) dst(%dma_wait3A_311 : memref<10000x128xf32, #tpu.memory_space<vmem_shared>>)
      tpu.yield
    }) : () -> ()
    %mul3A_124 = arith.constant 20000 : i32
    %mul3A_125 = arith.muli %arg1, %mul3A_124 : i32
    %add3A_126 = arith.constant 9600 : i32
    %add3A_127 = arith.addi %mul3A_125, %add3A_126 : i32
    %multiple_of3A_128 = tpu.assume_multiple %add3A_127, 8 : i32
    "tpu.region"() ({
      %run_scoped3A_299 = tpu.sem_alloc : memref<!tpu.dma_semaphore, #tpu.memory_space<semaphore_mem>>
      %dma_start3A_300 = arith.constant 0 : i32
      %dma_start3A_301 = tpu.memref_slice %arg7[%dma_start3A_300] : memref<3200xi32, #tpu.memory_space<vmem>> -> memref<3200xi32, #tpu.memory_space<vmem>>
      %dma_start3A_302 = tpu.memref_slice %arg3[%multiple_of3A_128] : memref<320000xi32, #tpu.memory_space<hbm>> -> memref<3200xi32, #tpu.memory_space<hbm>>
      %dma_start3A_303 = arith.constant 0 : i32
      %dma_start3A_304 = tpu.memref_slice %arg7[%dma_start3A_303] : memref<3200xi32, #tpu.memory_space<vmem>> -> memref<3200xi32, #tpu.memory_space<vmem>>
      %dma_start3A_305 = tpu.memref_slice %arg3[%multiple_of3A_128] : memref<320000xi32, #tpu.memory_space<hbm>> -> memref<3200xi32, #tpu.memory_space<hbm>>
      tpu.enqueue_dma source(%dma_start3A_305 : memref<3200xi32, #tpu.memory_space<hbm>>) target(%dma_start3A_304 : memref<3200xi32, #tpu.memory_space<vmem>>) target_semaphore(%run_scoped3A_299 : memref<!tpu.dma_semaphore, #tpu.memory_space<semaphore_mem>>)
      %dma_wait3A_306 = arith.constant 0 : i32
      %dma_wait3A_307 = tpu.memref_slice %arg7[%dma_wait3A_306] : memref<3200xi32, #tpu.memory_space<vmem>> -> memref<3200xi32, #tpu.memory_space<vmem>>
      %dma_wait3A_308 = tpu.memref_slice %arg3[%multiple_of3A_128] : memref<320000xi32, #tpu.memory_space<hbm>> -> memref<3200xi32, #tpu.memory_space<hbm>>
      %dma_wait3A_309 = arith.constant 0 : i32
      %dma_wait3A_310 = tpu.memref_slice %arg7[%dma_wait3A_309] : memref<3200xi32, #tpu.memory_space<vmem>> -> memref<3200xi32, #tpu.memory_space<vmem>>
      %dma_wait3A_311 = tpu.memref_slice %arg3[%multiple_of3A_128] : memref<320000xi32, #tpu.memory_space<hbm>> -> memref<3200xi32, #tpu.memory_space<hbm>>
      tpu.wait_dma2 semaphore(%run_scoped3A_299 : memref<!tpu.dma_semaphore, #tpu.memory_space<semaphore_mem>>) src(%dma_wait3A_311 : memref<3200xi32, #tpu.memory_space<hbm>>) dst(%dma_wait3A_310 : memref<3200xi32, #tpu.memory_space<vmem>>)
      tpu.yield
    }) : () -> ()
    "tpu.region"() ({
      %run_scoped3A_299 = tpu.sem_alloc : memref<!tpu.dma_semaphore, #tpu.memory_space<semaphore_mem>>
      %dma_start3A_300 = arith.constant 0 : i32
      %dma_start3A_301 = arith.constant 0 : i32
      %dma_start3A_302 = tpu.memref_slice %arg8[%dma_start3A_300, %dma_start3A_301] : memref<40x80xi32, #tpu.memory_space<vmem>> -> memref<40x80xi32, #tpu.memory_space<vmem>>
      %dma_start3A_303 = arith.constant 120 : i32
      %dma_start3A_304 = arith.constant 0 : i32
      %dma_start3A_305 = tpu.memref_slice %arg4[%arg1, %dma_start3A_303, %dma_start3A_304] : memref<16x250x80xi32, #tpu.memory_space<hbm>> -> memref<1x40x80xi32, #tpu.memory_space<hbm>>
      %dma_start3A_306 = tpu.memref_squeeze %dma_start3A_305 : memref<1x40x80xi32, #tpu.memory_space<hbm>> -> memref<40x80xi32, #tpu.memory_space<hbm>>
      %dma_start3A_307 = arith.constant 0 : i32
      %dma_start3A_308 = arith.constant 0 : i32
      %dma_start3A_309 = tpu.memref_slice %arg8[%dma_start3A_307, %dma_start3A_308] : memref<40x80xi32, #tpu.memory_space<vmem>> -> memref<40x80xi32, #tpu.memory_space<vmem>>
      %dma_start3A_310 = arith.constant 120 : i32
      %dma_start3A_311 = arith.constant 0 : i32
      %dma_start3A_312 = tpu.memref_slice %arg4[%arg1, %dma_start3A_310, %dma_start3A_311] : memref<16x250x80xi32, #tpu.memory_space<hbm>> -> memref<1x40x80xi32, #tpu.memory_space<hbm>>
      %dma_start3A_313 = tpu.memref_squeeze %dma_start3A_312 : memref<1x40x80xi32, #tpu.memory_space<hbm>> -> memref<40x80xi32, #tpu.memory_space<hbm>>
      tpu.enqueue_dma source(%dma_start3A_313 : memref<40x80xi32, #tpu.memory_space<hbm>>) target(%dma_start3A_309 : memref<40x80xi32, #tpu.memory_space<vmem>>) target_semaphore(%run_scoped3A_299 : memref<!tpu.dma_semaphore, #tpu.memory_space<semaphore_mem>>)
      %dma_wait3A_314 = arith.constant 0 : i32
      %dma_wait3A_315 = arith.constant 0 : i32
      %dma_wait3A_316 = tpu.memref_slice %arg8[%dma_wait3A_314, %dma_wait3A_315] : memref<40x80xi32, #tpu.memory_space<vmem>> -> memref<40x80xi32, #tpu.memory_space<vmem>>
      %dma_wait3A_317 = arith.constant 120 : i32
      %dma_wait3A_318 = arith.constant 0 : i32
      %dma_wait3A_319 = tpu.memref_slice %arg4[%arg1, %dma_wait3A_317, %dma_wait3A_318] : memref<16x250x80xi32, #tpu.memory_space<hbm>> -> memref<1x40x80xi32, #tpu.memory_space<hbm>>
      %dma_wait3A_320 = tpu.memref_squeeze %dma_wait3A_319 : memref<1x40x80xi32, #tpu.memory_space<hbm>> -> memref<40x80xi32, #tpu.memory_space<hbm>>
      %dma_wait3A_321 = arith.constant 0 : i32
      %dma_wait3A_322 = arith.constant 0 : i32
      %dma_wait3A_323 = tpu.memref_slice %arg8[%dma_wait3A_321, %dma_wait3A_322] : memref<40x80xi32, #tpu.memory_space<vmem>> -> memref<40x80xi32, #tpu.memory_space<vmem>>
      %dma_wait3A_324 = arith.constant 120 : i32
      %dma_wait3A_325 = arith.constant 0 : i32
      %dma_wait3A_326 = tpu.memref_slice %arg4[%arg1, %dma_wait3A_324, %dma_wait3A_325] : memref<16x250x80xi32, #tpu.memory_space<hbm>> -> memref<1x40x80xi32, #tpu.memory_space<hbm>>
      %dma_wait3A_327 = tpu.memref_squeeze %dma_wait3A_326 : memref<1x40x80xi32, #tpu.memory_space<hbm>> -> memref<40x80xi32, #tpu.memory_space<hbm>>
      tpu.wait_dma2 semaphore(%run_scoped3A_299 : memref<!tpu.dma_semaphore, #tpu.memory_space<semaphore_mem>>) src(%dma_wait3A_327 : memref<40x80xi32, #tpu.memory_space<hbm>>) dst(%dma_wait3A_323 : memref<40x80xi32, #tpu.memory_space<vmem>>)
      tpu.yield
    }) : () -> ()
    %scan3A_129 = arith.constant 0 : i32
    %scan3A_130 = arith.constant 0 : i32
    %scan3A_131 = arith.constant 200 : i32
    %scan3A_132 = arith.addi %scan3A_130, %scan3A_131 : i32
    %scan3A_133 = arith.constant 1 : i32
    scf.for %scan3A_299 = %scan3A_130 to %scan3A_132 step %scan3A_133  : i32 {
      %mul3A_300 = arith.constant 16 : i32
      %mul3A_301 = arith.muli %scan3A_299, %mul3A_300 : i32
      %get3A = arith.index_cast %mul3A_301 : i32 to index
      %get3A_302 = tpu.vector_load %arg7[%get3A] {strides = array<i32>} : memref<3200xi32, #tpu.memory_space<vmem>>, vector<16xi32>,
      %get3A_303 = vector.shape_cast %get3A_302 : vector<16xi32> to vector<16xi32>
      %add3A_304 = vector.broadcast %mul3A_0 : i32 to vector<16xi32>
      %add3A_305 = arith.addi %get3A_303, %add3A_304 : vector<16xi32>
      %mul3A_306 = arith.constant 16 : i32
      %mul3A_307 = arith.muli %scan3A_299, %mul3A_306 : i32
      %swap3A = arith.index_cast %mul3A_307 : i32 to index
      %swap3A_308 = tpu.vector_load %arg7[%swap3A] {strides = array<i32>} : memref<3200xi32, #tpu.memory_space<vmem>>, vector<16xi32>,
      %swap3A_309 = vector.shape_cast %swap3A_308 : vector<16xi32> to vector<16xi32>
      %swap3A_310 = vector.shape_cast %add3A_305 : vector<16xi32> to vector<16xi32>
      tpu.vector_store %arg7[%swap3A], %swap3A_310 {strides = array<i32>} : memref<3200xi32, #tpu.memory_space<vmem>>, vector<16xi32>,
    }
    %scan3A_134 = arith.constant 200 : i32
    %multiple_of3A_135 = arith.constant 0 : i32
    %multiple_of3A_136 = tpu.assume_multiple %multiple_of3A_135, 8 : i32
    %dma_start3A_137 = tpu.memref_slice %arg7[%multiple_of3A_136] : memref<3200xi32, #tpu.memory_space<vmem>> -> memref<80xi32, #tpu.memory_space<vmem>>
    %dma_start3A_138 = arith.constant 0 : i32
    %dma_start3A_139 = arith.constant 0 : i32
    %dma_start3A_140 = tpu.memref_slice %arg2[%dma_start3A_138, %dma_start3A_139] : memref<20000x128xf32, #tpu.memory_space<hbm>> -> memref<20000x128xf32, #tpu.memory_space<hbm>>
    tpu.enqueue_indirect_dma source(%dma_start3A_140 : memref<20000x128xf32, #tpu.memory_space<hbm>>) target(%arg9 : memref<80x128xf32, #tpu.memory_space<vmem>>) offsets(%dma_start3A_137 : memref<80xi32, #tpu.memory_space<vmem>>) semaphore(%arg12 : memref<!tpu.dma_semaphore, #tpu.memory_space<semaphore_mem>>)
    %scan3A_141 = arith.constant 0 : i32
    %scan3A_142 = arith.constant 0 : i32
    %scan3A_143 = arith.constant 19 : i32
    %scan3A_144 = arith.addi %scan3A_142, %scan3A_143 : i32
    %scan3A_145 = arith.constant 1 : i32
    scf.for %scan3A_299 = %scan3A_142 to %scan3A_144 step %scan3A_145  : i32 {
      %mul3A_300 = arith.constant 2 : i32
      %mul3A_301 = arith.muli %mul3A_300, %scan3A_299 : i32
      %add3A_302 = arith.constant 1 : i32
      %add3A_303 = arith.addi %mul3A_301, %add3A_302 : i32
      %mul3A_304 = arith.constant 80 : i32
      %mul3A_305 = arith.muli %add3A_303, %mul3A_304 : i32
      %multiple_of3A_306 = tpu.assume_multiple %mul3A_305, 8 : i32
      %dma_start3A_307 = tpu.memref_slice %arg7[%multiple_of3A_306] : memref<3200xi32, #tpu.memory_space<vmem>> -> memref<80xi32, #tpu.memory_space<vmem>>
      %dma_start3A_308 = arith.constant 0 : i32
      %dma_start3A_309 = arith.constant 0 : i32
      %dma_start3A_310 = tpu.memref_slice %arg2[%dma_start3A_308, %dma_start3A_309] : memref<20000x128xf32, #tpu.memory_space<hbm>> -> memref<20000x128xf32, #tpu.memory_space<hbm>>
      tpu.enqueue_indirect_dma source(%dma_start3A_310 : memref<20000x128xf32, #tpu.memory_space<hbm>>) target(%arg10 : memref<80x128xf32, #tpu.memory_space<vmem>>) offsets(%dma_start3A_307 : memref<80xi32, #tpu.memory_space<vmem>>) semaphore(%arg13 : memref<!tpu.dma_semaphore, #tpu.memory_space<semaphore_mem>>)
      %dma_wait3A_311 = arith.constant 0 : i32
      %dma_wait3A_312 = tpu.memref_slice %arg7[%dma_wait3A_311] : memref<3200xi32, #tpu.memory_space<vmem>> -> memref<80xi32, #tpu.memory_space<vmem>>
      %dma_wait3A_313 = arith.constant 0 : i32
      %dma_wait3A_314 = arith.constant 0 : i32
      %dma_wait3A_315 = tpu.memref_slice %arg2[%dma_wait3A_313, %dma_wait3A_314] : memref<20000x128xf32, #tpu.memory_space<hbm>> -> memref<20000x128xf32, #tpu.memory_space<hbm>>
      tpu.wait_indirect_dma semaphore(%arg12 : memref<!tpu.dma_semaphore, #tpu.memory_space<semaphore_mem>>) src(%dma_wait3A_315 : memref<20000x128xf32, #tpu.memory_space<hbm>>) dst(%arg9 : memref<80x128xf32, #tpu.memory_space<vmem>>)
      %mul3A_316 = arith.constant 2 : i32
      %mul3A_317 = arith.muli %mul3A_316, %scan3A_299 : i32
      "tpu.region"() ({
        %run_scoped3A_338 = tpu.sem_alloc : memref<!tpu.dma_semaphore, #tpu.memory_space<semaphore_mem>>
        %dma_start3A_339 = arith.constant 0 : i32
        %dma_start3A_340 = tpu.memref_slice %arg8[%mul3A_317, %dma_start3A_339] : memref<40x80xi32, #tpu.memory_space<vmem>> -> memref<1x80xi32, #tpu.memory_space<vmem>>
        %dma_start3A_341 = tpu.memref_squeeze %dma_start3A_340 : memref<1x80xi32, #tpu.memory_space<vmem>> -> memref<80xi32, #tpu.memory_space<vmem>>
        %dma_start3A_342 = arith.constant 0 : i32
        %dma_start3A_343 = arith.constant 0 : i32
        %dma_start3A_344 = tpu.memref_slice %arg11[%dma_start3A_342, %dma_start3A_343] : memref<10000x128xf32, #tpu.memory_space<vmem_shared>> -> memref<10000x128xf32, #tpu.memory_space<vmem_shared>>
        tpu.enqueue_indirect_dma source(%arg9 : memref<80x128xf32, #tpu.memory_space<vmem>>) target(%dma_start3A_344 : memref<10000x128xf32, #tpu.memory_space<vmem_shared>>) offsets(%dma_start3A_341 : memref<80xi32, #tpu.memory_space<vmem>>) semaphore(%run_scoped3A_338 : memref<!tpu.dma_semaphore, #tpu.memory_space<semaphore_mem>>) {add = true}
        %dma_wait3A_345 = arith.constant 0 : i32
        %dma_wait3A_346 = tpu.memref_slice %arg8[%mul3A_317, %dma_wait3A_345] : memref<40x80xi32, #tpu.memory_space<vmem>> -> memref<1x80xi32, #tpu.memory_space<vmem>>
        %dma_wait3A_347 = tpu.memref_squeeze %dma_wait3A_346 : memref<1x80xi32, #tpu.memory_space<vmem>> -> memref<80xi32, #tpu.memory_space<vmem>>
        %dma_wait3A_348 = arith.constant 0 : i32
        %dma_wait3A_349 = arith.constant 0 : i32
        %dma_wait3A_350 = tpu.memref_slice %arg11[%dma_wait3A_348, %dma_wait3A_349] : memref<10000x128xf32, #tpu.memory_space<vmem_shared>> -> memref<10000x128xf32, #tpu.memory_space<vmem_shared>>
        tpu.wait_indirect_dma semaphore(%run_scoped3A_338 : memref<!tpu.dma_semaphore, #tpu.memory_space<semaphore_mem>>) src(%arg9 : memref<80x128xf32, #tpu.memory_space<vmem>>) dst(%dma_wait3A_350 : memref<10000x128xf32, #tpu.memory_space<vmem_shared>>)
        tpu.yield
      }) : () -> ()
      %mul3A_318 = arith.constant 2 : i32
      %mul3A_319 = arith.muli %mul3A_318, %scan3A_299 : i32
      %add3A_320 = arith.constant 2 : i32
      %add3A_321 = arith.addi %mul3A_319, %add3A_320 : i32
      %mul3A_322 = arith.constant 80 : i32
      %mul3A_323 = arith.muli %add3A_321, %mul3A_322 : i32
      %multiple_of3A_324 = tpu.assume_multiple %mul3A_323, 8 : i32
      %dma_start3A_325 = tpu.memref_slice %arg7[%multiple_of3A_324] : memref<3200xi32, #tpu.memory_space<vmem>> -> memref<80xi32, #tpu.memory_space<vmem>>
      %dma_start3A_326 = arith.constant 0 : i32
      %dma_start3A_327 = arith.constant 0 : i32
      %dma_start3A_328 = tpu.memref_slice %arg2[%dma_start3A_326, %dma_start3A_327] : memref<20000x128xf32, #tpu.memory_space<hbm>> -> memref<20000x128xf32, #tpu.memory_space<hbm>>
      tpu.enqueue_indirect_dma source(%dma_start3A_328 : memref<20000x128xf32, #tpu.memory_space<hbm>>) target(%arg9 : memref<80x128xf32, #tpu.memory_space<vmem>>) offsets(%dma_start3A_325 : memref<80xi32, #tpu.memory_space<vmem>>) semaphore(%arg12 : memref<!tpu.dma_semaphore, #tpu.memory_space<semaphore_mem>>)
      %dma_wait3A_329 = arith.constant 0 : i32
      %dma_wait3A_330 = tpu.memref_slice %arg7[%dma_wait3A_329] : memref<3200xi32, #tpu.memory_space<vmem>> -> memref<80xi32, #tpu.memory_space<vmem>>
      %dma_wait3A_331 = arith.constant 0 : i32
      %dma_wait3A_332 = arith.constant 0 : i32
      %dma_wait3A_333 = tpu.memref_slice %arg2[%dma_wait3A_331, %dma_wait3A_332] : memref<20000x128xf32, #tpu.memory_space<hbm>> -> memref<20000x128xf32, #tpu.memory_space<hbm>>
      tpu.wait_indirect_dma semaphore(%arg13 : memref<!tpu.dma_semaphore, #tpu.memory_space<semaphore_mem>>) src(%dma_wait3A_333 : memref<20000x128xf32, #tpu.memory_space<hbm>>) dst(%arg10 : memref<80x128xf32, #tpu.memory_space<vmem>>)
      %mul3A_334 = arith.constant 2 : i32
      %mul3A_335 = arith.muli %mul3A_334, %scan3A_299 : i32
      %add3A_336 = arith.constant 1 : i32
      %add3A_337 = arith.addi %mul3A_335, %add3A_336 : i32
      "tpu.region"() ({
        %run_scoped3A_338 = tpu.sem_alloc : memref<!tpu.dma_semaphore, #tpu.memory_space<semaphore_mem>>
        %dma_start3A_339 = arith.constant 0 : i32
        %dma_start3A_340 = tpu.memref_slice %arg8[%add3A_337, %dma_start3A_339] : memref<40x80xi32, #tpu.memory_space<vmem>> -> memref<1x80xi32, #tpu.memory_space<vmem>>
        %dma_start3A_341 = tpu.memref_squeeze %dma_start3A_340 : memref<1x80xi32, #tpu.memory_space<vmem>> -> memref<80xi32, #tpu.memory_space<vmem>>
        %dma_start3A_342 = arith.constant 0 : i32
        %dma_start3A_343 = arith.constant 0 : i32
        %dma_start3A_344 = tpu.memref_slice %arg11[%dma_start3A_342, %dma_start3A_343] : memref<10000x128xf32, #tpu.memory_space<vmem_shared>> -> memref<10000x128xf32, #tpu.memory_space<vmem_shared>>
        tpu.enqueue_indirect_dma source(%arg10 : memref<80x128xf32, #tpu.memory_space<vmem>>) target(%dma_start3A_344 : memref<10000x128xf32, #tpu.memory_space<vmem_shared>>) offsets(%dma_start3A_341 : memref<80xi32, #tpu.memory_space<vmem>>) semaphore(%run_scoped3A_338 : memref<!tpu.dma_semaphore, #tpu.memory_space<semaphore_mem>>) {add = true}
        %dma_wait3A_345 = arith.constant 0 : i32
        %dma_wait3A_346 = tpu.memref_slice %arg8[%add3A_337, %dma_wait3A_345] : memref<40x80xi32, #tpu.memory_space<vmem>> -> memref<1x80xi32, #tpu.memory_space<vmem>>
        %dma_wait3A_347 = tpu.memref_squeeze %dma_wait3A_346 : memref<1x80xi32, #tpu.memory_space<vmem>> -> memref<80xi32, #tpu.memory_space<vmem>>
        %dma_wait3A_348 = arith.constant 0 : i32
        %dma_wait3A_349 = arith.constant 0 : i32
        %dma_wait3A_350 = tpu.memref_slice %arg11[%dma_wait3A_348, %dma_wait3A_349] : memref<10000x128xf32, #tpu.memory_space<vmem_shared>> -> memref<10000x128xf32, #tpu.memory_space<vmem_shared>>
        tpu.wait_indirect_dma semaphore(%run_scoped3A_338 : memref<!tpu.dma_semaphore, #tpu.memory_space<semaphore_mem>>) src(%arg10 : memref<80x128xf32, #tpu.memory_space<vmem>>) dst(%dma_wait3A_350 : memref<10000x128xf32, #tpu.memory_space<vmem_shared>>)
        tpu.yield
      }) : () -> ()
    }
    %scan3A_146 = arith.constant 19 : i32
    %multiple_of3A_147 = arith.constant 3120 : i32
    %multiple_of3A_148 = tpu.assume_multiple %multiple_of3A_147, 8 : i32
    %dma_start3A_149 = tpu.memref_slice %arg7[%multiple_of3A_148] : memref<3200xi32, #tpu.memory_space<vmem>> -> memref<80xi32, #tpu.memory_space<vmem>>
    %dma_start3A_150 = arith.constant 0 : i32
    %dma_start3A_151 = arith.constant 0 : i32
    %dma_start3A_152 = tpu.memref_slice %arg2[%dma_start3A_150, %dma_start3A_151] : memref<20000x128xf32, #tpu.memory_space<hbm>> -> memref<20000x128xf32, #tpu.memory_space<hbm>>
    tpu.enqueue_indirect_dma source(%dma_start3A_152 : memref<20000x128xf32, #tpu.memory_space<hbm>>) target(%arg10 : memref<80x128xf32, #tpu.memory_space<vmem>>) offsets(%dma_start3A_149 : memref<80xi32, #tpu.memory_space<vmem>>) semaphore(%arg13 : memref<!tpu.dma_semaphore, #tpu.memory_space<semaphore_mem>>)
    %dma_wait3A_153 = arith.constant 0 : i32
    %dma_wait3A_154 = tpu.memref_slice %arg7[%dma_wait3A_153] : memref<3200xi32, #tpu.memory_space<vmem>> -> memref<80xi32, #tpu.memory_space<vmem>>
    %dma_wait3A_155 = arith.constant 0 : i32
    %dma_wait3A_156 = arith.constant 0 : i32
    %dma_wait3A_157 = tpu.memref_slice %arg2[%dma_wait3A_155, %dma_wait3A_156] : memref<20000x128xf32, #tpu.memory_space<hbm>> -> memref<20000x128xf32, #tpu.memory_space<hbm>>
    tpu.wait_indirect_dma semaphore(%arg12 : memref<!tpu.dma_semaphore, #tpu.memory_space<semaphore_mem>>) src(%dma_wait3A_157 : memref<20000x128xf32, #tpu.memory_space<hbm>>) dst(%arg9 : memref<80x128xf32, #tpu.memory_space<vmem>>)
    %run_scoped3A_158 = arith.constant 38 : i32
    "tpu.region"() ({
      %run_scoped3A_299 = tpu.sem_alloc : memref<!tpu.dma_semaphore, #tpu.memory_space<semaphore_mem>>
      %dma_start3A_300 = arith.constant 0 : i32
      %dma_start3A_301 = tpu.memref_slice %arg8[%run_scoped3A_158, %dma_start3A_300] : memref<40x80xi32, #tpu.memory_space<vmem>> -> memref<1x80xi32, #tpu.memory_space<vmem>>
      %dma_start3A_302 = tpu.memref_squeeze %dma_start3A_301 : memref<1x80xi32, #tpu.memory_space<vmem>> -> memref<80xi32, #tpu.memory_space<vmem>>
      %dma_start3A_303 = arith.constant 0 : i32
      %dma_start3A_304 = arith.constant 0 : i32
      %dma_start3A_305 = tpu.memref_slice %arg11[%dma_start3A_303, %dma_start3A_304] : memref<10000x128xf32, #tpu.memory_space<vmem_shared>> -> memref<10000x128xf32, #tpu.memory_space<vmem_shared>>
      tpu.enqueue_indirect_dma source(%arg9 : memref<80x128xf32, #tpu.memory_space<vmem>>) target(%dma_start3A_305 : memref<10000x128xf32, #tpu.memory_space<vmem_shared>>) offsets(%dma_start3A_302 : memref<80xi32, #tpu.memory_space<vmem>>) semaphore(%run_scoped3A_299 : memref<!tpu.dma_semaphore, #tpu.memory_space<semaphore_mem>>) {add = true}
      %dma_wait3A_306 = arith.constant 0 : i32
      %dma_wait3A_307 = tpu.memref_slice %arg8[%run_scoped3A_158, %dma_wait3A_306] : memref<40x80xi32, #tpu.memory_space<vmem>> -> memref<1x80xi32, #tpu.memory_space<vmem>>
      %dma_wait3A_308 = tpu.memref_squeeze %dma_wait3A_307 : memref<1x80xi32, #tpu.memory_space<vmem>> -> memref<80xi32, #tpu.memory_space<vmem>>
      %dma_wait3A_309 = arith.constant 0 : i32
      %dma_wait3A_310 = arith.constant 0 : i32
      %dma_wait3A_311 = tpu.memref_slice %arg11[%dma_wait3A_309, %dma_wait3A_310] : memref<10000x128xf32, #tpu.memory_space<vmem_shared>> -> memref<10000x128xf32, #tpu.memory_space<vmem_shared>>
      tpu.wait_indirect_dma semaphore(%run_scoped3A_299 : memref<!tpu.dma_semaphore, #tpu.memory_space<semaphore_mem>>) src(%arg9 : memref<80x128xf32, #tpu.memory_space<vmem>>) dst(%dma_wait3A_311 : memref<10000x128xf32, #tpu.memory_space<vmem_shared>>)
      tpu.yield
    }) : () -> ()
    %dma_wait3A_159 = arith.constant 0 : i32
    %dma_wait3A_160 = tpu.memref_slice %arg7[%dma_wait3A_159] : memref<3200xi32, #tpu.memory_space<vmem>> -> memref<80xi32, #tpu.memory_space<vmem>>
    %dma_wait3A_161 = arith.constant 0 : i32
    %dma_wait3A_162 = arith.constant 0 : i32
    %dma_wait3A_163 = tpu.memref_slice %arg2[%dma_wait3A_161, %dma_wait3A_162] : memref<20000x128xf32, #tpu.memory_space<hbm>> -> memref<20000x128xf32, #tpu.memory_space<hbm>>
    tpu.wait_indirect_dma semaphore(%arg13 : memref<!tpu.dma_semaphore, #tpu.memory_space<semaphore_mem>>) src(%dma_wait3A_163 : memref<20000x128xf32, #tpu.memory_space<hbm>>) dst(%arg10 : memref<80x128xf32, #tpu.memory_space<vmem>>)
    %run_scoped3A_164 = arith.constant 39 : i32
    "tpu.region"() ({
      %run_scoped3A_299 = tpu.sem_alloc : memref<!tpu.dma_semaphore, #tpu.memory_space<semaphore_mem>>
      %dma_start3A_300 = arith.constant 0 : i32
      %dma_start3A_301 = tpu.memref_slice %arg8[%run_scoped3A_164, %dma_start3A_300] : memref<40x80xi32, #tpu.memory_space<vmem>> -> memref<1x80xi32, #tpu.memory_space<vmem>>
      %dma_start3A_302 = tpu.memref_squeeze %dma_start3A_301 : memref<1x80xi32, #tpu.memory_space<vmem>> -> memref<80xi32, #tpu.memory_space<vmem>>
      %dma_start3A_303 = arith.constant 0 : i32
      %dma_start3A_304 = arith.constant 0 : i32
      %dma_start3A_305 = tpu.memref_slice %arg11[%dma_start3A_303, %dma_start3A_304] : memref<10000x128xf32, #tpu.memory_space<vmem_shared>> -> memref<10000x128xf32, #tpu.memory_space<vmem_shared>>
      tpu.enqueue_indirect_dma source(%arg10 : memref<80x128xf32, #tpu.memory_space<vmem>>) target(%dma_start3A_305 : memref<10000x128xf32, #tpu.memory_space<vmem_shared>>) offsets(%dma_start3A_302 : memref<80xi32, #tpu.memory_space<vmem>>) semaphore(%run_scoped3A_299 : memref<!tpu.dma_semaphore, #tpu.memory_space<semaphore_mem>>) {add = true}
      %dma_wait3A_306 = arith.constant 0 : i32
      %dma_wait3A_307 = tpu.memref_slice %arg8[%run_scoped3A_164, %dma_wait3A_306] : memref<40x80xi32, #tpu.memory_space<vmem>> -> memref<1x80xi32, #tpu.memory_space<vmem>>
      %dma_wait3A_308 = tpu.memref_squeeze %dma_wait3A_307 : memref<1x80xi32, #tpu.memory_space<vmem>> -> memref<80xi32, #tpu.memory_space<vmem>>
      %dma_wait3A_309 = arith.constant 0 : i32
      %dma_wait3A_310 = arith.constant 0 : i32
      %dma_wait3A_311 = tpu.memref_slice %arg11[%dma_wait3A_309, %dma_wait3A_310] : memref<10000x128xf32, #tpu.memory_space<vmem_shared>> -> memref<10000x128xf32, #tpu.memory_space<vmem_shared>>
      tpu.wait_indirect_dma semaphore(%run_scoped3A_299 : memref<!tpu.dma_semaphore, #tpu.memory_space<semaphore_mem>>) src(%arg10 : memref<80x128xf32, #tpu.memory_space<vmem>>) dst(%dma_wait3A_311 : memref<10000x128xf32, #tpu.memory_space<vmem_shared>>)
      tpu.yield
    }) : () -> ()
    %mul3A_165 = arith.constant 20000 : i32
    %mul3A_166 = arith.muli %arg1, %mul3A_165 : i32
    %add3A_167 = arith.constant 12800 : i32
    %add3A_168 = arith.addi %mul3A_166, %add3A_167 : i32
    %multiple_of3A_169 = tpu.assume_multiple %add3A_168, 8 : i32
    "tpu.region"() ({
      %run_scoped3A_299 = tpu.sem_alloc : memref<!tpu.dma_semaphore, #tpu.memory_space<semaphore_mem>>
      %dma_start3A_300 = arith.constant 0 : i32
      %dma_start3A_301 = tpu.memref_slice %arg7[%dma_start3A_300] : memref<3200xi32, #tpu.memory_space<vmem>> -> memref<3200xi32, #tpu.memory_space<vmem>>
      %dma_start3A_302 = tpu.memref_slice %arg3[%multiple_of3A_169] : memref<320000xi32, #tpu.memory_space<hbm>> -> memref<3200xi32, #tpu.memory_space<hbm>>
      %dma_start3A_303 = arith.constant 0 : i32
      %dma_start3A_304 = tpu.memref_slice %arg7[%dma_start3A_303] : memref<3200xi32, #tpu.memory_space<vmem>> -> memref<3200xi32, #tpu.memory_space<vmem>>
      %dma_start3A_305 = tpu.memref_slice %arg3[%multiple_of3A_169] : memref<320000xi32, #tpu.memory_space<hbm>> -> memref<3200xi32, #tpu.memory_space<hbm>>
      tpu.enqueue_dma source(%dma_start3A_305 : memref<3200xi32, #tpu.memory_space<hbm>>) target(%dma_start3A_304 : memref<3200xi32, #tpu.memory_space<vmem>>) target_semaphore(%run_scoped3A_299 : memref<!tpu.dma_semaphore, #tpu.memory_space<semaphore_mem>>)
      %dma_wait3A_306 = arith.constant 0 : i32
      %dma_wait3A_307 = tpu.memref_slice %arg7[%dma_wait3A_306] : memref<3200xi32, #tpu.memory_space<vmem>> -> memref<3200xi32, #tpu.memory_space<vmem>>
      %dma_wait3A_308 = tpu.memref_slice %arg3[%multiple_of3A_169] : memref<320000xi32, #tpu.memory_space<hbm>> -> memref<3200xi32, #tpu.memory_space<hbm>>
      %dma_wait3A_309 = arith.constant 0 : i32
      %dma_wait3A_310 = tpu.memref_slice %arg7[%dma_wait3A_309] : memref<3200xi32, #tpu.memory_space<vmem>> -> memref<3200xi32, #tpu.memory_space<vmem>>
      %dma_wait3A_311 = tpu.memref_slice %arg3[%multiple_of3A_169] : memref<320000xi32, #tpu.memory_space<hbm>> -> memref<3200xi32, #tpu.memory_space<hbm>>
      tpu.wait_dma2 semaphore(%run_scoped3A_299 : memref<!tpu.dma_semaphore, #tpu.memory_space<semaphore_mem>>) src(%dma_wait3A_311 : memref<3200xi32, #tpu.memory_space<hbm>>) dst(%dma_wait3A_310 : memref<3200xi32, #tpu.memory_space<vmem>>)
      tpu.yield
    }) : () -> ()
    "tpu.region"() ({
      %run_scoped3A_299 = tpu.sem_alloc : memref<!tpu.dma_semaphore, #tpu.memory_space<semaphore_mem>>
      %dma_start3A_300 = arith.constant 0 : i32
      %dma_start3A_301 = arith.constant 0 : i32
      %dma_start3A_302 = tpu.memref_slice %arg8[%dma_start3A_300, %dma_start3A_301] : memref<40x80xi32, #tpu.memory_space<vmem>> -> memref<40x80xi32, #tpu.memory_space<vmem>>
      %dma_start3A_303 = arith.constant 160 : i32
      %dma_start3A_304 = arith.constant 0 : i32
      %dma_start3A_305 = tpu.memref_slice %arg4[%arg1, %dma_start3A_303, %dma_start3A_304] : memref<16x250x80xi32, #tpu.memory_space<hbm>> -> memref<1x40x80xi32, #tpu.memory_space<hbm>>
      %dma_start3A_306 = tpu.memref_squeeze %dma_start3A_305 : memref<1x40x80xi32, #tpu.memory_space<hbm>> -> memref<40x80xi32, #tpu.memory_space<hbm>>
      %dma_start3A_307 = arith.constant 0 : i32
      %dma_start3A_308 = arith.constant 0 : i32
      %dma_start3A_309 = tpu.memref_slice %arg8[%dma_start3A_307, %dma_start3A_308] : memref<40x80xi32, #tpu.memory_space<vmem>> -> memref<40x80xi32, #tpu.memory_space<vmem>>
      %dma_start3A_310 = arith.constant 160 : i32
      %dma_start3A_311 = arith.constant 0 : i32
      %dma_start3A_312 = tpu.memref_slice %arg4[%arg1, %dma_start3A_310, %dma_start3A_311] : memref<16x250x80xi32, #tpu.memory_space<hbm>> -> memref<1x40x80xi32, #tpu.memory_space<hbm>>
      %dma_start3A_313 = tpu.memref_squeeze %dma_start3A_312 : memref<1x40x80xi32, #tpu.memory_space<hbm>> -> memref<40x80xi32, #tpu.memory_space<hbm>>
      tpu.enqueue_dma source(%dma_start3A_313 : memref<40x80xi32, #tpu.memory_space<hbm>>) target(%dma_start3A_309 : memref<40x80xi32, #tpu.memory_space<vmem>>) target_semaphore(%run_scoped3A_299 : memref<!tpu.dma_semaphore, #tpu.memory_space<semaphore_mem>>)
      %dma_wait3A_314 = arith.constant 0 : i32
      %dma_wait3A_315 = arith.constant 0 : i32
      %dma_wait3A_316 = tpu.memref_slice %arg8[%dma_wait3A_314, %dma_wait3A_315] : memref<40x80xi32, #tpu.memory_space<vmem>> -> memref<40x80xi32, #tpu.memory_space<vmem>>
      %dma_wait3A_317 = arith.constant 160 : i32
      %dma_wait3A_318 = arith.constant 0 : i32
      %dma_wait3A_319 = tpu.memref_slice %arg4[%arg1, %dma_wait3A_317, %dma_wait3A_318] : memref<16x250x80xi32, #tpu.memory_space<hbm>> -> memref<1x40x80xi32, #tpu.memory_space<hbm>>
      %dma_wait3A_320 = tpu.memref_squeeze %dma_wait3A_319 : memref<1x40x80xi32, #tpu.memory_space<hbm>> -> memref<40x80xi32, #tpu.memory_space<hbm>>
      %dma_wait3A_321 = arith.constant 0 : i32
      %dma_wait3A_322 = arith.constant 0 : i32
      %dma_wait3A_323 = tpu.memref_slice %arg8[%dma_wait3A_321, %dma_wait3A_322] : memref<40x80xi32, #tpu.memory_space<vmem>> -> memref<40x80xi32, #tpu.memory_space<vmem>>
      %dma_wait3A_324 = arith.constant 160 : i32
      %dma_wait3A_325 = arith.constant 0 : i32
      %dma_wait3A_326 = tpu.memref_slice %arg4[%arg1, %dma_wait3A_324, %dma_wait3A_325] : memref<16x250x80xi32, #tpu.memory_space<hbm>> -> memref<1x40x80xi32, #tpu.memory_space<hbm>>
      %dma_wait3A_327 = tpu.memref_squeeze %dma_wait3A_326 : memref<1x40x80xi32, #tpu.memory_space<hbm>> -> memref<40x80xi32, #tpu.memory_space<hbm>>
      tpu.wait_dma2 semaphore(%run_scoped3A_299 : memref<!tpu.dma_semaphore, #tpu.memory_space<semaphore_mem>>) src(%dma_wait3A_327 : memref<40x80xi32, #tpu.memory_space<hbm>>) dst(%dma_wait3A_323 : memref<40x80xi32, #tpu.memory_space<vmem>>)
      tpu.yield
    }) : () -> ()
    %scan3A_170 = arith.constant 0 : i32
    %scan3A_171 = arith.constant 0 : i32
    %scan3A_172 = arith.constant 200 : i32
    %scan3A_173 = arith.addi %scan3A_171, %scan3A_172 : i32
    %scan3A_174 = arith.constant 1 : i32
    scf.for %scan3A_299 = %scan3A_171 to %scan3A_173 step %scan3A_174  : i32 {
      %mul3A_300 = arith.constant 16 : i32
      %mul3A_301 = arith.muli %scan3A_299, %mul3A_300 : i32
      %get3A = arith.index_cast %mul3A_301 : i32 to index
      %get3A_302 = tpu.vector_load %arg7[%get3A] {strides = array<i32>} : memref<3200xi32, #tpu.memory_space<vmem>>, vector<16xi32>,
      %get3A_303 = vector.shape_cast %get3A_302 : vector<16xi32> to vector<16xi32>
      %add3A_304 = vector.broadcast %mul3A_0 : i32 to vector<16xi32>
      %add3A_305 = arith.addi %get3A_303, %add3A_304 : vector<16xi32>
      %mul3A_306 = arith.constant 16 : i32
      %mul3A_307 = arith.muli %scan3A_299, %mul3A_306 : i32
      %swap3A = arith.index_cast %mul3A_307 : i32 to index
      %swap3A_308 = tpu.vector_load %arg7[%swap3A] {strides = array<i32>} : memref<3200xi32, #tpu.memory_space<vmem>>, vector<16xi32>,
      %swap3A_309 = vector.shape_cast %swap3A_308 : vector<16xi32> to vector<16xi32>
      %swap3A_310 = vector.shape_cast %add3A_305 : vector<16xi32> to vector<16xi32>
      tpu.vector_store %arg7[%swap3A], %swap3A_310 {strides = array<i32>} : memref<3200xi32, #tpu.memory_space<vmem>>, vector<16xi32>,
    }
    %scan3A_175 = arith.constant 200 : i32
    %multiple_of3A_176 = arith.constant 0 : i32
    %multiple_of3A_177 = tpu.assume_multiple %multiple_of3A_176, 8 : i32
    %dma_start3A_178 = tpu.memref_slice %arg7[%multiple_of3A_177] : memref<3200xi32, #tpu.memory_space<vmem>> -> memref<80xi32, #tpu.memory_space<vmem>>
    %dma_start3A_179 = arith.constant 0 : i32
    %dma_start3A_180 = arith.constant 0 : i32
    %dma_start3A_181 = tpu.memref_slice %arg2[%dma_start3A_179, %dma_start3A_180] : memref<20000x128xf32, #tpu.memory_space<hbm>> -> memref<20000x128xf32, #tpu.memory_space<hbm>>
    tpu.enqueue_indirect_dma source(%dma_start3A_181 : memref<20000x128xf32, #tpu.memory_space<hbm>>) target(%arg9 : memref<80x128xf32, #tpu.memory_space<vmem>>) offsets(%dma_start3A_178 : memref<80xi32, #tpu.memory_space<vmem>>) semaphore(%arg12 : memref<!tpu.dma_semaphore, #tpu.memory_space<semaphore_mem>>)
    %scan3A_182 = arith.constant 0 : i32
    %scan3A_183 = arith.constant 0 : i32
    %scan3A_184 = arith.constant 19 : i32
    %scan3A_185 = arith.addi %scan3A_183, %scan3A_184 : i32
    %scan3A_186 = arith.constant 1 : i32
    scf.for %scan3A_299 = %scan3A_183 to %scan3A_185 step %scan3A_186  : i32 {
      %mul3A_300 = arith.constant 2 : i32
      %mul3A_301 = arith.muli %mul3A_300, %scan3A_299 : i32
      %add3A_302 = arith.constant 1 : i32
      %add3A_303 = arith.addi %mul3A_301, %add3A_302 : i32
      %mul3A_304 = arith.constant 80 : i32
      %mul3A_305 = arith.muli %add3A_303, %mul3A_304 : i32
      %multiple_of3A_306 = tpu.assume_multiple %mul3A_305, 8 : i32
      %dma_start3A_307 = tpu.memref_slice %arg7[%multiple_of3A_306] : memref<3200xi32, #tpu.memory_space<vmem>> -> memref<80xi32, #tpu.memory_space<vmem>>
      %dma_start3A_308 = arith.constant 0 : i32
      %dma_start3A_309 = arith.constant 0 : i32
      %dma_start3A_310 = tpu.memref_slice %arg2[%dma_start3A_308, %dma_start3A_309] : memref<20000x128xf32, #tpu.memory_space<hbm>> -> memref<20000x128xf32, #tpu.memory_space<hbm>>
      tpu.enqueue_indirect_dma source(%dma_start3A_310 : memref<20000x128xf32, #tpu.memory_space<hbm>>) target(%arg10 : memref<80x128xf32, #tpu.memory_space<vmem>>) offsets(%dma_start3A_307 : memref<80xi32, #tpu.memory_space<vmem>>) semaphore(%arg13 : memref<!tpu.dma_semaphore, #tpu.memory_space<semaphore_mem>>)
      %dma_wait3A_311 = arith.constant 0 : i32
      %dma_wait3A_312 = tpu.memref_slice %arg7[%dma_wait3A_311] : memref<3200xi32, #tpu.memory_space<vmem>> -> memref<80xi32, #tpu.memory_space<vmem>>
      %dma_wait3A_313 = arith.constant 0 : i32
      %dma_wait3A_314 = arith.constant 0 : i32
      %dma_wait3A_315 = tpu.memref_slice %arg2[%dma_wait3A_313, %dma_wait3A_314] : memref<20000x128xf32, #tpu.memory_space<hbm>> -> memref<20000x128xf32, #tpu.memory_space<hbm>>
      tpu.wait_indirect_dma semaphore(%arg12 : memref<!tpu.dma_semaphore, #tpu.memory_space<semaphore_mem>>) src(%dma_wait3A_315 : memref<20000x128xf32, #tpu.memory_space<hbm>>) dst(%arg9 : memref<80x128xf32, #tpu.memory_space<vmem>>)
      %mul3A_316 = arith.constant 2 : i32
      %mul3A_317 = arith.muli %mul3A_316, %scan3A_299 : i32
      "tpu.region"() ({
        %run_scoped3A_338 = tpu.sem_alloc : memref<!tpu.dma_semaphore, #tpu.memory_space<semaphore_mem>>
        %dma_start3A_339 = arith.constant 0 : i32
        %dma_start3A_340 = tpu.memref_slice %arg8[%mul3A_317, %dma_start3A_339] : memref<40x80xi32, #tpu.memory_space<vmem>> -> memref<1x80xi32, #tpu.memory_space<vmem>>
        %dma_start3A_341 = tpu.memref_squeeze %dma_start3A_340 : memref<1x80xi32, #tpu.memory_space<vmem>> -> memref<80xi32, #tpu.memory_space<vmem>>
        %dma_start3A_342 = arith.constant 0 : i32
        %dma_start3A_343 = arith.constant 0 : i32
        %dma_start3A_344 = tpu.memref_slice %arg11[%dma_start3A_342, %dma_start3A_343] : memref<10000x128xf32, #tpu.memory_space<vmem_shared>> -> memref<10000x128xf32, #tpu.memory_space<vmem_shared>>
        tpu.enqueue_indirect_dma source(%arg9 : memref<80x128xf32, #tpu.memory_space<vmem>>) target(%dma_start3A_344 : memref<10000x128xf32, #tpu.memory_space<vmem_shared>>) offsets(%dma_start3A_341 : memref<80xi32, #tpu.memory_space<vmem>>) semaphore(%run_scoped3A_338 : memref<!tpu.dma_semaphore, #tpu.memory_space<semaphore_mem>>) {add = true}
        %dma_wait3A_345 = arith.constant 0 : i32
        %dma_wait3A_346 = tpu.memref_slice %arg8[%mul3A_317, %dma_wait3A_345] : memref<40x80xi32, #tpu.memory_space<vmem>> -> memref<1x80xi32, #tpu.memory_space<vmem>>
        %dma_wait3A_347 = tpu.memref_squeeze %dma_wait3A_346 : memref<1x80xi32, #tpu.memory_space<vmem>> -> memref<80xi32, #tpu.memory_space<vmem>>
        %dma_wait3A_348 = arith.constant 0 : i32
        %dma_wait3A_349 = arith.constant 0 : i32
        %dma_wait3A_350 = tpu.memref_slice %arg11[%dma_wait3A_348, %dma_wait3A_349] : memref<10000x128xf32, #tpu.memory_space<vmem_shared>> -> memref<10000x128xf32, #tpu.memory_space<vmem_shared>>
        tpu.wait_indirect_dma semaphore(%run_scoped3A_338 : memref<!tpu.dma_semaphore, #tpu.memory_space<semaphore_mem>>) src(%arg9 : memref<80x128xf32, #tpu.memory_space<vmem>>) dst(%dma_wait3A_350 : memref<10000x128xf32, #tpu.memory_space<vmem_shared>>)
        tpu.yield
      }) : () -> ()
      %mul3A_318 = arith.constant 2 : i32
      %mul3A_319 = arith.muli %mul3A_318, %scan3A_299 : i32
      %add3A_320 = arith.constant 2 : i32
      %add3A_321 = arith.addi %mul3A_319, %add3A_320 : i32
      %mul3A_322 = arith.constant 80 : i32
      %mul3A_323 = arith.muli %add3A_321, %mul3A_322 : i32
      %multiple_of3A_324 = tpu.assume_multiple %mul3A_323, 8 : i32
      %dma_start3A_325 = tpu.memref_slice %arg7[%multiple_of3A_324] : memref<3200xi32, #tpu.memory_space<vmem>> -> memref<80xi32, #tpu.memory_space<vmem>>
      %dma_start3A_326 = arith.constant 0 : i32
      %dma_start3A_327 = arith.constant 0 : i32
      %dma_start3A_328 = tpu.memref_slice %arg2[%dma_start3A_326, %dma_start3A_327] : memref<20000x128xf32, #tpu.memory_space<hbm>> -> memref<20000x128xf32, #tpu.memory_space<hbm>>
      tpu.enqueue_indirect_dma source(%dma_start3A_328 : memref<20000x128xf32, #tpu.memory_space<hbm>>) target(%arg9 : memref<80x128xf32, #tpu.memory_space<vmem>>) offsets(%dma_start3A_325 : memref<80xi32, #tpu.memory_space<vmem>>) semaphore(%arg12 : memref<!tpu.dma_semaphore, #tpu.memory_space<semaphore_mem>>)
      %dma_wait3A_329 = arith.constant 0 : i32
      %dma_wait3A_330 = tpu.memref_slice %arg7[%dma_wait3A_329] : memref<3200xi32, #tpu.memory_space<vmem>> -> memref<80xi32, #tpu.memory_space<vmem>>
      %dma_wait3A_331 = arith.constant 0 : i32
      %dma_wait3A_332 = arith.constant 0 : i32
      %dma_wait3A_333 = tpu.memref_slice %arg2[%dma_wait3A_331, %dma_wait3A_332] : memref<20000x128xf32, #tpu.memory_space<hbm>> -> memref<20000x128xf32, #tpu.memory_space<hbm>>
      tpu.wait_indirect_dma semaphore(%arg13 : memref<!tpu.dma_semaphore, #tpu.memory_space<semaphore_mem>>) src(%dma_wait3A_333 : memref<20000x128xf32, #tpu.memory_space<hbm>>) dst(%arg10 : memref<80x128xf32, #tpu.memory_space<vmem>>)
      %mul3A_334 = arith.constant 2 : i32
      %mul3A_335 = arith.muli %mul3A_334, %scan3A_299 : i32
      %add3A_336 = arith.constant 1 : i32
      %add3A_337 = arith.addi %mul3A_335, %add3A_336 : i32
      "tpu.region"() ({
        %run_scoped3A_338 = tpu.sem_alloc : memref<!tpu.dma_semaphore, #tpu.memory_space<semaphore_mem>>
        %dma_start3A_339 = arith.constant 0 : i32
        %dma_start3A_340 = tpu.memref_slice %arg8[%add3A_337, %dma_start3A_339] : memref<40x80xi32, #tpu.memory_space<vmem>> -> memref<1x80xi32, #tpu.memory_space<vmem>>
        %dma_start3A_341 = tpu.memref_squeeze %dma_start3A_340 : memref<1x80xi32, #tpu.memory_space<vmem>> -> memref<80xi32, #tpu.memory_space<vmem>>
        %dma_start3A_342 = arith.constant 0 : i32
        %dma_start3A_343 = arith.constant 0 : i32
        %dma_start3A_344 = tpu.memref_slice %arg11[%dma_start3A_342, %dma_start3A_343] : memref<10000x128xf32, #tpu.memory_space<vmem_shared>> -> memref<10000x128xf32, #tpu.memory_space<vmem_shared>>
        tpu.enqueue_indirect_dma source(%arg10 : memref<80x128xf32, #tpu.memory_space<vmem>>) target(%dma_start3A_344 : memref<10000x128xf32, #tpu.memory_space<vmem_shared>>) offsets(%dma_start3A_341 : memref<80xi32, #tpu.memory_space<vmem>>) semaphore(%run_scoped3A_338 : memref<!tpu.dma_semaphore, #tpu.memory_space<semaphore_mem>>) {add = true}
        %dma_wait3A_345 = arith.constant 0 : i32
        %dma_wait3A_346 = tpu.memref_slice %arg8[%add3A_337, %dma_wait3A_345] : memref<40x80xi32, #tpu.memory_space<vmem>> -> memref<1x80xi32, #tpu.memory_space<vmem>>
        %dma_wait3A_347 = tpu.memref_squeeze %dma_wait3A_346 : memref<1x80xi32, #tpu.memory_space<vmem>> -> memref<80xi32, #tpu.memory_space<vmem>>
        %dma_wait3A_348 = arith.constant 0 : i32
        %dma_wait3A_349 = arith.constant 0 : i32
        %dma_wait3A_350 = tpu.memref_slice %arg11[%dma_wait3A_348, %dma_wait3A_349] : memref<10000x128xf32, #tpu.memory_space<vmem_shared>> -> memref<10000x128xf32, #tpu.memory_space<vmem_shared>>
        tpu.wait_indirect_dma semaphore(%run_scoped3A_338 : memref<!tpu.dma_semaphore, #tpu.memory_space<semaphore_mem>>) src(%arg10 : memref<80x128xf32, #tpu.memory_space<vmem>>) dst(%dma_wait3A_350 : memref<10000x128xf32, #tpu.memory_space<vmem_shared>>)
        tpu.yield
      }) : () -> ()
    }
    %scan3A_187 = arith.constant 19 : i32
    %multiple_of3A_188 = arith.constant 3120 : i32
    %multiple_of3A_189 = tpu.assume_multiple %multiple_of3A_188, 8 : i32
    %dma_start3A_190 = tpu.memref_slice %arg7[%multiple_of3A_189] : memref<3200xi32, #tpu.memory_space<vmem>> -> memref<80xi32, #tpu.memory_space<vmem>>
    %dma_start3A_191 = arith.constant 0 : i32
    %dma_start3A_192 = arith.constant 0 : i32
    %dma_start3A_193 = tpu.memref_slice %arg2[%dma_start3A_191, %dma_start3A_192] : memref<20000x128xf32, #tpu.memory_space<hbm>> -> memref<20000x128xf32, #tpu.memory_space<hbm>>
    tpu.enqueue_indirect_dma source(%dma_start3A_193 : memref<20000x128xf32, #tpu.memory_space<hbm>>) target(%arg10 : memref<80x128xf32, #tpu.memory_space<vmem>>) offsets(%dma_start3A_190 : memref<80xi32, #tpu.memory_space<vmem>>) semaphore(%arg13 : memref<!tpu.dma_semaphore, #tpu.memory_space<semaphore_mem>>)
    %dma_wait3A_194 = arith.constant 0 : i32
    %dma_wait3A_195 = tpu.memref_slice %arg7[%dma_wait3A_194] : memref<3200xi32, #tpu.memory_space<vmem>> -> memref<80xi32, #tpu.memory_space<vmem>>
    %dma_wait3A_196 = arith.constant 0 : i32
    %dma_wait3A_197 = arith.constant 0 : i32
    %dma_wait3A_198 = tpu.memref_slice %arg2[%dma_wait3A_196, %dma_wait3A_197] : memref<20000x128xf32, #tpu.memory_space<hbm>> -> memref<20000x128xf32, #tpu.memory_space<hbm>>
    tpu.wait_indirect_dma semaphore(%arg12 : memref<!tpu.dma_semaphore, #tpu.memory_space<semaphore_mem>>) src(%dma_wait3A_198 : memref<20000x128xf32, #tpu.memory_space<hbm>>) dst(%arg9 : memref<80x128xf32, #tpu.memory_space<vmem>>)
    %run_scoped3A_199 = arith.constant 38 : i32
    "tpu.region"() ({
      %run_scoped3A_299 = tpu.sem_alloc : memref<!tpu.dma_semaphore, #tpu.memory_space<semaphore_mem>>
      %dma_start3A_300 = arith.constant 0 : i32
      %dma_start3A_301 = tpu.memref_slice %arg8[%run_scoped3A_199, %dma_start3A_300] : memref<40x80xi32, #tpu.memory_space<vmem>> -> memref<1x80xi32, #tpu.memory_space<vmem>>
      %dma_start3A_302 = tpu.memref_squeeze %dma_start3A_301 : memref<1x80xi32, #tpu.memory_space<vmem>> -> memref<80xi32, #tpu.memory_space<vmem>>
      %dma_start3A_303 = arith.constant 0 : i32
      %dma_start3A_304 = arith.constant 0 : i32
      %dma_start3A_305 = tpu.memref_slice %arg11[%dma_start3A_303, %dma_start3A_304] : memref<10000x128xf32, #tpu.memory_space<vmem_shared>> -> memref<10000x128xf32, #tpu.memory_space<vmem_shared>>
      tpu.enqueue_indirect_dma source(%arg9 : memref<80x128xf32, #tpu.memory_space<vmem>>) target(%dma_start3A_305 : memref<10000x128xf32, #tpu.memory_space<vmem_shared>>) offsets(%dma_start3A_302 : memref<80xi32, #tpu.memory_space<vmem>>) semaphore(%run_scoped3A_299 : memref<!tpu.dma_semaphore, #tpu.memory_space<semaphore_mem>>) {add = true}
      %dma_wait3A_306 = arith.constant 0 : i32
      %dma_wait3A_307 = tpu.memref_slice %arg8[%run_scoped3A_199, %dma_wait3A_306] : memref<40x80xi32, #tpu.memory_space<vmem>> -> memref<1x80xi32, #tpu.memory_space<vmem>>
      %dma_wait3A_308 = tpu.memref_squeeze %dma_wait3A_307 : memref<1x80xi32, #tpu.memory_space<vmem>> -> memref<80xi32, #tpu.memory_space<vmem>>
      %dma_wait3A_309 = arith.constant 0 : i32
      %dma_wait3A_310 = arith.constant 0 : i32
      %dma_wait3A_311 = tpu.memref_slice %arg11[%dma_wait3A_309, %dma_wait3A_310] : memref<10000x128xf32, #tpu.memory_space<vmem_shared>> -> memref<10000x128xf32, #tpu.memory_space<vmem_shared>>
      tpu.wait_indirect_dma semaphore(%run_scoped3A_299 : memref<!tpu.dma_semaphore, #tpu.memory_space<semaphore_mem>>) src(%arg9 : memref<80x128xf32, #tpu.memory_space<vmem>>) dst(%dma_wait3A_311 : memref<10000x128xf32, #tpu.memory_space<vmem_shared>>)
      tpu.yield
    }) : () -> ()
    %dma_wait3A_200 = arith.constant 0 : i32
    %dma_wait3A_201 = tpu.memref_slice %arg7[%dma_wait3A_200] : memref<3200xi32, #tpu.memory_space<vmem>> -> memref<80xi32, #tpu.memory_space<vmem>>
    %dma_wait3A_202 = arith.constant 0 : i32
    %dma_wait3A_203 = arith.constant 0 : i32
    %dma_wait3A_204 = tpu.memref_slice %arg2[%dma_wait3A_202, %dma_wait3A_203] : memref<20000x128xf32, #tpu.memory_space<hbm>> -> memref<20000x128xf32, #tpu.memory_space<hbm>>
    tpu.wait_indirect_dma semaphore(%arg13 : memref<!tpu.dma_semaphore, #tpu.memory_space<semaphore_mem>>) src(%dma_wait3A_204 : memref<20000x128xf32, #tpu.memory_space<hbm>>) dst(%arg10 : memref<80x128xf32, #tpu.memory_space<vmem>>)
    %run_scoped3A_205 = arith.constant 39 : i32
    "tpu.region"() ({
      %run_scoped3A_299 = tpu.sem_alloc : memref<!tpu.dma_semaphore, #tpu.memory_space<semaphore_mem>>
      %dma_start3A_300 = arith.constant 0 : i32
      %dma_start3A_301 = tpu.memref_slice %arg8[%run_scoped3A_205, %dma_start3A_300] : memref<40x80xi32, #tpu.memory_space<vmem>> -> memref<1x80xi32, #tpu.memory_space<vmem>>
      %dma_start3A_302 = tpu.memref_squeeze %dma_start3A_301 : memref<1x80xi32, #tpu.memory_space<vmem>> -> memref<80xi32, #tpu.memory_space<vmem>>
      %dma_start3A_303 = arith.constant 0 : i32
      %dma_start3A_304 = arith.constant 0 : i32
      %dma_start3A_305 = tpu.memref_slice %arg11[%dma_start3A_303, %dma_start3A_304] : memref<10000x128xf32, #tpu.memory_space<vmem_shared>> -> memref<10000x128xf32, #tpu.memory_space<vmem_shared>>
      tpu.enqueue_indirect_dma source(%arg10 : memref<80x128xf32, #tpu.memory_space<vmem>>) target(%dma_start3A_305 : memref<10000x128xf32, #tpu.memory_space<vmem_shared>>) offsets(%dma_start3A_302 : memref<80xi32, #tpu.memory_space<vmem>>) semaphore(%run_scoped3A_299 : memref<!tpu.dma_semaphore, #tpu.memory_space<semaphore_mem>>) {add = true}
      %dma_wait3A_306 = arith.constant 0 : i32
      %dma_wait3A_307 = tpu.memref_slice %arg8[%run_scoped3A_205, %dma_wait3A_306] : memref<40x80xi32, #tpu.memory_space<vmem>> -> memref<1x80xi32, #tpu.memory_space<vmem>>
      %dma_wait3A_308 = tpu.memref_squeeze %dma_wait3A_307 : memref<1x80xi32, #tpu.memory_space<vmem>> -> memref<80xi32, #tpu.memory_space<vmem>>
      %dma_wait3A_309 = arith.constant 0 : i32
      %dma_wait3A_310 = arith.constant 0 : i32
      %dma_wait3A_311 = tpu.memref_slice %arg11[%dma_wait3A_309, %dma_wait3A_310] : memref<10000x128xf32, #tpu.memory_space<vmem_shared>> -> memref<10000x128xf32, #tpu.memory_space<vmem_shared>>
      tpu.wait_indirect_dma semaphore(%run_scoped3A_299 : memref<!tpu.dma_semaphore, #tpu.memory_space<semaphore_mem>>) src(%arg10 : memref<80x128xf32, #tpu.memory_space<vmem>>) dst(%dma_wait3A_311 : memref<10000x128xf32, #tpu.memory_space<vmem_shared>>)
      tpu.yield
    }) : () -> ()
    %mul3A_206 = arith.constant 20000 : i32
    %mul3A_207 = arith.muli %arg1, %mul3A_206 : i32
    %add3A_208 = arith.constant 16000 : i32
    %add3A_209 = arith.addi %mul3A_207, %add3A_208 : i32
    %multiple_of3A_210 = tpu.assume_multiple %add3A_209, 8 : i32
    "tpu.region"() ({
      %run_scoped3A_299 = tpu.sem_alloc : memref<!tpu.dma_semaphore, #tpu.memory_space<semaphore_mem>>
      %dma_start3A_300 = arith.constant 0 : i32
      %dma_start3A_301 = tpu.memref_slice %arg7[%dma_start3A_300] : memref<3200xi32, #tpu.memory_space<vmem>> -> memref<3200xi32, #tpu.memory_space<vmem>>
      %dma_start3A_302 = tpu.memref_slice %arg3[%multiple_of3A_210] : memref<320000xi32, #tpu.memory_space<hbm>> -> memref<3200xi32, #tpu.memory_space<hbm>>
      %dma_start3A_303 = arith.constant 0 : i32
      %dma_start3A_304 = tpu.memref_slice %arg7[%dma_start3A_303] : memref<3200xi32, #tpu.memory_space<vmem>> -> memref<3200xi32, #tpu.memory_space<vmem>>
      %dma_start3A_305 = tpu.memref_slice %arg3[%multiple_of3A_210] : memref<320000xi32, #tpu.memory_space<hbm>> -> memref<3200xi32, #tpu.memory_space<hbm>>
      tpu.enqueue_dma source(%dma_start3A_305 : memref<3200xi32, #tpu.memory_space<hbm>>) target(%dma_start3A_304 : memref<3200xi32, #tpu.memory_space<vmem>>) target_semaphore(%run_scoped3A_299 : memref<!tpu.dma_semaphore, #tpu.memory_space<semaphore_mem>>)
      %dma_wait3A_306 = arith.constant 0 : i32
      %dma_wait3A_307 = tpu.memref_slice %arg7[%dma_wait3A_306] : memref<3200xi32, #tpu.memory_space<vmem>> -> memref<3200xi32, #tpu.memory_space<vmem>>
      %dma_wait3A_308 = tpu.memref_slice %arg3[%multiple_of3A_210] : memref<320000xi32, #tpu.memory_space<hbm>> -> memref<3200xi32, #tpu.memory_space<hbm>>
      %dma_wait3A_309 = arith.constant 0 : i32
      %dma_wait3A_310 = tpu.memref_slice %arg7[%dma_wait3A_309] : memref<3200xi32, #tpu.memory_space<vmem>> -> memref<3200xi32, #tpu.memory_space<vmem>>
      %dma_wait3A_311 = tpu.memref_slice %arg3[%multiple_of3A_210] : memref<320000xi32, #tpu.memory_space<hbm>> -> memref<3200xi32, #tpu.memory_space<hbm>>
      tpu.wait_dma2 semaphore(%run_scoped3A_299 : memref<!tpu.dma_semaphore, #tpu.memory_space<semaphore_mem>>) src(%dma_wait3A_311 : memref<3200xi32, #tpu.memory_space<hbm>>) dst(%dma_wait3A_310 : memref<3200xi32, #tpu.memory_space<vmem>>)
      tpu.yield
    }) : () -> ()
    "tpu.region"() ({
      %run_scoped3A_299 = tpu.sem_alloc : memref<!tpu.dma_semaphore, #tpu.memory_space<semaphore_mem>>
      %dma_start3A_300 = arith.constant 0 : i32
      %dma_start3A_301 = arith.constant 0 : i32
      %dma_start3A_302 = tpu.memref_slice %arg8[%dma_start3A_300, %dma_start3A_301] : memref<40x80xi32, #tpu.memory_space<vmem>> -> memref<40x80xi32, #tpu.memory_space<vmem>>
      %dma_start3A_303 = arith.constant 200 : i32
      %dma_start3A_304 = arith.constant 0 : i32
      %dma_start3A_305 = tpu.memref_slice %arg4[%arg1, %dma_start3A_303, %dma_start3A_304] : memref<16x250x80xi32, #tpu.memory_space<hbm>> -> memref<1x40x80xi32, #tpu.memory_space<hbm>>
      %dma_start3A_306 = tpu.memref_squeeze %dma_start3A_305 : memref<1x40x80xi32, #tpu.memory_space<hbm>> -> memref<40x80xi32, #tpu.memory_space<hbm>>
      %dma_start3A_307 = arith.constant 0 : i32
      %dma_start3A_308 = arith.constant 0 : i32
      %dma_start3A_309 = tpu.memref_slice %arg8[%dma_start3A_307, %dma_start3A_308] : memref<40x80xi32, #tpu.memory_space<vmem>> -> memref<40x80xi32, #tpu.memory_space<vmem>>
      %dma_start3A_310 = arith.constant 200 : i32
      %dma_start3A_311 = arith.constant 0 : i32
      %dma_start3A_312 = tpu.memref_slice %arg4[%arg1, %dma_start3A_310, %dma_start3A_311] : memref<16x250x80xi32, #tpu.memory_space<hbm>> -> memref<1x40x80xi32, #tpu.memory_space<hbm>>
      %dma_start3A_313 = tpu.memref_squeeze %dma_start3A_312 : memref<1x40x80xi32, #tpu.memory_space<hbm>> -> memref<40x80xi32, #tpu.memory_space<hbm>>
      tpu.enqueue_dma source(%dma_start3A_313 : memref<40x80xi32, #tpu.memory_space<hbm>>) target(%dma_start3A_309 : memref<40x80xi32, #tpu.memory_space<vmem>>) target_semaphore(%run_scoped3A_299 : memref<!tpu.dma_semaphore, #tpu.memory_space<semaphore_mem>>)
      %dma_wait3A_314 = arith.constant 0 : i32
      %dma_wait3A_315 = arith.constant 0 : i32
      %dma_wait3A_316 = tpu.memref_slice %arg8[%dma_wait3A_314, %dma_wait3A_315] : memref<40x80xi32, #tpu.memory_space<vmem>> -> memref<40x80xi32, #tpu.memory_space<vmem>>
      %dma_wait3A_317 = arith.constant 200 : i32
      %dma_wait3A_318 = arith.constant 0 : i32
      %dma_wait3A_319 = tpu.memref_slice %arg4[%arg1, %dma_wait3A_317, %dma_wait3A_318] : memref<16x250x80xi32, #tpu.memory_space<hbm>> -> memref<1x40x80xi32, #tpu.memory_space<hbm>>
      %dma_wait3A_320 = tpu.memref_squeeze %dma_wait3A_319 : memref<1x40x80xi32, #tpu.memory_space<hbm>> -> memref<40x80xi32, #tpu.memory_space<hbm>>
      %dma_wait3A_321 = arith.constant 0 : i32
      %dma_wait3A_322 = arith.constant 0 : i32
      %dma_wait3A_323 = tpu.memref_slice %arg8[%dma_wait3A_321, %dma_wait3A_322] : memref<40x80xi32, #tpu.memory_space<vmem>> -> memref<40x80xi32, #tpu.memory_space<vmem>>
      %dma_wait3A_324 = arith.constant 200 : i32
      %dma_wait3A_325 = arith.constant 0 : i32
      %dma_wait3A_326 = tpu.memref_slice %arg4[%arg1, %dma_wait3A_324, %dma_wait3A_325] : memref<16x250x80xi32, #tpu.memory_space<hbm>> -> memref<1x40x80xi32, #tpu.memory_space<hbm>>
      %dma_wait3A_327 = tpu.memref_squeeze %dma_wait3A_326 : memref<1x40x80xi32, #tpu.memory_space<hbm>> -> memref<40x80xi32, #tpu.memory_space<hbm>>
      tpu.wait_dma2 semaphore(%run_scoped3A_299 : memref<!tpu.dma_semaphore, #tpu.memory_space<semaphore_mem>>) src(%dma_wait3A_327 : memref<40x80xi32, #tpu.memory_space<hbm>>) dst(%dma_wait3A_323 : memref<40x80xi32, #tpu.memory_space<vmem>>)
      tpu.yield
    }) : () -> ()
    %scan3A_211 = arith.constant 0 : i32
    %scan3A_212 = arith.constant 0 : i32
    %scan3A_213 = arith.constant 200 : i32
    %scan3A_214 = arith.addi %scan3A_212, %scan3A_213 : i32
    %scan3A_215 = arith.constant 1 : i32
    scf.for %scan3A_299 = %scan3A_212 to %scan3A_214 step %scan3A_215  : i32 {
      %mul3A_300 = arith.constant 16 : i32
      %mul3A_301 = arith.muli %scan3A_299, %mul3A_300 : i32
      %get3A = arith.index_cast %mul3A_301 : i32 to index
      %get3A_302 = tpu.vector_load %arg7[%get3A] {strides = array<i32>} : memref<3200xi32, #tpu.memory_space<vmem>>, vector<16xi32>,
      %get3A_303 = vector.shape_cast %get3A_302 : vector<16xi32> to vector<16xi32>
      %add3A_304 = vector.broadcast %mul3A_0 : i32 to vector<16xi32>
      %add3A_305 = arith.addi %get3A_303, %add3A_304 : vector<16xi32>
      %mul3A_306 = arith.constant 16 : i32
      %mul3A_307 = arith.muli %scan3A_299, %mul3A_306 : i32
      %swap3A = arith.index_cast %mul3A_307 : i32 to index
      %swap3A_308 = tpu.vector_load %arg7[%swap3A] {strides = array<i32>} : memref<3200xi32, #tpu.memory_space<vmem>>, vector<16xi32>,
      %swap3A_309 = vector.shape_cast %swap3A_308 : vector<16xi32> to vector<16xi32>
      %swap3A_310 = vector.shape_cast %add3A_305 : vector<16xi32> to vector<16xi32>
      tpu.vector_store %arg7[%swap3A], %swap3A_310 {strides = array<i32>} : memref<3200xi32, #tpu.memory_space<vmem>>, vector<16xi32>,
    }
    %scan3A_216 = arith.constant 200 : i32
    %multiple_of3A_217 = arith.constant 0 : i32
    %multiple_of3A_218 = tpu.assume_multiple %multiple_of3A_217, 8 : i32
    %dma_start3A_219 = tpu.memref_slice %arg7[%multiple_of3A_218] : memref<3200xi32, #tpu.memory_space<vmem>> -> memref<80xi32, #tpu.memory_space<vmem>>
    %dma_start3A_220 = arith.constant 0 : i32
    %dma_start3A_221 = arith.constant 0 : i32
    %dma_start3A_222 = tpu.memref_slice %arg2[%dma_start3A_220, %dma_start3A_221] : memref<20000x128xf32, #tpu.memory_space<hbm>> -> memref<20000x128xf32, #tpu.memory_space<hbm>>
    tpu.enqueue_indirect_dma source(%dma_start3A_222 : memref<20000x128xf32, #tpu.memory_space<hbm>>) target(%arg9 : memref<80x128xf32, #tpu.memory_space<vmem>>) offsets(%dma_start3A_219 : memref<80xi32, #tpu.memory_space<vmem>>) semaphore(%arg12 : memref<!tpu.dma_semaphore, #tpu.memory_space<semaphore_mem>>)
    %scan3A_223 = arith.constant 0 : i32
    %scan3A_224 = arith.constant 0 : i32
    %scan3A_225 = arith.constant 19 : i32
    %scan3A_226 = arith.addi %scan3A_224, %scan3A_225 : i32
    %scan3A_227 = arith.constant 1 : i32
    scf.for %scan3A_299 = %scan3A_224 to %scan3A_226 step %scan3A_227  : i32 {
      %mul3A_300 = arith.constant 2 : i32
      %mul3A_301 = arith.muli %mul3A_300, %scan3A_299 : i32
      %add3A_302 = arith.constant 1 : i32
      %add3A_303 = arith.addi %mul3A_301, %add3A_302 : i32
      %mul3A_304 = arith.constant 80 : i32
      %mul3A_305 = arith.muli %add3A_303, %mul3A_304 : i32
      %multiple_of3A_306 = tpu.assume_multiple %mul3A_305, 8 : i32
      %dma_start3A_307 = tpu.memref_slice %arg7[%multiple_of3A_306] : memref<3200xi32, #tpu.memory_space<vmem>> -> memref<80xi32, #tpu.memory_space<vmem>>
      %dma_start3A_308 = arith.constant 0 : i32
      %dma_start3A_309 = arith.constant 0 : i32
      %dma_start3A_310 = tpu.memref_slice %arg2[%dma_start3A_308, %dma_start3A_309] : memref<20000x128xf32, #tpu.memory_space<hbm>> -> memref<20000x128xf32, #tpu.memory_space<hbm>>
      tpu.enqueue_indirect_dma source(%dma_start3A_310 : memref<20000x128xf32, #tpu.memory_space<hbm>>) target(%arg10 : memref<80x128xf32, #tpu.memory_space<vmem>>) offsets(%dma_start3A_307 : memref<80xi32, #tpu.memory_space<vmem>>) semaphore(%arg13 : memref<!tpu.dma_semaphore, #tpu.memory_space<semaphore_mem>>)
      %dma_wait3A_311 = arith.constant 0 : i32
      %dma_wait3A_312 = tpu.memref_slice %arg7[%dma_wait3A_311] : memref<3200xi32, #tpu.memory_space<vmem>> -> memref<80xi32, #tpu.memory_space<vmem>>
      %dma_wait3A_313 = arith.constant 0 : i32
      %dma_wait3A_314 = arith.constant 0 : i32
      %dma_wait3A_315 = tpu.memref_slice %arg2[%dma_wait3A_313, %dma_wait3A_314] : memref<20000x128xf32, #tpu.memory_space<hbm>> -> memref<20000x128xf32, #tpu.memory_space<hbm>>
      tpu.wait_indirect_dma semaphore(%arg12 : memref<!tpu.dma_semaphore, #tpu.memory_space<semaphore_mem>>) src(%dma_wait3A_315 : memref<20000x128xf32, #tpu.memory_space<hbm>>) dst(%arg9 : memref<80x128xf32, #tpu.memory_space<vmem>>)
      %mul3A_316 = arith.constant 2 : i32
      %mul3A_317 = arith.muli %mul3A_316, %scan3A_299 : i32
      "tpu.region"() ({
        %run_scoped3A_338 = tpu.sem_alloc : memref<!tpu.dma_semaphore, #tpu.memory_space<semaphore_mem>>
        %dma_start3A_339 = arith.constant 0 : i32
        %dma_start3A_340 = tpu.memref_slice %arg8[%mul3A_317, %dma_start3A_339] : memref<40x80xi32, #tpu.memory_space<vmem>> -> memref<1x80xi32, #tpu.memory_space<vmem>>
        %dma_start3A_341 = tpu.memref_squeeze %dma_start3A_340 : memref<1x80xi32, #tpu.memory_space<vmem>> -> memref<80xi32, #tpu.memory_space<vmem>>
        %dma_start3A_342 = arith.constant 0 : i32
        %dma_start3A_343 = arith.constant 0 : i32
        %dma_start3A_344 = tpu.memref_slice %arg11[%dma_start3A_342, %dma_start3A_343] : memref<10000x128xf32, #tpu.memory_space<vmem_shared>> -> memref<10000x128xf32, #tpu.memory_space<vmem_shared>>
        tpu.enqueue_indirect_dma source(%arg9 : memref<80x128xf32, #tpu.memory_space<vmem>>) target(%dma_start3A_344 : memref<10000x128xf32, #tpu.memory_space<vmem_shared>>) offsets(%dma_start3A_341 : memref<80xi32, #tpu.memory_space<vmem>>) semaphore(%run_scoped3A_338 : memref<!tpu.dma_semaphore, #tpu.memory_space<semaphore_mem>>) {add = true}
        %dma_wait3A_345 = arith.constant 0 : i32
        %dma_wait3A_346 = tpu.memref_slice %arg8[%mul3A_317, %dma_wait3A_345] : memref<40x80xi32, #tpu.memory_space<vmem>> -> memref<1x80xi32, #tpu.memory_space<vmem>>
        %dma_wait3A_347 = tpu.memref_squeeze %dma_wait3A_346 : memref<1x80xi32, #tpu.memory_space<vmem>> -> memref<80xi32, #tpu.memory_space<vmem>>
        %dma_wait3A_348 = arith.constant 0 : i32
        %dma_wait3A_349 = arith.constant 0 : i32
        %dma_wait3A_350 = tpu.memref_slice %arg11[%dma_wait3A_348, %dma_wait3A_349] : memref<10000x128xf32, #tpu.memory_space<vmem_shared>> -> memref<10000x128xf32, #tpu.memory_space<vmem_shared>>
        tpu.wait_indirect_dma semaphore(%run_scoped3A_338 : memref<!tpu.dma_semaphore, #tpu.memory_space<semaphore_mem>>) src(%arg9 : memref<80x128xf32, #tpu.memory_space<vmem>>) dst(%dma_wait3A_350 : memref<10000x128xf32, #tpu.memory_space<vmem_shared>>)
        tpu.yield
      }) : () -> ()
      %mul3A_318 = arith.constant 2 : i32
      %mul3A_319 = arith.muli %mul3A_318, %scan3A_299 : i32
      %add3A_320 = arith.constant 2 : i32
      %add3A_321 = arith.addi %mul3A_319, %add3A_320 : i32
      %mul3A_322 = arith.constant 80 : i32
      %mul3A_323 = arith.muli %add3A_321, %mul3A_322 : i32
      %multiple_of3A_324 = tpu.assume_multiple %mul3A_323, 8 : i32
      %dma_start3A_325 = tpu.memref_slice %arg7[%multiple_of3A_324] : memref<3200xi32, #tpu.memory_space<vmem>> -> memref<80xi32, #tpu.memory_space<vmem>>
      %dma_start3A_326 = arith.constant 0 : i32
      %dma_start3A_327 = arith.constant 0 : i32
      %dma_start3A_328 = tpu.memref_slice %arg2[%dma_start3A_326, %dma_start3A_327] : memref<20000x128xf32, #tpu.memory_space<hbm>> -> memref<20000x128xf32, #tpu.memory_space<hbm>>
      tpu.enqueue_indirect_dma source(%dma_start3A_328 : memref<20000x128xf32, #tpu.memory_space<hbm>>) target(%arg9 : memref<80x128xf32, #tpu.memory_space<vmem>>) offsets(%dma_start3A_325 : memref<80xi32, #tpu.memory_space<vmem>>) semaphore(%arg12 : memref<!tpu.dma_semaphore, #tpu.memory_space<semaphore_mem>>)
      %dma_wait3A_329 = arith.constant 0 : i32
      %dma_wait3A_330 = tpu.memref_slice %arg7[%dma_wait3A_329] : memref<3200xi32, #tpu.memory_space<vmem>> -> memref<80xi32, #tpu.memory_space<vmem>>
      %dma_wait3A_331 = arith.constant 0 : i32
      %dma_wait3A_332 = arith.constant 0 : i32
      %dma_wait3A_333 = tpu.memref_slice %arg2[%dma_wait3A_331, %dma_wait3A_332] : memref<20000x128xf32, #tpu.memory_space<hbm>> -> memref<20000x128xf32, #tpu.memory_space<hbm>>
      tpu.wait_indirect_dma semaphore(%arg13 : memref<!tpu.dma_semaphore, #tpu.memory_space<semaphore_mem>>) src(%dma_wait3A_333 : memref<20000x128xf32, #tpu.memory_space<hbm>>) dst(%arg10 : memref<80x128xf32, #tpu.memory_space<vmem>>)
      %mul3A_334 = arith.constant 2 : i32
      %mul3A_335 = arith.muli %mul3A_334, %scan3A_299 : i32
      %add3A_336 = arith.constant 1 : i32
      %add3A_337 = arith.addi %mul3A_335, %add3A_336 : i32
      "tpu.region"() ({
        %run_scoped3A_338 = tpu.sem_alloc : memref<!tpu.dma_semaphore, #tpu.memory_space<semaphore_mem>>
        %dma_start3A_339 = arith.constant 0 : i32
        %dma_start3A_340 = tpu.memref_slice %arg8[%add3A_337, %dma_start3A_339] : memref<40x80xi32, #tpu.memory_space<vmem>> -> memref<1x80xi32, #tpu.memory_space<vmem>>
        %dma_start3A_341 = tpu.memref_squeeze %dma_start3A_340 : memref<1x80xi32, #tpu.memory_space<vmem>> -> memref<80xi32, #tpu.memory_space<vmem>>
        %dma_start3A_342 = arith.constant 0 : i32
        %dma_start3A_343 = arith.constant 0 : i32
        %dma_start3A_344 = tpu.memref_slice %arg11[%dma_start3A_342, %dma_start3A_343] : memref<10000x128xf32, #tpu.memory_space<vmem_shared>> -> memref<10000x128xf32, #tpu.memory_space<vmem_shared>>
        tpu.enqueue_indirect_dma source(%arg10 : memref<80x128xf32, #tpu.memory_space<vmem>>) target(%dma_start3A_344 : memref<10000x128xf32, #tpu.memory_space<vmem_shared>>) offsets(%dma_start3A_341 : memref<80xi32, #tpu.memory_space<vmem>>) semaphore(%run_scoped3A_338 : memref<!tpu.dma_semaphore, #tpu.memory_space<semaphore_mem>>) {add = true}
        %dma_wait3A_345 = arith.constant 0 : i32
        %dma_wait3A_346 = tpu.memref_slice %arg8[%add3A_337, %dma_wait3A_345] : memref<40x80xi32, #tpu.memory_space<vmem>> -> memref<1x80xi32, #tpu.memory_space<vmem>>
        %dma_wait3A_347 = tpu.memref_squeeze %dma_wait3A_346 : memref<1x80xi32, #tpu.memory_space<vmem>> -> memref<80xi32, #tpu.memory_space<vmem>>
        %dma_wait3A_348 = arith.constant 0 : i32
        %dma_wait3A_349 = arith.constant 0 : i32
        %dma_wait3A_350 = tpu.memref_slice %arg11[%dma_wait3A_348, %dma_wait3A_349] : memref<10000x128xf32, #tpu.memory_space<vmem_shared>> -> memref<10000x128xf32, #tpu.memory_space<vmem_shared>>
        tpu.wait_indirect_dma semaphore(%run_scoped3A_338 : memref<!tpu.dma_semaphore, #tpu.memory_space<semaphore_mem>>) src(%arg10 : memref<80x128xf32, #tpu.memory_space<vmem>>) dst(%dma_wait3A_350 : memref<10000x128xf32, #tpu.memory_space<vmem_shared>>)
        tpu.yield
      }) : () -> ()
    }
    %scan3A_228 = arith.constant 19 : i32
    %multiple_of3A_229 = arith.constant 3120 : i32
    %multiple_of3A_230 = tpu.assume_multiple %multiple_of3A_229, 8 : i32
    %dma_start3A_231 = tpu.memref_slice %arg7[%multiple_of3A_230] : memref<3200xi32, #tpu.memory_space<vmem>> -> memref<80xi32, #tpu.memory_space<vmem>>
    %dma_start3A_232 = arith.constant 0 : i32
    %dma_start3A_233 = arith.constant 0 : i32
    %dma_start3A_234 = tpu.memref_slice %arg2[%dma_start3A_232, %dma_start3A_233] : memref<20000x128xf32, #tpu.memory_space<hbm>> -> memref<20000x128xf32, #tpu.memory_space<hbm>>
    tpu.enqueue_indirect_dma source(%dma_start3A_234 : memref<20000x128xf32, #tpu.memory_space<hbm>>) target(%arg10 : memref<80x128xf32, #tpu.memory_space<vmem>>) offsets(%dma_start3A_231 : memref<80xi32, #tpu.memory_space<vmem>>) semaphore(%arg13 : memref<!tpu.dma_semaphore, #tpu.memory_space<semaphore_mem>>)
    %dma_wait3A_235 = arith.constant 0 : i32
    %dma_wait3A_236 = tpu.memref_slice %arg7[%dma_wait3A_235] : memref<3200xi32, #tpu.memory_space<vmem>> -> memref<80xi32, #tpu.memory_space<vmem>>
    %dma_wait3A_237 = arith.constant 0 : i32
    %dma_wait3A_238 = arith.constant 0 : i32
    %dma_wait3A_239 = tpu.memref_slice %arg2[%dma_wait3A_237, %dma_wait3A_238] : memref<20000x128xf32, #tpu.memory_space<hbm>> -> memref<20000x128xf32, #tpu.memory_space<hbm>>
    tpu.wait_indirect_dma semaphore(%arg12 : memref<!tpu.dma_semaphore, #tpu.memory_space<semaphore_mem>>) src(%dma_wait3A_239 : memref<20000x128xf32, #tpu.memory_space<hbm>>) dst(%arg9 : memref<80x128xf32, #tpu.memory_space<vmem>>)
    %run_scoped3A_240 = arith.constant 38 : i32
    "tpu.region"() ({
      %run_scoped3A_299 = tpu.sem_alloc : memref<!tpu.dma_semaphore, #tpu.memory_space<semaphore_mem>>
      %dma_start3A_300 = arith.constant 0 : i32
      %dma_start3A_301 = tpu.memref_slice %arg8[%run_scoped3A_240, %dma_start3A_300] : memref<40x80xi32, #tpu.memory_space<vmem>> -> memref<1x80xi32, #tpu.memory_space<vmem>>
      %dma_start3A_302 = tpu.memref_squeeze %dma_start3A_301 : memref<1x80xi32, #tpu.memory_space<vmem>> -> memref<80xi32, #tpu.memory_space<vmem>>
      %dma_start3A_303 = arith.constant 0 : i32
      %dma_start3A_304 = arith.constant 0 : i32
      %dma_start3A_305 = tpu.memref_slice %arg11[%dma_start3A_303, %dma_start3A_304] : memref<10000x128xf32, #tpu.memory_space<vmem_shared>> -> memref<10000x128xf32, #tpu.memory_space<vmem_shared>>
      tpu.enqueue_indirect_dma source(%arg9 : memref<80x128xf32, #tpu.memory_space<vmem>>) target(%dma_start3A_305 : memref<10000x128xf32, #tpu.memory_space<vmem_shared>>) offsets(%dma_start3A_302 : memref<80xi32, #tpu.memory_space<vmem>>) semaphore(%run_scoped3A_299 : memref<!tpu.dma_semaphore, #tpu.memory_space<semaphore_mem>>) {add = true}
      %dma_wait3A_306 = arith.constant 0 : i32
      %dma_wait3A_307 = tpu.memref_slice %arg8[%run_scoped3A_240, %dma_wait3A_306] : memref<40x80xi32, #tpu.memory_space<vmem>> -> memref<1x80xi32, #tpu.memory_space<vmem>>
      %dma_wait3A_308 = tpu.memref_squeeze %dma_wait3A_307 : memref<1x80xi32, #tpu.memory_space<vmem>> -> memref<80xi32, #tpu.memory_space<vmem>>
      %dma_wait3A_309 = arith.constant 0 : i32
      %dma_wait3A_310 = arith.constant 0 : i32
      %dma_wait3A_311 = tpu.memref_slice %arg11[%dma_wait3A_309, %dma_wait3A_310] : memref<10000x128xf32, #tpu.memory_space<vmem_shared>> -> memref<10000x128xf32, #tpu.memory_space<vmem_shared>>
      tpu.wait_indirect_dma semaphore(%run_scoped3A_299 : memref<!tpu.dma_semaphore, #tpu.memory_space<semaphore_mem>>) src(%arg9 : memref<80x128xf32, #tpu.memory_space<vmem>>) dst(%dma_wait3A_311 : memref<10000x128xf32, #tpu.memory_space<vmem_shared>>)
      tpu.yield
    }) : () -> ()
    %dma_wait3A_241 = arith.constant 0 : i32
    %dma_wait3A_242 = tpu.memref_slice %arg7[%dma_wait3A_241] : memref<3200xi32, #tpu.memory_space<vmem>> -> memref<80xi32, #tpu.memory_space<vmem>>
    %dma_wait3A_243 = arith.constant 0 : i32
    %dma_wait3A_244 = arith.constant 0 : i32
    %dma_wait3A_245 = tpu.memref_slice %arg2[%dma_wait3A_243, %dma_wait3A_244] : memref<20000x128xf32, #tpu.memory_space<hbm>> -> memref<20000x128xf32, #tpu.memory_space<hbm>>
    tpu.wait_indirect_dma semaphore(%arg13 : memref<!tpu.dma_semaphore, #tpu.memory_space<semaphore_mem>>) src(%dma_wait3A_245 : memref<20000x128xf32, #tpu.memory_space<hbm>>) dst(%arg10 : memref<80x128xf32, #tpu.memory_space<vmem>>)
    %run_scoped3A_246 = arith.constant 39 : i32
    "tpu.region"() ({
      %run_scoped3A_299 = tpu.sem_alloc : memref<!tpu.dma_semaphore, #tpu.memory_space<semaphore_mem>>
      %dma_start3A_300 = arith.constant 0 : i32
      %dma_start3A_301 = tpu.memref_slice %arg8[%run_scoped3A_246, %dma_start3A_300] : memref<40x80xi32, #tpu.memory_space<vmem>> -> memref<1x80xi32, #tpu.memory_space<vmem>>
      %dma_start3A_302 = tpu.memref_squeeze %dma_start3A_301 : memref<1x80xi32, #tpu.memory_space<vmem>> -> memref<80xi32, #tpu.memory_space<vmem>>
      %dma_start3A_303 = arith.constant 0 : i32
      %dma_start3A_304 = arith.constant 0 : i32
      %dma_start3A_305 = tpu.memref_slice %arg11[%dma_start3A_303, %dma_start3A_304] : memref<10000x128xf32, #tpu.memory_space<vmem_shared>> -> memref<10000x128xf32, #tpu.memory_space<vmem_shared>>
      tpu.enqueue_indirect_dma source(%arg10 : memref<80x128xf32, #tpu.memory_space<vmem>>) target(%dma_start3A_305 : memref<10000x128xf32, #tpu.memory_space<vmem_shared>>) offsets(%dma_start3A_302 : memref<80xi32, #tpu.memory_space<vmem>>) semaphore(%run_scoped3A_299 : memref<!tpu.dma_semaphore, #tpu.memory_space<semaphore_mem>>) {add = true}
      %dma_wait3A_306 = arith.constant 0 : i32
      %dma_wait3A_307 = tpu.memref_slice %arg8[%run_scoped3A_246, %dma_wait3A_306] : memref<40x80xi32, #tpu.memory_space<vmem>> -> memref<1x80xi32, #tpu.memory_space<vmem>>
      %dma_wait3A_308 = tpu.memref_squeeze %dma_wait3A_307 : memref<1x80xi32, #tpu.memory_space<vmem>> -> memref<80xi32, #tpu.memory_space<vmem>>
      %dma_wait3A_309 = arith.constant 0 : i32
      %dma_wait3A_310 = arith.constant 0 : i32
      %dma_wait3A_311 = tpu.memref_slice %arg11[%dma_wait3A_309, %dma_wait3A_310] : memref<10000x128xf32, #tpu.memory_space<vmem_shared>> -> memref<10000x128xf32, #tpu.memory_space<vmem_shared>>
      tpu.wait_indirect_dma semaphore(%run_scoped3A_299 : memref<!tpu.dma_semaphore, #tpu.memory_space<semaphore_mem>>) src(%arg10 : memref<80x128xf32, #tpu.memory_space<vmem>>) dst(%dma_wait3A_311 : memref<10000x128xf32, #tpu.memory_space<vmem_shared>>)
      tpu.yield
    }) : () -> ()
    %mul3A_247 = arith.constant 20000 : i32
    %mul3A_248 = arith.muli %arg1, %mul3A_247 : i32
    %add3A_249 = arith.constant 19200 : i32
    %add3A_250 = arith.addi %mul3A_248, %add3A_249 : i32
    %multiple_of3A_251 = tpu.assume_multiple %add3A_250, 8 : i32
    "tpu.region"() ({
      %run_scoped3A_299 = tpu.sem_alloc : memref<!tpu.dma_semaphore, #tpu.memory_space<semaphore_mem>>
      %dma_start3A_300 = arith.constant 0 : i32
      %dma_start3A_301 = tpu.memref_slice %arg7[%dma_start3A_300] : memref<3200xi32, #tpu.memory_space<vmem>> -> memref<800xi32, #tpu.memory_space<vmem>>
      %dma_start3A_302 = tpu.memref_slice %arg3[%multiple_of3A_251] : memref<320000xi32, #tpu.memory_space<hbm>> -> memref<800xi32, #tpu.memory_space<hbm>>
      %dma_start3A_303 = arith.constant 0 : i32
      %dma_start3A_304 = tpu.memref_slice %arg7[%dma_start3A_303] : memref<3200xi32, #tpu.memory_space<vmem>> -> memref<800xi32, #tpu.memory_space<vmem>>
      %dma_start3A_305 = tpu.memref_slice %arg3[%multiple_of3A_251] : memref<320000xi32, #tpu.memory_space<hbm>> -> memref<800xi32, #tpu.memory_space<hbm>>
      tpu.enqueue_dma source(%dma_start3A_305 : memref<800xi32, #tpu.memory_space<hbm>>) target(%dma_start3A_304 : memref<800xi32, #tpu.memory_space<vmem>>) target_semaphore(%run_scoped3A_299 : memref<!tpu.dma_semaphore, #tpu.memory_space<semaphore_mem>>)
      %dma_wait3A_306 = arith.constant 0 : i32
      %dma_wait3A_307 = tpu.memref_slice %arg7[%dma_wait3A_306] : memref<3200xi32, #tpu.memory_space<vmem>> -> memref<800xi32, #tpu.memory_space<vmem>>
      %dma_wait3A_308 = tpu.memref_slice %arg3[%multiple_of3A_251] : memref<320000xi32, #tpu.memory_space<hbm>> -> memref<800xi32, #tpu.memory_space<hbm>>
      %dma_wait3A_309 = arith.constant 0 : i32
      %dma_wait3A_310 = tpu.memref_slice %arg7[%dma_wait3A_309] : memref<3200xi32, #tpu.memory_space<vmem>> -> memref<800xi32, #tpu.memory_space<vmem>>
      %dma_wait3A_311 = tpu.memref_slice %arg3[%multiple_of3A_251] : memref<320000xi32, #tpu.memory_space<hbm>> -> memref<800xi32, #tpu.memory_space<hbm>>
      tpu.wait_dma2 semaphore(%run_scoped3A_299 : memref<!tpu.dma_semaphore, #tpu.memory_space<semaphore_mem>>) src(%dma_wait3A_311 : memref<800xi32, #tpu.memory_space<hbm>>) dst(%dma_wait3A_310 : memref<800xi32, #tpu.memory_space<vmem>>)
      tpu.yield
    }) : () -> ()
    "tpu.region"() ({
      %run_scoped3A_299 = tpu.sem_alloc : memref<!tpu.dma_semaphore, #tpu.memory_space<semaphore_mem>>
      %dma_start3A_300 = arith.constant 0 : i32
      %dma_start3A_301 = arith.constant 0 : i32
      %dma_start3A_302 = tpu.memref_slice %arg8[%dma_start3A_300, %dma_start3A_301] : memref<40x80xi32, #tpu.memory_space<vmem>> -> memref<10x80xi32, #tpu.memory_space<vmem>>
      %dma_start3A_303 = arith.constant 240 : i32
      %dma_start3A_304 = arith.constant 0 : i32
      %dma_start3A_305 = tpu.memref_slice %arg4[%arg1, %dma_start3A_303, %dma_start3A_304] : memref<16x250x80xi32, #tpu.memory_space<hbm>> -> memref<1x10x80xi32, #tpu.memory_space<hbm>>
      %dma_start3A_306 = tpu.memref_squeeze %dma_start3A_305 : memref<1x10x80xi32, #tpu.memory_space<hbm>> -> memref<10x80xi32, #tpu.memory_space<hbm>>
      %dma_start3A_307 = arith.constant 0 : i32
      %dma_start3A_308 = arith.constant 0 : i32
      %dma_start3A_309 = tpu.memref_slice %arg8[%dma_start3A_307, %dma_start3A_308] : memref<40x80xi32, #tpu.memory_space<vmem>> -> memref<10x80xi32, #tpu.memory_space<vmem>>
      %dma_start3A_310 = arith.constant 240 : i32
      %dma_start3A_311 = arith.constant 0 : i32
      %dma_start3A_312 = tpu.memref_slice %arg4[%arg1, %dma_start3A_310, %dma_start3A_311] : memref<16x250x80xi32, #tpu.memory_space<hbm>> -> memref<1x10x80xi32, #tpu.memory_space<hbm>>
      %dma_start3A_313 = tpu.memref_squeeze %dma_start3A_312 : memref<1x10x80xi32, #tpu.memory_space<hbm>> -> memref<10x80xi32, #tpu.memory_space<hbm>>
      tpu.enqueue_dma source(%dma_start3A_313 : memref<10x80xi32, #tpu.memory_space<hbm>>) target(%dma_start3A_309 : memref<10x80xi32, #tpu.memory_space<vmem>>) target_semaphore(%run_scoped3A_299 : memref<!tpu.dma_semaphore, #tpu.memory_space<semaphore_mem>>)
      %dma_wait3A_314 = arith.constant 0 : i32
      %dma_wait3A_315 = arith.constant 0 : i32
      %dma_wait3A_316 = tpu.memref_slice %arg8[%dma_wait3A_314, %dma_wait3A_315] : memref<40x80xi32, #tpu.memory_space<vmem>> -> memref<10x80xi32, #tpu.memory_space<vmem>>
      %dma_wait3A_317 = arith.constant 240 : i32
      %dma_wait3A_318 = arith.constant 0 : i32
      %dma_wait3A_319 = tpu.memref_slice %arg4[%arg1, %dma_wait3A_317, %dma_wait3A_318] : memref<16x250x80xi32, #tpu.memory_space<hbm>> -> memref<1x10x80xi32, #tpu.memory_space<hbm>>
      %dma_wait3A_320 = tpu.memref_squeeze %dma_wait3A_319 : memref<1x10x80xi32, #tpu.memory_space<hbm>> -> memref<10x80xi32, #tpu.memory_space<hbm>>
      %dma_wait3A_321 = arith.constant 0 : i32
      %dma_wait3A_322 = arith.constant 0 : i32
      %dma_wait3A_323 = tpu.memref_slice %arg8[%dma_wait3A_321, %dma_wait3A_322] : memref<40x80xi32, #tpu.memory_space<vmem>> -> memref<10x80xi32, #tpu.memory_space<vmem>>
      %dma_wait3A_324 = arith.constant 240 : i32
      %dma_wait3A_325 = arith.constant 0 : i32
      %dma_wait3A_326 = tpu.memref_slice %arg4[%arg1, %dma_wait3A_324, %dma_wait3A_325] : memref<16x250x80xi32, #tpu.memory_space<hbm>> -> memref<1x10x80xi32, #tpu.memory_space<hbm>>
      %dma_wait3A_327 = tpu.memref_squeeze %dma_wait3A_326 : memref<1x10x80xi32, #tpu.memory_space<hbm>> -> memref<10x80xi32, #tpu.memory_space<hbm>>
      tpu.wait_dma2 semaphore(%run_scoped3A_299 : memref<!tpu.dma_semaphore, #tpu.memory_space<semaphore_mem>>) src(%dma_wait3A_327 : memref<10x80xi32, #tpu.memory_space<hbm>>) dst(%dma_wait3A_323 : memref<10x80xi32, #tpu.memory_space<vmem>>)
      tpu.yield
    }) : () -> ()
    %scan3A_252 = arith.constant 0 : i32
    %scan3A_253 = arith.constant 0 : i32
    %scan3A_254 = arith.constant 50 : i32
    %scan3A_255 = arith.addi %scan3A_253, %scan3A_254 : i32
    %scan3A_256 = arith.constant 1 : i32
    scf.for %scan3A_299 = %scan3A_253 to %scan3A_255 step %scan3A_256  : i32 {
      %mul3A_300 = arith.constant 16 : i32
      %mul3A_301 = arith.muli %scan3A_299, %mul3A_300 : i32
      %get3A = arith.index_cast %mul3A_301 : i32 to index
      %get3A_302 = tpu.vector_load %arg7[%get3A] {strides = array<i32>} : memref<3200xi32, #tpu.memory_space<vmem>>, vector<16xi32>,
      %get3A_303 = vector.shape_cast %get3A_302 : vector<16xi32> to vector<16xi32>
      %add3A_304 = vector.broadcast %mul3A_0 : i32 to vector<16xi32>
      %add3A_305 = arith.addi %get3A_303, %add3A_304 : vector<16xi32>
      %mul3A_306 = arith.constant 16 : i32
      %mul3A_307 = arith.muli %scan3A_299, %mul3A_306 : i32
      %swap3A = arith.index_cast %mul3A_307 : i32 to index
      %swap3A_308 = tpu.vector_load %arg7[%swap3A] {strides = array<i32>} : memref<3200xi32, #tpu.memory_space<vmem>>, vector<16xi32>,
      %swap3A_309 = vector.shape_cast %swap3A_308 : vector<16xi32> to vector<16xi32>
      %swap3A_310 = vector.shape_cast %add3A_305 : vector<16xi32> to vector<16xi32>
      tpu.vector_store %arg7[%swap3A], %swap3A_310 {strides = array<i32>} : memref<3200xi32, #tpu.memory_space<vmem>>, vector<16xi32>,
    }
    %scan3A_257 = arith.constant 50 : i32
    %multiple_of3A_258 = arith.constant 0 : i32
    %multiple_of3A_259 = tpu.assume_multiple %multiple_of3A_258, 8 : i32
    %dma_start3A_260 = tpu.memref_slice %arg7[%multiple_of3A_259] : memref<3200xi32, #tpu.memory_space<vmem>> -> memref<80xi32, #tpu.memory_space<vmem>>
    %dma_start3A_261 = arith.constant 0 : i32
    %dma_start3A_262 = arith.constant 0 : i32
    %dma_start3A_263 = tpu.memref_slice %arg2[%dma_start3A_261, %dma_start3A_262] : memref<20000x128xf32, #tpu.memory_space<hbm>> -> memref<20000x128xf32, #tpu.memory_space<hbm>>
    tpu.enqueue_indirect_dma source(%dma_start3A_263 : memref<20000x128xf32, #tpu.memory_space<hbm>>) target(%arg9 : memref<80x128xf32, #tpu.memory_space<vmem>>) offsets(%dma_start3A_260 : memref<80xi32, #tpu.memory_space<vmem>>) semaphore(%arg12 : memref<!tpu.dma_semaphore, #tpu.memory_space<semaphore_mem>>)
    %scan3A_264 = arith.constant 0 : i32
    %scan3A_265 = arith.constant 0 : i32
    %scan3A_266 = arith.constant 4 : i32
    %scan3A_267 = arith.addi %scan3A_265, %scan3A_266 : i32
    %scan3A_268 = arith.constant 1 : i32
    scf.for %scan3A_299 = %scan3A_265 to %scan3A_267 step %scan3A_268  : i32 {
      %mul3A_300 = arith.constant 2 : i32
      %mul3A_301 = arith.muli %mul3A_300, %scan3A_299 : i32
      %add3A_302 = arith.constant 1 : i32
      %add3A_303 = arith.addi %mul3A_301, %add3A_302 : i32
      %mul3A_304 = arith.constant 80 : i32
      %mul3A_305 = arith.muli %add3A_303, %mul3A_304 : i32
      %multiple_of3A_306 = tpu.assume_multiple %mul3A_305, 8 : i32
      %dma_start3A_307 = tpu.memref_slice %arg7[%multiple_of3A_306] : memref<3200xi32, #tpu.memory_space<vmem>> -> memref<80xi32, #tpu.memory_space<vmem>>
      %dma_start3A_308 = arith.constant 0 : i32
      %dma_start3A_309 = arith.constant 0 : i32
      %dma_start3A_310 = tpu.memref_slice %arg2[%dma_start3A_308, %dma_start3A_309] : memref<20000x128xf32, #tpu.memory_space<hbm>> -> memref<20000x128xf32, #tpu.memory_space<hbm>>
      tpu.enqueue_indirect_dma source(%dma_start3A_310 : memref<20000x128xf32, #tpu.memory_space<hbm>>) target(%arg10 : memref<80x128xf32, #tpu.memory_space<vmem>>) offsets(%dma_start3A_307 : memref<80xi32, #tpu.memory_space<vmem>>) semaphore(%arg13 : memref<!tpu.dma_semaphore, #tpu.memory_space<semaphore_mem>>)
      %dma_wait3A_311 = arith.constant 0 : i32
      %dma_wait3A_312 = tpu.memref_slice %arg7[%dma_wait3A_311] : memref<3200xi32, #tpu.memory_space<vmem>> -> memref<80xi32, #tpu.memory_space<vmem>>
      %dma_wait3A_313 = arith.constant 0 : i32
      %dma_wait3A_314 = arith.constant 0 : i32
      %dma_wait3A_315 = tpu.memref_slice %arg2[%dma_wait3A_313, %dma_wait3A_314] : memref<20000x128xf32, #tpu.memory_space<hbm>> -> memref<20000x128xf32, #tpu.memory_space<hbm>>
      tpu.wait_indirect_dma semaphore(%arg12 : memref<!tpu.dma_semaphore, #tpu.memory_space<semaphore_mem>>) src(%dma_wait3A_315 : memref<20000x128xf32, #tpu.memory_space<hbm>>) dst(%arg9 : memref<80x128xf32, #tpu.memory_space<vmem>>)
      %mul3A_316 = arith.constant 2 : i32
      %mul3A_317 = arith.muli %mul3A_316, %scan3A_299 : i32
      "tpu.region"() ({
        %run_scoped3A_338 = tpu.sem_alloc : memref<!tpu.dma_semaphore, #tpu.memory_space<semaphore_mem>>
        %dma_start3A_339 = arith.constant 0 : i32
        %dma_start3A_340 = tpu.memref_slice %arg8[%mul3A_317, %dma_start3A_339] : memref<40x80xi32, #tpu.memory_space<vmem>> -> memref<1x80xi32, #tpu.memory_space<vmem>>
        %dma_start3A_341 = tpu.memref_squeeze %dma_start3A_340 : memref<1x80xi32, #tpu.memory_space<vmem>> -> memref<80xi32, #tpu.memory_space<vmem>>
        %dma_start3A_342 = arith.constant 0 : i32
        %dma_start3A_343 = arith.constant 0 : i32
        %dma_start3A_344 = tpu.memref_slice %arg11[%dma_start3A_342, %dma_start3A_343] : memref<10000x128xf32, #tpu.memory_space<vmem_shared>> -> memref<10000x128xf32, #tpu.memory_space<vmem_shared>>
        tpu.enqueue_indirect_dma source(%arg9 : memref<80x128xf32, #tpu.memory_space<vmem>>) target(%dma_start3A_344 : memref<10000x128xf32, #tpu.memory_space<vmem_shared>>) offsets(%dma_start3A_341 : memref<80xi32, #tpu.memory_space<vmem>>) semaphore(%run_scoped3A_338 : memref<!tpu.dma_semaphore, #tpu.memory_space<semaphore_mem>>) {add = true}
        %dma_wait3A_345 = arith.constant 0 : i32
        %dma_wait3A_346 = tpu.memref_slice %arg8[%mul3A_317, %dma_wait3A_345] : memref<40x80xi32, #tpu.memory_space<vmem>> -> memref<1x80xi32, #tpu.memory_space<vmem>>
        %dma_wait3A_347 = tpu.memref_squeeze %dma_wait3A_346 : memref<1x80xi32, #tpu.memory_space<vmem>> -> memref<80xi32, #tpu.memory_space<vmem>>
        %dma_wait3A_348 = arith.constant 0 : i32
        %dma_wait3A_349 = arith.constant 0 : i32
        %dma_wait3A_350 = tpu.memref_slice %arg11[%dma_wait3A_348, %dma_wait3A_349] : memref<10000x128xf32, #tpu.memory_space<vmem_shared>> -> memref<10000x128xf32, #tpu.memory_space<vmem_shared>>
        tpu.wait_indirect_dma semaphore(%run_scoped3A_338 : memref<!tpu.dma_semaphore, #tpu.memory_space<semaphore_mem>>) src(%arg9 : memref<80x128xf32, #tpu.memory_space<vmem>>) dst(%dma_wait3A_350 : memref<10000x128xf32, #tpu.memory_space<vmem_shared>>)
        tpu.yield
      }) : () -> ()
      %mul3A_318 = arith.constant 2 : i32
      %mul3A_319 = arith.muli %mul3A_318, %scan3A_299 : i32
      %add3A_320 = arith.constant 2 : i32
      %add3A_321 = arith.addi %mul3A_319, %add3A_320 : i32
      %mul3A_322 = arith.constant 80 : i32
      %mul3A_323 = arith.muli %add3A_321, %mul3A_322 : i32
      %multiple_of3A_324 = tpu.assume_multiple %mul3A_323, 8 : i32
      %dma_start3A_325 = tpu.memref_slice %arg7[%multiple_of3A_324] : memref<3200xi32, #tpu.memory_space<vmem>> -> memref<80xi32, #tpu.memory_space<vmem>>
      %dma_start3A_326 = arith.constant 0 : i32
      %dma_start3A_327 = arith.constant 0 : i32
      %dma_start3A_328 = tpu.memref_slice %arg2[%dma_start3A_326, %dma_start3A_327] : memref<20000x128xf32, #tpu.memory_space<hbm>> -> memref<20000x128xf32, #tpu.memory_space<hbm>>
      tpu.enqueue_indirect_dma source(%dma_start3A_328 : memref<20000x128xf32, #tpu.memory_space<hbm>>) target(%arg9 : memref<80x128xf32, #tpu.memory_space<vmem>>) offsets(%dma_start3A_325 : memref<80xi32, #tpu.memory_space<vmem>>) semaphore(%arg12 : memref<!tpu.dma_semaphore, #tpu.memory_space<semaphore_mem>>)
      %dma_wait3A_329 = arith.constant 0 : i32
      %dma_wait3A_330 = tpu.memref_slice %arg7[%dma_wait3A_329] : memref<3200xi32, #tpu.memory_space<vmem>> -> memref<80xi32, #tpu.memory_space<vmem>>
      %dma_wait3A_331 = arith.constant 0 : i32
      %dma_wait3A_332 = arith.constant 0 : i32
      %dma_wait3A_333 = tpu.memref_slice %arg2[%dma_wait3A_331, %dma_wait3A_332] : memref<20000x128xf32, #tpu.memory_space<hbm>> -> memref<20000x128xf32, #tpu.memory_space<hbm>>
      tpu.wait_indirect_dma semaphore(%arg13 : memref<!tpu.dma_semaphore, #tpu.memory_space<semaphore_mem>>) src(%dma_wait3A_333 : memref<20000x128xf32, #tpu.memory_space<hbm>>) dst(%arg10 : memref<80x128xf32, #tpu.memory_space<vmem>>)
      %mul3A_334 = arith.constant 2 : i32
      %mul3A_335 = arith.muli %mul3A_334, %scan3A_299 : i32
      %add3A_336 = arith.constant 1 : i32
      %add3A_337 = arith.addi %mul3A_335, %add3A_336 : i32
      "tpu.region"() ({
        %run_scoped3A_338 = tpu.sem_alloc : memref<!tpu.dma_semaphore, #tpu.memory_space<semaphore_mem>>
        %dma_start3A_339 = arith.constant 0 : i32
        %dma_start3A_340 = tpu.memref_slice %arg8[%add3A_337, %dma_start3A_339] : memref<40x80xi32, #tpu.memory_space<vmem>> -> memref<1x80xi32, #tpu.memory_space<vmem>>
        %dma_start3A_341 = tpu.memref_squeeze %dma_start3A_340 : memref<1x80xi32, #tpu.memory_space<vmem>> -> memref<80xi32, #tpu.memory_space<vmem>>
        %dma_start3A_342 = arith.constant 0 : i32
        %dma_start3A_343 = arith.constant 0 : i32
        %dma_start3A_344 = tpu.memref_slice %arg11[%dma_start3A_342, %dma_start3A_343] : memref<10000x128xf32, #tpu.memory_space<vmem_shared>> -> memref<10000x128xf32, #tpu.memory_space<vmem_shared>>
        tpu.enqueue_indirect_dma source(%arg10 : memref<80x128xf32, #tpu.memory_space<vmem>>) target(%dma_start3A_344 : memref<10000x128xf32, #tpu.memory_space<vmem_shared>>) offsets(%dma_start3A_341 : memref<80xi32, #tpu.memory_space<vmem>>) semaphore(%run_scoped3A_338 : memref<!tpu.dma_semaphore, #tpu.memory_space<semaphore_mem>>) {add = true}
        %dma_wait3A_345 = arith.constant 0 : i32
        %dma_wait3A_346 = tpu.memref_slice %arg8[%add3A_337, %dma_wait3A_345] : memref<40x80xi32, #tpu.memory_space<vmem>> -> memref<1x80xi32, #tpu.memory_space<vmem>>
        %dma_wait3A_347 = tpu.memref_squeeze %dma_wait3A_346 : memref<1x80xi32, #tpu.memory_space<vmem>> -> memref<80xi32, #tpu.memory_space<vmem>>
        %dma_wait3A_348 = arith.constant 0 : i32
        %dma_wait3A_349 = arith.constant 0 : i32
        %dma_wait3A_350 = tpu.memref_slice %arg11[%dma_wait3A_348, %dma_wait3A_349] : memref<10000x128xf32, #tpu.memory_space<vmem_shared>> -> memref<10000x128xf32, #tpu.memory_space<vmem_shared>>
        tpu.wait_indirect_dma semaphore(%run_scoped3A_338 : memref<!tpu.dma_semaphore, #tpu.memory_space<semaphore_mem>>) src(%arg10 : memref<80x128xf32, #tpu.memory_space<vmem>>) dst(%dma_wait3A_350 : memref<10000x128xf32, #tpu.memory_space<vmem_shared>>)
        tpu.yield
      }) : () -> ()
    }
    %scan3A_269 = arith.constant 4 : i32
    %multiple_of3A_270 = arith.constant 720 : i32
    %multiple_of3A_271 = tpu.assume_multiple %multiple_of3A_270, 8 : i32
    %dma_start3A_272 = tpu.memref_slice %arg7[%multiple_of3A_271] : memref<3200xi32, #tpu.memory_space<vmem>> -> memref<80xi32, #tpu.memory_space<vmem>>
    %dma_start3A_273 = arith.constant 0 : i32
    %dma_start3A_274 = arith.constant 0 : i32
    %dma_start3A_275 = tpu.memref_slice %arg2[%dma_start3A_273, %dma_start3A_274] : memref<20000x128xf32, #tpu.memory_space<hbm>> -> memref<20000x128xf32, #tpu.memory_space<hbm>>
    tpu.enqueue_indirect_dma source(%dma_start3A_275 : memref<20000x128xf32, #tpu.memory_space<hbm>>) target(%arg10 : memref<80x128xf32, #tpu.memory_space<vmem>>) offsets(%dma_start3A_272 : memref<80xi32, #tpu.memory_space<vmem>>) semaphore(%arg13 : memref<!tpu.dma_semaphore, #tpu.memory_space<semaphore_mem>>)
    %dma_wait3A_276 = arith.constant 0 : i32
    %dma_wait3A_277 = tpu.memref_slice %arg7[%dma_wait3A_276] : memref<3200xi32, #tpu.memory_space<vmem>> -> memref<80xi32, #tpu.memory_space<vmem>>
    %dma_wait3A_278 = arith.constant 0 : i32
    %dma_wait3A_279 = arith.constant 0 : i32
    %dma_wait3A_280 = tpu.memref_slice %arg2[%dma_wait3A_278, %dma_wait3A_279] : memref<20000x128xf32, #tpu.memory_space<hbm>> -> memref<20000x128xf32, #tpu.memory_space<hbm>>
    tpu.wait_indirect_dma semaphore(%arg12 : memref<!tpu.dma_semaphore, #tpu.memory_space<semaphore_mem>>) src(%dma_wait3A_280 : memref<20000x128xf32, #tpu.memory_space<hbm>>) dst(%arg9 : memref<80x128xf32, #tpu.memory_space<vmem>>)
    %run_scoped3A_281 = arith.constant 8 : i32
    "tpu.region"() ({
      %run_scoped3A_299 = tpu.sem_alloc : memref<!tpu.dma_semaphore, #tpu.memory_space<semaphore_mem>>
      %dma_start3A_300 = arith.constant 0 : i32
      %dma_start3A_301 = tpu.memref_slice %arg8[%run_scoped3A_281, %dma_start3A_300] : memref<40x80xi32, #tpu.memory_space<vmem>> -> memref<1x80xi32, #tpu.memory_space<vmem>>
      %dma_start3A_302 = tpu.memref_squeeze %dma_start3A_301 : memref<1x80xi32, #tpu.memory_space<vmem>> -> memref<80xi32, #tpu.memory_space<vmem>>
      %dma_start3A_303 = arith.constant 0 : i32
      %dma_start3A_304 = arith.constant 0 : i32
      %dma_start3A_305 = tpu.memref_slice %arg11[%dma_start3A_303, %dma_start3A_304] : memref<10000x128xf32, #tpu.memory_space<vmem_shared>> -> memref<10000x128xf32, #tpu.memory_space<vmem_shared>>
      tpu.enqueue_indirect_dma source(%arg9 : memref<80x128xf32, #tpu.memory_space<vmem>>) target(%dma_start3A_305 : memref<10000x128xf32, #tpu.memory_space<vmem_shared>>) offsets(%dma_start3A_302 : memref<80xi32, #tpu.memory_space<vmem>>) semaphore(%run_scoped3A_299 : memref<!tpu.dma_semaphore, #tpu.memory_space<semaphore_mem>>) {add = true}
      %dma_wait3A_306 = arith.constant 0 : i32
      %dma_wait3A_307 = tpu.memref_slice %arg8[%run_scoped3A_281, %dma_wait3A_306] : memref<40x80xi32, #tpu.memory_space<vmem>> -> memref<1x80xi32, #tpu.memory_space<vmem>>
      %dma_wait3A_308 = tpu.memref_squeeze %dma_wait3A_307 : memref<1x80xi32, #tpu.memory_space<vmem>> -> memref<80xi32, #tpu.memory_space<vmem>>
      %dma_wait3A_309 = arith.constant 0 : i32
      %dma_wait3A_310 = arith.constant 0 : i32
      %dma_wait3A_311 = tpu.memref_slice %arg11[%dma_wait3A_309, %dma_wait3A_310] : memref<10000x128xf32, #tpu.memory_space<vmem_shared>> -> memref<10000x128xf32, #tpu.memory_space<vmem_shared>>
      tpu.wait_indirect_dma semaphore(%run_scoped3A_299 : memref<!tpu.dma_semaphore, #tpu.memory_space<semaphore_mem>>) src(%arg9 : memref<80x128xf32, #tpu.memory_space<vmem>>) dst(%dma_wait3A_311 : memref<10000x128xf32, #tpu.memory_space<vmem_shared>>)
      tpu.yield
    }) : () -> ()
    %dma_wait3A_282 = arith.constant 0 : i32
    %dma_wait3A_283 = tpu.memref_slice %arg7[%dma_wait3A_282] : memref<3200xi32, #tpu.memory_space<vmem>> -> memref<80xi32, #tpu.memory_space<vmem>>
    %dma_wait3A_284 = arith.constant 0 : i32
    %dma_wait3A_285 = arith.constant 0 : i32
    %dma_wait3A_286 = tpu.memref_slice %arg2[%dma_wait3A_284, %dma_wait3A_285] : memref<20000x128xf32, #tpu.memory_space<hbm>> -> memref<20000x128xf32, #tpu.memory_space<hbm>>
    tpu.wait_indirect_dma semaphore(%arg13 : memref<!tpu.dma_semaphore, #tpu.memory_space<semaphore_mem>>) src(%dma_wait3A_286 : memref<20000x128xf32, #tpu.memory_space<hbm>>) dst(%arg10 : memref<80x128xf32, #tpu.memory_space<vmem>>)
    %run_scoped3A_287 = arith.constant 9 : i32
    "tpu.region"() ({
      %run_scoped3A_299 = tpu.sem_alloc : memref<!tpu.dma_semaphore, #tpu.memory_space<semaphore_mem>>
      %dma_start3A_300 = arith.constant 0 : i32
      %dma_start3A_301 = tpu.memref_slice %arg8[%run_scoped3A_287, %dma_start3A_300] : memref<40x80xi32, #tpu.memory_space<vmem>> -> memref<1x80xi32, #tpu.memory_space<vmem>>
      %dma_start3A_302 = tpu.memref_squeeze %dma_start3A_301 : memref<1x80xi32, #tpu.memory_space<vmem>> -> memref<80xi32, #tpu.memory_space<vmem>>
      %dma_start3A_303 = arith.constant 0 : i32
      %dma_start3A_304 = arith.constant 0 : i32
      %dma_start3A_305 = tpu.memref_slice %arg11[%dma_start3A_303, %dma_start3A_304] : memref<10000x128xf32, #tpu.memory_space<vmem_shared>> -> memref<10000x128xf32, #tpu.memory_space<vmem_shared>>
      tpu.enqueue_indirect_dma source(%arg10 : memref<80x128xf32, #tpu.memory_space<vmem>>) target(%dma_start3A_305 : memref<10000x128xf32, #tpu.memory_space<vmem_shared>>) offsets(%dma_start3A_302 : memref<80xi32, #tpu.memory_space<vmem>>) semaphore(%run_scoped3A_299 : memref<!tpu.dma_semaphore, #tpu.memory_space<semaphore_mem>>) {add = true}
      %dma_wait3A_306 = arith.constant 0 : i32
      %dma_wait3A_307 = tpu.memref_slice %arg8[%run_scoped3A_287, %dma_wait3A_306] : memref<40x80xi32, #tpu.memory_space<vmem>> -> memref<1x80xi32, #tpu.memory_space<vmem>>
      %dma_wait3A_308 = tpu.memref_squeeze %dma_wait3A_307 : memref<1x80xi32, #tpu.memory_space<vmem>> -> memref<80xi32, #tpu.memory_space<vmem>>
      %dma_wait3A_309 = arith.constant 0 : i32
      %dma_wait3A_310 = arith.constant 0 : i32
      %dma_wait3A_311 = tpu.memref_slice %arg11[%dma_wait3A_309, %dma_wait3A_310] : memref<10000x128xf32, #tpu.memory_space<vmem_shared>> -> memref<10000x128xf32, #tpu.memory_space<vmem_shared>>
      tpu.wait_indirect_dma semaphore(%run_scoped3A_299 : memref<!tpu.dma_semaphore, #tpu.memory_space<semaphore_mem>>) src(%arg10 : memref<80x128xf32, #tpu.memory_space<vmem>>) dst(%dma_wait3A_311 : memref<10000x128xf32, #tpu.memory_space<vmem_shared>>)
      tpu.yield
    }) : () -> ()
    %barrier3A_288 = arith.constant 0 : index
    tpu.barrier barrier_id(%barrier3A_288)
    %lt3A_289 = arith.constant 15 : i32
    %lt3A_290 = arith.cmpi slt, %arg1, %lt3A_289 : i32
    %convert_element_type3A_291 = arith.extui %lt3A_290 : i1 to i32
    %cond3A_292 = arith.constant 0 : i32
    %cond3A_293 = arith.cmpi ne, %convert_element_type3A_291, %cond3A_292 : i32
    scf.if %cond3A_293 {
      %mul3A_299 = arith.constant 632 : i32
      %mul3A_300 = arith.muli %arg1, %mul3A_299 : i32
      %multiple_of3A_301 = tpu.assume_multiple %mul3A_300, 8 : i32
      %mul3A_302 = arith.constant 632 : i32
      %mul3A_303 = arith.muli %arg1, %mul3A_302 : i32
      %add3A_304 = arith.addi %mul3A_0, %mul3A_303 : i32
      %multiple_of3A_305 = tpu.assume_multiple %add3A_304, 8 : i32
      "tpu.region"() ({
        %run_scoped3A_306 = tpu.sem_alloc : memref<!tpu.dma_semaphore, #tpu.memory_space<semaphore_mem>>
        %dma_start3A_307 = arith.constant 0 : i32
        %dma_start3A_308 = tpu.memref_slice %arg6[%multiple_of3A_305, %dma_start3A_307] : memref<20000x128xf32, #tpu.memory_space<hbm>> -> memref<632x128xf32, #tpu.memory_space<hbm>>
        %dma_start3A_309 = arith.constant 0 : i32
        %dma_start3A_310 = tpu.memref_slice %arg11[%multiple_of3A_301, %dma_start3A_309] : memref<10000x128xf32, #tpu.memory_space<vmem_shared>> -> memref<632x128xf32, #tpu.memory_space<vmem_shared>>
        tpu.enqueue_dma source(%dma_start3A_310 : memref<632x128xf32, #tpu.memory_space<vmem_shared>>) target(%dma_start3A_308 : memref<632x128xf32, #tpu.memory_space<hbm>>) target_semaphore(%run_scoped3A_306 : memref<!tpu.dma_semaphore, #tpu.memory_space<semaphore_mem>>)
        %dma_wait3A_311 = arith.constant 0 : i32
        %dma_wait3A_312 = tpu.memref_slice %arg6[%multiple_of3A_305, %dma_wait3A_311] : memref<20000x128xf32, #tpu.memory_space<hbm>> -> memref<632x128xf32, #tpu.memory_space<hbm>>
        %dma_wait3A_313 = arith.constant 0 : i32
        %dma_wait3A_314 = tpu.memref_slice %arg11[%multiple_of3A_301, %dma_wait3A_313] : memref<10000x128xf32, #tpu.memory_space<vmem_shared>> -> memref<632x128xf32, #tpu.memory_space<vmem_shared>>
        tpu.wait_dma2 semaphore(%run_scoped3A_306 : memref<!tpu.dma_semaphore, #tpu.memory_space<semaphore_mem>>) src(%dma_wait3A_314 : memref<632x128xf32, #tpu.memory_space<vmem_shared>>) dst(%dma_wait3A_312 : memref<632x128xf32, #tpu.memory_space<hbm>>)
        tpu.yield
      }) : () -> ()
    } else {
    }
    %eq3A_294 = arith.constant 15 : i32
    %eq3A_295 = arith.cmpi eq, %arg1, %eq3A_294 : i32
    %convert_element_type3A_296 = arith.extui %eq3A_295 : i1 to i32
    %cond3A_297 = arith.constant 0 : i32
    %cond3A_298 = arith.cmpi ne, %convert_element_type3A_296, %cond3A_297 : i32
    scf.if %cond3A_298 {
      %add3A_299 = arith.constant 9480 : i32
      %add3A_300 = arith.addi %mul3A_0, %add3A_299 : i32
      %multiple_of3A_301 = tpu.assume_multiple %add3A_300, 8 : i32
      "tpu.region"() ({
        %run_scoped3A_302 = tpu.sem_alloc : memref<!tpu.dma_semaphore, #tpu.memory_space<semaphore_mem>>
        %dma_start3A_303 = arith.constant 0 : i32
        %dma_start3A_304 = tpu.memref_slice %arg6[%multiple_of3A_301, %dma_start3A_303] : memref<20000x128xf32, #tpu.memory_space<hbm>> -> memref<520x128xf32, #tpu.memory_space<hbm>>
        %dma_start3A_305 = arith.constant 9480 : i32
        %dma_start3A_306 = arith.constant 0 : i32
        %dma_start3A_307 = tpu.memref_slice %arg11[%dma_start3A_305, %dma_start3A_306] : memref<10000x128xf32, #tpu.memory_space<vmem_shared>> -> memref<520x128xf32, #tpu.memory_space<vmem_shared>>
        tpu.enqueue_dma source(%dma_start3A_307 : memref<520x128xf32, #tpu.memory_space<vmem_shared>>) target(%dma_start3A_304 : memref<520x128xf32, #tpu.memory_space<hbm>>) target_semaphore(%run_scoped3A_302 : memref<!tpu.dma_semaphore, #tpu.memory_space<semaphore_mem>>)
        %dma_wait3A_308 = arith.constant 0 : i32
        %dma_wait3A_309 = tpu.memref_slice %arg6[%multiple_of3A_301, %dma_wait3A_308] : memref<20000x128xf32, #tpu.memory_space<hbm>> -> memref<520x128xf32, #tpu.memory_space<hbm>>
        %dma_wait3A_310 = arith.constant 9480 : i32
        %dma_wait3A_311 = arith.constant 0 : i32
        %dma_wait3A_312 = tpu.memref_slice %arg11[%dma_wait3A_310, %dma_wait3A_311] : memref<10000x128xf32, #tpu.memory_space<vmem_shared>> -> memref<520x128xf32, #tpu.memory_space<vmem_shared>>
        tpu.wait_dma2 semaphore(%run_scoped3A_302 : memref<!tpu.dma_semaphore, #tpu.memory_space<semaphore_mem>>) src(%dma_wait3A_312 : memref<520x128xf32, #tpu.memory_space<vmem_shared>>) dst(%dma_wait3A_309 : memref<520x128xf32, #tpu.memory_space<hbm>>)
        tpu.yield
      }) : () -> ()
    } else {
    }
    return
  }
}

#map = affine_map<(d0, d1) -> (0, 0)>
#map1 = affine_map<(d0, d1) -> (0)>
#map2 = affine_map<(d0, d1) -> (0, 0, 0)>
module attributes {stable_mosaic.version = 14 : i64} {
  func.func @_agg1_body(%arg0: i32, %arg1: i32, %arg2: memref<10000x128xf32, #tpu.memory_space<hbm>>, %arg3: memref<320000xi32, #tpu.memory_space<hbm>>, %arg4: memref<32x125x80xi32, #tpu.memory_space<hbm>>, %arg5: memref<10000x128xf32, #tpu.memory_space<hbm>>, %arg6: memref<10000x128xf32, #tpu.memory_space<hbm>>, %arg7: memref<10000x128xf32, #tpu.memory_space<hbm>>, %arg8: memref<3600xi32, #tpu.memory_space<vmem>>, %arg9: memref<45x80xi32, #tpu.memory_space<vmem>>, %arg10: memref<80x128xf32, #tpu.memory_space<vmem>>, %arg11: memref<80x128xf32, #tpu.memory_space<vmem>>, %arg12: memref<10000x128xf32, #tpu.memory_space<vmem_shared>>, %arg13: memref<!tpu.dma_semaphore, #tpu.memory_space<semaphore_mem>>, %arg14: memref<!tpu.dma_semaphore, #tpu.memory_space<semaphore_mem>>) attributes {dimension_semantics = [#tpu.dimension_semantics<core_parallel>, #tpu.dimension_semantics<subcore_parallel>], iteration_bounds = array<i64: 2, 16>, scalar_prefetch = 0 : i64, scratch_operands = 7 : i64, tpu.core_type = #tpu.core_type<sc_vector_subcore>, window_params = [{transform_indices = #map}, {transform_indices = #map1}, {transform_indices = #map2}, {transform_indices = #map}, {transform_indices = #map}, {transform_indices = #map}]} {
    %mul3A = arith.constant 16 : i32
    %mul3A_0 = arith.muli %arg0, %mul3A : i32
    %add3A = arith.addi %mul3A_0, %arg1 : i32
    %lt3A = arith.constant 15 : i32
    %lt3A_1 = arith.cmpi slt, %arg1, %lt3A : i32
    %convert_element_type3A = arith.extui %lt3A_1 : i1 to i32
    %cond3A = arith.constant 0 : i32
    %cond3A_2 = arith.cmpi ne, %convert_element_type3A, %cond3A : i32
    scf.if %cond3A_2 {
      %mul3A_106 = arith.constant 632 : i32
      %mul3A_107 = arith.muli %arg1, %mul3A_106 : i32
      %multiple_of3A_108 = tpu.assume_multiple %mul3A_107, 8 : i32
      %mul3A_109 = arith.constant 632 : i32
      %mul3A_110 = arith.muli %arg1, %mul3A_109 : i32
      %add3A_111 = arith.constant 0 : i32
      %add3A_112 = arith.addi %add3A_111, %mul3A_110 : i32
      %multiple_of3A_113 = tpu.assume_multiple %add3A_112, 8 : i32
      "tpu.region"() ({
        %run_scoped3A_114 = tpu.sem_alloc : memref<!tpu.dma_semaphore, #tpu.memory_space<semaphore_mem>>
        %dma_start3A_115 = arith.constant 0 : i32
        %dma_start3A_116 = tpu.memref_slice %arg12[%multiple_of3A_113, %dma_start3A_115] : memref<10000x128xf32, #tpu.memory_space<vmem_shared>> -> memref<632x128xf32, #tpu.memory_space<vmem_shared>>
        %dma_start3A_117 = arith.constant 0 : i32
        %dma_start3A_118 = tpu.memref_slice %arg5[%multiple_of3A_108, %dma_start3A_117] : memref<10000x128xf32, #tpu.memory_space<hbm>> -> memref<632x128xf32, #tpu.memory_space<hbm>>
        tpu.enqueue_dma source(%dma_start3A_118 : memref<632x128xf32, #tpu.memory_space<hbm>>) target(%dma_start3A_116 : memref<632x128xf32, #tpu.memory_space<vmem_shared>>) target_semaphore(%run_scoped3A_114 : memref<!tpu.dma_semaphore, #tpu.memory_space<semaphore_mem>>)
        %dma_wait3A_119 = arith.constant 0 : i32
        %dma_wait3A_120 = tpu.memref_slice %arg12[%multiple_of3A_113, %dma_wait3A_119] : memref<10000x128xf32, #tpu.memory_space<vmem_shared>> -> memref<632x128xf32, #tpu.memory_space<vmem_shared>>
        %dma_wait3A_121 = arith.constant 0 : i32
        %dma_wait3A_122 = tpu.memref_slice %arg5[%multiple_of3A_108, %dma_wait3A_121] : memref<10000x128xf32, #tpu.memory_space<hbm>> -> memref<632x128xf32, #tpu.memory_space<hbm>>
        tpu.wait_dma2 semaphore(%run_scoped3A_114 : memref<!tpu.dma_semaphore, #tpu.memory_space<semaphore_mem>>) src(%dma_wait3A_122 : memref<632x128xf32, #tpu.memory_space<hbm>>) dst(%dma_wait3A_120 : memref<632x128xf32, #tpu.memory_space<vmem_shared>>)
        tpu.yield
      }) : () -> ()
    } else {
    }
    %eq3A = arith.constant 15 : i32
    %eq3A_3 = arith.cmpi eq, %arg1, %eq3A : i32
    %convert_element_type3A_4 = arith.extui %eq3A_3 : i1 to i32
    %cond3A_5 = arith.constant 0 : i32
    %cond3A_6 = arith.cmpi ne, %convert_element_type3A_4, %cond3A_5 : i32
    scf.if %cond3A_6 {
      %multiple_of3A_106 = arith.constant 9480 : i32
      %multiple_of3A_107 = tpu.assume_multiple %multiple_of3A_106, 8 : i32
      "tpu.region"() ({
        %run_scoped3A_108 = tpu.sem_alloc : memref<!tpu.dma_semaphore, #tpu.memory_space<semaphore_mem>>
        %dma_start3A_109 = arith.constant 0 : i32
        %dma_start3A_110 = tpu.memref_slice %arg12[%multiple_of3A_107, %dma_start3A_109] : memref<10000x128xf32, #tpu.memory_space<vmem_shared>> -> memref<520x128xf32, #tpu.memory_space<vmem_shared>>
        %dma_start3A_111 = arith.constant 9480 : i32
        %dma_start3A_112 = arith.constant 0 : i32
        %dma_start3A_113 = tpu.memref_slice %arg5[%dma_start3A_111, %dma_start3A_112] : memref<10000x128xf32, #tpu.memory_space<hbm>> -> memref<520x128xf32, #tpu.memory_space<hbm>>
        tpu.enqueue_dma source(%dma_start3A_113 : memref<520x128xf32, #tpu.memory_space<hbm>>) target(%dma_start3A_110 : memref<520x128xf32, #tpu.memory_space<vmem_shared>>) target_semaphore(%run_scoped3A_108 : memref<!tpu.dma_semaphore, #tpu.memory_space<semaphore_mem>>)
        %dma_wait3A_114 = arith.constant 0 : i32
        %dma_wait3A_115 = tpu.memref_slice %arg12[%multiple_of3A_107, %dma_wait3A_114] : memref<10000x128xf32, #tpu.memory_space<vmem_shared>> -> memref<520x128xf32, #tpu.memory_space<vmem_shared>>
        %dma_wait3A_116 = arith.constant 9480 : i32
        %dma_wait3A_117 = arith.constant 0 : i32
        %dma_wait3A_118 = tpu.memref_slice %arg5[%dma_wait3A_116, %dma_wait3A_117] : memref<10000x128xf32, #tpu.memory_space<hbm>> -> memref<520x128xf32, #tpu.memory_space<hbm>>
        tpu.wait_dma2 semaphore(%run_scoped3A_108 : memref<!tpu.dma_semaphore, #tpu.memory_space<semaphore_mem>>) src(%dma_wait3A_118 : memref<520x128xf32, #tpu.memory_space<hbm>>) dst(%dma_wait3A_115 : memref<520x128xf32, #tpu.memory_space<vmem_shared>>)
        tpu.yield
      }) : () -> ()
    } else {
    }
    %barrier3A = arith.constant 0 : index
    tpu.barrier barrier_id(%barrier3A)
    %mul3A_7 = arith.constant 10000 : i32
    %mul3A_8 = arith.muli %add3A, %mul3A_7 : i32
    %add3A_9 = arith.constant 0 : i32
    %add3A_10 = arith.addi %mul3A_8, %add3A_9 : i32
    %multiple_of3A = tpu.assume_multiple %add3A_10, 8 : i32
    "tpu.region"() ({
      %run_scoped3A_106 = tpu.sem_alloc : memref<!tpu.dma_semaphore, #tpu.memory_space<semaphore_mem>>
      %dma_start3A_107 = arith.constant 0 : i32
      %dma_start3A_108 = tpu.memref_slice %arg8[%dma_start3A_107] : memref<3600xi32, #tpu.memory_space<vmem>> -> memref<3200xi32, #tpu.memory_space<vmem>>
      %dma_start3A_109 = tpu.memref_slice %arg3[%multiple_of3A] : memref<320000xi32, #tpu.memory_space<hbm>> -> memref<3200xi32, #tpu.memory_space<hbm>>
      %dma_start3A_110 = arith.constant 0 : i32
      %dma_start3A_111 = tpu.memref_slice %arg8[%dma_start3A_110] : memref<3600xi32, #tpu.memory_space<vmem>> -> memref<3200xi32, #tpu.memory_space<vmem>>
      %dma_start3A_112 = tpu.memref_slice %arg3[%multiple_of3A] : memref<320000xi32, #tpu.memory_space<hbm>> -> memref<3200xi32, #tpu.memory_space<hbm>>
      tpu.enqueue_dma source(%dma_start3A_112 : memref<3200xi32, #tpu.memory_space<hbm>>) target(%dma_start3A_111 : memref<3200xi32, #tpu.memory_space<vmem>>) target_semaphore(%run_scoped3A_106 : memref<!tpu.dma_semaphore, #tpu.memory_space<semaphore_mem>>)
      %dma_wait3A_113 = arith.constant 0 : i32
      %dma_wait3A_114 = tpu.memref_slice %arg8[%dma_wait3A_113] : memref<3600xi32, #tpu.memory_space<vmem>> -> memref<3200xi32, #tpu.memory_space<vmem>>
      %dma_wait3A_115 = tpu.memref_slice %arg3[%multiple_of3A] : memref<320000xi32, #tpu.memory_space<hbm>> -> memref<3200xi32, #tpu.memory_space<hbm>>
      %dma_wait3A_116 = arith.constant 0 : i32
      %dma_wait3A_117 = tpu.memref_slice %arg8[%dma_wait3A_116] : memref<3600xi32, #tpu.memory_space<vmem>> -> memref<3200xi32, #tpu.memory_space<vmem>>
      %dma_wait3A_118 = tpu.memref_slice %arg3[%multiple_of3A] : memref<320000xi32, #tpu.memory_space<hbm>> -> memref<3200xi32, #tpu.memory_space<hbm>>
      tpu.wait_dma2 semaphore(%run_scoped3A_106 : memref<!tpu.dma_semaphore, #tpu.memory_space<semaphore_mem>>) src(%dma_wait3A_118 : memref<3200xi32, #tpu.memory_space<hbm>>) dst(%dma_wait3A_117 : memref<3200xi32, #tpu.memory_space<vmem>>)
      tpu.yield
    }) : () -> ()
    "tpu.region"() ({
      %run_scoped3A_106 = tpu.sem_alloc : memref<!tpu.dma_semaphore, #tpu.memory_space<semaphore_mem>>
      %dma_start3A_107 = arith.constant 0 : i32
      %dma_start3A_108 = arith.constant 0 : i32
      %dma_start3A_109 = tpu.memref_slice %arg9[%dma_start3A_107, %dma_start3A_108] : memref<45x80xi32, #tpu.memory_space<vmem>> -> memref<40x80xi32, #tpu.memory_space<vmem>>
      %dma_start3A_110 = arith.constant 0 : i32
      %dma_start3A_111 = arith.constant 0 : i32
      %dma_start3A_112 = tpu.memref_slice %arg4[%add3A, %dma_start3A_110, %dma_start3A_111] : memref<32x125x80xi32, #tpu.memory_space<hbm>> -> memref<1x40x80xi32, #tpu.memory_space<hbm>>
      %dma_start3A_113 = tpu.memref_squeeze %dma_start3A_112 : memref<1x40x80xi32, #tpu.memory_space<hbm>> -> memref<40x80xi32, #tpu.memory_space<hbm>>
      %dma_start3A_114 = arith.constant 0 : i32
      %dma_start3A_115 = arith.constant 0 : i32
      %dma_start3A_116 = tpu.memref_slice %arg9[%dma_start3A_114, %dma_start3A_115] : memref<45x80xi32, #tpu.memory_space<vmem>> -> memref<40x80xi32, #tpu.memory_space<vmem>>
      %dma_start3A_117 = arith.constant 0 : i32
      %dma_start3A_118 = arith.constant 0 : i32
      %dma_start3A_119 = tpu.memref_slice %arg4[%add3A, %dma_start3A_117, %dma_start3A_118] : memref<32x125x80xi32, #tpu.memory_space<hbm>> -> memref<1x40x80xi32, #tpu.memory_space<hbm>>
      %dma_start3A_120 = tpu.memref_squeeze %dma_start3A_119 : memref<1x40x80xi32, #tpu.memory_space<hbm>> -> memref<40x80xi32, #tpu.memory_space<hbm>>
      tpu.enqueue_dma source(%dma_start3A_120 : memref<40x80xi32, #tpu.memory_space<hbm>>) target(%dma_start3A_116 : memref<40x80xi32, #tpu.memory_space<vmem>>) target_semaphore(%run_scoped3A_106 : memref<!tpu.dma_semaphore, #tpu.memory_space<semaphore_mem>>)
      %dma_wait3A_121 = arith.constant 0 : i32
      %dma_wait3A_122 = arith.constant 0 : i32
      %dma_wait3A_123 = tpu.memref_slice %arg9[%dma_wait3A_121, %dma_wait3A_122] : memref<45x80xi32, #tpu.memory_space<vmem>> -> memref<40x80xi32, #tpu.memory_space<vmem>>
      %dma_wait3A_124 = arith.constant 0 : i32
      %dma_wait3A_125 = arith.constant 0 : i32
      %dma_wait3A_126 = tpu.memref_slice %arg4[%add3A, %dma_wait3A_124, %dma_wait3A_125] : memref<32x125x80xi32, #tpu.memory_space<hbm>> -> memref<1x40x80xi32, #tpu.memory_space<hbm>>
      %dma_wait3A_127 = tpu.memref_squeeze %dma_wait3A_126 : memref<1x40x80xi32, #tpu.memory_space<hbm>> -> memref<40x80xi32, #tpu.memory_space<hbm>>
      %dma_wait3A_128 = arith.constant 0 : i32
      %dma_wait3A_129 = arith.constant 0 : i32
      %dma_wait3A_130 = tpu.memref_slice %arg9[%dma_wait3A_128, %dma_wait3A_129] : memref<45x80xi32, #tpu.memory_space<vmem>> -> memref<40x80xi32, #tpu.memory_space<vmem>>
      %dma_wait3A_131 = arith.constant 0 : i32
      %dma_wait3A_132 = arith.constant 0 : i32
      %dma_wait3A_133 = tpu.memref_slice %arg4[%add3A, %dma_wait3A_131, %dma_wait3A_132] : memref<32x125x80xi32, #tpu.memory_space<hbm>> -> memref<1x40x80xi32, #tpu.memory_space<hbm>>
      %dma_wait3A_134 = tpu.memref_squeeze %dma_wait3A_133 : memref<1x40x80xi32, #tpu.memory_space<hbm>> -> memref<40x80xi32, #tpu.memory_space<hbm>>
      tpu.wait_dma2 semaphore(%run_scoped3A_106 : memref<!tpu.dma_semaphore, #tpu.memory_space<semaphore_mem>>) src(%dma_wait3A_134 : memref<40x80xi32, #tpu.memory_space<hbm>>) dst(%dma_wait3A_130 : memref<40x80xi32, #tpu.memory_space<vmem>>)
      tpu.yield
    }) : () -> ()
    %multiple_of3A_11 = arith.constant 0 : i32
    %multiple_of3A_12 = tpu.assume_multiple %multiple_of3A_11, 8 : i32
    %dma_start3A = tpu.memref_slice %arg8[%multiple_of3A_12] : memref<3600xi32, #tpu.memory_space<vmem>> -> memref<80xi32, #tpu.memory_space<vmem>>
    %dma_start3A_13 = arith.constant 0 : i32
    %dma_start3A_14 = arith.constant 0 : i32
    %dma_start3A_15 = tpu.memref_slice %arg2[%dma_start3A_13, %dma_start3A_14] : memref<10000x128xf32, #tpu.memory_space<hbm>> -> memref<10000x128xf32, #tpu.memory_space<hbm>>
    tpu.enqueue_indirect_dma source(%dma_start3A_15 : memref<10000x128xf32, #tpu.memory_space<hbm>>) target(%arg10 : memref<80x128xf32, #tpu.memory_space<vmem>>) offsets(%dma_start3A : memref<80xi32, #tpu.memory_space<vmem>>) semaphore(%arg13 : memref<!tpu.dma_semaphore, #tpu.memory_space<semaphore_mem>>)
    %scan3A = arith.constant 0 : i32
    %scan3A_16 = arith.constant 0 : i32
    %scan3A_17 = arith.constant 19 : i32
    %scan3A_18 = arith.addi %scan3A_16, %scan3A_17 : i32
    %scan3A_19 = arith.constant 1 : i32
    scf.for %scan3A_106 = %scan3A_16 to %scan3A_18 step %scan3A_19  : i32 {
      %mul3A_107 = arith.constant 2 : i32
      %mul3A_108 = arith.muli %mul3A_107, %scan3A_106 : i32
      %add3A_109 = arith.constant 1 : i32
      %add3A_110 = arith.addi %mul3A_108, %add3A_109 : i32
      %mul3A_111 = arith.constant 80 : i32
      %mul3A_112 = arith.muli %add3A_110, %mul3A_111 : i32
      %multiple_of3A_113 = tpu.assume_multiple %mul3A_112, 8 : i32
      %dma_start3A_114 = tpu.memref_slice %arg8[%multiple_of3A_113] : memref<3600xi32, #tpu.memory_space<vmem>> -> memref<80xi32, #tpu.memory_space<vmem>>
      %dma_start3A_115 = arith.constant 0 : i32
      %dma_start3A_116 = arith.constant 0 : i32
      %dma_start3A_117 = tpu.memref_slice %arg2[%dma_start3A_115, %dma_start3A_116] : memref<10000x128xf32, #tpu.memory_space<hbm>> -> memref<10000x128xf32, #tpu.memory_space<hbm>>
      tpu.enqueue_indirect_dma source(%dma_start3A_117 : memref<10000x128xf32, #tpu.memory_space<hbm>>) target(%arg11 : memref<80x128xf32, #tpu.memory_space<vmem>>) offsets(%dma_start3A_114 : memref<80xi32, #tpu.memory_space<vmem>>) semaphore(%arg14 : memref<!tpu.dma_semaphore, #tpu.memory_space<semaphore_mem>>)
      %dma_wait3A_118 = arith.constant 0 : i32
      %dma_wait3A_119 = tpu.memref_slice %arg8[%dma_wait3A_118] : memref<3600xi32, #tpu.memory_space<vmem>> -> memref<80xi32, #tpu.memory_space<vmem>>
      %dma_wait3A_120 = arith.constant 0 : i32
      %dma_wait3A_121 = arith.constant 0 : i32
      %dma_wait3A_122 = tpu.memref_slice %arg2[%dma_wait3A_120, %dma_wait3A_121] : memref<10000x128xf32, #tpu.memory_space<hbm>> -> memref<10000x128xf32, #tpu.memory_space<hbm>>
      tpu.wait_indirect_dma semaphore(%arg13 : memref<!tpu.dma_semaphore, #tpu.memory_space<semaphore_mem>>) src(%dma_wait3A_122 : memref<10000x128xf32, #tpu.memory_space<hbm>>) dst(%arg10 : memref<80x128xf32, #tpu.memory_space<vmem>>)
      %mul3A_123 = arith.constant 2 : i32
      %mul3A_124 = arith.muli %mul3A_123, %scan3A_106 : i32
      "tpu.region"() ({
        %run_scoped3A_145 = tpu.sem_alloc : memref<!tpu.dma_semaphore, #tpu.memory_space<semaphore_mem>>
        %dma_start3A_146 = arith.constant 0 : i32
        %dma_start3A_147 = tpu.memref_slice %arg9[%mul3A_124, %dma_start3A_146] : memref<45x80xi32, #tpu.memory_space<vmem>> -> memref<1x80xi32, #tpu.memory_space<vmem>>
        %dma_start3A_148 = tpu.memref_squeeze %dma_start3A_147 : memref<1x80xi32, #tpu.memory_space<vmem>> -> memref<80xi32, #tpu.memory_space<vmem>>
        %dma_start3A_149 = arith.constant 0 : i32
        %dma_start3A_150 = arith.constant 0 : i32
        %dma_start3A_151 = tpu.memref_slice %arg12[%dma_start3A_149, %dma_start3A_150] : memref<10000x128xf32, #tpu.memory_space<vmem_shared>> -> memref<10000x128xf32, #tpu.memory_space<vmem_shared>>
        tpu.enqueue_indirect_dma source(%arg10 : memref<80x128xf32, #tpu.memory_space<vmem>>) target(%dma_start3A_151 : memref<10000x128xf32, #tpu.memory_space<vmem_shared>>) offsets(%dma_start3A_148 : memref<80xi32, #tpu.memory_space<vmem>>) semaphore(%run_scoped3A_145 : memref<!tpu.dma_semaphore, #tpu.memory_space<semaphore_mem>>) {add = true}
        %dma_wait3A_152 = arith.constant 0 : i32
        %dma_wait3A_153 = tpu.memref_slice %arg9[%mul3A_124, %dma_wait3A_152] : memref<45x80xi32, #tpu.memory_space<vmem>> -> memref<1x80xi32, #tpu.memory_space<vmem>>
        %dma_wait3A_154 = tpu.memref_squeeze %dma_wait3A_153 : memref<1x80xi32, #tpu.memory_space<vmem>> -> memref<80xi32, #tpu.memory_space<vmem>>
        %dma_wait3A_155 = arith.constant 0 : i32
        %dma_wait3A_156 = arith.constant 0 : i32
        %dma_wait3A_157 = tpu.memref_slice %arg12[%dma_wait3A_155, %dma_wait3A_156] : memref<10000x128xf32, #tpu.memory_space<vmem_shared>> -> memref<10000x128xf32, #tpu.memory_space<vmem_shared>>
        tpu.wait_indirect_dma semaphore(%run_scoped3A_145 : memref<!tpu.dma_semaphore, #tpu.memory_space<semaphore_mem>>) src(%arg10 : memref<80x128xf32, #tpu.memory_space<vmem>>) dst(%dma_wait3A_157 : memref<10000x128xf32, #tpu.memory_space<vmem_shared>>)
        tpu.yield
      }) : () -> ()
      %mul3A_125 = arith.constant 2 : i32
      %mul3A_126 = arith.muli %mul3A_125, %scan3A_106 : i32
      %add3A_127 = arith.constant 2 : i32
      %add3A_128 = arith.addi %mul3A_126, %add3A_127 : i32
      %mul3A_129 = arith.constant 80 : i32
      %mul3A_130 = arith.muli %add3A_128, %mul3A_129 : i32
      %multiple_of3A_131 = tpu.assume_multiple %mul3A_130, 8 : i32
      %dma_start3A_132 = tpu.memref_slice %arg8[%multiple_of3A_131] : memref<3600xi32, #tpu.memory_space<vmem>> -> memref<80xi32, #tpu.memory_space<vmem>>
      %dma_start3A_133 = arith.constant 0 : i32
      %dma_start3A_134 = arith.constant 0 : i32
      %dma_start3A_135 = tpu.memref_slice %arg2[%dma_start3A_133, %dma_start3A_134] : memref<10000x128xf32, #tpu.memory_space<hbm>> -> memref<10000x128xf32, #tpu.memory_space<hbm>>
      tpu.enqueue_indirect_dma source(%dma_start3A_135 : memref<10000x128xf32, #tpu.memory_space<hbm>>) target(%arg10 : memref<80x128xf32, #tpu.memory_space<vmem>>) offsets(%dma_start3A_132 : memref<80xi32, #tpu.memory_space<vmem>>) semaphore(%arg13 : memref<!tpu.dma_semaphore, #tpu.memory_space<semaphore_mem>>)
      %dma_wait3A_136 = arith.constant 0 : i32
      %dma_wait3A_137 = tpu.memref_slice %arg8[%dma_wait3A_136] : memref<3600xi32, #tpu.memory_space<vmem>> -> memref<80xi32, #tpu.memory_space<vmem>>
      %dma_wait3A_138 = arith.constant 0 : i32
      %dma_wait3A_139 = arith.constant 0 : i32
      %dma_wait3A_140 = tpu.memref_slice %arg2[%dma_wait3A_138, %dma_wait3A_139] : memref<10000x128xf32, #tpu.memory_space<hbm>> -> memref<10000x128xf32, #tpu.memory_space<hbm>>
      tpu.wait_indirect_dma semaphore(%arg14 : memref<!tpu.dma_semaphore, #tpu.memory_space<semaphore_mem>>) src(%dma_wait3A_140 : memref<10000x128xf32, #tpu.memory_space<hbm>>) dst(%arg11 : memref<80x128xf32, #tpu.memory_space<vmem>>)
      %mul3A_141 = arith.constant 2 : i32
      %mul3A_142 = arith.muli %mul3A_141, %scan3A_106 : i32
      %add3A_143 = arith.constant 1 : i32
      %add3A_144 = arith.addi %mul3A_142, %add3A_143 : i32
      "tpu.region"() ({
        %run_scoped3A_145 = tpu.sem_alloc : memref<!tpu.dma_semaphore, #tpu.memory_space<semaphore_mem>>
        %dma_start3A_146 = arith.constant 0 : i32
        %dma_start3A_147 = tpu.memref_slice %arg9[%add3A_144, %dma_start3A_146] : memref<45x80xi32, #tpu.memory_space<vmem>> -> memref<1x80xi32, #tpu.memory_space<vmem>>
        %dma_start3A_148 = tpu.memref_squeeze %dma_start3A_147 : memref<1x80xi32, #tpu.memory_space<vmem>> -> memref<80xi32, #tpu.memory_space<vmem>>
        %dma_start3A_149 = arith.constant 0 : i32
        %dma_start3A_150 = arith.constant 0 : i32
        %dma_start3A_151 = tpu.memref_slice %arg12[%dma_start3A_149, %dma_start3A_150] : memref<10000x128xf32, #tpu.memory_space<vmem_shared>> -> memref<10000x128xf32, #tpu.memory_space<vmem_shared>>
        tpu.enqueue_indirect_dma source(%arg11 : memref<80x128xf32, #tpu.memory_space<vmem>>) target(%dma_start3A_151 : memref<10000x128xf32, #tpu.memory_space<vmem_shared>>) offsets(%dma_start3A_148 : memref<80xi32, #tpu.memory_space<vmem>>) semaphore(%run_scoped3A_145 : memref<!tpu.dma_semaphore, #tpu.memory_space<semaphore_mem>>) {add = true}
        %dma_wait3A_152 = arith.constant 0 : i32
        %dma_wait3A_153 = tpu.memref_slice %arg9[%add3A_144, %dma_wait3A_152] : memref<45x80xi32, #tpu.memory_space<vmem>> -> memref<1x80xi32, #tpu.memory_space<vmem>>
        %dma_wait3A_154 = tpu.memref_squeeze %dma_wait3A_153 : memref<1x80xi32, #tpu.memory_space<vmem>> -> memref<80xi32, #tpu.memory_space<vmem>>
        %dma_wait3A_155 = arith.constant 0 : i32
        %dma_wait3A_156 = arith.constant 0 : i32
        %dma_wait3A_157 = tpu.memref_slice %arg12[%dma_wait3A_155, %dma_wait3A_156] : memref<10000x128xf32, #tpu.memory_space<vmem_shared>> -> memref<10000x128xf32, #tpu.memory_space<vmem_shared>>
        tpu.wait_indirect_dma semaphore(%run_scoped3A_145 : memref<!tpu.dma_semaphore, #tpu.memory_space<semaphore_mem>>) src(%arg11 : memref<80x128xf32, #tpu.memory_space<vmem>>) dst(%dma_wait3A_157 : memref<10000x128xf32, #tpu.memory_space<vmem_shared>>)
        tpu.yield
      }) : () -> ()
    }
    %scan3A_20 = arith.constant 19 : i32
    %multiple_of3A_21 = arith.constant 3120 : i32
    %multiple_of3A_22 = tpu.assume_multiple %multiple_of3A_21, 8 : i32
    %dma_start3A_23 = tpu.memref_slice %arg8[%multiple_of3A_22] : memref<3600xi32, #tpu.memory_space<vmem>> -> memref<80xi32, #tpu.memory_space<vmem>>
    %dma_start3A_24 = arith.constant 0 : i32
    %dma_start3A_25 = arith.constant 0 : i32
    %dma_start3A_26 = tpu.memref_slice %arg2[%dma_start3A_24, %dma_start3A_25] : memref<10000x128xf32, #tpu.memory_space<hbm>> -> memref<10000x128xf32, #tpu.memory_space<hbm>>
    tpu.enqueue_indirect_dma source(%dma_start3A_26 : memref<10000x128xf32, #tpu.memory_space<hbm>>) target(%arg11 : memref<80x128xf32, #tpu.memory_space<vmem>>) offsets(%dma_start3A_23 : memref<80xi32, #tpu.memory_space<vmem>>) semaphore(%arg14 : memref<!tpu.dma_semaphore, #tpu.memory_space<semaphore_mem>>)
    %dma_wait3A = arith.constant 0 : i32
    %dma_wait3A_27 = tpu.memref_slice %arg8[%dma_wait3A] : memref<3600xi32, #tpu.memory_space<vmem>> -> memref<80xi32, #tpu.memory_space<vmem>>
    %dma_wait3A_28 = arith.constant 0 : i32
    %dma_wait3A_29 = arith.constant 0 : i32
    %dma_wait3A_30 = tpu.memref_slice %arg2[%dma_wait3A_28, %dma_wait3A_29] : memref<10000x128xf32, #tpu.memory_space<hbm>> -> memref<10000x128xf32, #tpu.memory_space<hbm>>
    tpu.wait_indirect_dma semaphore(%arg13 : memref<!tpu.dma_semaphore, #tpu.memory_space<semaphore_mem>>) src(%dma_wait3A_30 : memref<10000x128xf32, #tpu.memory_space<hbm>>) dst(%arg10 : memref<80x128xf32, #tpu.memory_space<vmem>>)
    %run_scoped3A = arith.constant 38 : i32
    "tpu.region"() ({
      %run_scoped3A_106 = tpu.sem_alloc : memref<!tpu.dma_semaphore, #tpu.memory_space<semaphore_mem>>
      %dma_start3A_107 = arith.constant 0 : i32
      %dma_start3A_108 = tpu.memref_slice %arg9[%run_scoped3A, %dma_start3A_107] : memref<45x80xi32, #tpu.memory_space<vmem>> -> memref<1x80xi32, #tpu.memory_space<vmem>>
      %dma_start3A_109 = tpu.memref_squeeze %dma_start3A_108 : memref<1x80xi32, #tpu.memory_space<vmem>> -> memref<80xi32, #tpu.memory_space<vmem>>
      %dma_start3A_110 = arith.constant 0 : i32
      %dma_start3A_111 = arith.constant 0 : i32
      %dma_start3A_112 = tpu.memref_slice %arg12[%dma_start3A_110, %dma_start3A_111] : memref<10000x128xf32, #tpu.memory_space<vmem_shared>> -> memref<10000x128xf32, #tpu.memory_space<vmem_shared>>
      tpu.enqueue_indirect_dma source(%arg10 : memref<80x128xf32, #tpu.memory_space<vmem>>) target(%dma_start3A_112 : memref<10000x128xf32, #tpu.memory_space<vmem_shared>>) offsets(%dma_start3A_109 : memref<80xi32, #tpu.memory_space<vmem>>) semaphore(%run_scoped3A_106 : memref<!tpu.dma_semaphore, #tpu.memory_space<semaphore_mem>>) {add = true}
      %dma_wait3A_113 = arith.constant 0 : i32
      %dma_wait3A_114 = tpu.memref_slice %arg9[%run_scoped3A, %dma_wait3A_113] : memref<45x80xi32, #tpu.memory_space<vmem>> -> memref<1x80xi32, #tpu.memory_space<vmem>>
      %dma_wait3A_115 = tpu.memref_squeeze %dma_wait3A_114 : memref<1x80xi32, #tpu.memory_space<vmem>> -> memref<80xi32, #tpu.memory_space<vmem>>
      %dma_wait3A_116 = arith.constant 0 : i32
      %dma_wait3A_117 = arith.constant 0 : i32
      %dma_wait3A_118 = tpu.memref_slice %arg12[%dma_wait3A_116, %dma_wait3A_117] : memref<10000x128xf32, #tpu.memory_space<vmem_shared>> -> memref<10000x128xf32, #tpu.memory_space<vmem_shared>>
      tpu.wait_indirect_dma semaphore(%run_scoped3A_106 : memref<!tpu.dma_semaphore, #tpu.memory_space<semaphore_mem>>) src(%arg10 : memref<80x128xf32, #tpu.memory_space<vmem>>) dst(%dma_wait3A_118 : memref<10000x128xf32, #tpu.memory_space<vmem_shared>>)
      tpu.yield
    }) : () -> ()
    %dma_wait3A_31 = arith.constant 0 : i32
    %dma_wait3A_32 = tpu.memref_slice %arg8[%dma_wait3A_31] : memref<3600xi32, #tpu.memory_space<vmem>> -> memref<80xi32, #tpu.memory_space<vmem>>
    %dma_wait3A_33 = arith.constant 0 : i32
    %dma_wait3A_34 = arith.constant 0 : i32
    %dma_wait3A_35 = tpu.memref_slice %arg2[%dma_wait3A_33, %dma_wait3A_34] : memref<10000x128xf32, #tpu.memory_space<hbm>> -> memref<10000x128xf32, #tpu.memory_space<hbm>>
    tpu.wait_indirect_dma semaphore(%arg14 : memref<!tpu.dma_semaphore, #tpu.memory_space<semaphore_mem>>) src(%dma_wait3A_35 : memref<10000x128xf32, #tpu.memory_space<hbm>>) dst(%arg11 : memref<80x128xf32, #tpu.memory_space<vmem>>)
    %run_scoped3A_36 = arith.constant 39 : i32
    "tpu.region"() ({
      %run_scoped3A_106 = tpu.sem_alloc : memref<!tpu.dma_semaphore, #tpu.memory_space<semaphore_mem>>
      %dma_start3A_107 = arith.constant 0 : i32
      %dma_start3A_108 = tpu.memref_slice %arg9[%run_scoped3A_36, %dma_start3A_107] : memref<45x80xi32, #tpu.memory_space<vmem>> -> memref<1x80xi32, #tpu.memory_space<vmem>>
      %dma_start3A_109 = tpu.memref_squeeze %dma_start3A_108 : memref<1x80xi32, #tpu.memory_space<vmem>> -> memref<80xi32, #tpu.memory_space<vmem>>
      %dma_start3A_110 = arith.constant 0 : i32
      %dma_start3A_111 = arith.constant 0 : i32
      %dma_start3A_112 = tpu.memref_slice %arg12[%dma_start3A_110, %dma_start3A_111] : memref<10000x128xf32, #tpu.memory_space<vmem_shared>> -> memref<10000x128xf32, #tpu.memory_space<vmem_shared>>
      tpu.enqueue_indirect_dma source(%arg11 : memref<80x128xf32, #tpu.memory_space<vmem>>) target(%dma_start3A_112 : memref<10000x128xf32, #tpu.memory_space<vmem_shared>>) offsets(%dma_start3A_109 : memref<80xi32, #tpu.memory_space<vmem>>) semaphore(%run_scoped3A_106 : memref<!tpu.dma_semaphore, #tpu.memory_space<semaphore_mem>>) {add = true}
      %dma_wait3A_113 = arith.constant 0 : i32
      %dma_wait3A_114 = tpu.memref_slice %arg9[%run_scoped3A_36, %dma_wait3A_113] : memref<45x80xi32, #tpu.memory_space<vmem>> -> memref<1x80xi32, #tpu.memory_space<vmem>>
      %dma_wait3A_115 = tpu.memref_squeeze %dma_wait3A_114 : memref<1x80xi32, #tpu.memory_space<vmem>> -> memref<80xi32, #tpu.memory_space<vmem>>
      %dma_wait3A_116 = arith.constant 0 : i32
      %dma_wait3A_117 = arith.constant 0 : i32
      %dma_wait3A_118 = tpu.memref_slice %arg12[%dma_wait3A_116, %dma_wait3A_117] : memref<10000x128xf32, #tpu.memory_space<vmem_shared>> -> memref<10000x128xf32, #tpu.memory_space<vmem_shared>>
      tpu.wait_indirect_dma semaphore(%run_scoped3A_106 : memref<!tpu.dma_semaphore, #tpu.memory_space<semaphore_mem>>) src(%arg11 : memref<80x128xf32, #tpu.memory_space<vmem>>) dst(%dma_wait3A_118 : memref<10000x128xf32, #tpu.memory_space<vmem_shared>>)
      tpu.yield
    }) : () -> ()
    %mul3A_37 = arith.constant 10000 : i32
    %mul3A_38 = arith.muli %add3A, %mul3A_37 : i32
    %add3A_39 = arith.constant 3200 : i32
    %add3A_40 = arith.addi %mul3A_38, %add3A_39 : i32
    %multiple_of3A_41 = tpu.assume_multiple %add3A_40, 8 : i32
    "tpu.region"() ({
      %run_scoped3A_106 = tpu.sem_alloc : memref<!tpu.dma_semaphore, #tpu.memory_space<semaphore_mem>>
      %dma_start3A_107 = arith.constant 0 : i32
      %dma_start3A_108 = tpu.memref_slice %arg8[%dma_start3A_107] : memref<3600xi32, #tpu.memory_space<vmem>> -> memref<3200xi32, #tpu.memory_space<vmem>>
      %dma_start3A_109 = tpu.memref_slice %arg3[%multiple_of3A_41] : memref<320000xi32, #tpu.memory_space<hbm>> -> memref<3200xi32, #tpu.memory_space<hbm>>
      %dma_start3A_110 = arith.constant 0 : i32
      %dma_start3A_111 = tpu.memref_slice %arg8[%dma_start3A_110] : memref<3600xi32, #tpu.memory_space<vmem>> -> memref<3200xi32, #tpu.memory_space<vmem>>
      %dma_start3A_112 = tpu.memref_slice %arg3[%multiple_of3A_41] : memref<320000xi32, #tpu.memory_space<hbm>> -> memref<3200xi32, #tpu.memory_space<hbm>>
      tpu.enqueue_dma source(%dma_start3A_112 : memref<3200xi32, #tpu.memory_space<hbm>>) target(%dma_start3A_111 : memref<3200xi32, #tpu.memory_space<vmem>>) target_semaphore(%run_scoped3A_106 : memref<!tpu.dma_semaphore, #tpu.memory_space<semaphore_mem>>)
      %dma_wait3A_113 = arith.constant 0 : i32
      %dma_wait3A_114 = tpu.memref_slice %arg8[%dma_wait3A_113] : memref<3600xi32, #tpu.memory_space<vmem>> -> memref<3200xi32, #tpu.memory_space<vmem>>
      %dma_wait3A_115 = tpu.memref_slice %arg3[%multiple_of3A_41] : memref<320000xi32, #tpu.memory_space<hbm>> -> memref<3200xi32, #tpu.memory_space<hbm>>
      %dma_wait3A_116 = arith.constant 0 : i32
      %dma_wait3A_117 = tpu.memref_slice %arg8[%dma_wait3A_116] : memref<3600xi32, #tpu.memory_space<vmem>> -> memref<3200xi32, #tpu.memory_space<vmem>>
      %dma_wait3A_118 = tpu.memref_slice %arg3[%multiple_of3A_41] : memref<320000xi32, #tpu.memory_space<hbm>> -> memref<3200xi32, #tpu.memory_space<hbm>>
      tpu.wait_dma2 semaphore(%run_scoped3A_106 : memref<!tpu.dma_semaphore, #tpu.memory_space<semaphore_mem>>) src(%dma_wait3A_118 : memref<3200xi32, #tpu.memory_space<hbm>>) dst(%dma_wait3A_117 : memref<3200xi32, #tpu.memory_space<vmem>>)
      tpu.yield
    }) : () -> ()
    "tpu.region"() ({
      %run_scoped3A_106 = tpu.sem_alloc : memref<!tpu.dma_semaphore, #tpu.memory_space<semaphore_mem>>
      %dma_start3A_107 = arith.constant 0 : i32
      %dma_start3A_108 = arith.constant 0 : i32
      %dma_start3A_109 = tpu.memref_slice %arg9[%dma_start3A_107, %dma_start3A_108] : memref<45x80xi32, #tpu.memory_space<vmem>> -> memref<40x80xi32, #tpu.memory_space<vmem>>
      %dma_start3A_110 = arith.constant 40 : i32
      %dma_start3A_111 = arith.constant 0 : i32
      %dma_start3A_112 = tpu.memref_slice %arg4[%add3A, %dma_start3A_110, %dma_start3A_111] : memref<32x125x80xi32, #tpu.memory_space<hbm>> -> memref<1x40x80xi32, #tpu.memory_space<hbm>>
      %dma_start3A_113 = tpu.memref_squeeze %dma_start3A_112 : memref<1x40x80xi32, #tpu.memory_space<hbm>> -> memref<40x80xi32, #tpu.memory_space<hbm>>
      %dma_start3A_114 = arith.constant 0 : i32
      %dma_start3A_115 = arith.constant 0 : i32
      %dma_start3A_116 = tpu.memref_slice %arg9[%dma_start3A_114, %dma_start3A_115] : memref<45x80xi32, #tpu.memory_space<vmem>> -> memref<40x80xi32, #tpu.memory_space<vmem>>
      %dma_start3A_117 = arith.constant 40 : i32
      %dma_start3A_118 = arith.constant 0 : i32
      %dma_start3A_119 = tpu.memref_slice %arg4[%add3A, %dma_start3A_117, %dma_start3A_118] : memref<32x125x80xi32, #tpu.memory_space<hbm>> -> memref<1x40x80xi32, #tpu.memory_space<hbm>>
      %dma_start3A_120 = tpu.memref_squeeze %dma_start3A_119 : memref<1x40x80xi32, #tpu.memory_space<hbm>> -> memref<40x80xi32, #tpu.memory_space<hbm>>
      tpu.enqueue_dma source(%dma_start3A_120 : memref<40x80xi32, #tpu.memory_space<hbm>>) target(%dma_start3A_116 : memref<40x80xi32, #tpu.memory_space<vmem>>) target_semaphore(%run_scoped3A_106 : memref<!tpu.dma_semaphore, #tpu.memory_space<semaphore_mem>>)
      %dma_wait3A_121 = arith.constant 0 : i32
      %dma_wait3A_122 = arith.constant 0 : i32
      %dma_wait3A_123 = tpu.memref_slice %arg9[%dma_wait3A_121, %dma_wait3A_122] : memref<45x80xi32, #tpu.memory_space<vmem>> -> memref<40x80xi32, #tpu.memory_space<vmem>>
      %dma_wait3A_124 = arith.constant 40 : i32
      %dma_wait3A_125 = arith.constant 0 : i32
      %dma_wait3A_126 = tpu.memref_slice %arg4[%add3A, %dma_wait3A_124, %dma_wait3A_125] : memref<32x125x80xi32, #tpu.memory_space<hbm>> -> memref<1x40x80xi32, #tpu.memory_space<hbm>>
      %dma_wait3A_127 = tpu.memref_squeeze %dma_wait3A_126 : memref<1x40x80xi32, #tpu.memory_space<hbm>> -> memref<40x80xi32, #tpu.memory_space<hbm>>
      %dma_wait3A_128 = arith.constant 0 : i32
      %dma_wait3A_129 = arith.constant 0 : i32
      %dma_wait3A_130 = tpu.memref_slice %arg9[%dma_wait3A_128, %dma_wait3A_129] : memref<45x80xi32, #tpu.memory_space<vmem>> -> memref<40x80xi32, #tpu.memory_space<vmem>>
      %dma_wait3A_131 = arith.constant 40 : i32
      %dma_wait3A_132 = arith.constant 0 : i32
      %dma_wait3A_133 = tpu.memref_slice %arg4[%add3A, %dma_wait3A_131, %dma_wait3A_132] : memref<32x125x80xi32, #tpu.memory_space<hbm>> -> memref<1x40x80xi32, #tpu.memory_space<hbm>>
      %dma_wait3A_134 = tpu.memref_squeeze %dma_wait3A_133 : memref<1x40x80xi32, #tpu.memory_space<hbm>> -> memref<40x80xi32, #tpu.memory_space<hbm>>
      tpu.wait_dma2 semaphore(%run_scoped3A_106 : memref<!tpu.dma_semaphore, #tpu.memory_space<semaphore_mem>>) src(%dma_wait3A_134 : memref<40x80xi32, #tpu.memory_space<hbm>>) dst(%dma_wait3A_130 : memref<40x80xi32, #tpu.memory_space<vmem>>)
      tpu.yield
    }) : () -> ()
    %multiple_of3A_42 = arith.constant 0 : i32
    %multiple_of3A_43 = tpu.assume_multiple %multiple_of3A_42, 8 : i32
    %dma_start3A_44 = tpu.memref_slice %arg8[%multiple_of3A_43] : memref<3600xi32, #tpu.memory_space<vmem>> -> memref<80xi32, #tpu.memory_space<vmem>>
    %dma_start3A_45 = arith.constant 0 : i32
    %dma_start3A_46 = arith.constant 0 : i32
    %dma_start3A_47 = tpu.memref_slice %arg2[%dma_start3A_45, %dma_start3A_46] : memref<10000x128xf32, #tpu.memory_space<hbm>> -> memref<10000x128xf32, #tpu.memory_space<hbm>>
    tpu.enqueue_indirect_dma source(%dma_start3A_47 : memref<10000x128xf32, #tpu.memory_space<hbm>>) target(%arg10 : memref<80x128xf32, #tpu.memory_space<vmem>>) offsets(%dma_start3A_44 : memref<80xi32, #tpu.memory_space<vmem>>) semaphore(%arg13 : memref<!tpu.dma_semaphore, #tpu.memory_space<semaphore_mem>>)
    %scan3A_48 = arith.constant 0 : i32
    %scan3A_49 = arith.constant 0 : i32
    %scan3A_50 = arith.constant 19 : i32
    %scan3A_51 = arith.addi %scan3A_49, %scan3A_50 : i32
    %scan3A_52 = arith.constant 1 : i32
    scf.for %scan3A_106 = %scan3A_49 to %scan3A_51 step %scan3A_52  : i32 {
      %mul3A_107 = arith.constant 2 : i32
      %mul3A_108 = arith.muli %mul3A_107, %scan3A_106 : i32
      %add3A_109 = arith.constant 1 : i32
      %add3A_110 = arith.addi %mul3A_108, %add3A_109 : i32
      %mul3A_111 = arith.constant 80 : i32
      %mul3A_112 = arith.muli %add3A_110, %mul3A_111 : i32
      %multiple_of3A_113 = tpu.assume_multiple %mul3A_112, 8 : i32
      %dma_start3A_114 = tpu.memref_slice %arg8[%multiple_of3A_113] : memref<3600xi32, #tpu.memory_space<vmem>> -> memref<80xi32, #tpu.memory_space<vmem>>
      %dma_start3A_115 = arith.constant 0 : i32
      %dma_start3A_116 = arith.constant 0 : i32
      %dma_start3A_117 = tpu.memref_slice %arg2[%dma_start3A_115, %dma_start3A_116] : memref<10000x128xf32, #tpu.memory_space<hbm>> -> memref<10000x128xf32, #tpu.memory_space<hbm>>
      tpu.enqueue_indirect_dma source(%dma_start3A_117 : memref<10000x128xf32, #tpu.memory_space<hbm>>) target(%arg11 : memref<80x128xf32, #tpu.memory_space<vmem>>) offsets(%dma_start3A_114 : memref<80xi32, #tpu.memory_space<vmem>>) semaphore(%arg14 : memref<!tpu.dma_semaphore, #tpu.memory_space<semaphore_mem>>)
      %dma_wait3A_118 = arith.constant 0 : i32
      %dma_wait3A_119 = tpu.memref_slice %arg8[%dma_wait3A_118] : memref<3600xi32, #tpu.memory_space<vmem>> -> memref<80xi32, #tpu.memory_space<vmem>>
      %dma_wait3A_120 = arith.constant 0 : i32
      %dma_wait3A_121 = arith.constant 0 : i32
      %dma_wait3A_122 = tpu.memref_slice %arg2[%dma_wait3A_120, %dma_wait3A_121] : memref<10000x128xf32, #tpu.memory_space<hbm>> -> memref<10000x128xf32, #tpu.memory_space<hbm>>
      tpu.wait_indirect_dma semaphore(%arg13 : memref<!tpu.dma_semaphore, #tpu.memory_space<semaphore_mem>>) src(%dma_wait3A_122 : memref<10000x128xf32, #tpu.memory_space<hbm>>) dst(%arg10 : memref<80x128xf32, #tpu.memory_space<vmem>>)
      %mul3A_123 = arith.constant 2 : i32
      %mul3A_124 = arith.muli %mul3A_123, %scan3A_106 : i32
      "tpu.region"() ({
        %run_scoped3A_145 = tpu.sem_alloc : memref<!tpu.dma_semaphore, #tpu.memory_space<semaphore_mem>>
        %dma_start3A_146 = arith.constant 0 : i32
        %dma_start3A_147 = tpu.memref_slice %arg9[%mul3A_124, %dma_start3A_146] : memref<45x80xi32, #tpu.memory_space<vmem>> -> memref<1x80xi32, #tpu.memory_space<vmem>>
        %dma_start3A_148 = tpu.memref_squeeze %dma_start3A_147 : memref<1x80xi32, #tpu.memory_space<vmem>> -> memref<80xi32, #tpu.memory_space<vmem>>
        %dma_start3A_149 = arith.constant 0 : i32
        %dma_start3A_150 = arith.constant 0 : i32
        %dma_start3A_151 = tpu.memref_slice %arg12[%dma_start3A_149, %dma_start3A_150] : memref<10000x128xf32, #tpu.memory_space<vmem_shared>> -> memref<10000x128xf32, #tpu.memory_space<vmem_shared>>
        tpu.enqueue_indirect_dma source(%arg10 : memref<80x128xf32, #tpu.memory_space<vmem>>) target(%dma_start3A_151 : memref<10000x128xf32, #tpu.memory_space<vmem_shared>>) offsets(%dma_start3A_148 : memref<80xi32, #tpu.memory_space<vmem>>) semaphore(%run_scoped3A_145 : memref<!tpu.dma_semaphore, #tpu.memory_space<semaphore_mem>>) {add = true}
        %dma_wait3A_152 = arith.constant 0 : i32
        %dma_wait3A_153 = tpu.memref_slice %arg9[%mul3A_124, %dma_wait3A_152] : memref<45x80xi32, #tpu.memory_space<vmem>> -> memref<1x80xi32, #tpu.memory_space<vmem>>
        %dma_wait3A_154 = tpu.memref_squeeze %dma_wait3A_153 : memref<1x80xi32, #tpu.memory_space<vmem>> -> memref<80xi32, #tpu.memory_space<vmem>>
        %dma_wait3A_155 = arith.constant 0 : i32
        %dma_wait3A_156 = arith.constant 0 : i32
        %dma_wait3A_157 = tpu.memref_slice %arg12[%dma_wait3A_155, %dma_wait3A_156] : memref<10000x128xf32, #tpu.memory_space<vmem_shared>> -> memref<10000x128xf32, #tpu.memory_space<vmem_shared>>
        tpu.wait_indirect_dma semaphore(%run_scoped3A_145 : memref<!tpu.dma_semaphore, #tpu.memory_space<semaphore_mem>>) src(%arg10 : memref<80x128xf32, #tpu.memory_space<vmem>>) dst(%dma_wait3A_157 : memref<10000x128xf32, #tpu.memory_space<vmem_shared>>)
        tpu.yield
      }) : () -> ()
      %mul3A_125 = arith.constant 2 : i32
      %mul3A_126 = arith.muli %mul3A_125, %scan3A_106 : i32
      %add3A_127 = arith.constant 2 : i32
      %add3A_128 = arith.addi %mul3A_126, %add3A_127 : i32
      %mul3A_129 = arith.constant 80 : i32
      %mul3A_130 = arith.muli %add3A_128, %mul3A_129 : i32
      %multiple_of3A_131 = tpu.assume_multiple %mul3A_130, 8 : i32
      %dma_start3A_132 = tpu.memref_slice %arg8[%multiple_of3A_131] : memref<3600xi32, #tpu.memory_space<vmem>> -> memref<80xi32, #tpu.memory_space<vmem>>
      %dma_start3A_133 = arith.constant 0 : i32
      %dma_start3A_134 = arith.constant 0 : i32
      %dma_start3A_135 = tpu.memref_slice %arg2[%dma_start3A_133, %dma_start3A_134] : memref<10000x128xf32, #tpu.memory_space<hbm>> -> memref<10000x128xf32, #tpu.memory_space<hbm>>
      tpu.enqueue_indirect_dma source(%dma_start3A_135 : memref<10000x128xf32, #tpu.memory_space<hbm>>) target(%arg10 : memref<80x128xf32, #tpu.memory_space<vmem>>) offsets(%dma_start3A_132 : memref<80xi32, #tpu.memory_space<vmem>>) semaphore(%arg13 : memref<!tpu.dma_semaphore, #tpu.memory_space<semaphore_mem>>)
      %dma_wait3A_136 = arith.constant 0 : i32
      %dma_wait3A_137 = tpu.memref_slice %arg8[%dma_wait3A_136] : memref<3600xi32, #tpu.memory_space<vmem>> -> memref<80xi32, #tpu.memory_space<vmem>>
      %dma_wait3A_138 = arith.constant 0 : i32
      %dma_wait3A_139 = arith.constant 0 : i32
      %dma_wait3A_140 = tpu.memref_slice %arg2[%dma_wait3A_138, %dma_wait3A_139] : memref<10000x128xf32, #tpu.memory_space<hbm>> -> memref<10000x128xf32, #tpu.memory_space<hbm>>
      tpu.wait_indirect_dma semaphore(%arg14 : memref<!tpu.dma_semaphore, #tpu.memory_space<semaphore_mem>>) src(%dma_wait3A_140 : memref<10000x128xf32, #tpu.memory_space<hbm>>) dst(%arg11 : memref<80x128xf32, #tpu.memory_space<vmem>>)
      %mul3A_141 = arith.constant 2 : i32
      %mul3A_142 = arith.muli %mul3A_141, %scan3A_106 : i32
      %add3A_143 = arith.constant 1 : i32
      %add3A_144 = arith.addi %mul3A_142, %add3A_143 : i32
      "tpu.region"() ({
        %run_scoped3A_145 = tpu.sem_alloc : memref<!tpu.dma_semaphore, #tpu.memory_space<semaphore_mem>>
        %dma_start3A_146 = arith.constant 0 : i32
        %dma_start3A_147 = tpu.memref_slice %arg9[%add3A_144, %dma_start3A_146] : memref<45x80xi32, #tpu.memory_space<vmem>> -> memref<1x80xi32, #tpu.memory_space<vmem>>
        %dma_start3A_148 = tpu.memref_squeeze %dma_start3A_147 : memref<1x80xi32, #tpu.memory_space<vmem>> -> memref<80xi32, #tpu.memory_space<vmem>>
        %dma_start3A_149 = arith.constant 0 : i32
        %dma_start3A_150 = arith.constant 0 : i32
        %dma_start3A_151 = tpu.memref_slice %arg12[%dma_start3A_149, %dma_start3A_150] : memref<10000x128xf32, #tpu.memory_space<vmem_shared>> -> memref<10000x128xf32, #tpu.memory_space<vmem_shared>>
        tpu.enqueue_indirect_dma source(%arg11 : memref<80x128xf32, #tpu.memory_space<vmem>>) target(%dma_start3A_151 : memref<10000x128xf32, #tpu.memory_space<vmem_shared>>) offsets(%dma_start3A_148 : memref<80xi32, #tpu.memory_space<vmem>>) semaphore(%run_scoped3A_145 : memref<!tpu.dma_semaphore, #tpu.memory_space<semaphore_mem>>) {add = true}
        %dma_wait3A_152 = arith.constant 0 : i32
        %dma_wait3A_153 = tpu.memref_slice %arg9[%add3A_144, %dma_wait3A_152] : memref<45x80xi32, #tpu.memory_space<vmem>> -> memref<1x80xi32, #tpu.memory_space<vmem>>
        %dma_wait3A_154 = tpu.memref_squeeze %dma_wait3A_153 : memref<1x80xi32, #tpu.memory_space<vmem>> -> memref<80xi32, #tpu.memory_space<vmem>>
        %dma_wait3A_155 = arith.constant 0 : i32
        %dma_wait3A_156 = arith.constant 0 : i32
        %dma_wait3A_157 = tpu.memref_slice %arg12[%dma_wait3A_155, %dma_wait3A_156] : memref<10000x128xf32, #tpu.memory_space<vmem_shared>> -> memref<10000x128xf32, #tpu.memory_space<vmem_shared>>
        tpu.wait_indirect_dma semaphore(%run_scoped3A_145 : memref<!tpu.dma_semaphore, #tpu.memory_space<semaphore_mem>>) src(%arg11 : memref<80x128xf32, #tpu.memory_space<vmem>>) dst(%dma_wait3A_157 : memref<10000x128xf32, #tpu.memory_space<vmem_shared>>)
        tpu.yield
      }) : () -> ()
    }
    %scan3A_53 = arith.constant 19 : i32
    %multiple_of3A_54 = arith.constant 3120 : i32
    %multiple_of3A_55 = tpu.assume_multiple %multiple_of3A_54, 8 : i32
    %dma_start3A_56 = tpu.memref_slice %arg8[%multiple_of3A_55] : memref<3600xi32, #tpu.memory_space<vmem>> -> memref<80xi32, #tpu.memory_space<vmem>>
    %dma_start3A_57 = arith.constant 0 : i32
    %dma_start3A_58 = arith.constant 0 : i32
    %dma_start3A_59 = tpu.memref_slice %arg2[%dma_start3A_57, %dma_start3A_58] : memref<10000x128xf32, #tpu.memory_space<hbm>> -> memref<10000x128xf32, #tpu.memory_space<hbm>>
    tpu.enqueue_indirect_dma source(%dma_start3A_59 : memref<10000x128xf32, #tpu.memory_space<hbm>>) target(%arg11 : memref<80x128xf32, #tpu.memory_space<vmem>>) offsets(%dma_start3A_56 : memref<80xi32, #tpu.memory_space<vmem>>) semaphore(%arg14 : memref<!tpu.dma_semaphore, #tpu.memory_space<semaphore_mem>>)
    %dma_wait3A_60 = arith.constant 0 : i32
    %dma_wait3A_61 = tpu.memref_slice %arg8[%dma_wait3A_60] : memref<3600xi32, #tpu.memory_space<vmem>> -> memref<80xi32, #tpu.memory_space<vmem>>
    %dma_wait3A_62 = arith.constant 0 : i32
    %dma_wait3A_63 = arith.constant 0 : i32
    %dma_wait3A_64 = tpu.memref_slice %arg2[%dma_wait3A_62, %dma_wait3A_63] : memref<10000x128xf32, #tpu.memory_space<hbm>> -> memref<10000x128xf32, #tpu.memory_space<hbm>>
    tpu.wait_indirect_dma semaphore(%arg13 : memref<!tpu.dma_semaphore, #tpu.memory_space<semaphore_mem>>) src(%dma_wait3A_64 : memref<10000x128xf32, #tpu.memory_space<hbm>>) dst(%arg10 : memref<80x128xf32, #tpu.memory_space<vmem>>)
    %run_scoped3A_65 = arith.constant 38 : i32
    "tpu.region"() ({
      %run_scoped3A_106 = tpu.sem_alloc : memref<!tpu.dma_semaphore, #tpu.memory_space<semaphore_mem>>
      %dma_start3A_107 = arith.constant 0 : i32
      %dma_start3A_108 = tpu.memref_slice %arg9[%run_scoped3A_65, %dma_start3A_107] : memref<45x80xi32, #tpu.memory_space<vmem>> -> memref<1x80xi32, #tpu.memory_space<vmem>>
      %dma_start3A_109 = tpu.memref_squeeze %dma_start3A_108 : memref<1x80xi32, #tpu.memory_space<vmem>> -> memref<80xi32, #tpu.memory_space<vmem>>
      %dma_start3A_110 = arith.constant 0 : i32
      %dma_start3A_111 = arith.constant 0 : i32
      %dma_start3A_112 = tpu.memref_slice %arg12[%dma_start3A_110, %dma_start3A_111] : memref<10000x128xf32, #tpu.memory_space<vmem_shared>> -> memref<10000x128xf32, #tpu.memory_space<vmem_shared>>
      tpu.enqueue_indirect_dma source(%arg10 : memref<80x128xf32, #tpu.memory_space<vmem>>) target(%dma_start3A_112 : memref<10000x128xf32, #tpu.memory_space<vmem_shared>>) offsets(%dma_start3A_109 : memref<80xi32, #tpu.memory_space<vmem>>) semaphore(%run_scoped3A_106 : memref<!tpu.dma_semaphore, #tpu.memory_space<semaphore_mem>>) {add = true}
      %dma_wait3A_113 = arith.constant 0 : i32
      %dma_wait3A_114 = tpu.memref_slice %arg9[%run_scoped3A_65, %dma_wait3A_113] : memref<45x80xi32, #tpu.memory_space<vmem>> -> memref<1x80xi32, #tpu.memory_space<vmem>>
      %dma_wait3A_115 = tpu.memref_squeeze %dma_wait3A_114 : memref<1x80xi32, #tpu.memory_space<vmem>> -> memref<80xi32, #tpu.memory_space<vmem>>
      %dma_wait3A_116 = arith.constant 0 : i32
      %dma_wait3A_117 = arith.constant 0 : i32
      %dma_wait3A_118 = tpu.memref_slice %arg12[%dma_wait3A_116, %dma_wait3A_117] : memref<10000x128xf32, #tpu.memory_space<vmem_shared>> -> memref<10000x128xf32, #tpu.memory_space<vmem_shared>>
      tpu.wait_indirect_dma semaphore(%run_scoped3A_106 : memref<!tpu.dma_semaphore, #tpu.memory_space<semaphore_mem>>) src(%arg10 : memref<80x128xf32, #tpu.memory_space<vmem>>) dst(%dma_wait3A_118 : memref<10000x128xf32, #tpu.memory_space<vmem_shared>>)
      tpu.yield
    }) : () -> ()
    %dma_wait3A_66 = arith.constant 0 : i32
    %dma_wait3A_67 = tpu.memref_slice %arg8[%dma_wait3A_66] : memref<3600xi32, #tpu.memory_space<vmem>> -> memref<80xi32, #tpu.memory_space<vmem>>
    %dma_wait3A_68 = arith.constant 0 : i32
    %dma_wait3A_69 = arith.constant 0 : i32
    %dma_wait3A_70 = tpu.memref_slice %arg2[%dma_wait3A_68, %dma_wait3A_69] : memref<10000x128xf32, #tpu.memory_space<hbm>> -> memref<10000x128xf32, #tpu.memory_space<hbm>>
    tpu.wait_indirect_dma semaphore(%arg14 : memref<!tpu.dma_semaphore, #tpu.memory_space<semaphore_mem>>) src(%dma_wait3A_70 : memref<10000x128xf32, #tpu.memory_space<hbm>>) dst(%arg11 : memref<80x128xf32, #tpu.memory_space<vmem>>)
    %run_scoped3A_71 = arith.constant 39 : i32
    "tpu.region"() ({
      %run_scoped3A_106 = tpu.sem_alloc : memref<!tpu.dma_semaphore, #tpu.memory_space<semaphore_mem>>
      %dma_start3A_107 = arith.constant 0 : i32
      %dma_start3A_108 = tpu.memref_slice %arg9[%run_scoped3A_71, %dma_start3A_107] : memref<45x80xi32, #tpu.memory_space<vmem>> -> memref<1x80xi32, #tpu.memory_space<vmem>>
      %dma_start3A_109 = tpu.memref_squeeze %dma_start3A_108 : memref<1x80xi32, #tpu.memory_space<vmem>> -> memref<80xi32, #tpu.memory_space<vmem>>
      %dma_start3A_110 = arith.constant 0 : i32
      %dma_start3A_111 = arith.constant 0 : i32
      %dma_start3A_112 = tpu.memref_slice %arg12[%dma_start3A_110, %dma_start3A_111] : memref<10000x128xf32, #tpu.memory_space<vmem_shared>> -> memref<10000x128xf32, #tpu.memory_space<vmem_shared>>
      tpu.enqueue_indirect_dma source(%arg11 : memref<80x128xf32, #tpu.memory_space<vmem>>) target(%dma_start3A_112 : memref<10000x128xf32, #tpu.memory_space<vmem_shared>>) offsets(%dma_start3A_109 : memref<80xi32, #tpu.memory_space<vmem>>) semaphore(%run_scoped3A_106 : memref<!tpu.dma_semaphore, #tpu.memory_space<semaphore_mem>>) {add = true}
      %dma_wait3A_113 = arith.constant 0 : i32
      %dma_wait3A_114 = tpu.memref_slice %arg9[%run_scoped3A_71, %dma_wait3A_113] : memref<45x80xi32, #tpu.memory_space<vmem>> -> memref<1x80xi32, #tpu.memory_space<vmem>>
      %dma_wait3A_115 = tpu.memref_squeeze %dma_wait3A_114 : memref<1x80xi32, #tpu.memory_space<vmem>> -> memref<80xi32, #tpu.memory_space<vmem>>
      %dma_wait3A_116 = arith.constant 0 : i32
      %dma_wait3A_117 = arith.constant 0 : i32
      %dma_wait3A_118 = tpu.memref_slice %arg12[%dma_wait3A_116, %dma_wait3A_117] : memref<10000x128xf32, #tpu.memory_space<vmem_shared>> -> memref<10000x128xf32, #tpu.memory_space<vmem_shared>>
      tpu.wait_indirect_dma semaphore(%run_scoped3A_106 : memref<!tpu.dma_semaphore, #tpu.memory_space<semaphore_mem>>) src(%arg11 : memref<80x128xf32, #tpu.memory_space<vmem>>) dst(%dma_wait3A_118 : memref<10000x128xf32, #tpu.memory_space<vmem_shared>>)
      tpu.yield
    }) : () -> ()
    %mul3A_72 = arith.constant 10000 : i32
    %mul3A_73 = arith.muli %add3A, %mul3A_72 : i32
    %add3A_74 = arith.constant 6400 : i32
    %add3A_75 = arith.addi %mul3A_73, %add3A_74 : i32
    %multiple_of3A_76 = tpu.assume_multiple %add3A_75, 8 : i32
    "tpu.region"() ({
      %run_scoped3A_106 = tpu.sem_alloc : memref<!tpu.dma_semaphore, #tpu.memory_space<semaphore_mem>>
      %dma_start3A_107 = arith.constant 0 : i32
      %dma_start3A_108 = tpu.memref_slice %arg8[%dma_start3A_107] : memref<3600xi32, #tpu.memory_space<vmem>> -> memref<3600xi32, #tpu.memory_space<vmem>>
      %dma_start3A_109 = tpu.memref_slice %arg3[%multiple_of3A_76] : memref<320000xi32, #tpu.memory_space<hbm>> -> memref<3600xi32, #tpu.memory_space<hbm>>
      %dma_start3A_110 = arith.constant 0 : i32
      %dma_start3A_111 = tpu.memref_slice %arg8[%dma_start3A_110] : memref<3600xi32, #tpu.memory_space<vmem>> -> memref<3600xi32, #tpu.memory_space<vmem>>
      %dma_start3A_112 = tpu.memref_slice %arg3[%multiple_of3A_76] : memref<320000xi32, #tpu.memory_space<hbm>> -> memref<3600xi32, #tpu.memory_space<hbm>>
      tpu.enqueue_dma source(%dma_start3A_112 : memref<3600xi32, #tpu.memory_space<hbm>>) target(%dma_start3A_111 : memref<3600xi32, #tpu.memory_space<vmem>>) target_semaphore(%run_scoped3A_106 : memref<!tpu.dma_semaphore, #tpu.memory_space<semaphore_mem>>)
      %dma_wait3A_113 = arith.constant 0 : i32
      %dma_wait3A_114 = tpu.memref_slice %arg8[%dma_wait3A_113] : memref<3600xi32, #tpu.memory_space<vmem>> -> memref<3600xi32, #tpu.memory_space<vmem>>
      %dma_wait3A_115 = tpu.memref_slice %arg3[%multiple_of3A_76] : memref<320000xi32, #tpu.memory_space<hbm>> -> memref<3600xi32, #tpu.memory_space<hbm>>
      %dma_wait3A_116 = arith.constant 0 : i32
      %dma_wait3A_117 = tpu.memref_slice %arg8[%dma_wait3A_116] : memref<3600xi32, #tpu.memory_space<vmem>> -> memref<3600xi32, #tpu.memory_space<vmem>>
      %dma_wait3A_118 = tpu.memref_slice %arg3[%multiple_of3A_76] : memref<320000xi32, #tpu.memory_space<hbm>> -> memref<3600xi32, #tpu.memory_space<hbm>>
      tpu.wait_dma2 semaphore(%run_scoped3A_106 : memref<!tpu.dma_semaphore, #tpu.memory_space<semaphore_mem>>) src(%dma_wait3A_118 : memref<3600xi32, #tpu.memory_space<hbm>>) dst(%dma_wait3A_117 : memref<3600xi32, #tpu.memory_space<vmem>>)
      tpu.yield
    }) : () -> ()
    "tpu.region"() ({
      %run_scoped3A_106 = tpu.sem_alloc : memref<!tpu.dma_semaphore, #tpu.memory_space<semaphore_mem>>
      %dma_start3A_107 = arith.constant 0 : i32
      %dma_start3A_108 = arith.constant 0 : i32
      %dma_start3A_109 = tpu.memref_slice %arg9[%dma_start3A_107, %dma_start3A_108] : memref<45x80xi32, #tpu.memory_space<vmem>> -> memref<45x80xi32, #tpu.memory_space<vmem>>
      %dma_start3A_110 = arith.constant 80 : i32
      %dma_start3A_111 = arith.constant 0 : i32
      %dma_start3A_112 = tpu.memref_slice %arg4[%add3A, %dma_start3A_110, %dma_start3A_111] : memref<32x125x80xi32, #tpu.memory_space<hbm>> -> memref<1x45x80xi32, #tpu.memory_space<hbm>>
      %dma_start3A_113 = tpu.memref_squeeze %dma_start3A_112 : memref<1x45x80xi32, #tpu.memory_space<hbm>> -> memref<45x80xi32, #tpu.memory_space<hbm>>
      %dma_start3A_114 = arith.constant 0 : i32
      %dma_start3A_115 = arith.constant 0 : i32
      %dma_start3A_116 = tpu.memref_slice %arg9[%dma_start3A_114, %dma_start3A_115] : memref<45x80xi32, #tpu.memory_space<vmem>> -> memref<45x80xi32, #tpu.memory_space<vmem>>
      %dma_start3A_117 = arith.constant 80 : i32
      %dma_start3A_118 = arith.constant 0 : i32
      %dma_start3A_119 = tpu.memref_slice %arg4[%add3A, %dma_start3A_117, %dma_start3A_118] : memref<32x125x80xi32, #tpu.memory_space<hbm>> -> memref<1x45x80xi32, #tpu.memory_space<hbm>>
      %dma_start3A_120 = tpu.memref_squeeze %dma_start3A_119 : memref<1x45x80xi32, #tpu.memory_space<hbm>> -> memref<45x80xi32, #tpu.memory_space<hbm>>
      tpu.enqueue_dma source(%dma_start3A_120 : memref<45x80xi32, #tpu.memory_space<hbm>>) target(%dma_start3A_116 : memref<45x80xi32, #tpu.memory_space<vmem>>) target_semaphore(%run_scoped3A_106 : memref<!tpu.dma_semaphore, #tpu.memory_space<semaphore_mem>>)
      %dma_wait3A_121 = arith.constant 0 : i32
      %dma_wait3A_122 = arith.constant 0 : i32
      %dma_wait3A_123 = tpu.memref_slice %arg9[%dma_wait3A_121, %dma_wait3A_122] : memref<45x80xi32, #tpu.memory_space<vmem>> -> memref<45x80xi32, #tpu.memory_space<vmem>>
      %dma_wait3A_124 = arith.constant 80 : i32
      %dma_wait3A_125 = arith.constant 0 : i32
      %dma_wait3A_126 = tpu.memref_slice %arg4[%add3A, %dma_wait3A_124, %dma_wait3A_125] : memref<32x125x80xi32, #tpu.memory_space<hbm>> -> memref<1x45x80xi32, #tpu.memory_space<hbm>>
      %dma_wait3A_127 = tpu.memref_squeeze %dma_wait3A_126 : memref<1x45x80xi32, #tpu.memory_space<hbm>> -> memref<45x80xi32, #tpu.memory_space<hbm>>
      %dma_wait3A_128 = arith.constant 0 : i32
      %dma_wait3A_129 = arith.constant 0 : i32
      %dma_wait3A_130 = tpu.memref_slice %arg9[%dma_wait3A_128, %dma_wait3A_129] : memref<45x80xi32, #tpu.memory_space<vmem>> -> memref<45x80xi32, #tpu.memory_space<vmem>>
      %dma_wait3A_131 = arith.constant 80 : i32
      %dma_wait3A_132 = arith.constant 0 : i32
      %dma_wait3A_133 = tpu.memref_slice %arg4[%add3A, %dma_wait3A_131, %dma_wait3A_132] : memref<32x125x80xi32, #tpu.memory_space<hbm>> -> memref<1x45x80xi32, #tpu.memory_space<hbm>>
      %dma_wait3A_134 = tpu.memref_squeeze %dma_wait3A_133 : memref<1x45x80xi32, #tpu.memory_space<hbm>> -> memref<45x80xi32, #tpu.memory_space<hbm>>
      tpu.wait_dma2 semaphore(%run_scoped3A_106 : memref<!tpu.dma_semaphore, #tpu.memory_space<semaphore_mem>>) src(%dma_wait3A_134 : memref<45x80xi32, #tpu.memory_space<hbm>>) dst(%dma_wait3A_130 : memref<45x80xi32, #tpu.memory_space<vmem>>)
      tpu.yield
    }) : () -> ()
    %multiple_of3A_77 = arith.constant 0 : i32
    %multiple_of3A_78 = tpu.assume_multiple %multiple_of3A_77, 8 : i32
    %dma_start3A_79 = tpu.memref_slice %arg8[%multiple_of3A_78] : memref<3600xi32, #tpu.memory_space<vmem>> -> memref<80xi32, #tpu.memory_space<vmem>>
    %dma_start3A_80 = arith.constant 0 : i32
    %dma_start3A_81 = arith.constant 0 : i32
    %dma_start3A_82 = tpu.memref_slice %arg2[%dma_start3A_80, %dma_start3A_81] : memref<10000x128xf32, #tpu.memory_space<hbm>> -> memref<10000x128xf32, #tpu.memory_space<hbm>>
    tpu.enqueue_indirect_dma source(%dma_start3A_82 : memref<10000x128xf32, #tpu.memory_space<hbm>>) target(%arg10 : memref<80x128xf32, #tpu.memory_space<vmem>>) offsets(%dma_start3A_79 : memref<80xi32, #tpu.memory_space<vmem>>) semaphore(%arg13 : memref<!tpu.dma_semaphore, #tpu.memory_space<semaphore_mem>>)
    %scan3A_83 = arith.constant 0 : i32
    %scan3A_84 = arith.constant 0 : i32
    %scan3A_85 = arith.constant 22 : i32
    %scan3A_86 = arith.addi %scan3A_84, %scan3A_85 : i32
    %scan3A_87 = arith.constant 1 : i32
    scf.for %scan3A_106 = %scan3A_84 to %scan3A_86 step %scan3A_87  : i32 {
      %mul3A_107 = arith.constant 2 : i32
      %mul3A_108 = arith.muli %mul3A_107, %scan3A_106 : i32
      %add3A_109 = arith.constant 1 : i32
      %add3A_110 = arith.addi %mul3A_108, %add3A_109 : i32
      %mul3A_111 = arith.constant 80 : i32
      %mul3A_112 = arith.muli %add3A_110, %mul3A_111 : i32
      %multiple_of3A_113 = tpu.assume_multiple %mul3A_112, 8 : i32
      %dma_start3A_114 = tpu.memref_slice %arg8[%multiple_of3A_113] : memref<3600xi32, #tpu.memory_space<vmem>> -> memref<80xi32, #tpu.memory_space<vmem>>
      %dma_start3A_115 = arith.constant 0 : i32
      %dma_start3A_116 = arith.constant 0 : i32
      %dma_start3A_117 = tpu.memref_slice %arg2[%dma_start3A_115, %dma_start3A_116] : memref<10000x128xf32, #tpu.memory_space<hbm>> -> memref<10000x128xf32, #tpu.memory_space<hbm>>
      tpu.enqueue_indirect_dma source(%dma_start3A_117 : memref<10000x128xf32, #tpu.memory_space<hbm>>) target(%arg11 : memref<80x128xf32, #tpu.memory_space<vmem>>) offsets(%dma_start3A_114 : memref<80xi32, #tpu.memory_space<vmem>>) semaphore(%arg14 : memref<!tpu.dma_semaphore, #tpu.memory_space<semaphore_mem>>)
      %dma_wait3A_118 = arith.constant 0 : i32
      %dma_wait3A_119 = tpu.memref_slice %arg8[%dma_wait3A_118] : memref<3600xi32, #tpu.memory_space<vmem>> -> memref<80xi32, #tpu.memory_space<vmem>>
      %dma_wait3A_120 = arith.constant 0 : i32
      %dma_wait3A_121 = arith.constant 0 : i32
      %dma_wait3A_122 = tpu.memref_slice %arg2[%dma_wait3A_120, %dma_wait3A_121] : memref<10000x128xf32, #tpu.memory_space<hbm>> -> memref<10000x128xf32, #tpu.memory_space<hbm>>
      tpu.wait_indirect_dma semaphore(%arg13 : memref<!tpu.dma_semaphore, #tpu.memory_space<semaphore_mem>>) src(%dma_wait3A_122 : memref<10000x128xf32, #tpu.memory_space<hbm>>) dst(%arg10 : memref<80x128xf32, #tpu.memory_space<vmem>>)
      %mul3A_123 = arith.constant 2 : i32
      %mul3A_124 = arith.muli %mul3A_123, %scan3A_106 : i32
      "tpu.region"() ({
        %run_scoped3A_145 = tpu.sem_alloc : memref<!tpu.dma_semaphore, #tpu.memory_space<semaphore_mem>>
        %dma_start3A_146 = arith.constant 0 : i32
        %dma_start3A_147 = tpu.memref_slice %arg9[%mul3A_124, %dma_start3A_146] : memref<45x80xi32, #tpu.memory_space<vmem>> -> memref<1x80xi32, #tpu.memory_space<vmem>>
        %dma_start3A_148 = tpu.memref_squeeze %dma_start3A_147 : memref<1x80xi32, #tpu.memory_space<vmem>> -> memref<80xi32, #tpu.memory_space<vmem>>
        %dma_start3A_149 = arith.constant 0 : i32
        %dma_start3A_150 = arith.constant 0 : i32
        %dma_start3A_151 = tpu.memref_slice %arg12[%dma_start3A_149, %dma_start3A_150] : memref<10000x128xf32, #tpu.memory_space<vmem_shared>> -> memref<10000x128xf32, #tpu.memory_space<vmem_shared>>
        tpu.enqueue_indirect_dma source(%arg10 : memref<80x128xf32, #tpu.memory_space<vmem>>) target(%dma_start3A_151 : memref<10000x128xf32, #tpu.memory_space<vmem_shared>>) offsets(%dma_start3A_148 : memref<80xi32, #tpu.memory_space<vmem>>) semaphore(%run_scoped3A_145 : memref<!tpu.dma_semaphore, #tpu.memory_space<semaphore_mem>>) {add = true}
        %dma_wait3A_152 = arith.constant 0 : i32
        %dma_wait3A_153 = tpu.memref_slice %arg9[%mul3A_124, %dma_wait3A_152] : memref<45x80xi32, #tpu.memory_space<vmem>> -> memref<1x80xi32, #tpu.memory_space<vmem>>
        %dma_wait3A_154 = tpu.memref_squeeze %dma_wait3A_153 : memref<1x80xi32, #tpu.memory_space<vmem>> -> memref<80xi32, #tpu.memory_space<vmem>>
        %dma_wait3A_155 = arith.constant 0 : i32
        %dma_wait3A_156 = arith.constant 0 : i32
        %dma_wait3A_157 = tpu.memref_slice %arg12[%dma_wait3A_155, %dma_wait3A_156] : memref<10000x128xf32, #tpu.memory_space<vmem_shared>> -> memref<10000x128xf32, #tpu.memory_space<vmem_shared>>
        tpu.wait_indirect_dma semaphore(%run_scoped3A_145 : memref<!tpu.dma_semaphore, #tpu.memory_space<semaphore_mem>>) src(%arg10 : memref<80x128xf32, #tpu.memory_space<vmem>>) dst(%dma_wait3A_157 : memref<10000x128xf32, #tpu.memory_space<vmem_shared>>)
        tpu.yield
      }) : () -> ()
      %mul3A_125 = arith.constant 2 : i32
      %mul3A_126 = arith.muli %mul3A_125, %scan3A_106 : i32
      %add3A_127 = arith.constant 2 : i32
      %add3A_128 = arith.addi %mul3A_126, %add3A_127 : i32
      %mul3A_129 = arith.constant 80 : i32
      %mul3A_130 = arith.muli %add3A_128, %mul3A_129 : i32
      %multiple_of3A_131 = tpu.assume_multiple %mul3A_130, 8 : i32
      %dma_start3A_132 = tpu.memref_slice %arg8[%multiple_of3A_131] : memref<3600xi32, #tpu.memory_space<vmem>> -> memref<80xi32, #tpu.memory_space<vmem>>
      %dma_start3A_133 = arith.constant 0 : i32
      %dma_start3A_134 = arith.constant 0 : i32
      %dma_start3A_135 = tpu.memref_slice %arg2[%dma_start3A_133, %dma_start3A_134] : memref<10000x128xf32, #tpu.memory_space<hbm>> -> memref<10000x128xf32, #tpu.memory_space<hbm>>
      tpu.enqueue_indirect_dma source(%dma_start3A_135 : memref<10000x128xf32, #tpu.memory_space<hbm>>) target(%arg10 : memref<80x128xf32, #tpu.memory_space<vmem>>) offsets(%dma_start3A_132 : memref<80xi32, #tpu.memory_space<vmem>>) semaphore(%arg13 : memref<!tpu.dma_semaphore, #tpu.memory_space<semaphore_mem>>)
      %dma_wait3A_136 = arith.constant 0 : i32
      %dma_wait3A_137 = tpu.memref_slice %arg8[%dma_wait3A_136] : memref<3600xi32, #tpu.memory_space<vmem>> -> memref<80xi32, #tpu.memory_space<vmem>>
      %dma_wait3A_138 = arith.constant 0 : i32
      %dma_wait3A_139 = arith.constant 0 : i32
      %dma_wait3A_140 = tpu.memref_slice %arg2[%dma_wait3A_138, %dma_wait3A_139] : memref<10000x128xf32, #tpu.memory_space<hbm>> -> memref<10000x128xf32, #tpu.memory_space<hbm>>
      tpu.wait_indirect_dma semaphore(%arg14 : memref<!tpu.dma_semaphore, #tpu.memory_space<semaphore_mem>>) src(%dma_wait3A_140 : memref<10000x128xf32, #tpu.memory_space<hbm>>) dst(%arg11 : memref<80x128xf32, #tpu.memory_space<vmem>>)
      %mul3A_141 = arith.constant 2 : i32
      %mul3A_142 = arith.muli %mul3A_141, %scan3A_106 : i32
      %add3A_143 = arith.constant 1 : i32
      %add3A_144 = arith.addi %mul3A_142, %add3A_143 : i32
      "tpu.region"() ({
        %run_scoped3A_145 = tpu.sem_alloc : memref<!tpu.dma_semaphore, #tpu.memory_space<semaphore_mem>>
        %dma_start3A_146 = arith.constant 0 : i32
        %dma_start3A_147 = tpu.memref_slice %arg9[%add3A_144, %dma_start3A_146] : memref<45x80xi32, #tpu.memory_space<vmem>> -> memref<1x80xi32, #tpu.memory_space<vmem>>
        %dma_start3A_148 = tpu.memref_squeeze %dma_start3A_147 : memref<1x80xi32, #tpu.memory_space<vmem>> -> memref<80xi32, #tpu.memory_space<vmem>>
        %dma_start3A_149 = arith.constant 0 : i32
        %dma_start3A_150 = arith.constant 0 : i32
        %dma_start3A_151 = tpu.memref_slice %arg12[%dma_start3A_149, %dma_start3A_150] : memref<10000x128xf32, #tpu.memory_space<vmem_shared>> -> memref<10000x128xf32, #tpu.memory_space<vmem_shared>>
        tpu.enqueue_indirect_dma source(%arg11 : memref<80x128xf32, #tpu.memory_space<vmem>>) target(%dma_start3A_151 : memref<10000x128xf32, #tpu.memory_space<vmem_shared>>) offsets(%dma_start3A_148 : memref<80xi32, #tpu.memory_space<vmem>>) semaphore(%run_scoped3A_145 : memref<!tpu.dma_semaphore, #tpu.memory_space<semaphore_mem>>) {add = true}
        %dma_wait3A_152 = arith.constant 0 : i32
        %dma_wait3A_153 = tpu.memref_slice %arg9[%add3A_144, %dma_wait3A_152] : memref<45x80xi32, #tpu.memory_space<vmem>> -> memref<1x80xi32, #tpu.memory_space<vmem>>
        %dma_wait3A_154 = tpu.memref_squeeze %dma_wait3A_153 : memref<1x80xi32, #tpu.memory_space<vmem>> -> memref<80xi32, #tpu.memory_space<vmem>>
        %dma_wait3A_155 = arith.constant 0 : i32
        %dma_wait3A_156 = arith.constant 0 : i32
        %dma_wait3A_157 = tpu.memref_slice %arg12[%dma_wait3A_155, %dma_wait3A_156] : memref<10000x128xf32, #tpu.memory_space<vmem_shared>> -> memref<10000x128xf32, #tpu.memory_space<vmem_shared>>
        tpu.wait_indirect_dma semaphore(%run_scoped3A_145 : memref<!tpu.dma_semaphore, #tpu.memory_space<semaphore_mem>>) src(%arg11 : memref<80x128xf32, #tpu.memory_space<vmem>>) dst(%dma_wait3A_157 : memref<10000x128xf32, #tpu.memory_space<vmem_shared>>)
        tpu.yield
      }) : () -> ()
    }
    %scan3A_88 = arith.constant 22 : i32
    %dma_wait3A_89 = arith.constant 0 : i32
    %dma_wait3A_90 = tpu.memref_slice %arg8[%dma_wait3A_89] : memref<3600xi32, #tpu.memory_space<vmem>> -> memref<80xi32, #tpu.memory_space<vmem>>
    %dma_wait3A_91 = arith.constant 0 : i32
    %dma_wait3A_92 = arith.constant 0 : i32
    %dma_wait3A_93 = tpu.memref_slice %arg2[%dma_wait3A_91, %dma_wait3A_92] : memref<10000x128xf32, #tpu.memory_space<hbm>> -> memref<10000x128xf32, #tpu.memory_space<hbm>>
    tpu.wait_indirect_dma semaphore(%arg13 : memref<!tpu.dma_semaphore, #tpu.memory_space<semaphore_mem>>) src(%dma_wait3A_93 : memref<10000x128xf32, #tpu.memory_space<hbm>>) dst(%arg10 : memref<80x128xf32, #tpu.memory_space<vmem>>)
    %run_scoped3A_94 = arith.constant 44 : i32
    "tpu.region"() ({
      %run_scoped3A_106 = tpu.sem_alloc : memref<!tpu.dma_semaphore, #tpu.memory_space<semaphore_mem>>
      %dma_start3A_107 = arith.constant 0 : i32
      %dma_start3A_108 = tpu.memref_slice %arg9[%run_scoped3A_94, %dma_start3A_107] : memref<45x80xi32, #tpu.memory_space<vmem>> -> memref<1x80xi32, #tpu.memory_space<vmem>>
      %dma_start3A_109 = tpu.memref_squeeze %dma_start3A_108 : memref<1x80xi32, #tpu.memory_space<vmem>> -> memref<80xi32, #tpu.memory_space<vmem>>
      %dma_start3A_110 = arith.constant 0 : i32
      %dma_start3A_111 = arith.constant 0 : i32
      %dma_start3A_112 = tpu.memref_slice %arg12[%dma_start3A_110, %dma_start3A_111] : memref<10000x128xf32, #tpu.memory_space<vmem_shared>> -> memref<10000x128xf32, #tpu.memory_space<vmem_shared>>
      tpu.enqueue_indirect_dma source(%arg10 : memref<80x128xf32, #tpu.memory_space<vmem>>) target(%dma_start3A_112 : memref<10000x128xf32, #tpu.memory_space<vmem_shared>>) offsets(%dma_start3A_109 : memref<80xi32, #tpu.memory_space<vmem>>) semaphore(%run_scoped3A_106 : memref<!tpu.dma_semaphore, #tpu.memory_space<semaphore_mem>>) {add = true}
      %dma_wait3A_113 = arith.constant 0 : i32
      %dma_wait3A_114 = tpu.memref_slice %arg9[%run_scoped3A_94, %dma_wait3A_113] : memref<45x80xi32, #tpu.memory_space<vmem>> -> memref<1x80xi32, #tpu.memory_space<vmem>>
      %dma_wait3A_115 = tpu.memref_squeeze %dma_wait3A_114 : memref<1x80xi32, #tpu.memory_space<vmem>> -> memref<80xi32, #tpu.memory_space<vmem>>
      %dma_wait3A_116 = arith.constant 0 : i32
      %dma_wait3A_117 = arith.constant 0 : i32
      %dma_wait3A_118 = tpu.memref_slice %arg12[%dma_wait3A_116, %dma_wait3A_117] : memref<10000x128xf32, #tpu.memory_space<vmem_shared>> -> memref<10000x128xf32, #tpu.memory_space<vmem_shared>>
      tpu.wait_indirect_dma semaphore(%run_scoped3A_106 : memref<!tpu.dma_semaphore, #tpu.memory_space<semaphore_mem>>) src(%arg10 : memref<80x128xf32, #tpu.memory_space<vmem>>) dst(%dma_wait3A_118 : memref<10000x128xf32, #tpu.memory_space<vmem_shared>>)
      tpu.yield
    }) : () -> ()
    %barrier3A_95 = arith.constant 0 : index
    tpu.barrier barrier_id(%barrier3A_95)
    %eq3A_96 = arith.constant 0 : i32
    %eq3A_97 = arith.cmpi eq, %arg0, %eq3A_96 : i32
    %convert_element_type3A_98 = arith.extui %eq3A_97 : i1 to i32
    %cond3A_99 = arith.constant 0 : i32
    %cond3A_100 = arith.cmpi ne, %convert_element_type3A_98, %cond3A_99 : i32
    scf.if %cond3A_100 {
      %lt3A_106 = arith.constant 15 : i32
      %lt3A_107 = arith.cmpi slt, %arg1, %lt3A_106 : i32
      %convert_element_type3A_108 = arith.extui %lt3A_107 : i1 to i32
      %cond3A_109 = arith.constant 0 : i32
      %cond3A_110 = arith.cmpi ne, %convert_element_type3A_108, %cond3A_109 : i32
      scf.if %cond3A_110 {
        %mul3A_116 = arith.constant 632 : i32
        %mul3A_117 = arith.muli %arg1, %mul3A_116 : i32
        %multiple_of3A_118 = tpu.assume_multiple %mul3A_117, 8 : i32
        %mul3A_119 = arith.constant 632 : i32
        %mul3A_120 = arith.muli %arg1, %mul3A_119 : i32
        %add3A_121 = arith.constant 0 : i32
        %add3A_122 = arith.addi %add3A_121, %mul3A_120 : i32
        %multiple_of3A_123 = tpu.assume_multiple %add3A_122, 8 : i32
        "tpu.region"() ({
          %run_scoped3A_124 = tpu.sem_alloc : memref<!tpu.dma_semaphore, #tpu.memory_space<semaphore_mem>>
          %dma_start3A_125 = arith.constant 0 : i32
          %dma_start3A_126 = tpu.memref_slice %arg6[%multiple_of3A_123, %dma_start3A_125] : memref<10000x128xf32, #tpu.memory_space<hbm>> -> memref<632x128xf32, #tpu.memory_space<hbm>>
          %dma_start3A_127 = arith.constant 0 : i32
          %dma_start3A_128 = tpu.memref_slice %arg12[%multiple_of3A_118, %dma_start3A_127] : memref<10000x128xf32, #tpu.memory_space<vmem_shared>> -> memref<632x128xf32, #tpu.memory_space<vmem_shared>>
          tpu.enqueue_dma source(%dma_start3A_128 : memref<632x128xf32, #tpu.memory_space<vmem_shared>>) target(%dma_start3A_126 : memref<632x128xf32, #tpu.memory_space<hbm>>) target_semaphore(%run_scoped3A_124 : memref<!tpu.dma_semaphore, #tpu.memory_space<semaphore_mem>>)
          %dma_wait3A_129 = arith.constant 0 : i32
          %dma_wait3A_130 = tpu.memref_slice %arg6[%multiple_of3A_123, %dma_wait3A_129] : memref<10000x128xf32, #tpu.memory_space<hbm>> -> memref<632x128xf32, #tpu.memory_space<hbm>>
          %dma_wait3A_131 = arith.constant 0 : i32
          %dma_wait3A_132 = tpu.memref_slice %arg12[%multiple_of3A_118, %dma_wait3A_131] : memref<10000x128xf32, #tpu.memory_space<vmem_shared>> -> memref<632x128xf32, #tpu.memory_space<vmem_shared>>
          tpu.wait_dma2 semaphore(%run_scoped3A_124 : memref<!tpu.dma_semaphore, #tpu.memory_space<semaphore_mem>>) src(%dma_wait3A_132 : memref<632x128xf32, #tpu.memory_space<vmem_shared>>) dst(%dma_wait3A_130 : memref<632x128xf32, #tpu.memory_space<hbm>>)
          tpu.yield
        }) : () -> ()
      } else {
      }
      %eq3A_111 = arith.constant 15 : i32
      %eq3A_112 = arith.cmpi eq, %arg1, %eq3A_111 : i32
      %convert_element_type3A_113 = arith.extui %eq3A_112 : i1 to i32
      %cond3A_114 = arith.constant 0 : i32
      %cond3A_115 = arith.cmpi ne, %convert_element_type3A_113, %cond3A_114 : i32
      scf.if %cond3A_115 {
        %multiple_of3A_116 = arith.constant 9480 : i32
        %multiple_of3A_117 = tpu.assume_multiple %multiple_of3A_116, 8 : i32
        "tpu.region"() ({
          %run_scoped3A_118 = tpu.sem_alloc : memref<!tpu.dma_semaphore, #tpu.memory_space<semaphore_mem>>
          %dma_start3A_119 = arith.constant 0 : i32
          %dma_start3A_120 = tpu.memref_slice %arg6[%multiple_of3A_117, %dma_start3A_119] : memref<10000x128xf32, #tpu.memory_space<hbm>> -> memref<520x128xf32, #tpu.memory_space<hbm>>
          %dma_start3A_121 = arith.constant 9480 : i32
          %dma_start3A_122 = arith.constant 0 : i32
          %dma_start3A_123 = tpu.memref_slice %arg12[%dma_start3A_121, %dma_start3A_122] : memref<10000x128xf32, #tpu.memory_space<vmem_shared>> -> memref<520x128xf32, #tpu.memory_space<vmem_shared>>
          tpu.enqueue_dma source(%dma_start3A_123 : memref<520x128xf32, #tpu.memory_space<vmem_shared>>) target(%dma_start3A_120 : memref<520x128xf32, #tpu.memory_space<hbm>>) target_semaphore(%run_scoped3A_118 : memref<!tpu.dma_semaphore, #tpu.memory_space<semaphore_mem>>)
          %dma_wait3A_124 = arith.constant 0 : i32
          %dma_wait3A_125 = tpu.memref_slice %arg6[%multiple_of3A_117, %dma_wait3A_124] : memref<10000x128xf32, #tpu.memory_space<hbm>> -> memref<520x128xf32, #tpu.memory_space<hbm>>
          %dma_wait3A_126 = arith.constant 9480 : i32
          %dma_wait3A_127 = arith.constant 0 : i32
          %dma_wait3A_128 = tpu.memref_slice %arg12[%dma_wait3A_126, %dma_wait3A_127] : memref<10000x128xf32, #tpu.memory_space<vmem_shared>> -> memref<520x128xf32, #tpu.memory_space<vmem_shared>>
          tpu.wait_dma2 semaphore(%run_scoped3A_118 : memref<!tpu.dma_semaphore, #tpu.memory_space<semaphore_mem>>) src(%dma_wait3A_128 : memref<520x128xf32, #tpu.memory_space<vmem_shared>>) dst(%dma_wait3A_125 : memref<520x128xf32, #tpu.memory_space<hbm>>)
          tpu.yield
        }) : () -> ()
      } else {
      }
    } else {
    }
    %eq3A_101 = arith.constant 1 : i32
    %eq3A_102 = arith.cmpi eq, %arg0, %eq3A_101 : i32
    %convert_element_type3A_103 = arith.extui %eq3A_102 : i1 to i32
    %cond3A_104 = arith.constant 0 : i32
    %cond3A_105 = arith.cmpi ne, %convert_element_type3A_103, %cond3A_104 : i32
    scf.if %cond3A_105 {
      %lt3A_106 = arith.constant 15 : i32
      %lt3A_107 = arith.cmpi slt, %arg1, %lt3A_106 : i32
      %convert_element_type3A_108 = arith.extui %lt3A_107 : i1 to i32
      %cond3A_109 = arith.constant 0 : i32
      %cond3A_110 = arith.cmpi ne, %convert_element_type3A_108, %cond3A_109 : i32
      scf.if %cond3A_110 {
        %mul3A_116 = arith.constant 632 : i32
        %mul3A_117 = arith.muli %arg1, %mul3A_116 : i32
        %multiple_of3A_118 = tpu.assume_multiple %mul3A_117, 8 : i32
        %mul3A_119 = arith.constant 632 : i32
        %mul3A_120 = arith.muli %arg1, %mul3A_119 : i32
        %add3A_121 = arith.constant 0 : i32
        %add3A_122 = arith.addi %add3A_121, %mul3A_120 : i32
        %multiple_of3A_123 = tpu.assume_multiple %add3A_122, 8 : i32
        "tpu.region"() ({
          %run_scoped3A_124 = tpu.sem_alloc : memref<!tpu.dma_semaphore, #tpu.memory_space<semaphore_mem>>
          %dma_start3A_125 = arith.constant 0 : i32
          %dma_start3A_126 = tpu.memref_slice %arg7[%multiple_of3A_123, %dma_start3A_125] : memref<10000x128xf32, #tpu.memory_space<hbm>> -> memref<632x128xf32, #tpu.memory_space<hbm>>
          %dma_start3A_127 = arith.constant 0 : i32
          %dma_start3A_128 = tpu.memref_slice %arg12[%multiple_of3A_118, %dma_start3A_127] : memref<10000x128xf32, #tpu.memory_space<vmem_shared>> -> memref<632x128xf32, #tpu.memory_space<vmem_shared>>
          tpu.enqueue_dma source(%dma_start3A_128 : memref<632x128xf32, #tpu.memory_space<vmem_shared>>) target(%dma_start3A_126 : memref<632x128xf32, #tpu.memory_space<hbm>>) target_semaphore(%run_scoped3A_124 : memref<!tpu.dma_semaphore, #tpu.memory_space<semaphore_mem>>)
          %dma_wait3A_129 = arith.constant 0 : i32
          %dma_wait3A_130 = tpu.memref_slice %arg7[%multiple_of3A_123, %dma_wait3A_129] : memref<10000x128xf32, #tpu.memory_space<hbm>> -> memref<632x128xf32, #tpu.memory_space<hbm>>
          %dma_wait3A_131 = arith.constant 0 : i32
          %dma_wait3A_132 = tpu.memref_slice %arg12[%multiple_of3A_118, %dma_wait3A_131] : memref<10000x128xf32, #tpu.memory_space<vmem_shared>> -> memref<632x128xf32, #tpu.memory_space<vmem_shared>>
          tpu.wait_dma2 semaphore(%run_scoped3A_124 : memref<!tpu.dma_semaphore, #tpu.memory_space<semaphore_mem>>) src(%dma_wait3A_132 : memref<632x128xf32, #tpu.memory_space<vmem_shared>>) dst(%dma_wait3A_130 : memref<632x128xf32, #tpu.memory_space<hbm>>)
          tpu.yield
        }) : () -> ()
      } else {
      }
      %eq3A_111 = arith.constant 15 : i32
      %eq3A_112 = arith.cmpi eq, %arg1, %eq3A_111 : i32
      %convert_element_type3A_113 = arith.extui %eq3A_112 : i1 to i32
      %cond3A_114 = arith.constant 0 : i32
      %cond3A_115 = arith.cmpi ne, %convert_element_type3A_113, %cond3A_114 : i32
      scf.if %cond3A_115 {
        %multiple_of3A_116 = arith.constant 9480 : i32
        %multiple_of3A_117 = tpu.assume_multiple %multiple_of3A_116, 8 : i32
        "tpu.region"() ({
          %run_scoped3A_118 = tpu.sem_alloc : memref<!tpu.dma_semaphore, #tpu.memory_space<semaphore_mem>>
          %dma_start3A_119 = arith.constant 0 : i32
          %dma_start3A_120 = tpu.memref_slice %arg7[%multiple_of3A_117, %dma_start3A_119] : memref<10000x128xf32, #tpu.memory_space<hbm>> -> memref<520x128xf32, #tpu.memory_space<hbm>>
          %dma_start3A_121 = arith.constant 9480 : i32
          %dma_start3A_122 = arith.constant 0 : i32
          %dma_start3A_123 = tpu.memref_slice %arg12[%dma_start3A_121, %dma_start3A_122] : memref<10000x128xf32, #tpu.memory_space<vmem_shared>> -> memref<520x128xf32, #tpu.memory_space<vmem_shared>>
          tpu.enqueue_dma source(%dma_start3A_123 : memref<520x128xf32, #tpu.memory_space<vmem_shared>>) target(%dma_start3A_120 : memref<520x128xf32, #tpu.memory_space<hbm>>) target_semaphore(%run_scoped3A_118 : memref<!tpu.dma_semaphore, #tpu.memory_space<semaphore_mem>>)
          %dma_wait3A_124 = arith.constant 0 : i32
          %dma_wait3A_125 = tpu.memref_slice %arg7[%multiple_of3A_117, %dma_wait3A_124] : memref<10000x128xf32, #tpu.memory_space<hbm>> -> memref<520x128xf32, #tpu.memory_space<hbm>>
          %dma_wait3A_126 = arith.constant 9480 : i32
          %dma_wait3A_127 = arith.constant 0 : i32
          %dma_wait3A_128 = tpu.memref_slice %arg12[%dma_wait3A_126, %dma_wait3A_127] : memref<10000x128xf32, #tpu.memory_space<vmem_shared>> -> memref<520x128xf32, #tpu.memory_space<vmem_shared>>
          tpu.wait_dma2 semaphore(%run_scoped3A_118 : memref<!tpu.dma_semaphore, #tpu.memory_space<semaphore_mem>>) src(%dma_wait3A_128 : memref<520x128xf32, #tpu.memory_space<vmem_shared>>) dst(%dma_wait3A_125 : memref<520x128xf32, #tpu.memory_space<hbm>>)
          tpu.yield
        }) : () -> ()
      } else {
      }
    } else {
    }
    return
  }
}

module attributes {stable_mosaic.version = 14 : i64} {
  func.func @_prescale_body(%arg0: memref<64x10000xf32, #tpu.memory_space<vmem>>, %arg1: memref<10000x128xf32, #tpu.memory_space<vmem>>, %arg2: memref<10000x128xf32, #tpu.memory_space<vmem>>, %arg3: memref<10000x1xf32, #tpu.memory_space<vmem>>, %arg4: memref<10000x1xf32, #tpu.memory_space<vmem>>) attributes {dimension_semantics = [], scalar_prefetch = 0 : i64, scratch_operands = 0 : i64, tpu.core_type = #tpu.core_type<tc>} {
    %get3A = arith.constant 0 : index
    %get3A_0 = arith.constant 0 : index
    %get3A_1 = vector.load %arg0[%get3A, %get3A_0] : memref<64x10000xf32, #tpu.memory_space<vmem>>, vector<64x10000xf32>
    %slice3A = vector.extract_strided_slice %get3A_1 {offsets = [0, 0], sizes = [32, 10000], strides = [1, 1]} : vector<64x10000xf32> to vector<32x10000xf32>
    %reduce_sum3A = arith.constant dense<0.000000e+00> : vector<10000xf32>
    %reduce_sum3A_2 = vector.multi_reduction <add>, %slice3A, %reduce_sum3A [0] : vector<32x10000xf32> to vector<10000xf32>
    %slice3A_3 = vector.extract_strided_slice %get3A_1 {offsets = [32, 0], sizes = [32, 10000], strides = [1, 1]} : vector<64x10000xf32> to vector<32x10000xf32>
    %reduce_sum3A_4 = arith.constant dense<0.000000e+00> : vector<10000xf32>
    %reduce_sum3A_5 = vector.multi_reduction <add>, %slice3A_3, %reduce_sum3A_4 [0] : vector<32x10000xf32> to vector<10000xf32>
    %max3A = arith.constant 1.000000e+00 : f32
    %max3A_6 = vector.broadcast %max3A : f32 to vector<10000xf32>
    %max3A_7 = arith.maximumf %reduce_sum3A_2, %max3A_6 : vector<10000xf32>
    %rsqrt3A = math.rsqrt %max3A_7 : vector<10000xf32>
    %reshape3A = vector.shape_cast %rsqrt3A : vector<10000xf32> to vector<10000x1xf32>
    %max3A_8 = arith.constant 1.000000e+00 : f32
    %max3A_9 = vector.broadcast %max3A_8 : f32 to vector<10000xf32>
    %max3A_10 = arith.maximumf %reduce_sum3A_5, %max3A_9 : vector<10000xf32>
    %rsqrt3A_11 = math.rsqrt %max3A_10 : vector<10000xf32>
    %reshape3A_12 = vector.shape_cast %rsqrt3A_11 : vector<10000xf32> to vector<10000x1xf32>
    %swap3A = arith.constant 0 : index
    %swap3A_13 = arith.constant 0 : index
    %swap3A_14 = vector.load %arg3[%swap3A, %swap3A_13] : memref<10000x1xf32, #tpu.memory_space<vmem>>, vector<10000x1xf32>
    tpu.vector_store %arg3[%swap3A, %swap3A_13], %reshape3A {strides = array<i32>} : memref<10000x1xf32, #tpu.memory_space<vmem>>, vector<10000x1xf32>,
    %swap3A_15 = arith.constant 0 : index
    %swap3A_16 = arith.constant 0 : index
    %swap3A_17 = vector.load %arg4[%swap3A_15, %swap3A_16] : memref<10000x1xf32, #tpu.memory_space<vmem>>, vector<10000x1xf32>
    tpu.vector_store %arg4[%swap3A_15, %swap3A_16], %reshape3A_12 {strides = array<i32>} : memref<10000x1xf32, #tpu.memory_space<vmem>>, vector<10000x1xf32>,
    %get3A_18 = arith.constant 0 : index
    %get3A_19 = arith.constant 0 : index
    %get3A_20 = vector.load %arg1[%get3A_18, %get3A_19] : memref<10000x128xf32, #tpu.memory_space<vmem>>, vector<10000x128xf32>
    %mul3A = vector.broadcast %reshape3A : vector<10000x1xf32> to vector<10000x128xf32>
    %mul3A_21 = arith.mulf %get3A_20, %mul3A : vector<10000x128xf32>
    %swap3A_22 = arith.constant 0 : index
    %swap3A_23 = arith.constant 0 : index
    %swap3A_24 = vector.load %arg2[%swap3A_22, %swap3A_23] : memref<10000x128xf32, #tpu.memory_space<vmem>>, vector<10000x128xf32>
    tpu.vector_store %arg2[%swap3A_22, %swap3A_23], %mul3A_21 {strides = array<i32>} : memref<10000x128xf32, #tpu.memory_space<vmem>>, vector<10000x128xf32>,
    return
  }
}

module attributes {stable_mosaic.version = 14 : i64} {
  func.func @_layer1_body(%arg0: memref<10000x128xf32, #tpu.memory_space<vmem>>, %arg1: memref<10000x128xf32, #tpu.memory_space<vmem>>, %arg2: memref<10000x1xf32, #tpu.memory_space<vmem>>, %arg3: memref<10000x1xf32, #tpu.memory_space<vmem>>, %arg4: memref<128x256xf32, #tpu.memory_space<vmem>>, %arg5: memref<1x256xf32, #tpu.memory_space<vmem>>, %arg6: memref<20000x128xf32, #tpu.memory_space<vmem>>) attributes {dimension_semantics = [], scalar_prefetch = 0 : i64, scratch_operands = 0 : i64, tpu.core_type = #tpu.core_type<tc>} {
    %get3A = arith.constant 0 : index
    %get3A_0 = arith.constant 0 : index
    %get3A_1 = vector.load %arg0[%get3A, %get3A_0] : memref<10000x128xf32, #tpu.memory_space<vmem>>, vector<10000x128xf32>
    %get3A_2 = arith.constant 0 : index
    %get3A_3 = arith.constant 0 : index
    %get3A_4 = vector.load %arg1[%get3A_2, %get3A_3] : memref<10000x128xf32, #tpu.memory_space<vmem>>, vector<10000x128xf32>
    %add3A = arith.addf %get3A_1, %get3A_4 : vector<10000x128xf32>
    %get3A_5 = arith.constant 0 : index
    %get3A_6 = arith.constant 0 : index
    %get3A_7 = vector.load %arg2[%get3A_5, %get3A_6] : memref<10000x1xf32, #tpu.memory_space<vmem>>, vector<10000x1xf32>
    %mul3A = vector.broadcast %get3A_7 : vector<10000x1xf32> to vector<10000x128xf32>
    %mul3A_8 = arith.mulf %add3A, %mul3A : vector<10000x128xf32>
    %get3A_9 = arith.constant 0 : index
    %get3A_10 = arith.constant 0 : index
    %get3A_11 = vector.load %arg4[%get3A_9, %get3A_10] : memref<128x256xf32, #tpu.memory_space<vmem>>, vector<128x256xf32>
    %convert_element_type3A = arith.truncf %mul3A_8 : vector<10000x128xf32> to vector<10000x128xbf16>
    %convert_element_type3A_12 = arith.extf %convert_element_type3A : vector<10000x128xbf16> to vector<10000x128xf32>
    %sub3A = arith.subf %mul3A_8, %convert_element_type3A_12 : vector<10000x128xf32>
    %convert_element_type3A_13 = arith.truncf %sub3A : vector<10000x128xf32> to vector<10000x128xbf16>
    %convert_element_type3A_14 = arith.truncf %get3A_11 : vector<128x256xf32> to vector<128x256xbf16>
    %convert_element_type3A_15 = arith.extf %convert_element_type3A_14 : vector<128x256xbf16> to vector<128x256xf32>
    %sub3A_16 = arith.subf %get3A_11, %convert_element_type3A_15 : vector<128x256xf32>
    %convert_element_type3A_17 = arith.truncf %sub3A_16 : vector<128x256xf32> to vector<128x256xbf16>
    %dot_general3A = arith.constant dense<0.000000e+00> : vector<10000x256xf32>
    %dot_general3A_18 = tpu.matmul %convert_element_type3A, %convert_element_type3A_14, %dot_general3A {dimension_numbers = #tpu.dot_dimension_numbers<[1], [0], [0], [1], [0, 0, 1, 1], [], []>, transpose_lhs_hint = false} : vector<10000x128xbf16>, vector<128x256xbf16>, vector<10000x256xf32> -> vector<10000x256xf32>
    %dot_general3A_19 = arith.constant dense<0.000000e+00> : vector<10000x256xf32>
    %dot_general3A_20 = tpu.matmul %convert_element_type3A, %convert_element_type3A_17, %dot_general3A_19 {dimension_numbers = #tpu.dot_dimension_numbers<[1], [0], [0], [1], [0, 0, 1, 1], [], []>, transpose_lhs_hint = false} : vector<10000x128xbf16>, vector<128x256xbf16>, vector<10000x256xf32> -> vector<10000x256xf32>
    %add3A_21 = arith.addf %dot_general3A_18, %dot_general3A_20 : vector<10000x256xf32>
    %dot_general3A_22 = arith.constant dense<0.000000e+00> : vector<10000x256xf32>
    %dot_general3A_23 = tpu.matmul %convert_element_type3A_13, %convert_element_type3A_14, %dot_general3A_22 {dimension_numbers = #tpu.dot_dimension_numbers<[1], [0], [0], [1], [0, 0, 1, 1], [], []>, transpose_lhs_hint = false} : vector<10000x128xbf16>, vector<128x256xbf16>, vector<10000x256xf32> -> vector<10000x256xf32>
    %add3A_24 = arith.addf %add3A_21, %dot_general3A_23 : vector<10000x256xf32>
    %get3A_25 = arith.constant 0 : index
    %get3A_26 = arith.constant 0 : index
    %get3A_27 = vector.load %arg5[%get3A_25, %get3A_26] : memref<1x256xf32, #tpu.memory_space<vmem>>, vector<1x256xf32>
    %add3A_28 = vector.broadcast %get3A_27 : vector<1x256xf32> to vector<10000x256xf32>
    %add3A_29 = arith.addf %add3A_24, %add3A_28 : vector<10000x256xf32>
    %max3A = arith.constant 0.000000e+00 : f32
    %max3A_30 = vector.broadcast %max3A : f32 to vector<10000x256xf32>
    %max3A_31 = arith.maximumf %add3A_29, %max3A_30 : vector<10000x256xf32>
    %get3A_32 = arith.constant 0 : index
    %get3A_33 = arith.constant 0 : index
    %get3A_34 = vector.load %arg3[%get3A_32, %get3A_33] : memref<10000x1xf32, #tpu.memory_space<vmem>>, vector<10000x1xf32>
    %mul3A_35 = vector.broadcast %get3A_34 : vector<10000x1xf32> to vector<10000x256xf32>
    %mul3A_36 = arith.mulf %max3A_31, %mul3A_35 : vector<10000x256xf32>
    %slice3A = vector.extract_strided_slice %mul3A_36 {offsets = [0, 0], sizes = [10000, 128], strides = [1, 1]} : vector<10000x256xf32> to vector<10000x128xf32>
    %swap3A = arith.constant 0 : index
    %swap3A_37 = arith.constant 0 : index
    %swap3A_38 = vector.load %arg6[%swap3A, %swap3A_37] : memref<20000x128xf32, #tpu.memory_space<vmem>>, vector<10000x128xf32>
    tpu.vector_store %arg6[%swap3A, %swap3A_37], %slice3A {strides = array<i32>} : memref<20000x128xf32, #tpu.memory_space<vmem>>, vector<10000x128xf32>,
    %slice3A_39 = vector.extract_strided_slice %mul3A_36 {offsets = [0, 128], sizes = [10000, 128], strides = [1, 1]} : vector<10000x256xf32> to vector<10000x128xf32>
    %swap3A_40 = arith.constant 10000 : index
    %swap3A_41 = arith.constant 0 : index
    %swap3A_42 = vector.load %arg6[%swap3A_40, %swap3A_41] : memref<20000x128xf32, #tpu.memory_space<vmem>>, vector<10000x128xf32>
    tpu.vector_store %arg6[%swap3A_40, %swap3A_41], %slice3A_39 {strides = array<i32>} : memref<20000x128xf32, #tpu.memory_space<vmem>>, vector<10000x128xf32>,
    return
  }
}

module attributes {stable_mosaic.version = 14 : i64} {
  func.func @_final_body(%arg0: memref<20000x128xf32, #tpu.memory_space<vmem>>, %arg1: memref<10000x1xf32, #tpu.memory_space<vmem>>, %arg2: memref<1x10000xi32, #tpu.memory_space<vmem>>, %arg3: memref<256x256xf32, #tpu.memory_space<vmem>>, %arg4: memref<1x256xf32, #tpu.memory_space<vmem>>, %arg5: memref<256x1024xf32, #tpu.memory_space<vmem>>, %arg6: memref<1x1024xf32, #tpu.memory_space<vmem>>, %arg7: memref<1x1024xf32, #tpu.memory_space<vmem>>, %arg8: memref<1x1024xf32, #tpu.memory_space<vmem>>, %arg9: memref<1024x512xf32, #tpu.memory_space<vmem>>, %arg10: memref<1x512xf32, #tpu.memory_space<vmem>>, %arg11: memref<1x512xf32, #tpu.memory_space<vmem>>, %arg12: memref<1x512xf32, #tpu.memory_space<vmem>>, %arg13: memref<512x1xf32, #tpu.memory_space<vmem>>, %arg14: memref<1x1xf32, #tpu.memory_space<vmem>>, %arg15: memref<64x1xf32, #tpu.memory_space<vmem>>) attributes {dimension_semantics = [], scalar_prefetch = 0 : i64, scratch_operands = 0 : i64, tpu.core_type = #tpu.core_type<tc>} {
    %get3A = arith.constant 0 : index
    %get3A_0 = arith.constant 0 : index
    %get3A_1 = vector.load %arg0[%get3A, %get3A_0] : memref<20000x128xf32, #tpu.memory_space<vmem>>, vector<10000x128xf32>
    %get3A_2 = arith.constant 10000 : index
    %get3A_3 = arith.constant 0 : index
    %get3A_4 = vector.load %arg0[%get3A_2, %get3A_3] : memref<20000x128xf32, #tpu.memory_space<vmem>>, vector<10000x128xf32>
    %concatenate3A = tpu.concatenate %get3A_1, %get3A_4 in 1 : vector<10000x128xf32>, vector<10000x128xf32> -> vector<10000x256xf32>
    %get3A_5 = arith.constant 0 : index
    %get3A_6 = arith.constant 0 : index
    %get3A_7 = vector.load %arg1[%get3A_5, %get3A_6] : memref<10000x1xf32, #tpu.memory_space<vmem>>, vector<10000x1xf32>
    %mul3A = vector.broadcast %get3A_7 : vector<10000x1xf32> to vector<10000x256xf32>
    %mul3A_8 = arith.mulf %concatenate3A, %mul3A : vector<10000x256xf32>
    %get3A_9 = arith.constant 0 : index
    %get3A_10 = arith.constant 0 : index
    %get3A_11 = vector.load %arg3[%get3A_9, %get3A_10] : memref<256x256xf32, #tpu.memory_space<vmem>>, vector<256x256xf32>
    %convert_element_type3A = arith.truncf %mul3A_8 : vector<10000x256xf32> to vector<10000x256xbf16>
    %convert_element_type3A_12 = arith.extf %convert_element_type3A : vector<10000x256xbf16> to vector<10000x256xf32>
    %sub3A = arith.subf %mul3A_8, %convert_element_type3A_12 : vector<10000x256xf32>
    %convert_element_type3A_13 = arith.truncf %sub3A : vector<10000x256xf32> to vector<10000x256xbf16>
    %convert_element_type3A_14 = arith.truncf %get3A_11 : vector<256x256xf32> to vector<256x256xbf16>
    %convert_element_type3A_15 = arith.extf %convert_element_type3A_14 : vector<256x256xbf16> to vector<256x256xf32>
    %sub3A_16 = arith.subf %get3A_11, %convert_element_type3A_15 : vector<256x256xf32>
    %convert_element_type3A_17 = arith.truncf %sub3A_16 : vector<256x256xf32> to vector<256x256xbf16>
    %dot_general3A = arith.constant dense<0.000000e+00> : vector<10000x256xf32>
    %dot_general3A_18 = tpu.matmul %convert_element_type3A, %convert_element_type3A_14, %dot_general3A {dimension_numbers = #tpu.dot_dimension_numbers<[1], [0], [0], [1], [0, 0, 1, 1], [], []>, transpose_lhs_hint = false} : vector<10000x256xbf16>, vector<256x256xbf16>, vector<10000x256xf32> -> vector<10000x256xf32>
    %dot_general3A_19 = arith.constant dense<0.000000e+00> : vector<10000x256xf32>
    %dot_general3A_20 = tpu.matmul %convert_element_type3A, %convert_element_type3A_17, %dot_general3A_19 {dimension_numbers = #tpu.dot_dimension_numbers<[1], [0], [0], [1], [0, 0, 1, 1], [], []>, transpose_lhs_hint = false} : vector<10000x256xbf16>, vector<256x256xbf16>, vector<10000x256xf32> -> vector<10000x256xf32>
    %add3A = arith.addf %dot_general3A_18, %dot_general3A_20 : vector<10000x256xf32>
    %dot_general3A_21 = arith.constant dense<0.000000e+00> : vector<10000x256xf32>
    %dot_general3A_22 = tpu.matmul %convert_element_type3A_13, %convert_element_type3A_14, %dot_general3A_21 {dimension_numbers = #tpu.dot_dimension_numbers<[1], [0], [0], [1], [0, 0, 1, 1], [], []>, transpose_lhs_hint = false} : vector<10000x256xbf16>, vector<256x256xbf16>, vector<10000x256xf32> -> vector<10000x256xf32>
    %add3A_23 = arith.addf %add3A, %dot_general3A_22 : vector<10000x256xf32>
    %get3A_24 = arith.constant 0 : index
    %get3A_25 = arith.constant 0 : index
    %get3A_26 = vector.load %arg4[%get3A_24, %get3A_25] : memref<1x256xf32, #tpu.memory_space<vmem>>, vector<1x256xf32>
    %add3A_27 = vector.broadcast %get3A_26 : vector<1x256xf32> to vector<10000x256xf32>
    %add3A_28 = arith.addf %add3A_23, %add3A_27 : vector<10000x256xf32>
    %max3A = arith.constant 0.000000e+00 : f32
    %max3A_29 = vector.broadcast %max3A : f32 to vector<10000x256xf32>
    %max3A_30 = arith.maximumf %add3A_28, %max3A_29 : vector<10000x256xf32>
    %iota3A = tpu.iota {dimensions = array<i32: 0>} : vector<64x10000xi32>
    %get3A_31 = arith.constant 0 : index
    %get3A_32 = arith.constant 0 : index
    %get3A_33 = vector.load %arg2[%get3A_31, %get3A_32] : memref<1x10000xi32, #tpu.memory_space<vmem>>, vector<1x10000xi32>
    %eq3A = vector.broadcast %get3A_33 : vector<1x10000xi32> to vector<64x10000xi32>
    %eq3A_34 = arith.cmpi eq, %iota3A, %eq3A : vector<64x10000xi32>
    %convert_element_type3A_35 = arith.extui %eq3A_34 : vector<64x10000xi1> to vector<64x10000xi32>
    %convert_element_type3A_36 = arith.sitofp %convert_element_type3A_35 : vector<64x10000xi32> to vector<64x10000xf32>
    %convert_element_type3A_37 = arith.truncf %convert_element_type3A_36 : vector<64x10000xf32> to vector<64x10000xbf16>
    %convert_element_type3A_38 = arith.extf %convert_element_type3A_37 : vector<64x10000xbf16> to vector<64x10000xf32>
    %reduce_sum3A = arith.constant dense<0.000000e+00> : vector<64xf32>
    %reduce_sum3A_39 = vector.multi_reduction <add>, %convert_element_type3A_38, %reduce_sum3A [1] : vector<64x10000xf32> to vector<64xf32>
    %broadcast_in_dim3A = vector.shape_cast %reduce_sum3A_39 : vector<64xf32> to vector<64x1xf32>
    %max3A_40 = arith.constant 1.000000e+00 : f32
    %max3A_41 = vector.broadcast %max3A_40 : f32 to vector<64x1xf32>
    %max3A_42 = arith.maximumf %broadcast_in_dim3A, %max3A_41 : vector<64x1xf32>
    %convert_element_type3A_43 = arith.truncf %max3A_30 : vector<10000x256xf32> to vector<10000x256xbf16>
    %convert_element_type3A_44 = arith.extf %convert_element_type3A_43 : vector<10000x256xbf16> to vector<10000x256xf32>
    %sub3A_45 = arith.subf %max3A_30, %convert_element_type3A_44 : vector<10000x256xf32>
    %convert_element_type3A_46 = arith.truncf %sub3A_45 : vector<10000x256xf32> to vector<10000x256xbf16>
    %dot_general3A_47 = arith.constant dense<0.000000e+00> : vector<64x256xf32>
    %dot_general3A_48 = tpu.matmul %convert_element_type3A_37, %convert_element_type3A_43, %dot_general3A_47 {dimension_numbers = #tpu.dot_dimension_numbers<[1], [0], [0], [1], [0, 0, 1, 1], [], []>, transpose_lhs_hint = false} : vector<64x10000xbf16>, vector<10000x256xbf16>, vector<64x256xf32> -> vector<64x256xf32>
    %dot_general3A_49 = arith.constant dense<0.000000e+00> : vector<64x256xf32>
    %dot_general3A_50 = tpu.matmul %convert_element_type3A_37, %convert_element_type3A_46, %dot_general3A_49 {dimension_numbers = #tpu.dot_dimension_numbers<[1], [0], [0], [1], [0, 0, 1, 1], [], []>, transpose_lhs_hint = false} : vector<64x10000xbf16>, vector<10000x256xbf16>, vector<64x256xf32> -> vector<64x256xf32>
    %add3A_51 = arith.addf %dot_general3A_48, %dot_general3A_50 : vector<64x256xf32>
    %div3A = vector.broadcast %max3A_42 : vector<64x1xf32> to vector<64x256xf32>
    %div3A_52 = arith.divf %add3A_51, %div3A : vector<64x256xf32>
    %get3A_53 = arith.constant 0 : index
    %get3A_54 = arith.constant 0 : index
    %get3A_55 = vector.load %arg5[%get3A_53, %get3A_54] : memref<256x1024xf32, #tpu.memory_space<vmem>>, vector<256x1024xf32>
    %dot_general3A_56 = arith.constant dense<0.000000e+00> : vector<64x1024xf32>
    %dot_general3A_57 = tpu.matmul %div3A_52, %get3A_55, %dot_general3A_56 {dimension_numbers = #tpu.dot_dimension_numbers<[1], [0], [0], [1], [0, 0, 1, 1], [], []>, precision = #tpu.contract_precision<fp32>, transpose_lhs_hint = false} : vector<64x256xf32>, vector<256x1024xf32>, vector<64x1024xf32> -> vector<64x1024xf32>
    %get3A_58 = arith.constant 0 : index
    %get3A_59 = arith.constant 0 : index
    %get3A_60 = vector.load %arg6[%get3A_58, %get3A_59] : memref<1x1024xf32, #tpu.memory_space<vmem>>, vector<1x1024xf32>
    %add3A_61 = vector.broadcast %get3A_60 : vector<1x1024xf32> to vector<64x1024xf32>
    %add3A_62 = arith.addf %dot_general3A_57, %add3A_61 : vector<64x1024xf32>
    %get3A_63 = arith.constant 0 : index
    %get3A_64 = arith.constant 0 : index
    %get3A_65 = vector.load %arg7[%get3A_63, %get3A_64] : memref<1x1024xf32, #tpu.memory_space<vmem>>, vector<1x1024xf32>
    %get3A_66 = arith.constant 0 : index
    %get3A_67 = arith.constant 0 : index
    %get3A_68 = vector.load %arg8[%get3A_66, %get3A_67] : memref<1x1024xf32, #tpu.memory_space<vmem>>, vector<1x1024xf32>
    %reduce_sum3A_69 = arith.constant dense<0.000000e+00> : vector<64xf32>
    %reduce_sum3A_70 = vector.multi_reduction <add>, %add3A_62, %reduce_sum3A_69 [1] : vector<64x1024xf32> to vector<64xf32>
    %broadcast_in_dim3A_71 = vector.shape_cast %reduce_sum3A_70 : vector<64xf32> to vector<64x1xf32>
    %div3A_72 = arith.constant 1.024000e+03 : f32
    %div3A_73 = vector.broadcast %div3A_72 : f32 to vector<64x1xf32>
    %div3A_74 = arith.divf %broadcast_in_dim3A_71, %div3A_73 : vector<64x1xf32>
    %sub3A_75 = vector.broadcast %div3A_74 : vector<64x1xf32> to vector<64x1024xf32>
    %sub3A_76 = arith.subf %add3A_62, %sub3A_75 : vector<64x1024xf32>
    %integer_pow3A = arith.mulf %sub3A_76, %sub3A_76 : vector<64x1024xf32>
    %reduce_sum3A_77 = arith.constant dense<0.000000e+00> : vector<64xf32>
    %reduce_sum3A_78 = vector.multi_reduction <add>, %integer_pow3A, %reduce_sum3A_77 [1] : vector<64x1024xf32> to vector<64xf32>
    %broadcast_in_dim3A_79 = vector.shape_cast %reduce_sum3A_78 : vector<64xf32> to vector<64x1xf32>
    %div3A_80 = arith.constant 1.024000e+03 : f32
    %div3A_81 = vector.broadcast %div3A_80 : f32 to vector<64x1xf32>
    %div3A_82 = arith.divf %broadcast_in_dim3A_79, %div3A_81 : vector<64x1xf32>
    %sub3A_83 = vector.broadcast %div3A_74 : vector<64x1xf32> to vector<64x1024xf32>
    %sub3A_84 = arith.subf %add3A_62, %sub3A_83 : vector<64x1024xf32>
    %add3A_85 = arith.constant 9.99999974E-6 : f32
    %add3A_86 = vector.broadcast %add3A_85 : f32 to vector<64x1xf32>
    %add3A_87 = arith.addf %div3A_82, %add3A_86 : vector<64x1xf32>
    %rsqrt3A = math.rsqrt %add3A_87 : vector<64x1xf32>
    %mul3A_88 = vector.broadcast %rsqrt3A : vector<64x1xf32> to vector<64x1024xf32>
    %mul3A_89 = arith.mulf %sub3A_84, %mul3A_88 : vector<64x1024xf32>
    %mul3A_90 = vector.broadcast %get3A_65 : vector<1x1024xf32> to vector<64x1024xf32>
    %mul3A_91 = arith.mulf %mul3A_89, %mul3A_90 : vector<64x1024xf32>
    %add3A_92 = vector.broadcast %get3A_68 : vector<1x1024xf32> to vector<64x1024xf32>
    %add3A_93 = arith.addf %mul3A_91, %add3A_92 : vector<64x1024xf32>
    %gt3A = arith.constant 0.000000e+00 : f32
    %gt3A_94 = vector.broadcast %gt3A : f32 to vector<64x1024xf32>
    %gt3A_95 = arith.cmpf ogt, %add3A_93, %gt3A_94 : vector<64x1024xf32>
    %mul3A_96 = arith.constant 0.00999999977 : f32
    %mul3A_97 = vector.broadcast %mul3A_96 : f32 to vector<64x1024xf32>
    %mul3A_98 = arith.mulf %mul3A_97, %add3A_93 : vector<64x1024xf32>
    %select_n3A = arith.select %gt3A_95, %add3A_93, %mul3A_98 : vector<64x1024xi1>, vector<64x1024xf32>
    %get3A_99 = arith.constant 0 : index
    %get3A_100 = arith.constant 0 : index
    %get3A_101 = vector.load %arg9[%get3A_99, %get3A_100] : memref<1024x512xf32, #tpu.memory_space<vmem>>, vector<1024x512xf32>
    %dot_general3A_102 = arith.constant dense<0.000000e+00> : vector<64x512xf32>
    %dot_general3A_103 = tpu.matmul %select_n3A, %get3A_101, %dot_general3A_102 {dimension_numbers = #tpu.dot_dimension_numbers<[1], [0], [0], [1], [0, 0, 1, 1], [], []>, precision = #tpu.contract_precision<fp32>, transpose_lhs_hint = false} : vector<64x1024xf32>, vector<1024x512xf32>, vector<64x512xf32> -> vector<64x512xf32>
    %get3A_104 = arith.constant 0 : index
    %get3A_105 = arith.constant 0 : index
    %get3A_106 = vector.load %arg10[%get3A_104, %get3A_105] : memref<1x512xf32, #tpu.memory_space<vmem>>, vector<1x512xf32>
    %add3A_107 = vector.broadcast %get3A_106 : vector<1x512xf32> to vector<64x512xf32>
    %add3A_108 = arith.addf %dot_general3A_103, %add3A_107 : vector<64x512xf32>
    %get3A_109 = arith.constant 0 : index
    %get3A_110 = arith.constant 0 : index
    %get3A_111 = vector.load %arg11[%get3A_109, %get3A_110] : memref<1x512xf32, #tpu.memory_space<vmem>>, vector<1x512xf32>
    %get3A_112 = arith.constant 0 : index
    %get3A_113 = arith.constant 0 : index
    %get3A_114 = vector.load %arg12[%get3A_112, %get3A_113] : memref<1x512xf32, #tpu.memory_space<vmem>>, vector<1x512xf32>
    %reduce_sum3A_115 = arith.constant dense<0.000000e+00> : vector<64xf32>
    %reduce_sum3A_116 = vector.multi_reduction <add>, %add3A_108, %reduce_sum3A_115 [1] : vector<64x512xf32> to vector<64xf32>
    %broadcast_in_dim3A_117 = vector.shape_cast %reduce_sum3A_116 : vector<64xf32> to vector<64x1xf32>
    %div3A_118 = arith.constant 5.120000e+02 : f32
    %div3A_119 = vector.broadcast %div3A_118 : f32 to vector<64x1xf32>
    %div3A_120 = arith.divf %broadcast_in_dim3A_117, %div3A_119 : vector<64x1xf32>
    %sub3A_121 = vector.broadcast %div3A_120 : vector<64x1xf32> to vector<64x512xf32>
    %sub3A_122 = arith.subf %add3A_108, %sub3A_121 : vector<64x512xf32>
    %integer_pow3A_123 = arith.mulf %sub3A_122, %sub3A_122 : vector<64x512xf32>
    %reduce_sum3A_124 = arith.constant dense<0.000000e+00> : vector<64xf32>
    %reduce_sum3A_125 = vector.multi_reduction <add>, %integer_pow3A_123, %reduce_sum3A_124 [1] : vector<64x512xf32> to vector<64xf32>
    %broadcast_in_dim3A_126 = vector.shape_cast %reduce_sum3A_125 : vector<64xf32> to vector<64x1xf32>
    %div3A_127 = arith.constant 5.120000e+02 : f32
    %div3A_128 = vector.broadcast %div3A_127 : f32 to vector<64x1xf32>
    %div3A_129 = arith.divf %broadcast_in_dim3A_126, %div3A_128 : vector<64x1xf32>
    %sub3A_130 = vector.broadcast %div3A_120 : vector<64x1xf32> to vector<64x512xf32>
    %sub3A_131 = arith.subf %add3A_108, %sub3A_130 : vector<64x512xf32>
    %add3A_132 = arith.constant 9.99999974E-6 : f32
    %add3A_133 = vector.broadcast %add3A_132 : f32 to vector<64x1xf32>
    %add3A_134 = arith.addf %div3A_129, %add3A_133 : vector<64x1xf32>
    %rsqrt3A_135 = math.rsqrt %add3A_134 : vector<64x1xf32>
    %mul3A_136 = vector.broadcast %rsqrt3A_135 : vector<64x1xf32> to vector<64x512xf32>
    %mul3A_137 = arith.mulf %sub3A_131, %mul3A_136 : vector<64x512xf32>
    %mul3A_138 = vector.broadcast %get3A_111 : vector<1x512xf32> to vector<64x512xf32>
    %mul3A_139 = arith.mulf %mul3A_137, %mul3A_138 : vector<64x512xf32>
    %add3A_140 = vector.broadcast %get3A_114 : vector<1x512xf32> to vector<64x512xf32>
    %add3A_141 = arith.addf %mul3A_139, %add3A_140 : vector<64x512xf32>
    %gt3A_142 = arith.constant 0.000000e+00 : f32
    %gt3A_143 = vector.broadcast %gt3A_142 : f32 to vector<64x512xf32>
    %gt3A_144 = arith.cmpf ogt, %add3A_141, %gt3A_143 : vector<64x512xf32>
    %mul3A_145 = arith.constant 0.00999999977 : f32
    %mul3A_146 = vector.broadcast %mul3A_145 : f32 to vector<64x512xf32>
    %mul3A_147 = arith.mulf %mul3A_146, %add3A_141 : vector<64x512xf32>
    %select_n3A_148 = arith.select %gt3A_144, %add3A_141, %mul3A_147 : vector<64x512xi1>, vector<64x512xf32>
    %get3A_149 = arith.constant 0 : index
    %get3A_150 = arith.constant 0 : index
    %get3A_151 = vector.load %arg13[%get3A_149, %get3A_150] : memref<512x1xf32, #tpu.memory_space<vmem>>, vector<512x1xf32>
    %dot_general3A_152 = arith.constant dense<0.000000e+00> : vector<64x1xf32>
    %dot_general3A_153 = tpu.matmul %select_n3A_148, %get3A_151, %dot_general3A_152 {dimension_numbers = #tpu.dot_dimension_numbers<[1], [0], [0], [1], [0, 0, 1, 1], [], []>, precision = #tpu.contract_precision<fp32>, transpose_lhs_hint = false} : vector<64x512xf32>, vector<512x1xf32>, vector<64x1xf32> -> vector<64x1xf32>
    %get3A_154 = arith.constant 0 : index
    %get3A_155 = arith.constant 0 : index
    %get3A_156 = vector.load %arg14[%get3A_154, %get3A_155] : memref<1x1xf32, #tpu.memory_space<vmem>>, vector<1x1xf32>
    %add3A_157 = vector.broadcast %get3A_156 : vector<1x1xf32> to vector<64x1xf32>
    %add3A_158 = arith.addf %dot_general3A_153, %add3A_157 : vector<64x1xf32>
    %swap3A = arith.constant 0 : index
    %swap3A_159 = arith.constant 0 : index
    %swap3A_160 = vector.load %arg15[%swap3A, %swap3A_159] : memref<64x1xf32, #tpu.memory_space<vmem>>, vector<64x1xf32>
    tpu.vector_store %arg15[%swap3A, %swap3A_159], %add3A_158 {strides = array<i32>} : memref<64x1xf32, #tpu.memory_space<vmem>>, vector<64x1xf32>,
    return
  }
}

</mosaic_0001>

<sc_bundles>
// kernel: kernel.11.cloned.1.call-start
scs
__scs_entry_jumppad:
0x0: {  	(pc) =	sbr.rel $0x88, $3  }
0x1: {  	(tag) =	ssettag $0x0;
	lr =	simm.s32 $0x1  }
0x2: {  	[smem:$0x3F90] =	sst lr;
	_ =	strace $0xD0000000  }
0x3: {  	_ = 	snop  }
0x4: {  	_ = 	snop  }
0x5: {  	_ = 	snop  }
0x6: {  	_ = 	snop  }
0x7: {  	_ = 	snop  }
__scs_overlays_trampoline_lowered:
0x8: {  	[smem:$0x3F9F] =	sst s0  }
0x9: {  	[smem:$0x3FA0] =	sst s1  }
0xa: {  	[smem:$0x3FA1] =	sst s2  }
0xb: {  	[smem:$0x3FA2] =	sst s3  }
0xc: {  	[smem:$0x3FA3] =	sst s4  }
0xd: {  	[smem:$0x3FA4] =	sst s5  }
0xe: {  	[smem:$0x3FA5] =	sst s6  }
0xf: {  	[smem:$0x3FA6] =	sst s7  }
0x10: {  	[smem:$0x3FA7] =	sst s8  }
0x11: {  	[smem:$0x3FA8] =	sst s9;
	s0 =	simm.s32 @!p0 $0x0  }
0x12: {  	s1 =	sld [smem:$0x3F8E];
	s0 =	simm.s32 @p0 $0x1  }
0x13: {  	[smem:$0x3FA9] =	sst s0;
	s0 =	simm.s32 @!p1 $0x0  }
0x14: {  	s2 =	sld [smem:$0x3F8D];
	s0 =	simm.s32 @p1 $0x1  }
0x15: {  	[smem:$0x3FAA] =	sst s0;
	s0 =	simm.s32 @!p2 $0x0  }
0x16: {  	s3 =	sld [smem:$0x3FDB];
	s0 =	simm.s32 @p2 $0x1  }
0x17: {  	s4 =	simm.s32 $0x1BF5;
	[smem:$0x3FAC] =	sst s0  }
0x18: {  	s0 =	sld [smem:$0x3F8F];
	_ =	swait.ge [sflag:s4], $0x0  }
0x19: {  	s7 =	sld [smem:$0x3F90]  }
0x1a: {  	s8 =	sadd.s32 $0xFFFFE003, lr  }
0x1b: {  	s9 =	sadd.s32 $0xFFFFFEF7, lr;
	s5 =	simm.s32 $0xFFFFFFFF;
	p2 =	slt.u32 s8, $0xFFFFF086  }
0x1c: {  	p1 =	slt.u32 s9, $0xF7A;
	s5 =	simm.s32 @!p2 $0x0  }
0x1d: {  	s5 =	simm.s32 @p1 $0x1;
	p0 =	seq.s32 s7, s2  }
0x1e: {  	s7 =	smul.u32 @!p0 $0xF7A, s2;
	p2 =	seq.s32 @!p0 s5, $0x0  }
0x1f: {  	s9 =	smul.u32 $0xF7A, s1;
	s8 =	simm.s32 @!p0 $0x1BF5;
	p2 =	por !p2, p0  }
0x20: {  	[sflag:s8] =	ssyncset.s32 @!p0 $0xFFFFF086;
	s6 =	sadd.s32 @!p0 s3, s7;
	s7 =	simm.s32 @!p0 $0x108  }
0x21: {  	s3 =	sadd.s32 s3, s9;
	s6 =	sadd.s32 @!p0 $0x88, s6;
	s7 =	simm.s32 @p2 $0x1082  }
0x22: {  	[simem:s7], [sflag:s8] =	dma.local @!p0 [hbm:s6], $0xF7A  }
0x23: {  	s9 =	sor.u32 $0xD0000000, s2;
	s6 =	simm.s32 $0x108;
	_ =	swait.ge @!p0 [sflag:s8], $0x0  }
0x24: {  	s3 =	sadd.s32 $0x88, s3;
	s6 =	simm.s32 @!p1 $0x1082;
	[sflag:s4] =	ssyncset.s32 $0xFFFFF086  }
0x25: {  	[simem:s6], [sflag:s4] =	dma.local [hbm:s3], $0xF7A  }
0x26: {  	[smem:$0x3F90] =	sst s1;
	(tag) =	ssettag s2;
	_ =	strace s9  }
0x27: {  	s1 =	sld [smem:$0x3FA0]  }
0x28: {  	s2 =	sld [smem:$0x3FA1]  }
0x29: {  	s4 =	sld [smem:$0x3FA3]  }
0x2a: {  	p0 =	seq.s32 s5, $0x0;
	s5 =	sld [smem:$0x3FA4]  }
0x2b: {  	s6 =	sld [smem:$0x3FA5]  }
0x2c: {  	s7 =	sld [smem:$0x3FA6]  }
0x2d: {  	s3 =	simm.s32 $0x108;
	s8 =	sld [smem:$0x3FA7]  }
0x2e: {  	s3 =	simm.s32 @!p0 $0x1082;
	s9 =	sld [smem:$0x3FA8]  }
0x2f: {  	lr =	sadd.s32 s0, s3;
	s0 =	sld [smem:$0x3F9F]  }
0x30: {  	s3 =	sld [smem:$0x3FA2]  }
0x31: {  	[smem:$0x3FAB] =	sst s10  }
0x32: {  	s10 =	sld [smem:$0x3FA9];
	_ =	sdelay $0x3  }
0x33: {  	p0 =	seq.s32 s10, $0x1;
	s10 =	sld [smem:$0x3FAB];
	_ =	sdelay $0x3  }
0x34: {  	[smem:$0x3FAB] =	sst s10  }
0x35: {  	s10 =	sld [smem:$0x3FAA];
	_ =	sdelay $0x3  }
0x36: {  	p1 =	seq.s32 s10, $0x1;
	s10 =	sld [smem:$0x3FAB];
	_ =	sdelay $0x3  }
0x37: {  	[smem:$0x3FAB] =	sst s10  }
0x38: {  	s10 =	sld [smem:$0x3FAC]  }
0x39: {  	_ = 	snop;
	(pc) =	sbr.ind lr, $3  }
0x3a: {  	_ = 	snop  }
0x3b: {  	_ = 	snop  }
0x3c: {  	p2 =	seq.s32 s10, $0x1;
	s10 =	sld [smem:$0x3FAB]  }
0x3d: {  	_ =	shalt  }
0x3e: {  	_ =	shalt  }
0x3f: {  	_ =	shalt  }
0x40: {  	_ =	shalt  }
0x41: {  	_ =	shalt  }
0x42: {  	_ =	shalt  }
0x43: {  	_ =	shalt  }
0x44: {  	_ =	shalt  }
0x45: {  	_ =	shalt  }
0x46: {  	_ =	shalt  }
0x47: {  	_ =	shalt  }
0x48: {  	_ =	shalt  }
0x49: {  	_ =	shalt  }
0x4a: {  	_ =	shalt  }
0x4b: {  	_ =	shalt  }
0x4c: {  	_ =	shalt  }
0x4d: {  	_ =	shalt  }
0x4e: {  	_ =	shalt  }
0x4f: {  	_ =	shalt  }
0x50: {  	_ =	shalt  }
0x51: {  	_ =	shalt  }
0x52: {  	_ =	shalt  }
0x53: {  	_ =	shalt  }
0x54: {  	_ =	shalt  }
0x55: {  	_ =	shalt  }
0x56: {  	_ =	shalt  }
0x57: {  	_ =	shalt  }
0x58: {  	_ =	shalt  }
0x59: {  	_ =	shalt  }
0x5a: {  	_ =	shalt  }
0x5b: {  	_ =	shalt  }
0x5c: {  	_ =	shalt  }
0x5d: {  	_ =	shalt  }
0x5e: {  	_ =	shalt  }
0x5f: {  	_ =	shalt  }
0x60: {  	_ =	shalt  }
0x61: {  	_ =	shalt  }
0x62: {  	_ =	shalt  }
0x63: {  	_ =	shalt  }
0x64: {  	_ =	shalt  }
0x65: {  	_ =	shalt  }
0x66: {  	_ =	shalt  }
0x67: {  	_ =	shalt  }
0x68: {  	_ =	shalt  }
0x69: {  	_ =	shalt  }
0x6a: {  	_ =	shalt  }
0x6b: {  	_ =	shalt  }
0x6c: {  	_ =	shalt  }
0x6d: {  	_ =	shalt  }
0x6e: {  	_ =	shalt  }
0x6f: {  	_ =	shalt  }
0x70: {  	_ =	shalt  }
0x71: {  	_ =	shalt  }
0x72: {  	_ =	shalt  }
0x73: {  	_ =	shalt  }
0x74: {  	_ =	shalt  }
0x75: {  	_ =	shalt  }
0x76: {  	_ =	shalt  }
0x77: {  	_ =	shalt  }
0x78: {  	_ =	shalt  }
0x79: {  	_ =	shalt  }
0x7a: {  	_ =	shalt  }
0x7b: {  	_ =	shalt  }
0x7c: {  	_ =	shalt  }
0x7d: {  	_ =	shalt  }
0x7e: {  	_ =	shalt  }
0x7f: {  	_ =	shalt  }
0x80: {  	_ =	shalt  }
0x81: {  	_ =	shalt  }
0x82: {  	_ =	shalt  }
0x83: {  	_ =	shalt  }
0x84: {  	_ =	shalt  }
0x85: {  	_ =	shalt  }
0x86: {  	_ =	shalt  }
0x87: {  	_ =	shalt  }
.Lfunc_end0:
.L_simem_size_0:
called_computation.1_lowered:
.L_overlay_start_0:
0x88: {  	s2 =	sld [smem:$0x3FD9]  }
0x89: {  	s3 =	sld [smem:$0x3FFE];
	_ =	sdelay $0x1  }
0x8a: {  	s1 =	srdreg.scid  }
0x8b: {  	s0 =	sand.u32 $0x1, s1  }
0x8c: {  	s16 =	sshll.u32 s0, $0xA;
	s2 =	sadd.s32 s3, s2  }
0x8d: {  	s2 =	sadd.s32 s2, s16  }
0x8e: {  	[smem:$0x3FB7] =	sst s2  }
0x8f: {  	_ = 	snop  }
0x90: {  	(tm) =	ssettm $0x1  }
0x91: {  	s17 =	sld [smem:$0x3FFB];
	_ =	sdelay $0x3  }
0x92: {  	_ =	strace s17  }
0x93: {  	s2 =	sld [smem:$0x3FFC];
	_ =	sdelay $0x3  }
0x94: {  	_ =	strace s2  }
0x95: {  	s2 =	sld [smem:$0x3FFD];
	_ =	sdelay $0x3  }
0x96: {  	_ =	strace s2  }
0x97: {  	_ =	strace $0x8FFFFFFF  }
0x98: {  	s18 =	sld [smem:$0x3FDB];
	_ =	sdelay $0x1  }
0x99: {  	s19 =	simm.s32 $_scs_section_size  }
0x9a: {  	s4 =	simm.s32 $_size__tile_overlayer_lowered;
	s5 =	simm.s32 $_tile_overlayer_lowered  }
0x9b: {  	s22 =	simm.s32 $0x1BFF;
	s21 =	sshll.u32 s5, $0x1;
	s2 =	sadd.s32 s19, s18  }
0x9c: {  	s6 =	simm.s32 $0x0;
	s20 =	sshll.u32 s4, $0x1;
	s4 =	sadd.s32 s21, s2  }
0x9d: {  	[timem:s6], [sflag:s22] =	dma.local [hbm:s4], s20  }
0x9e: {  	_ =	swait.ge [sflag:s22], s20  }
0x9f: {  	s3 =	ssub.s32 $0x0, s20;
	[sflag:s22] =	ssyncset.done $0x0  }
0xa0: {  	[sflag:s22] =	ssyncadd.s32 s3;
	_ =	sdelay $0x1  }
0xa1: {  	s23 =	simm.s32 $0x1B8B  }
0xa2: {  	_ =	swait.ge [sflag:s23], $0x1  }
0xa3: {  	[sflag:s23] =	ssyncset.done $0x0  }
0xa4: {  	s25 =	simm.s32 $0x1B8E;
	s24 =	sld [smem:$0x3FFE];
	[sflag:s23] =	ssyncadd.s32 $0xFFFFFFFF  }
0xa5: {  	s26 =	simm.s32 $execute0_lowered;
	[smem:$0x3FD2] =	sst s25  }
0xa6: {  	s4 =	sshll.u32 s26, $0x1;
	_ =	strace $0x80000049;
	[dreg:$0x1] =	wrdreg $0xFFFFFFFF  }
0xa7: {  	s28 =	simm.s32 $_size_execute0_lowered;
	s2 =	sadd.s32 s2, s4;
	[dreg:$0x0] =	wrdreg $0x0  }
0xa8: {  	s4 =	sshll.u32 s28, $0x1;
	[dreg:$0x2] =	wrdreg s2  }
0xa9: {  	[dreg:$0x3] =	wrdreg s4  }
0xaa: {  	[dreg:$0x4] =	wrdreg $0xC0  }
0xab: {  	_ =	task [dreg:s6], $0x5FFFF  }
0xac: {  	[dreg:$0x1] =	wrdreg $0xFFFFFFFF  }
0xad: {  	[dreg:$0x0] =	wrdreg $0x60  }
0xae: {  	[dreg:$0x2] =	wrdreg s24  }
0xaf: {  	[dreg:$0x3] =	wrdreg $0x76800  }
0xb0: {  	[dreg:$0x4] =	wrdreg $0x9  }
0xb1: {  	_ =	task.clear_ibuf [dreg:s6], $0x5FFFF;
	_ =	strace $0x90000049  }
0xb2: {  	s29 =	simm.s32 $0x9;
	_ =	strace $0x8000004B  }
0xb3: {  	_ =	swait.ge [sflag:s29], $0x1  }
0xb4: {  	[sflag:s29] =	ssyncadd.s32 $0xFFFFFFFF  }
0xb5: {  	_ =	strace $0x9000004B  }
0xb6: {  	_ =	sfence  }
0xb7: {  	s30 =	sld [smem:$0x0];
	_ =	sdelay $0x2  }
0xb8: {  	s31 =	sshll.u32 s1, $0xD;
	s1 =	sshrl.u32 s1, $0x2  }
0xb9: {  	s3 =	sand.u32 $0x4000, s31;
	s1 =	sadd.s32 s1, s30  }
0xba: {  	s0 =	sor.u32 s3, s0;
	s1 =	sshll.u32 s1, $0x11  }
0xbb: {  	s0 =	sor.u32 s1, s0  }
0xbc: {  	s0 =	sadd.s32 $0x8F2B, s0  }
0xbd: {  	[sflag:s0] =	ssyncadd.remote.s32 $0x1  }
0xbe: {  	_ =	sfence.sel $0xFFFF  }
0xbf: {  	[dreg:$0x0] =	wrdreg $0xFFFFFFFF;
	(pc) =	sbr.abs _section_cstart, $3  }
0xc0: {  	[dreg:$0x1] =	wrdreg $0xFFFFFFFF  }
0xc1: {  	_ =	task.clear_ibuf [dreg:s6], $0x2FFFF;
	_ =	strace $0x9FFFFFFF  }
0xc2: {  	(tm) =	ssettm $0x7FFFFFFF  }
0xc3: {  	_ =	shalt  }
tec
execute0_lowered:
.L_overlay_start_1:
0x0: {  	(tag) =	ssettag $0x1  }
0x1: {  	s0 =	srdreg.scid;
	s6 =	rddreg [dreg:$0x0]  }
0x2: {  	s2 =	rddreg [dreg:$0x1];
	s1 =	stileid.u32;
	s3 =	simm.s32 $0x0  }
0x3: {  	s28 =	simm.s32 $0x4E80;
	s29 =	simm.s32 $0x1;
	s30 =	simm.s32 $0x2  }
0x4: {  	s31 =	simm.s32 $0xC30;
	s0 =	sand.u32 $0x1, s0;
	s8 =	smul.u32 $0x2780, s1  }
0x5: {  	[smem:$0x7FF] =	sst s3;
	s10 =	smul.u32 $0x4F000, s1;
	s21 =	sadd.s32 $0x86480, s6  }
0x6: {  	s16 =	sadd.s32 $0xAD680, s6;
	p0 =	seq.s32 s1, $0xF;
	s4 =	sshll.u32 s0, $0x4  }
0x7: {  	_ =	strace $0x8000004A;
	s9 =	ssub.s32 $0x2, s0;
	[dreg:$0x4] =	wrdreg s21  }
0x8: {  	p4 =	seq.s32 s0, $0x1;
	s0 =	sshll.u32 @!p0 s1, $0x6;
	s5 =	sor.u32 s1, s4  }
0x9: {  	s4 =	sadd.s32 $0x3A200, s6;
	s18 =	sshrl.u32 s9, $0x1;
	s8 =	sadd.s32 s8, s6  }
0xa: {  	s19 =	sshrl.u32 s10, $0x2;
	s21 =	sor.u32 @!p0 $0x1C03, s0;
	p2 =	seq.s32 @p4 s1, $0xF  }
0xb: {  	p5 =	seq.s32 @!p4 s1, $0xF;
	s0 =	simm.s32 $0x2180;
	s7 =	smul.u32 $0x2710, s5  }
0xc: {  	s5 =	sshll.u32 s5, $0xB;
	s9 =	ssub.s32 s9, s18;
	s20 =	sadd.s32 $0x61400, s8  }
0xd: {  	s15 =	sadd.s32 $0x88600, s8;
	s17 =	sadd.s32 $0xAF800, s8;
	s18 =	sadd.s32 $0xD4880, s6  }
0xe: {  	p1 =	por !p2, !p4;
	p2 =	por p2, !p4;
	p3 =	por !p5, p4  }
0xf: {  	p4 =	por p5, p4;
	s8 =	simm.s32 $0x0;
	s14 =	sadd.s32 s5, s6  }
0x10: {  	s5 =	sadd.s32 s19, s2;
	[dreg:$0x3] =	wrdreg s20;
	s19 =	smax.u32 s9, $0x1  }
0x11: {  	s7 =	sshrl.u32 s7, $0x3;
	s23 =	sadd.s32 $0x2A200, s14;
	s25 =	sadd.s32 $0x2A480, s14  }
0x12: {  	s14 =	sadd.s32 $0x2A700, s14;
	s11 =	sadd.s32 s7, s6;
	[dreg:$0x6] =	wrdreg s23  }
0x13: {  	s7 =	sadd.s32 $0x128400, s2;
	[dreg:$0x8] =	wrdreg s25;
	s22 =	sadd.s32 $0xC800, s11  }
0x14: {  	s23 =	simm.s32 $0x3;
	s24 =	sadd.s32 $0xC990, s11;
	[dreg:$0x5] =	wrdreg s22  }
0x15: {  	s25 =	simm.s32 $0x50;
	s26 =	sadd.s32 $0xCB20, s11;
	[dreg:$0x7] =	wrdreg s24  }
0x16: {  	s6 =	simm.s32 $0x2200;
	s20 =	sshrl.u32 @p0 s7, $0x3;
	[dreg:$0x9] =	wrdreg s26  }
0x17: {  	s22 =	sshrl.u32 @!p0 s5, $0x3;
	s24 =	simm.s32 $0xE80;
	s26 =	simm.s32 $0x2680  }
.LBB2_1:
0x18: {  	s9 =	simm.s32 @p0 $0x1FC3;
	s10 =	rddreg [dreg:$0x4]  }
0x19: {  	[spmem:s20], [sflag:s9] =	dma.local @p0 [hbm:s10], $0x2080  }
0x1a: {  	s9 =	simm.s32 @p0 $0x3  }
0x1b: {  	_ =	swait.ge @p0 [sflag:s9], $0x2080  }
0x1c: {  	[sflag:s9] =	ssyncset.done @p0 $0x0  }
0x1d: {  	[sflag:s9] =	ssyncadd.s32 @p0 $0xFFFFDF80;
	s9 =	rddreg [dreg:$0x3]  }
0x1e: {  	[spmem:s22], [sflag:s21] =	dma.local @!p0 [hbm:s9], $0x2780  }
0x1f: {  	s9 =	simm.s32 @!p0 $0x3  }
0x20: {  	_ =	swait.ge @!p0 [sflag:s9], $0x2780  }
0x21: {  	[sflag:s9] =	ssyncset.done @!p0 $0x0  }
0x22: {  	[sflag:s9] =	ssyncadd.s32 @!p0 $0xFFFFD880  }
0x23: {  	[bflag:$0x0] =	sbarrier.arrive $0xFFFF  }
0x24: {  	s12 =	rddreg [dreg:$0x5]  }
0x25: {  	[tilespmem:s3], [sflag:$0x3] =	stream.linear.gather [hbm4b:s12+s3], $0xC80, $0x38;
	[tilespmem:$0x1AF00] =	vst v63  }
0x26: {  	_ =	swait.ge [sflag:s23], $0xC80  }
0x27: {  	[sflag:s23] =	ssyncset.done $0x0  }
0x28: {  	s13 =	rddreg [dreg:$0x6];
	[sflag:s23] =	ssyncadd.s32 $0xFFFFF380  }
0x29: {  	[tilespmem:s24], [sflag:$0x3] =	stream.linear.gather [hbm4b:s13+s3], $0x1400, $0x38;
	[tilespmem:$0x1AF00] =	vst v63  }
0x2a: {  	_ =	swait.ge [sflag:s23], $0x1400  }
0x2b: {  	[sflag:s23] =	ssyncset.done $0x0  }
0x2c: {  	[sflag:s23] =	ssyncadd.s32 $0xFFFFEC00  }
0x2d: {  	[tilespmem:s26], [sflag:$0x1] =	stream.indirect.gather [hbm4b:s4+s25], $0x80, s3, s25, $0xb8;
	[tilespmem:$0x1AF00] =	vst v63  }
0x2e: {  	s10 =	simm.s32 $0x50  }
0x2f: {  	[tilespmem:s28], [sflag:$0x2] =	stream.indirect.gather [hbm4b:s4+s25], $0x80, s10, s25, $0xb8;
	[tilespmem:$0x1AF00] =	vst v63  }
0x30: {  	_ =	swait.ge [sflag:s29], $0x2800  }
0x31: {  	[sflag:s29] =	ssyncset.done $0x0  }
0x32: {  	s11 =	simm.s32 $0xE80;
	[sflag:s29] =	ssyncadd.s32 $0xFFFFD800  }
0x33: {  	[spmem:s2] =	stream.indirect.scatter.add.f32 [tilespmem:s26], [sflag:$0x3], $0x80, s11, s25, $0xb8;
	[tilespmem:$0x1AF00] =	vst v63  }
0x34: {  	_ =	swait.ge [sflag:s23], $0x2800  }
0x35: {  	[sflag:s23] =	ssyncset.done $0x0  }
0x36: {  	s12 =	simm.s32 $0xA0;
	[sflag:s23] =	ssyncadd.s32 $0xFFFFD800  }
0x37: {  	[tilespmem:s26], [sflag:$0x1] =	stream.indirect.gather [hbm4b:s4+s25], $0x80, s12, s25, $0xb8;
	[tilespmem:$0x1AF00] =	vst v63  }
0x38: {  	_ =	swait.ge [sflag:s30], $0x2800  }
0x39: {  	[sflag:s30] =	ssyncset.done $0x0  }
0x3a: {  	s13 =	simm.s32 $0xF00;
	[sflag:s30] =	ssyncadd.s32 $0xFFFFD800  }
0x3b: {  	[spmem:s2] =	stream.indirect.scatter.add.f32 [tilespmem:s28], [sflag:$0x3], $0x80, s13, s25, $0xb8;
	[tilespmem:$0x1AF00] =	vst v63  }
0x3c: {  	s9 =	simm.s32 $0x140;
	_ =	swait.ge [sflag:s23], $0x2800  }
0x3d: {  	s10 =	simm.s32 $0x400;
	s11 =	simm.s32 $0x800;
	[sflag:s23] =	ssyncset.done $0x0  }
.LBB2_2:
0x3e: {  	p5 =	sne.s32 s11, $0x4800;
	s12 =	sadd.s32 $0xFFFFFFB0, s9;
	[sflag:s23] =	ssyncadd.s32 $0xFFFFD800  }
0x3f: {  	[tilespmem:s28], [sflag:$0x2] =	stream.indirect.gather [hbm4b:s4+s25], $0x80, s12, s25, $0xb8;
	[tilespmem:$0x1AF00] =	vst v63  }
0x40: {  	s12 =	smov.u32 s11;
	s11 =	sadd.s32 $0x400, s11;
	_ =	swait.ge [sflag:s29], $0x2800  }
0x41: {  	s13 =	sshra.s32 s10, $0x2;
	s10 =	smov.u32 s12;
	[sflag:s29] =	ssyncset.done $0x0  }
0x42: {  	s12 =	sadd.s32 $0xE80, s13;
	[sflag:s29] =	ssyncadd.s32 $0xFFFFD800  }
0x43: {  	[spmem:s2] =	stream.indirect.scatter.add.f32 [tilespmem:s26], [sflag:$0x3], $0x80, s12, s25, $0xb8;
	[tilespmem:$0x1AF00] =	vst v63  }
0x44: {  	_ =	swait.ge [sflag:s23], $0x2800  }
0x45: {  	[sflag:s23] =	ssyncset.done $0x0  }
0x46: {  	[sflag:s23] =	ssyncadd.s32 $0xFFFFD800  }
0x47: {  	[tilespmem:s26], [sflag:$0x1] =	stream.indirect.gather [hbm4b:s4+s25], $0x80, s9, s25, $0xb8;
	[tilespmem:$0x1AF00] =	vst v63  }
0x48: {  	_ =	swait.ge [sflag:s30], $0x2800  }
.Ltmp0:
0x49: {  	[sflag:s30] =	ssyncset.done $0x0;
	(pc) =	sbr.rel @p5 .LBB2_2-.Ltmp0, $4  }
0x4a: {  	s12 =	sadd.s32 $0xF00, s13;
	[sflag:s30] =	ssyncadd.s32 $0xFFFFD800  }
0x4b: {  	[spmem:s2] =	stream.indirect.scatter.add.f32 [tilespmem:s28], [sflag:$0x3], $0x80, s12, s25, $0xb8;
	[tilespmem:$0x1AF00] =	vst v63  }
0x4c: {  	_ =	swait.ge [sflag:s23], $0x2800  }
0x4d: {  	s9 =	sadd.s32 $0xA0, s9;
	[sflag:s23] =	ssyncset.done $0x0  }
0x4e: {  	s11 =	sadd.s32 $0xFFFFFFB0, s9;
	[sflag:s23] =	ssyncadd.s32 $0xFFFFD800  }
0x4f: {  	[tilespmem:s28], [sflag:$0x2] =	stream.indirect.gather [hbm4b:s4+s25], $0x80, s11, s25, $0xb8;
	[tilespmem:$0x1AF00] =	vst v63  }
0x50: {  	_ =	swait.ge [sflag:s29], $0x2800  }
0x51: {  	s10 =	sshra.s32 s10, $0x2;
	[sflag:s29] =	ssyncset.done $0x0  }
0x52: {  	s13 =	sadd.s32 $0xE80, s10;
	[sflag:s29] =	ssyncadd.s32 $0xFFFFD800  }
0x53: {  	[spmem:s2] =	stream.indirect.scatter.add.f32 [tilespmem:s26], [sflag:$0x3], $0x80, s13, s25, $0xb8;
	[tilespmem:$0x1AF00] =	vst v63  }
0x54: {  	_ =	swait.ge [sflag:s23], $0x2800  }
0x55: {  	[sflag:s23] =	ssyncset.done $0x0  }
0x56: {  	[sflag:s23] =	ssyncadd.s32 $0xFFFFD800  }
0x57: {  	[tilespmem:s26], [sflag:$0x1] =	stream.indirect.gather [hbm4b:s4+s25], $0x80, s9, s25, $0xb8;
	[tilespmem:$0x1AF00] =	vst v63  }
0x58: {  	_ =	swait.ge [sflag:s30], $0x2800  }
0x59: {  	[sflag:s30] =	ssyncset.done $0x0  }
0x5a: {  	s10 =	sadd.s32 $0xF00, s10;
	[sflag:s30] =	ssyncadd.s32 $0xFFFFD800  }
0x5b: {  	[spmem:s2] =	stream.indirect.scatter.add.f32 [tilespmem:s28], [sflag:$0x3], $0x80, s10, s25, $0xb8;
	[tilespmem:$0x1AF00] =	vst v63  }
0x5c: {  	_ =	swait.ge [sflag:s23], $0x2800  }
0x5d: {  	[sflag:s23] =	ssyncset.done $0x0  }
0x5e: {  	[sflag:s23] =	ssyncadd.s32 $0xFFFFD800  }
0x5f: {  	[tilespmem:s28], [sflag:$0x2] =	stream.indirect.gather [hbm4b:s4+s25], $0x80, s31, s25, $0xb8;
	[tilespmem:$0x1AF00] =	vst v63  }
0x60: {  	_ =	swait.ge [sflag:s29], $0x2800  }
0x61: {  	[sflag:s29] =	ssyncset.done $0x0  }
0x62: {  	[sflag:s29] =	ssyncadd.s32 $0xFFFFD800  }
0x63: {  	[spmem:s2] =	stream.indirect.scatter.add.f32 [tilespmem:s26], [sflag:$0x3], $0x80, s0, s25, $0xb8;
	[tilespmem:$0x1AF00] =	vst v63  }
0x64: {  	_ =	swait.ge [sflag:s23], $0x2800  }
0x65: {  	[sflag:s23] =	ssyncset.done $0x0  }
0x66: {  	[sflag:s23] =	ssyncadd.s32 $0xFFFFD800  }
0x67: {  	_ =	swait.ge [sflag:s30], $0x2800  }
0x68: {  	[sflag:s30] =	ssyncset.done $0x0  }
0x69: {  	[sflag:s30] =	ssyncadd.s32 $0xFFFFD800  }
0x6a: {  	[spmem:s2] =	stream.indirect.scatter.add.f32 [tilespmem:s28], [sflag:$0x3], $0x80, s6, s25, $0xb8;
	[tilespmem:$0x1AF00] =	vst v63  }
0x6b: {  	_ =	swait.ge [sflag:s23], $0x2800  }
0x6c: {  	[sflag:s23] =	ssyncset.done $0x0  }
0x6d: {  	s11 =	simm.s32 $0x0;
	s12 =	rddreg [dreg:$0x7];
	[sflag:s23] =	ssyncadd.s32 $0xFFFFD800  }
0x6e: {  	[tilespmem:s11], [sflag:$0x3] =	stream.linear.gather [hbm4b:s12+s11], $0xC80, $0x38;
	[tilespmem:$0x1AF00] =	vst v63  }
0x6f: {  	_ =	swait.ge [sflag:s23], $0xC80  }
0x70: {  	[sflag:s23] =	ssyncset.done $0x0  }
0x71: {  	s13 =	rddreg [dreg:$0x8];
	[sflag:s23] =	ssyncadd.s32 $0xFFFFF380  }
0x72: {  	[tilespmem:s24], [sflag:$0x3] =	stream.linear.gather [hbm4b:s13+s11], $0x1400, $0x38;
	[tilespmem:$0x1AF00] =	vst v63  }
0x73: {  	_ =	swait.ge [sflag:s23], $0x1400  }
0x74: {  	[sflag:s23] =	ssyncset.done $0x0  }
0x75: {  	[sflag:s23] =	ssyncadd.s32 $0xFFFFEC00  }
0x76: {  	[tilespmem:s26], [sflag:$0x1] =	stream.indirect.gather [hbm4b:s4+s25], $0x80, s11, s25, $0xb8;
	[tilespmem:$0x1AF00] =	vst v63  }
0x77: {  	s10 =	simm.s32 $0x50  }
0x78: {  	[tilespmem:s28], [sflag:$0x2] =	stream.indirect.gather [hbm4b:s4+s25], $0x80, s10, s25, $0xb8;
	[tilespmem:$0x1AF00] =	vst v63  }
0x79: {  	_ =	swait.ge [sflag:s29], $0x2800  }
0x7a: {  	[sflag:s29] =	ssyncset.done $0x0  }
0x7b: {  	s11 =	simm.s32 $0xE80;
	[sflag:s29] =	ssyncadd.s32 $0xFFFFD800  }
0x7c: {  	[spmem:s2] =	stream.indirect.scatter.add.f32 [tilespmem:s26], [sflag:$0x3], $0x80, s11, s25, $0xb8;
	[tilespmem:$0x1AF00] =	vst v63  }
0x7d: {  	_ =	swait.ge [sflag:s23], $0x2800  }
0x7e: {  	[sflag:s23] =	ssyncset.done $0x0  }
0x7f: {  	s12 =	simm.s32 $0xA0;
	[sflag:s23] =	ssyncadd.s32 $0xFFFFD800  }
0x80: {  	[tilespmem:s26], [sflag:$0x1] =	stream.indirect.gather [hbm4b:s4+s25], $0x80, s12, s25, $0xb8;
	[tilespmem:$0x1AF00] =	vst v63  }
0x81: {  	_ =	swait.ge [sflag:s30], $0x2800  }
0x82: {  	[sflag:s30] =	ssyncset.done $0x0  }
0x83: {  	s13 =	simm.s32 $0xF00;
	[sflag:s30] =	ssyncadd.s32 $0xFFFFD800  }
0x84: {  	[spmem:s2] =	stream.indirect.scatter.add.f32 [tilespmem:s28], [sflag:$0x3], $0x80, s13, s25, $0xb8;
	[tilespmem:$0x1AF00] =	vst v63  }
0x85: {  	s9 =	simm.s32 $0x140;
	_ =	swait.ge [sflag:s23], $0x2800  }
0x86: {  	s10 =	simm.s32 $0x400;
	s11 =	simm.s32 $0x800;
	[sflag:s23] =	ssyncset.done $0x0  }
.LBB2_4:
0x87: {  	p5 =	sne.s32 s11, $0x4800;
	s12 =	sadd.s32 $0xFFFFFFB0, s9;
	[sflag:s23] =	ssyncadd.s32 $0xFFFFD800  }
0x88: {  	[tilespmem:s28], [sflag:$0x2] =	stream.indirect.gather [hbm4b:s4+s25], $0x80, s12, s25, $0xb8;
	[tilespmem:$0x1AF00] =	vst v63  }
0x89: {  	s12 =	smov.u32 s11;
	s11 =	sadd.s32 $0x400, s11;
	_ =	swait.ge [sflag:s29], $0x2800  }
0x8a: {  	s13 =	sshra.s32 s10, $0x2;
	s10 =	smov.u32 s12;
	[sflag:s29] =	ssyncset.done $0x0  }
0x8b: {  	s12 =	sadd.s32 $0xE80, s13;
	[sflag:s29] =	ssyncadd.s32 $0xFFFFD800  }
0x8c: {  	[spmem:s2] =	stream.indirect.scatter.add.f32 [tilespmem:s26], [sflag:$0x3], $0x80, s12, s25, $0xb8;
	[tilespmem:$0x1AF00] =	vst v63  }
0x8d: {  	_ =	swait.ge [sflag:s23], $0x2800  }
0x8e: {  	[sflag:s23] =	ssyncset.done $0x0  }
0x8f: {  	[sflag:s23] =	ssyncadd.s32 $0xFFFFD800  }
0x90: {  	[tilespmem:s26], [sflag:$0x1] =	stream.indirect.gather [hbm4b:s4+s25], $0x80, s9, s25, $0xb8;
	[tilespmem:$0x1AF00] =	vst v63  }
0x91: {  	_ =	swait.ge [sflag:s30], $0x2800  }
.Ltmp1:
0x92: {  	[sflag:s30] =	ssyncset.done $0x0;
	(pc) =	sbr.rel @p5 .LBB2_4-.Ltmp1, $4  }
0x93: {  	s12 =	sadd.s32 $0xF00, s13;
	[sflag:s30] =	ssyncadd.s32 $0xFFFFD800  }
0x94: {  	[spmem:s2] =	stream.indirect.scatter.add.f32 [tilespmem:s28], [sflag:$0x3], $0x80, s12, s25, $0xb8;
	[tilespmem:$0x1AF00] =	vst v63  }
0x95: {  	_ =	swait.ge [sflag:s23], $0x2800  }
0x96: {  	s9 =	sadd.s32 $0xA0, s9;
	[sflag:s23] =	ssyncset.done $0x0  }
0x97: {  	s11 =	sadd.s32 $0xFFFFFFB0, s9;
	[sflag:s23] =	ssyncadd.s32 $0xFFFFD800  }
0x98: {  	[tilespmem:s28], [sflag:$0x2] =	stream.indirect.gather [hbm4b:s4+s25], $0x80, s11, s25, $0xb8;
	[tilespmem:$0x1AF00] =	vst v63  }
0x99: {  	_ =	swait.ge [sflag:s29], $0x2800  }
0x9a: {  	s10 =	sshra.s32 s10, $0x2;
	[sflag:s29] =	ssyncset.done $0x0  }
0x9b: {  	s13 =	sadd.s32 $0xE80, s10;
	[sflag:s29] =	ssyncadd.s32 $0xFFFFD800  }
0x9c: {  	[spmem:s2] =	stream.indirect.scatter.add.f32 [tilespmem:s26], [sflag:$0x3], $0x80, s13, s25, $0xb8;
	[tilespmem:$0x1AF00] =	vst v63  }
0x9d: {  	_ =	swait.ge [sflag:s23], $0x2800  }
0x9e: {  	[sflag:s23] =	ssyncset.done $0x0  }
0x9f: {  	[sflag:s23] =	ssyncadd.s32 $0xFFFFD800  }
0xa0: {  	[tilespmem:s26], [sflag:$0x1] =	stream.indirect.gather [hbm4b:s4+s25], $0x80, s9, s25, $0xb8;
	[tilespmem:$0x1AF00] =	vst v63  }
0xa1: {  	_ =	swait.ge [sflag:s30], $0x2800  }
0xa2: {  	[sflag:s30] =	ssyncset.done $0x0  }
0xa3: {  	s11 =	sadd.s32 $0xF00, s10;
	[sflag:s30] =	ssyncadd.s32 $0xFFFFD800  }
0xa4: {  	[spmem:s2] =	stream.indirect.scatter.add.f32 [tilespmem:s28], [sflag:$0x3], $0x80, s11, s25, $0xb8;
	[tilespmem:$0x1AF00] =	vst v63  }
0xa5: {  	_ =	swait.ge [sflag:s23], $0x2800  }
0xa6: {  	[sflag:s23] =	ssyncset.done $0x0  }
0xa7: {  	[sflag:s23] =	ssyncadd.s32 $0xFFFFD800  }
0xa8: {  	[tilespmem:s28], [sflag:$0x2] =	stream.indirect.gather [hbm4b:s4+s25], $0x80, s31, s25, $0xb8;
	[tilespmem:$0x1AF00] =	vst v63  }
0xa9: {  	_ =	swait.ge [sflag:s29], $0x2800  }
0xaa: {  	[sflag:s29] =	ssyncset.done $0x0  }
0xab: {  	[sflag:s29] =	ssyncadd.s32 $0xFFFFD800  }
0xac: {  	[spmem:s2] =	stream.indirect.scatter.add.f32 [tilespmem:s26], [sflag:$0x3], $0x80, s0, s25, $0xb8;
	[tilespmem:$0x1AF00] =	vst v63  }
0xad: {  	_ =	swait.ge [sflag:s23], $0x2800  }
0xae: {  	[sflag:s23] =	ssyncset.done $0x0  }
0xaf: {  	[sflag:s23] =	ssyncadd.s32 $0xFFFFD800  }
0xb0: {  	_ =	swait.ge [sflag:s30], $0x2800  }
0xb1: {  	[sflag:s30] =	ssyncset.done $0x0  }
0xb2: {  	[sflag:s30] =	ssyncadd.s32 $0xFFFFD800  }
0xb3: {  	[spmem:s2] =	stream.indirect.scatter.add.f32 [tilespmem:s28], [sflag:$0x3], $0x80, s6, s25, $0xb8;
	[tilespmem:$0x1AF00] =	vst v63  }
0xb4: {  	_ =	swait.ge [sflag:s23], $0x2800  }
0xb5: {  	[sflag:s23] =	ssyncset.done $0x0  }
0xb6: {  	s12 =	simm.s32 $0x0;
	s13 =	rddreg [dreg:$0x9];
	[sflag:s23] =	ssyncadd.s32 $0xFFFFD800  }
0xb7: {  	[tilespmem:s12], [sflag:$0x3] =	stream.linear.gather [hbm4b:s13+s12], $0xE10, $0x38;
	[tilespmem:$0x1AF00] =	vst v63  }
0xb8: {  	_ =	swait.ge [sflag:s23], $0xE10  }
0xb9: {  	[sflag:s23] =	ssyncset.done $0x0  }
0xba: {  	[sflag:s23] =	ssyncadd.s32 $0xFFFFF1F0  }
0xbb: {  	[tilespmem:s24], [sflag:$0x3] =	stream.linear.gather [hbm4b:s14+s12], $0x1680, $0x38;
	[tilespmem:$0x1AF00] =	vst v63  }
0xbc: {  	_ =	swait.ge [sflag:s23], $0x1680  }
0xbd: {  	[sflag:s23] =	ssyncset.done $0x0  }
0xbe: {  	[sflag:s23] =	ssyncadd.s32 $0xFFFFE980  }
0xbf: {  	[tilespmem:s26], [sflag:$0x1] =	stream.indirect.gather [hbm4b:s4+s25], $0x80, s12, s25, $0xb8;
	[tilespmem:$0x1AF00] =	vst v63  }
0xc0: {  	s10 =	simm.s32 $0x50  }
0xc1: {  	[tilespmem:s28], [sflag:$0x2] =	stream.indirect.gather [hbm4b:s4+s25], $0x80, s10, s25, $0xb8;
	[tilespmem:$0x1AF00] =	vst v63  }
0xc2: {  	_ =	swait.ge [sflag:s29], $0x2800  }
0xc3: {  	[sflag:s29] =	ssyncset.done $0x0  }
0xc4: {  	s11 =	simm.s32 $0xE80;
	[sflag:s29] =	ssyncadd.s32 $0xFFFFD800  }
0xc5: {  	[spmem:s2] =	stream.indirect.scatter.add.f32 [tilespmem:s26], [sflag:$0x3], $0x80, s11, s25, $0xb8;
	[tilespmem:$0x1AF00] =	vst v63  }
0xc6: {  	_ =	swait.ge [sflag:s23], $0x2800  }
0xc7: {  	[sflag:s23] =	ssyncset.done $0x0  }
0xc8: {  	s12 =	simm.s32 $0xA0;
	[sflag:s23] =	ssyncadd.s32 $0xFFFFD800  }
0xc9: {  	[tilespmem:s26], [sflag:$0x1] =	stream.indirect.gather [hbm4b:s4+s25], $0x80, s12, s25, $0xb8;
	[tilespmem:$0x1AF00] =	vst v63  }
0xca: {  	_ =	swait.ge [sflag:s30], $0x2800  }
0xcb: {  	[sflag:s30] =	ssyncset.done $0x0  }
0xcc: {  	s13 =	simm.s32 $0xF00;
	[sflag:s30] =	ssyncadd.s32 $0xFFFFD800  }
0xcd: {  	[spmem:s2] =	stream.indirect.scatter.add.f32 [tilespmem:s28], [sflag:$0x3], $0x80, s13, s25, $0xb8;
	[tilespmem:$0x1AF00] =	vst v63  }
0xce: {  	s9 =	simm.s32 $0x140;
	_ =	swait.ge [sflag:s23], $0x2800  }
0xcf: {  	s10 =	simm.s32 $0x400;
	s11 =	simm.s32 $0x800;
	[sflag:s23] =	ssyncset.done $0x0  }
.LBB2_6:
0xd0: {  	p5 =	sne.s32 s11, $0x5400;
	s12 =	sadd.s32 $0xFFFFFFB0, s9;
	[sflag:s23] =	ssyncadd.s32 $0xFFFFD800  }
0xd1: {  	[tilespmem:s28], [sflag:$0x2] =	stream.indirect.gather [hbm4b:s4+s25], $0x80, s12, s25, $0xb8;
	[tilespmem:$0x1AF00] =	vst v63  }
0xd2: {  	s12 =	smov.u32 s11;
	s11 =	sadd.s32 $0x400, s11;
	_ =	swait.ge [sflag:s29], $0x2800  }
0xd3: {  	s13 =	sshra.s32 s10, $0x2;
	s10 =	smov.u32 s12;
	[sflag:s29] =	ssyncset.done $0x0  }
0xd4: {  	s12 =	sadd.s32 $0xE80, s13;
	[sflag:s29] =	ssyncadd.s32 $0xFFFFD800  }
0xd5: {  	[spmem:s2] =	stream.indirect.scatter.add.f32 [tilespmem:s26], [sflag:$0x3], $0x80, s12, s25, $0xb8;
	[tilespmem:$0x1AF00] =	vst v63  }
0xd6: {  	_ =	swait.ge [sflag:s23], $0x2800  }
0xd7: {  	[sflag:s23] =	ssyncset.done $0x0  }
0xd8: {  	[sflag:s23] =	ssyncadd.s32 $0xFFFFD800  }
0xd9: {  	[tilespmem:s26], [sflag:$0x1] =	stream.indirect.gather [hbm4b:s4+s25], $0x80, s9, s25, $0xb8;
	[tilespmem:$0x1AF00] =	vst v63  }
0xda: {  	_ =	swait.ge [sflag:s30], $0x2800  }
.Ltmp2:
0xdb: {  	[sflag:s30] =	ssyncset.done $0x0;
	(pc) =	sbr.rel @p5 .LBB2_6-.Ltmp2, $4  }
0xdc: {  	s12 =	sadd.s32 $0xF00, s13;
	[sflag:s30] =	ssyncadd.s32 $0xFFFFD800  }
0xdd: {  	[spmem:s2] =	stream.indirect.scatter.add.f32 [tilespmem:s28], [sflag:$0x3], $0x80, s12, s25, $0xb8;
	[tilespmem:$0x1AF00] =	vst v63  }
0xde: {  	_ =	swait.ge [sflag:s23], $0x2800  }
0xdf: {  	s9 =	sadd.s32 $0xA0, s9;
	[sflag:s23] =	ssyncset.done $0x0  }
0xe0: {  	s11 =	sadd.s32 $0xFFFFFFB0, s9;
	[sflag:s23] =	ssyncadd.s32 $0xFFFFD800  }
0xe1: {  	[tilespmem:s28], [sflag:$0x2] =	stream.indirect.gather [hbm4b:s4+s25], $0x80, s11, s25, $0xb8;
	[tilespmem:$0x1AF00] =	vst v63  }
0xe2: {  	_ =	swait.ge [sflag:s29], $0x2800  }
0xe3: {  	s10 =	sshra.s32 s10, $0x2;
	[sflag:s29] =	ssyncset.done $0x0  }
0xe4: {  	s13 =	sadd.s32 $0xE80, s10;
	[sflag:s29] =	ssyncadd.s32 $0xFFFFD800  }
0xe5: {  	[spmem:s2] =	stream.indirect.scatter.add.f32 [tilespmem:s26], [sflag:$0x3], $0x80, s13, s25, $0xb8;
	[tilespmem:$0x1AF00] =	vst v63  }
0xe6: {  	_ =	swait.ge [sflag:s23], $0x2800  }
0xe7: {  	[sflag:s23] =	ssyncset.done $0x0  }
0xe8: {  	[sflag:s23] =	ssyncadd.s32 $0xFFFFD800  }
0xe9: {  	[tilespmem:s26], [sflag:$0x1] =	stream.indirect.gather [hbm4b:s4+s25], $0x80, s9, s25, $0xb8;
	[tilespmem:$0x1AF00] =	vst v63  }
0xea: {  	_ =	swait.ge [sflag:s30], $0x2800  }
0xeb: {  	[sflag:s30] =	ssyncset.done $0x0  }
0xec: {  	s12 =	sadd.s32 $0xF00, s10;
	[sflag:s30] =	ssyncadd.s32 $0xFFFFD800  }
0xed: {  	[spmem:s2] =	stream.indirect.scatter.add.f32 [tilespmem:s28], [sflag:$0x3], $0x80, s12, s25, $0xb8;
	[tilespmem:$0x1AF00] =	vst v63  }
0xee: {  	_ =	swait.ge [sflag:s23], $0x2800  }
0xef: {  	[sflag:s23] =	ssyncset.done $0x0  }
0xf0: {  	[sflag:s23] =	ssyncadd.s32 $0xFFFFD800  }
0xf1: {  	_ =	swait.ge [sflag:s29], $0x2800  }
0xf2: {  	[sflag:s29] =	ssyncset.done $0x0  }
0xf3: {  	s13 =	simm.s32 $0x2480;
	[sflag:s29] =	ssyncadd.s32 $0xFFFFD800  }
0xf4: {  	[spmem:s2] =	stream.indirect.scatter.add.f32 [tilespmem:s26], [sflag:$0x3], $0x80, s13, s25, $0xb8;
	[tilespmem:$0x1AF00] =	vst v63  }
0xf5: {  	_ =	swait.ge [sflag:s23], $0x2800  }
0xf6: {  	[sflag:s23] =	ssyncset.done $0x0  }
0xf7: {  	[sflag:s23] =	ssyncadd.s32 $0xFFFFD800  }
0xf8: {  	s10 =	simm.s32 @!p1 $0x1FC3;
	s9 =	sshrl.u32 @!p1 s7, $0x3;
	[bflag:$0x0] =	sbarrier.arrive $0xFFFF  }
0xf9: {  	[hbm:s18], [sflag:s10] =	dma.local @!p1 [spmem:s9], $0x2080  }
0xfa: {  	s9 =	simm.s32 @!p1 $0x3  }
0xfb: {  	_ =	swait.ge @!p1 [sflag:s9], $0x2080  }
0xfc: {  	s10 =	sshll.u32 @!p2 s1, $0x6;
	[sflag:s9] =	ssyncset.done @!p1 $0x0  }
0xfd: {  	[sflag:s9] =	ssyncadd.s32 @!p1 $0xFFFFDF80;
	s9 =	sor.u32 @!p2 $0x1C03, s10;
	s10 =	sshrl.u32 @!p2 s5, $0x3  }
0xfe: {  	[hbm:s17], [sflag:s9] =	dma.local @!p2 [spmem:s10], $0x2780  }
0xff: {  	s9 =	simm.s32 @!p2 $0x3  }
0x100: {  	_ =	swait.ge @!p2 [sflag:s9], $0x2780  }
0x101: {  	[sflag:s9] =	ssyncset.done @!p2 $0x0  }
0x102: {  	s10 =	simm.s32 @!p3 $0x1FC3;
	[sflag:s9] =	ssyncadd.s32 @!p2 $0xFFFFD880;
	s9 =	sshrl.u32 @!p3 s7, $0x3  }
0x103: {  	[hbm:s16], [sflag:s10] =	dma.local @!p3 [spmem:s9], $0x2080  }
0x104: {  	s9 =	simm.s32 @!p3 $0x3  }
0x105: {  	s8 =	sadd.s32 $0x1, s8;
	_ =	swait.ge @!p3 [sflag:s9], $0x2080  }
0x106: {  	p5 =	sne.s32 s8, s19;
	s10 =	sshll.u32 @!p4 s1, $0x6;
	[sflag:s9] =	ssyncset.done @!p3 $0x0  }
0x107: {  	[sflag:s9] =	ssyncadd.s32 @!p3 $0xFFFFDF80;
	s9 =	sor.u32 @!p4 $0x1C03, s10;
	s10 =	sshrl.u32 @!p4 s5, $0x3  }
0x108: {  	[hbm:s15], [sflag:s9] =	dma.local @!p4 [spmem:s10], $0x2780  }
.Ltmp3:
0x109: {  	_ = 	snop;
	(pc) =	sbr.rel @p5 .LBB2_1-.Ltmp3, $4  }
0x10a: {  	s9 =	simm.s32 @!p4 $0x3  }
0x10b: {  	_ =	swait.ge @!p4 [sflag:s9], $0x2780  }
0x10c: {  	[sflag:s9] =	ssyncset.done @!p4 $0x0  }
0x10d: {  	[sflag:s9] =	ssyncadd.s32 @!p4 $0xFFFFD880  }
0x10e: {  	_ =	sfence.sel $0x180000  }
0x10f: {  	[bflag:$0x0] =	sbarrier.arrive $0xFFFF  }
0x110: {  	_ =	strace $0x9000004A  }
0x111: {  	[bflag:$0x2] =	sbarrier.arrive $0xFFFF  }
0x112: {  	p0 =	sne.s32 s1, $0x0;
	s0 =	rddreg [dreg:$0x2]  }
0x113: {  	s0 =	sadd.s32 @!p0 $0x100000, s0  }
0x114: {  	[sflag:s0] =	ssyncadd.tile.s32 @!p0 $0x1;
	_ =	shalt  }
.Lfunc_end2:
_tile_overlayer_lowered:
.L_overlay_start_2:
0x115: {  	(tag) =	ssettag $0x2  }
0x116: {  	s0 =	rddreg [dreg:$0x0];
	s2 =	stileid.u32  }
0x117: {  	s1 =	rddreg [dreg:$0x1];
	p0 =	sne.s32 s2, $0x0  }
0x118: {  	s3 =	rddreg [dreg:$0x2];
	[bflag:$0x3] =	sbarrier.arrive $0xFFFF;
	s2 =	simm.s32 @!p0 $0x1C03  }
0x119: {  	[timem:s3], [sflag:s2] =	dma.local @!p0 [hbm:s0], s1  }
0x11a: {  	s0 =	simm.s32 @!p0 $0x3  }
0x11b: {  	_ =	swait.ge @!p0 [sflag:s0], s1  }
0x11c: {  	s1 =	ssub.s32 @!p0 $0x0, s1;
	[sflag:s0] =	ssyncset.done @!p0 $0x0  }
0x11d: {  	[sflag:s0] =	ssyncadd.s32 @!p0 s1  }
0x11e: {  	[bflag:$0x3] =	sbarrier.arrive $0xFFFF  }
0x11f: {  	_ =	shalt  }

// kernel: kernel.14.cloned.1.call-start
scs
__scs_entry_jumppad:
0x0: {  	(pc) =	sbr.rel $0x88, $3  }
0x1: {  	(tag) =	ssettag $0x0;
	lr =	simm.s32 $0x1  }
0x2: {  	[smem:$0x3F90] =	sst lr;
	_ =	strace $0xD0000000  }
0x3: {  	_ = 	snop  }
0x4: {  	_ = 	snop  }
0x5: {  	_ = 	snop  }
0x6: {  	_ = 	snop  }
0x7: {  	_ = 	snop  }
__scs_overlays_trampoline_lowered:
0x8: {  	[smem:$0x3F9F] =	sst s0  }
0x9: {  	[smem:$0x3FA0] =	sst s1  }
0xa: {  	[smem:$0x3FA1] =	sst s2  }
0xb: {  	[smem:$0x3FA2] =	sst s3  }
0xc: {  	[smem:$0x3FA3] =	sst s4  }
0xd: {  	[smem:$0x3FA4] =	sst s5  }
0xe: {  	[smem:$0x3FA5] =	sst s6  }
0xf: {  	[smem:$0x3FA6] =	sst s7  }
0x10: {  	[smem:$0x3FA7] =	sst s8  }
0x11: {  	[smem:$0x3FA8] =	sst s9;
	s0 =	simm.s32 @!p0 $0x0  }
0x12: {  	s1 =	sld [smem:$0x3F8E];
	s0 =	simm.s32 @p0 $0x1  }
0x13: {  	[smem:$0x3FA9] =	sst s0;
	s0 =	simm.s32 @!p1 $0x0  }
0x14: {  	s2 =	sld [smem:$0x3F8D];
	s0 =	simm.s32 @p1 $0x1  }
0x15: {  	[smem:$0x3FAA] =	sst s0;
	s0 =	simm.s32 @!p2 $0x0  }
0x16: {  	s3 =	sld [smem:$0x3FDB];
	s0 =	simm.s32 @p2 $0x1  }
0x17: {  	s4 =	simm.s32 $0x1BF5;
	[smem:$0x3FAC] =	sst s0  }
0x18: {  	s0 =	sld [smem:$0x3F8F];
	_ =	swait.ge [sflag:s4], $0x0  }
0x19: {  	s7 =	sld [smem:$0x3F90]  }
0x1a: {  	s8 =	sadd.s32 $0xFFFFE003, lr  }
0x1b: {  	s9 =	sadd.s32 $0xFFFFFEF7, lr;
	s5 =	simm.s32 $0xFFFFFFFF;
	p2 =	slt.u32 s8, $0xFFFFF086  }
0x1c: {  	p1 =	slt.u32 s9, $0xF7A;
	s5 =	simm.s32 @!p2 $0x0  }
0x1d: {  	s5 =	simm.s32 @p1 $0x1;
	p0 =	seq.s32 s7, s2  }
0x1e: {  	s7 =	smul.u32 @!p0 $0xF7A, s2;
	p2 =	seq.s32 @!p0 s5, $0x0  }
0x1f: {  	s9 =	smul.u32 $0xF7A, s1;
	s8 =	simm.s32 @!p0 $0x1BF5;
	p2 =	por !p2, p0  }
0x20: {  	[sflag:s8] =	ssyncset.s32 @!p0 $0xFFFFF086;
	s6 =	sadd.s32 @!p0 s3, s7;
	s7 =	simm.s32 @!p0 $0x108  }
0x21: {  	s3 =	sadd.s32 s3, s9;
	s6 =	sadd.s32 @!p0 $0x88, s6;
	s7 =	simm.s32 @p2 $0x1082  }
0x22: {  	[simem:s7], [sflag:s8] =	dma.local @!p0 [hbm:s6], $0xF7A  }
0x23: {  	s9 =	sor.u32 $0xD0000000, s2;
	s6 =	simm.s32 $0x108;
	_ =	swait.ge @!p0 [sflag:s8], $0x0  }
0x24: {  	s3 =	sadd.s32 $0x88, s3;
	s6 =	simm.s32 @!p1 $0x1082;
	[sflag:s4] =	ssyncset.s32 $0xFFFFF086  }
0x25: {  	[simem:s6], [sflag:s4] =	dma.local [hbm:s3], $0xF7A  }
0x26: {  	[smem:$0x3F90] =	sst s1;
	(tag) =	ssettag s2;
	_ =	strace s9  }
0x27: {  	s1 =	sld [smem:$0x3FA0]  }
0x28: {  	s2 =	sld [smem:$0x3FA1]  }
0x29: {  	s4 =	sld [smem:$0x3FA3]  }
0x2a: {  	p0 =	seq.s32 s5, $0x0;
	s5 =	sld [smem:$0x3FA4]  }
0x2b: {  	s6 =	sld [smem:$0x3FA5]  }
0x2c: {  	s7 =	sld [smem:$0x3FA6]  }
0x2d: {  	s3 =	simm.s32 $0x108;
	s8 =	sld [smem:$0x3FA7]  }
0x2e: {  	s3 =	simm.s32 @!p0 $0x1082;
	s9 =	sld [smem:$0x3FA8]  }
0x2f: {  	lr =	sadd.s32 s0, s3;
	s0 =	sld [smem:$0x3F9F]  }
0x30: {  	s3 =	sld [smem:$0x3FA2]  }
0x31: {  	[smem:$0x3FAB] =	sst s10  }
0x32: {  	s10 =	sld [smem:$0x3FA9];
	_ =	sdelay $0x3  }
0x33: {  	p0 =	seq.s32 s10, $0x1;
	s10 =	sld [smem:$0x3FAB];
	_ =	sdelay $0x3  }
0x34: {  	[smem:$0x3FAB] =	sst s10  }
0x35: {  	s10 =	sld [smem:$0x3FAA];
	_ =	sdelay $0x3  }
0x36: {  	p1 =	seq.s32 s10, $0x1;
	s10 =	sld [smem:$0x3FAB];
	_ =	sdelay $0x3  }
0x37: {  	[smem:$0x3FAB] =	sst s10  }
0x38: {  	s10 =	sld [smem:$0x3FAC]  }
0x39: {  	_ = 	snop;
	(pc) =	sbr.ind lr, $3  }
0x3a: {  	_ = 	snop  }
0x3b: {  	_ = 	snop  }
0x3c: {  	p2 =	seq.s32 s10, $0x1;
	s10 =	sld [smem:$0x3FAB]  }
0x3d: {  	_ =	shalt  }
0x3e: {  	_ =	shalt  }
0x3f: {  	_ =	shalt  }
0x40: {  	_ =	shalt  }
0x41: {  	_ =	shalt  }
0x42: {  	_ =	shalt  }
0x43: {  	_ =	shalt  }
0x44: {  	_ =	shalt  }
0x45: {  	_ =	shalt  }
0x46: {  	_ =	shalt  }
0x47: {  	_ =	shalt  }
0x48: {  	_ =	shalt  }
0x49: {  	_ =	shalt  }
0x4a: {  	_ =	shalt  }
0x4b: {  	_ =	shalt  }
0x4c: {  	_ =	shalt  }
0x4d: {  	_ =	shalt  }
0x4e: {  	_ =	shalt  }
0x4f: {  	_ =	shalt  }
0x50: {  	_ =	shalt  }
0x51: {  	_ =	shalt  }
0x52: {  	_ =	shalt  }
0x53: {  	_ =	shalt  }
0x54: {  	_ =	shalt  }
0x55: {  	_ =	shalt  }
0x56: {  	_ =	shalt  }
0x57: {  	_ =	shalt  }
0x58: {  	_ =	shalt  }
0x59: {  	_ =	shalt  }
0x5a: {  	_ =	shalt  }
0x5b: {  	_ =	shalt  }
0x5c: {  	_ =	shalt  }
0x5d: {  	_ =	shalt  }
0x5e: {  	_ =	shalt  }
0x5f: {  	_ =	shalt  }
0x60: {  	_ =	shalt  }
0x61: {  	_ =	shalt  }
0x62: {  	_ =	shalt  }
0x63: {  	_ =	shalt  }
0x64: {  	_ =	shalt  }
0x65: {  	_ =	shalt  }
0x66: {  	_ =	shalt  }
0x67: {  	_ =	shalt  }
0x68: {  	_ =	shalt  }
0x69: {  	_ =	shalt  }
0x6a: {  	_ =	shalt  }
0x6b: {  	_ =	shalt  }
0x6c: {  	_ =	shalt  }
0x6d: {  	_ =	shalt  }
0x6e: {  	_ =	shalt  }
0x6f: {  	_ =	shalt  }
0x70: {  	_ =	shalt  }
0x71: {  	_ =	shalt  }
0x72: {  	_ =	shalt  }
0x73: {  	_ =	shalt  }
0x74: {  	_ =	shalt  }
0x75: {  	_ =	shalt  }
0x76: {  	_ =	shalt  }
0x77: {  	_ =	shalt  }
0x78: {  	_ =	shalt  }
0x79: {  	_ =	shalt  }
0x7a: {  	_ =	shalt  }
0x7b: {  	_ =	shalt  }
0x7c: {  	_ =	shalt  }
0x7d: {  	_ =	shalt  }
0x7e: {  	_ =	shalt  }
0x7f: {  	_ =	shalt  }
0x80: {  	_ =	shalt  }
0x81: {  	_ =	shalt  }
0x82: {  	_ =	shalt  }
0x83: {  	_ =	shalt  }
0x84: {  	_ =	shalt  }
0x85: {  	_ =	shalt  }
0x86: {  	_ =	shalt  }
0x87: {  	_ =	shalt  }
.Lfunc_end0:
.L_simem_size_0:
called_computation.2_lowered:
.L_overlay_start_0:
0x88: {  	s2 =	sld [smem:$0x3FD9]  }
0x89: {  	s3 =	sld [smem:$0x3FFE];
	_ =	sdelay $0x1  }
0x8a: {  	s1 =	srdreg.scid  }
0x8b: {  	s0 =	sand.u32 $0x1, s1  }
0x8c: {  	s16 =	sshll.u32 s0, $0xA;
	s2 =	sadd.s32 s3, s2  }
0x8d: {  	s2 =	sadd.s32 s2, s16  }
0x8e: {  	[smem:$0x3FB7] =	sst s2  }
0x8f: {  	_ = 	snop  }
0x90: {  	(tm) =	ssettm $0x1  }
0x91: {  	s17 =	sld [smem:$0x3FFB];
	_ =	sdelay $0x3  }
0x92: {  	_ =	strace s17  }
0x93: {  	s2 =	sld [smem:$0x3FFC];
	_ =	sdelay $0x3  }
0x94: {  	_ =	strace s2  }
0x95: {  	s2 =	sld [smem:$0x3FFD];
	_ =	sdelay $0x3  }
0x96: {  	_ =	strace s2  }
0x97: {  	_ =	strace $0x8FFFFFFF  }
0x98: {  	s18 =	sld [smem:$0x3FDB];
	_ =	sdelay $0x1  }
0x99: {  	s19 =	simm.s32 $_scs_section_size  }
0x9a: {  	s4 =	simm.s32 $_size__tile_overlayer_lowered;
	s5 =	simm.s32 $_tile_overlayer_lowered  }
0x9b: {  	s22 =	simm.s32 $0x1BFF;
	s21 =	sshll.u32 s5, $0x1;
	s2 =	sadd.s32 s19, s18  }
0x9c: {  	s6 =	simm.s32 $0x0;
	s20 =	sshll.u32 s4, $0x1;
	s4 =	sadd.s32 s21, s2  }
0x9d: {  	[timem:s6], [sflag:s22] =	dma.local [hbm:s4], s20  }
0x9e: {  	_ =	swait.ge [sflag:s22], s20  }
0x9f: {  	s3 =	ssub.s32 $0x0, s20;
	[sflag:s22] =	ssyncset.done $0x0  }
0xa0: {  	[sflag:s22] =	ssyncadd.s32 s3;
	_ =	sdelay $0x1  }
0xa1: {  	s23 =	simm.s32 $0x1B8B  }
0xa2: {  	_ =	swait.ge [sflag:s23], $0x1  }
0xa3: {  	[sflag:s23] =	ssyncset.done $0x0  }
0xa4: {  	s25 =	simm.s32 $0x1B8E;
	s24 =	sld [smem:$0x3FFE];
	[sflag:s23] =	ssyncadd.s32 $0xFFFFFFFF  }
0xa5: {  	s26 =	simm.s32 $execute0_lowered;
	[smem:$0x3FD2] =	sst s25  }
0xa6: {  	s4 =	sshll.u32 s26, $0x1;
	_ =	strace $0x8000004C;
	[dreg:$0x1] =	wrdreg $0xFFFFFFFF  }
0xa7: {  	s28 =	simm.s32 $_size_execute0_lowered;
	s2 =	sadd.s32 s2, s4;
	[dreg:$0x0] =	wrdreg $0x0  }
0xa8: {  	s4 =	sshll.u32 s28, $0x1;
	[dreg:$0x2] =	wrdreg s2  }
0xa9: {  	[dreg:$0x3] =	wrdreg s4  }
0xaa: {  	[dreg:$0x4] =	wrdreg $0xC0  }
0xab: {  	_ =	task [dreg:s6], $0x5FFFF  }
0xac: {  	[dreg:$0x1] =	wrdreg $0xFFFFFFFF  }
0xad: {  	[dreg:$0x0] =	wrdreg $0x60  }
0xae: {  	[dreg:$0x2] =	wrdreg s24  }
0xaf: {  	[dreg:$0x3] =	wrdreg $0x70800  }
0xb0: {  	[dreg:$0x4] =	wrdreg $0x9  }
0xb1: {  	_ =	task.clear_ibuf [dreg:s6], $0x5FFFF;
	_ =	strace $0x9000004C  }
0xb2: {  	s29 =	simm.s32 $0x9;
	_ =	strace $0x8000004E  }
0xb3: {  	_ =	swait.ge [sflag:s29], $0x1  }
0xb4: {  	[sflag:s29] =	ssyncadd.s32 $0xFFFFFFFF  }
0xb5: {  	_ =	strace $0x9000004E  }
0xb6: {  	_ =	sfence  }
0xb7: {  	s30 =	sld [smem:$0x0];
	_ =	sdelay $0x2  }
0xb8: {  	s31 =	sshll.u32 s1, $0xD;
	s1 =	sshrl.u32 s1, $0x2  }
0xb9: {  	s3 =	sand.u32 $0x4000, s31;
	s1 =	sadd.s32 s1, s30  }
0xba: {  	s0 =	sor.u32 s3, s0;
	s1 =	sshll.u32 s1, $0x11  }
0xbb: {  	s0 =	sor.u32 s1, s0  }
0xbc: {  	s0 =	sadd.s32 $0x8F2B, s0  }
0xbd: {  	[sflag:s0] =	ssyncadd.remote.s32 $0x1  }
0xbe: {  	_ =	sfence.sel $0xFFFF  }
0xbf: {  	[dreg:$0x0] =	wrdreg $0xFFFFFFFF;
	(pc) =	sbr.abs _section_cstart, $3  }
0xc0: {  	[dreg:$0x1] =	wrdreg $0xFFFFFFFF  }
0xc1: {  	_ =	task.clear_ibuf [dreg:s6], $0x2FFFF;
	_ =	strace $0x9FFFFFFF  }
0xc2: {  	(tm) =	ssettm $0x7FFFFFFF  }
0xc3: {  	_ =	shalt  }
tec
execute0_lowered:
.L_overlay_start_1:
0x0: {  	(tag) =	ssettag $0x1  }
0x1: {  	s0 =	rddreg [dreg:$0x0]  }
0x2: {  	s2 =	rddreg [dreg:$0x1]  }
0x3: {  	s3 =	simm.s32 $0x0;
	s12 =	stileid.u32;
	s5 =	srdreg.scid  }
0x4: {  	s28 =	simm.s32 $0xC80;
	s29 =	simm.s32 $0x50;
	s30 =	simm.s32 $0x2080  }
0x5: {  	s31 =	simm.s32 $0x4880;
	[smem:$0x7FF] =	sst s3;
	s1 =	smul.u32 $0x4E20, s12  }
0x6: {  	s4 =	sadd.s32 $0x88600, s0;
	s6 =	smul.u32 $0x2780, s12;
	s5 =	sand.u32 $0x1, s5  }
0x7: {  	s7 =	sshll.u32 s12, $0xC;
	s9 =	smul.u32 $0x4F000, s12;
	s11 =	sadd.s32 $0xD6800, s0  }
0x8: {  	s20 =	smul.u32 $0x278, s12;
	p0 =	seq.s32 s12, $0xF;
	_ =	strace $0x8000004D  }
0x9: {  	s8 =	ssub.s32 $0x2, s5;
	s7 =	sadd.s32 s7, s0;
	s15 =	smul.u32 $0x2710, s5  }
0xa: {  	s5 =	smul.u32 $0x138800, s5;
	s1 =	sshrl.u32 s1, $0x3;
	s6 =	sadd.s32 s6, s0  }
0xb: {  	s10 =	sshrl.u32 s8, $0x1;
	s9 =	sshrl.u32 s9, $0x2;
	s17 =	sadd.s32 $0x16600, s7  }
0xc: {  	s19 =	sadd.s32 $0x16880, s7;
	s22 =	sadd.s32 $0x16B00, s7;
	[dreg:$0x7] =	wrdreg s17  }
0xd: {  	s24 =	sadd.s32 $0x16D80, s7;
	s1 =	sadd.s32 s1, s0;
	[dreg:$0x9] =	wrdreg s19  }
0xe: {  	s8 =	ssub.s32 s8, s10;
	s9 =	sadd.s32 s9, s2;
	[dreg:$0xb] =	wrdreg s22  }
0xf: {  	s6 =	sadd.s32 $0x61400, s6;
	s0 =	sadd.s32 $0x86480, s0;
	[dreg:$0xd] =	wrdreg s24  }
0x10: {  	s17 =	sadd.s32 $0x17000, s7;
	s26 =	sshrl.u32 s5, $0x3;
	[dreg:$0x3] =	wrdreg s9  }
0x11: {  	s22 =	sadd.s32 $0x17500, s7;
	s5 =	simm.s32 $0xC30;
	[dreg:$0x4] =	wrdreg s6  }
0x12: {  	[dreg:$0x5] =	wrdreg s0;
	s16 =	sadd.s32 $0xC800, s1;
	s18 =	sadd.s32 $0xC990, s1  }
0x13: {  	s21 =	sadd.s32 $0xCB20, s1;
	s23 =	sadd.s32 $0xCCB0, s1;
	[dreg:$0x6] =	wrdreg s16  }
0x14: {  	s0 =	sadd.s32 s20, s15;
	s25 =	sadd.s32 $0xCE40, s1;
	[dreg:$0x8] =	wrdreg s18  }
0x15: {  	s20 =	sadd.s32 $0x17280, s7;
	s24 =	smax.u32 s8, $0x1;
	[dreg:$0xa] =	wrdreg s21  }
0x16: {  	s6 =	simm.s32 $0x1F80;
	s7 =	simm.s32 $0x2000;
	[dreg:$0xc] =	wrdreg s23  }
0x17: {  	s8 =	simm.s32 $0x0;
	[dreg:$0xe] =	wrdreg s25;
	s0 =	sshll.u32 s0, $0x4  }
0x18: {  	s18 =	sadd.s32 $0xCFD0, s1;
	s21 =	sadd.s32 $0xD160, s1;
	s25 =	sadd.s32 $0x128400, s2  }
0x19: {  	s1 =	simm.s32 $0x2;
	s19 =	sadd.s32 s11, s0;
	s0 =	sadd.s32 s11, s26  }
0x1a: {  	v0 =	vmov s15;
	s26 =	simm.s32 $0x3;
	s23 =	sadd.s32 $0x25080, s0;
	s0 =	simm.s32 $0x1  }
.LBB2_1:
0x1b: {  	s9 =	sshrl.u32 @p0 s25, $0x3;
	s10 =	simm.s32 @p0 $0x1FC3;
	s11 =	rddreg [dreg:$0x5]  }
0x1c: {  	[spmem:s9], [sflag:s10] =	dma.local @p0 [hbm:s11], $0x2080  }
0x1d: {  	s10 =	simm.s32 @p0 $0x3  }
0x1e: {  	s11 =	stileid.u32;
	_ =	swait.ge @p0 [sflag:s10], $0x2080  }
0x1f: {  	s11 =	sshll.u32 @!p0 s11, $0x6;
	[sflag:s10] =	ssyncset.done @p0 $0x0  }
0x20: {  	[sflag:s10] =	ssyncadd.s32 @p0 $0xFFFFDF80;
	s10 =	sor.u32 @!p0 $0x1C03, s11;
	s11 =	rddreg [dreg:$0x3]  }
0x21: {  	s12 =	rddreg [dreg:$0x4];
	s11 =	sshrl.u32 @!p0 s11, $0x3  }
0x22: {  	[spmem:s11], [sflag:s10] =	dma.local @!p0 [hbm:s12], $0x2780  }
0x23: {  	s12 =	simm.s32 @!p0 $0x3  }
0x24: {  	_ =	swait.ge @!p0 [sflag:s12], $0x2780  }
0x25: {  	[sflag:s12] =	ssyncset.done @!p0 $0x0  }
0x26: {  	[sflag:s12] =	ssyncadd.s32 @!p0 $0xFFFFD880  }
0x27: {  	[bflag:$0x0] =	sbarrier.arrive $0xFFFF  }
0x28: {  	s15 =	rddreg [dreg:$0x6]  }
0x29: {  	[tilespmem:s3], [sflag:$0x3] =	stream.linear.gather [hbm4b:s15+s3], $0xC80, $0x38;
	[tilespmem:$0x1A900] =	vst v63  }
0x2a: {  	_ =	swait.ge [sflag:s26], $0xC80  }
0x2b: {  	[sflag:s26] =	ssyncset.done $0x0  }
0x2c: {  	s16 =	rddreg [dreg:$0x7];
	[sflag:s26] =	ssyncadd.s32 $0xFFFFF380  }
0x2d: {  	[tilespmem:s28], [sflag:$0x3] =	stream.linear.gather [hbm4b:s16+s3], $0x1400, $0x38;
	[tilespmem:$0x1A900] =	vst v63  }
0x2e: {  	_ =	swait.ge [sflag:s26], $0x1400  }
0x2f: {  	[sflag:s26] =	ssyncset.done $0x0  }
0x30: {  	s13 =	simm.s32 $0x40;
	s12 =	simm.s32 $0x0;
	[sflag:s26] =	ssyncadd.s32 $0xFFFFEC00  }
.LBB2_2:
0x31: {  	p1 =	sne.s32 s13, $0x31C0;
	v1 =	vld [tilespmem:s12+$0x0];
	_ =	sdelay $0x1  }
.Ltmp0:
0x32: {  	(pc) =	sbr.rel @p1 .LBB2_2-.Ltmp0, $3  }
0x33: {  	_ =	sdelay $0x1  }
0x34: {  	v1 =	vadd.s32 v0, v1  }
0x35: {  	[tilespmem:s12+$0x0] =	vst v1;
	s12 =	sshra.s32 s13, $0x2;
	s13 =	sadd.s32 $0x40, s13  }
0x36: {  	v1 =	vld [tilespmem:s12+$0x0];
	_ =	sdelay $0x4  }
0x37: {  	v1 =	vadd.s32 v0, v1  }
0x38: {  	s16 =	simm.s32 $0x0;
	[tilespmem:s12+$0x0] =	vst v1  }
0x39: {  	[tilespmem:s30], [sflag:$0x1] =	stream.indirect.gather [hbm4b:s4+s29], $0x80, s16, s29, $0xb8;
	[tilespmem:$0x1A900] =	vst v63  }
0x3a: {  	s13 =	simm.s32 $0x50  }
0x3b: {  	[tilespmem:s31], [sflag:$0x2] =	stream.indirect.gather [hbm4b:s4+s29], $0x80, s13, s29, $0xb8;
	[tilespmem:$0x1A900] =	vst v63  }
0x3c: {  	_ =	swait.ge [sflag:s0], $0x2800  }
0x3d: {  	[sflag:s0] =	ssyncset.done $0x0  }
0x3e: {  	s14 =	simm.s32 $0xC80;
	[sflag:s0] =	ssyncadd.s32 $0xFFFFD800  }
0x3f: {  	[spmem:s2] =	stream.indirect.scatter.add.f32 [tilespmem:s30], [sflag:$0x3], $0x80, s14, s29, $0xb8;
	[tilespmem:$0x1A900] =	vst v63  }
0x40: {  	_ =	swait.ge [sflag:s26], $0x2800  }
0x41: {  	[sflag:s26] =	ssyncset.done $0x0  }
0x42: {  	s15 =	simm.s32 $0xA0;
	[sflag:s26] =	ssyncadd.s32 $0xFFFFD800  }
0x43: {  	[tilespmem:s30], [sflag:$0x1] =	stream.indirect.gather [hbm4b:s4+s29], $0x80, s15, s29, $0xb8;
	[tilespmem:$0x1A900] =	vst v63  }
0x44: {  	_ =	swait.ge [sflag:s1], $0x2800  }
0x45: {  	[sflag:s1] =	ssyncset.done $0x0  }
0x46: {  	s16 =	simm.s32 $0xD00;
	[sflag:s1] =	ssyncadd.s32 $0xFFFFD800  }
0x47: {  	[spmem:s2] =	stream.indirect.scatter.add.f32 [tilespmem:s31], [sflag:$0x3], $0x80, s16, s29, $0xb8;
	[tilespmem:$0x1A900] =	vst v63  }
0x48: {  	s12 =	simm.s32 $0x140;
	_ =	swait.ge [sflag:s26], $0x2800  }
0x49: {  	s13 =	simm.s32 $0x400;
	s14 =	simm.s32 $0x800;
	[sflag:s26] =	ssyncset.done $0x0  }
.LBB2_4:
0x4a: {  	p1 =	sne.s32 s14, $0x4800;
	s15 =	sadd.s32 $0xFFFFFFB0, s12;
	[sflag:s26] =	ssyncadd.s32 $0xFFFFD800  }
0x4b: {  	[tilespmem:s31], [sflag:$0x2] =	stream.indirect.gather [hbm4b:s4+s29], $0x80, s15, s29, $0xb8;
	[tilespmem:$0x1A900] =	vst v63  }
0x4c: {  	s15 =	smov.u32 s14;
	s14 =	sadd.s32 $0x400, s14;
	_ =	swait.ge [sflag:s0], $0x2800  }
0x4d: {  	s16 =	sshra.s32 s13, $0x2;
	s13 =	smov.u32 s15;
	[sflag:s0] =	ssyncset.done $0x0  }
0x4e: {  	s15 =	sadd.s32 $0xC80, s16;
	[sflag:s0] =	ssyncadd.s32 $0xFFFFD800  }
0x4f: {  	[spmem:s2] =	stream.indirect.scatter.add.f32 [tilespmem:s30], [sflag:$0x3], $0x80, s15, s29, $0xb8;
	[tilespmem:$0x1A900] =	vst v63  }
0x50: {  	_ =	swait.ge [sflag:s26], $0x2800  }
0x51: {  	[sflag:s26] =	ssyncset.done $0x0  }
0x52: {  	[sflag:s26] =	ssyncadd.s32 $0xFFFFD800  }
0x53: {  	[tilespmem:s30], [sflag:$0x1] =	stream.indirect.gather [hbm4b:s4+s29], $0x80, s12, s29, $0xb8;
	[tilespmem:$0x1A900] =	vst v63  }
0x54: {  	_ =	swait.ge [sflag:s1], $0x2800  }
.Ltmp1:
0x55: {  	[sflag:s1] =	ssyncset.done $0x0;
	(pc) =	sbr.rel @p1 .LBB2_4-.Ltmp1, $4  }
0x56: {  	s15 =	sadd.s32 $0xD00, s16;
	[sflag:s1] =	ssyncadd.s32 $0xFFFFD800  }
0x57: {  	[spmem:s2] =	stream.indirect.scatter.add.f32 [tilespmem:s31], [sflag:$0x3], $0x80, s15, s29, $0xb8;
	[tilespmem:$0x1A900] =	vst v63  }
0x58: {  	_ =	swait.ge [sflag:s26], $0x2800  }
0x59: {  	s12 =	sadd.s32 $0xA0, s12;
	[sflag:s26] =	ssyncset.done $0x0  }
0x5a: {  	s14 =	sadd.s32 $0xFFFFFFB0, s12;
	[sflag:s26] =	ssyncadd.s32 $0xFFFFD800  }
0x5b: {  	[tilespmem:s31], [sflag:$0x2] =	stream.indirect.gather [hbm4b:s4+s29], $0x80, s14, s29, $0xb8;
	[tilespmem:$0x1A900] =	vst v63  }
0x5c: {  	_ =	swait.ge [sflag:s0], $0x2800  }
0x5d: {  	s13 =	sshra.s32 s13, $0x2;
	[sflag:s0] =	ssyncset.done $0x0  }
0x5e: {  	s16 =	sadd.s32 $0xC80, s13;
	[sflag:s0] =	ssyncadd.s32 $0xFFFFD800  }
0x5f: {  	[spmem:s2] =	stream.indirect.scatter.add.f32 [tilespmem:s30], [sflag:$0x3], $0x80, s16, s29, $0xb8;
	[tilespmem:$0x1A900] =	vst v63  }
0x60: {  	_ =	swait.ge [sflag:s26], $0x2800  }
0x61: {  	[sflag:s26] =	ssyncset.done $0x0  }
0x62: {  	[sflag:s26] =	ssyncadd.s32 $0xFFFFD800  }
0x63: {  	[tilespmem:s30], [sflag:$0x1] =	stream.indirect.gather [hbm4b:s4+s29], $0x80, s12, s29, $0xb8;
	[tilespmem:$0x1A900] =	vst v63  }
0x64: {  	_ =	swait.ge [sflag:s1], $0x2800  }
0x65: {  	[sflag:s1] =	ssyncset.done $0x0  }
0x66: {  	s13 =	sadd.s32 $0xD00, s13;
	[sflag:s1] =	ssyncadd.s32 $0xFFFFD800  }
0x67: {  	[spmem:s2] =	stream.indirect.scatter.add.f32 [tilespmem:s31], [sflag:$0x3], $0x80, s13, s29, $0xb8;
	[tilespmem:$0x1A900] =	vst v63  }
0x68: {  	_ =	swait.ge [sflag:s26], $0x2800  }
0x69: {  	[sflag:s26] =	ssyncset.done $0x0  }
0x6a: {  	[sflag:s26] =	ssyncadd.s32 $0xFFFFD800  }
0x6b: {  	[tilespmem:s31], [sflag:$0x2] =	stream.indirect.gather [hbm4b:s4+s29], $0x80, s5, s29, $0xb8;
	[tilespmem:$0x1A900] =	vst v63  }
0x6c: {  	_ =	swait.ge [sflag:s0], $0x2800  }
0x6d: {  	[sflag:s0] =	ssyncset.done $0x0  }
0x6e: {  	[sflag:s0] =	ssyncadd.s32 $0xFFFFD800  }
0x6f: {  	[spmem:s2] =	stream.indirect.scatter.add.f32 [tilespmem:s30], [sflag:$0x3], $0x80, s6, s29, $0xb8;
	[tilespmem:$0x1A900] =	vst v63  }
0x70: {  	_ =	swait.ge [sflag:s26], $0x2800  }
0x71: {  	[sflag:s26] =	ssyncset.done $0x0  }
0x72: {  	[sflag:s26] =	ssyncadd.s32 $0xFFFFD800  }
0x73: {  	_ =	swait.ge [sflag:s1], $0x2800  }
0x74: {  	[sflag:s1] =	ssyncset.done $0x0  }
0x75: {  	[sflag:s1] =	ssyncadd.s32 $0xFFFFD800  }
0x76: {  	[spmem:s2] =	stream.indirect.scatter.add.f32 [tilespmem:s31], [sflag:$0x3], $0x80, s7, s29, $0xb8;
	[tilespmem:$0x1A900] =	vst v63  }
0x77: {  	_ =	swait.ge [sflag:s26], $0x2800  }
0x78: {  	[sflag:s26] =	ssyncset.done $0x0  }
0x79: {  	s14 =	simm.s32 $0x0;
	s15 =	rddreg [dreg:$0x8];
	[sflag:s26] =	ssyncadd.s32 $0xFFFFD800  }
0x7a: {  	[tilespmem:s14], [sflag:$0x3] =	stream.linear.gather [hbm4b:s15+s14], $0xC80, $0x38;
	[tilespmem:$0x1A900] =	vst v63  }
0x7b: {  	_ =	swait.ge [sflag:s26], $0xC80  }
0x7c: {  	[sflag:s26] =	ssyncset.done $0x0  }
0x7d: {  	s16 =	rddreg [dreg:$0x9];
	[sflag:s26] =	ssyncadd.s32 $0xFFFFF380  }
0x7e: {  	[tilespmem:s28], [sflag:$0x3] =	stream.linear.gather [hbm4b:s16+s14], $0x1400, $0x38;
	[tilespmem:$0x1A900] =	vst v63  }
0x7f: {  	_ =	swait.ge [sflag:s26], $0x1400  }
0x80: {  	[sflag:s26] =	ssyncset.done $0x0  }
0x81: {  	s12 =	simm.s32 $0x0;
	s13 =	simm.s32 $0x40;
	[sflag:s26] =	ssyncadd.s32 $0xFFFFEC00  }
.LBB2_6:
0x82: {  	p1 =	sne.s32 s13, $0x31C0;
	v1 =	vld [tilespmem:s12+$0x0];
	_ =	sdelay $0x1  }
.Ltmp2:
0x83: {  	(pc) =	sbr.rel @p1 .LBB2_6-.Ltmp2, $3  }
0x84: {  	_ =	sdelay $0x1  }
0x85: {  	v1 =	vadd.s32 v0, v1  }
0x86: {  	[tilespmem:s12+$0x0] =	vst v1;
	s12 =	sshra.s32 s13, $0x2;
	s13 =	sadd.s32 $0x40, s13  }
0x87: {  	v1 =	vld [tilespmem:s12+$0x0];
	_ =	sdelay $0x4  }
0x88: {  	v1 =	vadd.s32 v0, v1  }
0x89: {  	s16 =	simm.s32 $0x0;
	[tilespmem:s12+$0x0] =	vst v1  }
0x8a: {  	[tilespmem:s30], [sflag:$0x1] =	stream.indirect.gather [hbm4b:s4+s29], $0x80, s16, s29, $0xb8;
	[tilespmem:$0x1A900] =	vst v63  }
0x8b: {  	s13 =	simm.s32 $0x50  }
0x8c: {  	[tilespmem:s31], [sflag:$0x2] =	stream.indirect.gather [hbm4b:s4+s29], $0x80, s13, s29, $0xb8;
	[tilespmem:$0x1A900] =	vst v63  }
0x8d: {  	_ =	swait.ge [sflag:s0], $0x2800  }
0x8e: {  	[sflag:s0] =	ssyncset.done $0x0  }
0x8f: {  	s14 =	simm.s32 $0xC80;
	[sflag:s0] =	ssyncadd.s32 $0xFFFFD800  }
0x90: {  	[spmem:s2] =	stream.indirect.scatter.add.f32 [tilespmem:s30], [sflag:$0x3], $0x80, s14, s29, $0xb8;
	[tilespmem:$0x1A900] =	vst v63  }
0x91: {  	_ =	swait.ge [sflag:s26], $0x2800  }
0x92: {  	[sflag:s26] =	ssyncset.done $0x0  }
0x93: {  	s15 =	simm.s32 $0xA0;
	[sflag:s26] =	ssyncadd.s32 $0xFFFFD800  }
0x94: {  	[tilespmem:s30], [sflag:$0x1] =	stream.indirect.gather [hbm4b:s4+s29], $0x80, s15, s29, $0xb8;
	[tilespmem:$0x1A900] =	vst v63  }
0x95: {  	_ =	swait.ge [sflag:s1], $0x2800  }
0x96: {  	[sflag:s1] =	ssyncset.done $0x0  }
0x97: {  	s16 =	simm.s32 $0xD00;
	[sflag:s1] =	ssyncadd.s32 $0xFFFFD800  }
0x98: {  	[spmem:s2] =	stream.indirect.scatter.add.f32 [tilespmem:s31], [sflag:$0x3], $0x80, s16, s29, $0xb8;
	[tilespmem:$0x1A900] =	vst v63  }
0x99: {  	s12 =	simm.s32 $0x140;
	_ =	swait.ge [sflag:s26], $0x2800  }
0x9a: {  	s13 =	simm.s32 $0x400;
	s14 =	simm.s32 $0x800;
	[sflag:s26] =	ssyncset.done $0x0  }
.LBB2_8:
0x9b: {  	p1 =	sne.s32 s14, $0x4800;
	s15 =	sadd.s32 $0xFFFFFFB0, s12;
	[sflag:s26] =	ssyncadd.s32 $0xFFFFD800  }
0x9c: {  	[tilespmem:s31], [sflag:$0x2] =	stream.indirect.gather [hbm4b:s4+s29], $0x80, s15, s29, $0xb8;
	[tilespmem:$0x1A900] =	vst v63  }
0x9d: {  	s15 =	smov.u32 s14;
	s14 =	sadd.s32 $0x400, s14;
	_ =	swait.ge [sflag:s0], $0x2800  }
0x9e: {  	s16 =	sshra.s32 s13, $0x2;
	s13 =	smov.u32 s15;
	[sflag:s0] =	ssyncset.done $0x0  }
0x9f: {  	s15 =	sadd.s32 $0xC80, s16;
	[sflag:s0] =	ssyncadd.s32 $0xFFFFD800  }
0xa0: {  	[spmem:s2] =	stream.indirect.scatter.add.f32 [tilespmem:s30], [sflag:$0x3], $0x80, s15, s29, $0xb8;
	[tilespmem:$0x1A900] =	vst v63  }
0xa1: {  	_ =	swait.ge [sflag:s26], $0x2800  }
0xa2: {  	[sflag:s26] =	ssyncset.done $0x0  }
0xa3: {  	[sflag:s26] =	ssyncadd.s32 $0xFFFFD800  }
0xa4: {  	[tilespmem:s30], [sflag:$0x1] =	stream.indirect.gather [hbm4b:s4+s29], $0x80, s12, s29, $0xb8;
	[tilespmem:$0x1A900] =	vst v63  }
0xa5: {  	_ =	swait.ge [sflag:s1], $0x2800  }
.Ltmp3:
0xa6: {  	[sflag:s1] =	ssyncset.done $0x0;
	(pc) =	sbr.rel @p1 .LBB2_8-.Ltmp3, $4  }
0xa7: {  	s15 =	sadd.s32 $0xD00, s16;
	[sflag:s1] =	ssyncadd.s32 $0xFFFFD800  }
0xa8: {  	[spmem:s2] =	stream.indirect.scatter.add.f32 [tilespmem:s31], [sflag:$0x3], $0x80, s15, s29, $0xb8;
	[tilespmem:$0x1A900] =	vst v63  }
0xa9: {  	_ =	swait.ge [sflag:s26], $0x2800  }
0xaa: {  	s12 =	sadd.s32 $0xA0, s12;
	[sflag:s26] =	ssyncset.done $0x0  }
0xab: {  	s14 =	sadd.s32 $0xFFFFFFB0, s12;
	[sflag:s26] =	ssyncadd.s32 $0xFFFFD800  }
0xac: {  	[tilespmem:s31], [sflag:$0x2] =	stream.indirect.gather [hbm4b:s4+s29], $0x80, s14, s29, $0xb8;
	[tilespmem:$0x1A900] =	vst v63  }
0xad: {  	_ =	swait.ge [sflag:s0], $0x2800  }
0xae: {  	s13 =	sshra.s32 s13, $0x2;
	[sflag:s0] =	ssyncset.done $0x0  }
0xaf: {  	s16 =	sadd.s32 $0xC80, s13;
	[sflag:s0] =	ssyncadd.s32 $0xFFFFD800  }
0xb0: {  	[spmem:s2] =	stream.indirect.scatter.add.f32 [tilespmem:s30], [sflag:$0x3], $0x80, s16, s29, $0xb8;
	[tilespmem:$0x1A900] =	vst v63  }
0xb1: {  	_ =	swait.ge [sflag:s26], $0x2800  }
0xb2: {  	[sflag:s26] =	ssyncset.done $0x0  }
0xb3: {  	[sflag:s26] =	ssyncadd.s32 $0xFFFFD800  }
0xb4: {  	[tilespmem:s30], [sflag:$0x1] =	stream.indirect.gather [hbm4b:s4+s29], $0x80, s12, s29, $0xb8;
	[tilespmem:$0x1A900] =	vst v63  }
0xb5: {  	_ =	swait.ge [sflag:s1], $0x2800  }
0xb6: {  	[sflag:s1] =	ssyncset.done $0x0  }
0xb7: {  	s13 =	sadd.s32 $0xD00, s13;
	[sflag:s1] =	ssyncadd.s32 $0xFFFFD800  }
0xb8: {  	[spmem:s2] =	stream.indirect.scatter.add.f32 [tilespmem:s31], [sflag:$0x3], $0x80, s13, s29, $0xb8;
	[tilespmem:$0x1A900] =	vst v63  }
0xb9: {  	_ =	swait.ge [sflag:s26], $0x2800  }
0xba: {  	[sflag:s26] =	ssyncset.done $0x0  }
0xbb: {  	[sflag:s26] =	ssyncadd.s32 $0xFFFFD800  }
0xbc: {  	[tilespmem:s31], [sflag:$0x2] =	stream.indirect.gather [hbm4b:s4+s29], $0x80, s5, s29, $0xb8;
	[tilespmem:$0x1A900] =	vst v63  }
0xbd: {  	_ =	swait.ge [sflag:s0], $0x2800  }
0xbe: {  	[sflag:s0] =	ssyncset.done $0x0  }
0xbf: {  	[sflag:s0] =	ssyncadd.s32 $0xFFFFD800  }
0xc0: {  	[spmem:s2] =	stream.indirect.scatter.add.f32 [tilespmem:s30], [sflag:$0x3], $0x80, s6, s29, $0xb8;
	[tilespmem:$0x1A900] =	vst v63  }
0xc1: {  	_ =	swait.ge [sflag:s26], $0x2800  }
0xc2: {  	[sflag:s26] =	ssyncset.done $0x0  }
0xc3: {  	[sflag:s26] =	ssyncadd.s32 $0xFFFFD800  }
0xc4: {  	_ =	swait.ge [sflag:s1], $0x2800  }
0xc5: {  	[sflag:s1] =	ssyncset.done $0x0  }
0xc6: {  	[sflag:s1] =	ssyncadd.s32 $0xFFFFD800  }
0xc7: {  	[spmem:s2] =	stream.indirect.scatter.add.f32 [tilespmem:s31], [sflag:$0x3], $0x80, s7, s29, $0xb8;
	[tilespmem:$0x1A900] =	vst v63  }
0xc8: {  	_ =	swait.ge [sflag:s26], $0x2800  }
0xc9: {  	[sflag:s26] =	ssyncset.done $0x0  }
0xca: {  	s14 =	simm.s32 $0x0;
	s15 =	rddreg [dreg:$0xa];
	[sflag:s26] =	ssyncadd.s32 $0xFFFFD800  }
0xcb: {  	[tilespmem:s14], [sflag:$0x3] =	stream.linear.gather [hbm4b:s15+s14], $0xC80, $0x38;
	[tilespmem:$0x1A900] =	vst v63  }
0xcc: {  	_ =	swait.ge [sflag:s26], $0xC80  }
0xcd: {  	[sflag:s26] =	ssyncset.done $0x0  }
0xce: {  	s16 =	rddreg [dreg:$0xb];
	[sflag:s26] =	ssyncadd.s32 $0xFFFFF380  }
0xcf: {  	[tilespmem:s28], [sflag:$0x3] =	stream.linear.gather [hbm4b:s16+s14], $0x1400, $0x38;
	[tilespmem:$0x1A900] =	vst v63  }
0xd0: {  	_ =	swait.ge [sflag:s26], $0x1400  }
0xd1: {  	[sflag:s26] =	ssyncset.done $0x0  }
0xd2: {  	s12 =	simm.s32 $0x0;
	s13 =	simm.s32 $0x40;
	[sflag:s26] =	ssyncadd.s32 $0xFFFFEC00  }
.LBB2_10:
0xd3: {  	p1 =	sne.s32 s13, $0x31C0;
	v1 =	vld [tilespmem:s12+$0x0];
	_ =	sdelay $0x1  }
.Ltmp4:
0xd4: {  	(pc) =	sbr.rel @p1 .LBB2_10-.Ltmp4, $3  }
0xd5: {  	_ =	sdelay $0x1  }
0xd6: {  	v1 =	vadd.s32 v0, v1  }
0xd7: {  	[tilespmem:s12+$0x0] =	vst v1;
	s12 =	sshra.s32 s13, $0x2;
	s13 =	sadd.s32 $0x40, s13  }
0xd8: {  	v1 =	vld [tilespmem:s12+$0x0];
	_ =	sdelay $0x4  }
0xd9: {  	v1 =	vadd.s32 v0, v1  }
0xda: {  	s16 =	simm.s32 $0x0;
	[tilespmem:s12+$0x0] =	vst v1  }
0xdb: {  	[tilespmem:s30], [sflag:$0x1] =	stream.indirect.gather [hbm4b:s4+s29], $0x80, s16, s29, $0xb8;
	[tilespmem:$0x1A900] =	vst v63  }
0xdc: {  	s13 =	simm.s32 $0x50  }
0xdd: {  	[tilespmem:s31], [sflag:$0x2] =	stream.indirect.gather [hbm4b:s4+s29], $0x80, s13, s29, $0xb8;
	[tilespmem:$0x1A900] =	vst v63  }
0xde: {  	_ =	swait.ge [sflag:s0], $0x2800  }
0xdf: {  	[sflag:s0] =	ssyncset.done $0x0  }
0xe0: {  	s14 =	simm.s32 $0xC80;
	[sflag:s0] =	ssyncadd.s32 $0xFFFFD800  }
0xe1: {  	[spmem:s2] =	stream.indirect.scatter.add.f32 [tilespmem:s30], [sflag:$0x3], $0x80, s14, s29, $0xb8;
	[tilespmem:$0x1A900] =	vst v63  }
0xe2: {  	_ =	swait.ge [sflag:s26], $0x2800  }
0xe3: {  	[sflag:s26] =	ssyncset.done $0x0  }
0xe4: {  	s15 =	simm.s32 $0xA0;
	[sflag:s26] =	ssyncadd.s32 $0xFFFFD800  }
0xe5: {  	[tilespmem:s30], [sflag:$0x1] =	stream.indirect.gather [hbm4b:s4+s29], $0x80, s15, s29, $0xb8;
	[tilespmem:$0x1A900] =	vst v63  }
0xe6: {  	_ =	swait.ge [sflag:s1], $0x2800  }
0xe7: {  	[sflag:s1] =	ssyncset.done $0x0  }
0xe8: {  	s16 =	simm.s32 $0xD00;
	[sflag:s1] =	ssyncadd.s32 $0xFFFFD800  }
0xe9: {  	[spmem:s2] =	stream.indirect.scatter.add.f32 [tilespmem:s31], [sflag:$0x3], $0x80, s16, s29, $0xb8;
	[tilespmem:$0x1A900] =	vst v63  }
0xea: {  	s12 =	simm.s32 $0x140;
	_ =	swait.ge [sflag:s26], $0x2800  }
0xeb: {  	s13 =	simm.s32 $0x400;
	s14 =	simm.s32 $0x800;
	[sflag:s26] =	ssyncset.done $0x0  }
.LBB2_12:
0xec: {  	p1 =	sne.s32 s14, $0x4800;
	s15 =	sadd.s32 $0xFFFFFFB0, s12;
	[sflag:s26] =	ssyncadd.s32 $0xFFFFD800  }
0xed: {  	[tilespmem:s31], [sflag:$0x2] =	stream.indirect.gather [hbm4b:s4+s29], $0x80, s15, s29, $0xb8;
	[tilespmem:$0x1A900] =	vst v63  }
0xee: {  	s15 =	smov.u32 s14;
	s14 =	sadd.s32 $0x400, s14;
	_ =	swait.ge [sflag:s0], $0x2800  }
0xef: {  	s16 =	sshra.s32 s13, $0x2;
	s13 =	smov.u32 s15;
	[sflag:s0] =	ssyncset.done $0x0  }
0xf0: {  	s15 =	sadd.s32 $0xC80, s16;
	[sflag:s0] =	ssyncadd.s32 $0xFFFFD800  }
0xf1: {  	[spmem:s2] =	stream.indirect.scatter.add.f32 [tilespmem:s30], [sflag:$0x3], $0x80, s15, s29, $0xb8;
	[tilespmem:$0x1A900] =	vst v63  }
0xf2: {  	_ =	swait.ge [sflag:s26], $0x2800  }
0xf3: {  	[sflag:s26] =	ssyncset.done $0x0  }
0xf4: {  	[sflag:s26] =	ssyncadd.s32 $0xFFFFD800  }
0xf5: {  	[tilespmem:s30], [sflag:$0x1] =	stream.indirect.gather [hbm4b:s4+s29], $0x80, s12, s29, $0xb8;
	[tilespmem:$0x1A900] =	vst v63  }
0xf6: {  	_ =	swait.ge [sflag:s1], $0x2800  }
.Ltmp5:
0xf7: {  	[sflag:s1] =	ssyncset.done $0x0;
	(pc) =	sbr.rel @p1 .LBB2_12-.Ltmp5, $4  }
0xf8: {  	s15 =	sadd.s32 $0xD00, s16;
	[sflag:s1] =	ssyncadd.s32 $0xFFFFD800  }
0xf9: {  	[spmem:s2] =	stream.indirect.scatter.add.f32 [tilespmem:s31], [sflag:$0x3], $0x80, s15, s29, $0xb8;
	[tilespmem:$0x1A900] =	vst v63  }
0xfa: {  	_ =	swait.ge [sflag:s26], $0x2800  }
0xfb: {  	s12 =	sadd.s32 $0xA0, s12;
	[sflag:s26] =	ssyncset.done $0x0  }
0xfc: {  	s14 =	sadd.s32 $0xFFFFFFB0, s12;
	[sflag:s26] =	ssyncadd.s32 $0xFFFFD800  }
0xfd: {  	[tilespmem:s31], [sflag:$0x2] =	stream.indirect.gather [hbm4b:s4+s29], $0x80, s14, s29, $0xb8;
	[tilespmem:$0x1A900] =	vst v63  }
0xfe: {  	_ =	swait.ge [sflag:s0], $0x2800  }
0xff: {  	s13 =	sshra.s32 s13, $0x2;
	[sflag:s0] =	ssyncset.done $0x0  }
0x100: {  	s16 =	sadd.s32 $0xC80, s13;
	[sflag:s0] =	ssyncadd.s32 $0xFFFFD800  }
0x101: {  	[spmem:s2] =	stream.indirect.scatter.add.f32 [tilespmem:s30], [sflag:$0x3], $0x80, s16, s29, $0xb8;
	[tilespmem:$0x1A900] =	vst v63  }
0x102: {  	_ =	swait.ge [sflag:s26], $0x2800  }
0x103: {  	[sflag:s26] =	ssyncset.done $0x0  }
0x104: {  	[sflag:s26] =	ssyncadd.s32 $0xFFFFD800  }
0x105: {  	[tilespmem:s30], [sflag:$0x1] =	stream.indirect.gather [hbm4b:s4+s29], $0x80, s12, s29, $0xb8;
	[tilespmem:$0x1A900] =	vst v63  }
0x106: {  	_ =	swait.ge [sflag:s1], $0x2800  }
0x107: {  	[sflag:s1] =	ssyncset.done $0x0  }
0x108: {  	s13 =	sadd.s32 $0xD00, s13;
	[sflag:s1] =	ssyncadd.s32 $0xFFFFD800  }
0x109: {  	[spmem:s2] =	stream.indirect.scatter.add.f32 [tilespmem:s31], [sflag:$0x3], $0x80, s13, s29, $0xb8;
	[tilespmem:$0x1A900] =	vst v63  }
0x10a: {  	_ =	swait.ge [sflag:s26], $0x2800  }
0x10b: {  	[sflag:s26] =	ssyncset.done $0x0  }
0x10c: {  	[sflag:s26] =	ssyncadd.s32 $0xFFFFD800  }
0x10d: {  	[tilespmem:s31], [sflag:$0x2] =	stream.indirect.gather [hbm4b:s4+s29], $0x80, s5, s29, $0xb8;
	[tilespmem:$0x1A900] =	vst v63  }
0x10e: {  	_ =	swait.ge [sflag:s0], $0x2800  }
0x10f: {  	[sflag:s0] =	ssyncset.done $0x0  }
0x110: {  	[sflag:s0] =	ssyncadd.s32 $0xFFFFD800  }
0x111: {  	[spmem:s2] =	stream.indirect.scatter.add.f32 [tilespmem:s30], [sflag:$0x3], $0x80, s6, s29, $0xb8;
	[tilespmem:$0x1A900] =	vst v63  }
0x112: {  	_ =	swait.ge [sflag:s26], $0x2800  }
0x113: {  	[sflag:s26] =	ssyncset.done $0x0  }
0x114: {  	[sflag:s26] =	ssyncadd.s32 $0xFFFFD800  }
0x115: {  	_ =	swait.ge [sflag:s1], $0x2800  }
0x116: {  	[sflag:s1] =	ssyncset.done $0x0  }
0x117: {  	[sflag:s1] =	ssyncadd.s32 $0xFFFFD800  }
0x118: {  	[spmem:s2] =	stream.indirect.scatter.add.f32 [tilespmem:s31], [sflag:$0x3], $0x80, s7, s29, $0xb8;
	[tilespmem:$0x1A900] =	vst v63  }
0x119: {  	_ =	swait.ge [sflag:s26], $0x2800  }
0x11a: {  	[sflag:s26] =	ssyncset.done $0x0  }
0x11b: {  	s14 =	simm.s32 $0x0;
	s15 =	rddreg [dreg:$0xc];
	[sflag:s26] =	ssyncadd.s32 $0xFFFFD800  }
0x11c: {  	[tilespmem:s14], [sflag:$0x3] =	stream.linear.gather [hbm4b:s15+s14], $0xC80, $0x38;
	[tilespmem:$0x1A900] =	vst v63  }
0x11d: {  	_ =	swait.ge [sflag:s26], $0xC80  }
0x11e: {  	[sflag:s26] =	ssyncset.done $0x0  }
0x11f: {  	s16 =	rddreg [dreg:$0xd];
	[sflag:s26] =	ssyncadd.s32 $0xFFFFF380  }
0x120: {  	[tilespmem:s28], [sflag:$0x3] =	stream.linear.gather [hbm4b:s16+s14], $0x1400, $0x38;
	[tilespmem:$0x1A900] =	vst v63  }
0x121: {  	_ =	swait.ge [sflag:s26], $0x1400  }
0x122: {  	[sflag:s26] =	ssyncset.done $0x0  }
0x123: {  	s12 =	simm.s32 $0x0;
	s13 =	simm.s32 $0x40;
	[sflag:s26] =	ssyncadd.s32 $0xFFFFEC00  }
.LBB2_14:
0x124: {  	p1 =	sne.s32 s13, $0x31C0;
	v1 =	vld [tilespmem:s12+$0x0];
	_ =	sdelay $0x1  }
.Ltmp6:
0x125: {  	(pc) =	sbr.rel @p1 .LBB2_14-.Ltmp6, $3  }
0x126: {  	_ =	sdelay $0x1  }
0x127: {  	v1 =	vadd.s32 v0, v1  }
0x128: {  	[tilespmem:s12+$0x0] =	vst v1;
	s12 =	sshra.s32 s13, $0x2;
	s13 =	sadd.s32 $0x40, s13  }
0x129: {  	v1 =	vld [tilespmem:s12+$0x0];
	_ =	sdelay $0x4  }
0x12a: {  	v1 =	vadd.s32 v0, v1  }
0x12b: {  	s16 =	simm.s32 $0x0;
	[tilespmem:s12+$0x0] =	vst v1  }
0x12c: {  	[tilespmem:s30], [sflag:$0x1] =	stream.indirect.gather [hbm4b:s4+s29], $0x80, s16, s29, $0xb8;
	[tilespmem:$0x1A900] =	vst v63  }
0x12d: {  	s13 =	simm.s32 $0x50  }
0x12e: {  	[tilespmem:s31], [sflag:$0x2] =	stream.indirect.gather [hbm4b:s4+s29], $0x80, s13, s29, $0xb8;
	[tilespmem:$0x1A900] =	vst v63  }
0x12f: {  	_ =	swait.ge [sflag:s0], $0x2800  }
0x130: {  	[sflag:s0] =	ssyncset.done $0x0  }
0x131: {  	s14 =	simm.s32 $0xC80;
	[sflag:s0] =	ssyncadd.s32 $0xFFFFD800  }
0x132: {  	[spmem:s2] =	stream.indirect.scatter.add.f32 [tilespmem:s30], [sflag:$0x3], $0x80, s14, s29, $0xb8;
	[tilespmem:$0x1A900] =	vst v63  }
0x133: {  	_ =	swait.ge [sflag:s26], $0x2800  }
0x134: {  	[sflag:s26] =	ssyncset.done $0x0  }
0x135: {  	s15 =	simm.s32 $0xA0;
	[sflag:s26] =	ssyncadd.s32 $0xFFFFD800  }
0x136: {  	[tilespmem:s30], [sflag:$0x1] =	stream.indirect.gather [hbm4b:s4+s29], $0x80, s15, s29, $0xb8;
	[tilespmem:$0x1A900] =	vst v63  }
0x137: {  	_ =	swait.ge [sflag:s1], $0x2800  }
0x138: {  	[sflag:s1] =	ssyncset.done $0x0  }
0x139: {  	s16 =	simm.s32 $0xD00;
	[sflag:s1] =	ssyncadd.s32 $0xFFFFD800  }
0x13a: {  	[spmem:s2] =	stream.indirect.scatter.add.f32 [tilespmem:s31], [sflag:$0x3], $0x80, s16, s29, $0xb8;
	[tilespmem:$0x1A900] =	vst v63  }
0x13b: {  	s12 =	simm.s32 $0x140;
	_ =	swait.ge [sflag:s26], $0x2800  }
0x13c: {  	s13 =	simm.s32 $0x400;
	s14 =	simm.s32 $0x800;
	[sflag:s26] =	ssyncset.done $0x0  }
.LBB2_16:
0x13d: {  	p1 =	sne.s32 s14, $0x4800;
	s15 =	sadd.s32 $0xFFFFFFB0, s12;
	[sflag:s26] =	ssyncadd.s32 $0xFFFFD800  }
0x13e: {  	[tilespmem:s31], [sflag:$0x2] =	stream.indirect.gather [hbm4b:s4+s29], $0x80, s15, s29, $0xb8;
	[tilespmem:$0x1A900] =	vst v63  }
0x13f: {  	s15 =	smov.u32 s14;
	s14 =	sadd.s32 $0x400, s14;
	_ =	swait.ge [sflag:s0], $0x2800  }
0x140: {  	s16 =	sshra.s32 s13, $0x2;
	s13 =	smov.u32 s15;
	[sflag:s0] =	ssyncset.done $0x0  }
0x141: {  	s15 =	sadd.s32 $0xC80, s16;
	[sflag:s0] =	ssyncadd.s32 $0xFFFFD800  }
0x142: {  	[spmem:s2] =	stream.indirect.scatter.add.f32 [tilespmem:s30], [sflag:$0x3], $0x80, s15, s29, $0xb8;
	[tilespmem:$0x1A900] =	vst v63  }
0x143: {  	_ =	swait.ge [sflag:s26], $0x2800  }
0x144: {  	[sflag:s26] =	ssyncset.done $0x0  }
0x145: {  	[sflag:s26] =	ssyncadd.s32 $0xFFFFD800  }
0x146: {  	[tilespmem:s30], [sflag:$0x1] =	stream.indirect.gather [hbm4b:s4+s29], $0x80, s12, s29, $0xb8;
	[tilespmem:$0x1A900] =	vst v63  }
0x147: {  	_ =	swait.ge [sflag:s1], $0x2800  }
.Ltmp7:
0x148: {  	[sflag:s1] =	ssyncset.done $0x0;
	(pc) =	sbr.rel @p1 .LBB2_16-.Ltmp7, $4  }
0x149: {  	s15 =	sadd.s32 $0xD00, s16;
	[sflag:s1] =	ssyncadd.s32 $0xFFFFD800  }
0x14a: {  	[spmem:s2] =	stream.indirect.scatter.add.f32 [tilespmem:s31], [sflag:$0x3], $0x80, s15, s29, $0xb8;
	[tilespmem:$0x1A900] =	vst v63  }
0x14b: {  	_ =	swait.ge [sflag:s26], $0x2800  }
0x14c: {  	s12 =	sadd.s32 $0xA0, s12;
	[sflag:s26] =	ssyncset.done $0x0  }
0x14d: {  	s14 =	sadd.s32 $0xFFFFFFB0, s12;
	[sflag:s26] =	ssyncadd.s32 $0xFFFFD800  }
0x14e: {  	[tilespmem:s31], [sflag:$0x2] =	stream.indirect.gather [hbm4b:s4+s29], $0x80, s14, s29, $0xb8;
	[tilespmem:$0x1A900] =	vst v63  }
0x14f: {  	_ =	swait.ge [sflag:s0], $0x2800  }
0x150: {  	s13 =	sshra.s32 s13, $0x2;
	[sflag:s0] =	ssyncset.done $0x0  }
0x151: {  	s16 =	sadd.s32 $0xC80, s13;
	[sflag:s0] =	ssyncadd.s32 $0xFFFFD800  }
0x152: {  	[spmem:s2] =	stream.indirect.scatter.add.f32 [tilespmem:s30], [sflag:$0x3], $0x80, s16, s29, $0xb8;
	[tilespmem:$0x1A900] =	vst v63  }
0x153: {  	_ =	swait.ge [sflag:s26], $0x2800  }
0x154: {  	[sflag:s26] =	ssyncset.done $0x0  }
0x155: {  	[sflag:s26] =	ssyncadd.s32 $0xFFFFD800  }
0x156: {  	[tilespmem:s30], [sflag:$0x1] =	stream.indirect.gather [hbm4b:s4+s29], $0x80, s12, s29, $0xb8;
	[tilespmem:$0x1A900] =	vst v63  }
0x157: {  	_ =	swait.ge [sflag:s1], $0x2800  }
0x158: {  	[sflag:s1] =	ssyncset.done $0x0  }
0x159: {  	s14 =	sadd.s32 $0xD00, s13;
	[sflag:s1] =	ssyncadd.s32 $0xFFFFD800  }
0x15a: {  	[spmem:s2] =	stream.indirect.scatter.add.f32 [tilespmem:s31], [sflag:$0x3], $0x80, s14, s29, $0xb8;
	[tilespmem:$0x1A900] =	vst v63  }
0x15b: {  	_ =	swait.ge [sflag:s26], $0x2800  }
0x15c: {  	[sflag:s26] =	ssyncset.done $0x0  }
0x15d: {  	[sflag:s26] =	ssyncadd.s32 $0xFFFFD800  }
0x15e: {  	[tilespmem:s31], [sflag:$0x2] =	stream.indirect.gather [hbm4b:s4+s29], $0x80, s5, s29, $0xb8;
	[tilespmem:$0x1A900] =	vst v63  }
0x15f: {  	_ =	swait.ge [sflag:s0], $0x2800  }
0x160: {  	[sflag:s0] =	ssyncset.done $0x0  }
0x161: {  	[sflag:s0] =	ssyncadd.s32 $0xFFFFD800  }
0x162: {  	[spmem:s2] =	stream.indirect.scatter.add.f32 [tilespmem:s30], [sflag:$0x3], $0x80, s6, s29, $0xb8;
	[tilespmem:$0x1A900] =	vst v63  }
0x163: {  	_ =	swait.ge [sflag:s26], $0x2800  }
0x164: {  	[sflag:s26] =	ssyncset.done $0x0  }
0x165: {  	[sflag:s26] =	ssyncadd.s32 $0xFFFFD800  }
0x166: {  	_ =	swait.ge [sflag:s1], $0x2800  }
0x167: {  	[sflag:s1] =	ssyncset.done $0x0  }
0x168: {  	[sflag:s1] =	ssyncadd.s32 $0xFFFFD800  }
0x169: {  	[spmem:s2] =	stream.indirect.scatter.add.f32 [tilespmem:s31], [sflag:$0x3], $0x80, s7, s29, $0xb8;
	[tilespmem:$0x1A900] =	vst v63  }
0x16a: {  	_ =	swait.ge [sflag:s26], $0x2800  }
0x16b: {  	[sflag:s26] =	ssyncset.done $0x0  }
0x16c: {  	s15 =	simm.s32 $0x0;
	s16 =	rddreg [dreg:$0xe];
	[sflag:s26] =	ssyncadd.s32 $0xFFFFD800  }
0x16d: {  	[tilespmem:s15], [sflag:$0x3] =	stream.linear.gather [hbm4b:s16+s15], $0xC80, $0x38;
	[tilespmem:$0x1A900] =	vst v63  }
0x16e: {  	_ =	swait.ge [sflag:s26], $0xC80  }
0x16f: {  	[sflag:s26] =	ssyncset.done $0x0  }
0x170: {  	[sflag:s26] =	ssyncadd.s32 $0xFFFFF380  }
0x171: {  	[tilespmem:s28], [sflag:$0x3] =	stream.linear.gather [hbm4b:s17+s15], $0x1400, $0x38;
	[tilespmem:$0x1A900] =	vst v63  }
0x172: {  	_ =	swait.ge [sflag:s26], $0x1400  }
0x173: {  	[sflag:s26] =	ssyncset.done $0x0  }
0x174: {  	s13 =	simm.s32 $0x40;
	s12 =	simm.s32 $0x0;
	[sflag:s26] =	ssyncadd.s32 $0xFFFFEC00  }
.LBB2_18:
0x175: {  	p1 =	sne.s32 s13, $0x31C0;
	v1 =	vld [tilespmem:s12+$0x0];
	_ =	sdelay $0x1  }
.Ltmp8:
0x176: {  	(pc) =	sbr.rel @p1 .LBB2_18-.Ltmp8, $3  }
0x177: {  	_ =	sdelay $0x1  }
0x178: {  	v1 =	vadd.s32 v0, v1  }
0x179: {  	[tilespmem:s12+$0x0] =	vst v1;
	s12 =	sshra.s32 s13, $0x2;
	s13 =	sadd.s32 $0x40, s13  }
0x17a: {  	v1 =	vld [tilespmem:s12+$0x0];
	_ =	sdelay $0x4  }
0x17b: {  	v1 =	vadd.s32 v0, v1  }
0x17c: {  	s16 =	simm.s32 $0x0;
	[tilespmem:s12+$0x0] =	vst v1  }
0x17d: {  	[tilespmem:s30], [sflag:$0x1] =	stream.indirect.gather [hbm4b:s4+s29], $0x80, s16, s29, $0xb8;
	[tilespmem:$0x1A900] =	vst v63  }
0x17e: {  	s13 =	simm.s32 $0x50  }
0x17f: {  	[tilespmem:s31], [sflag:$0x2] =	stream.indirect.gather [hbm4b:s4+s29], $0x80, s13, s29, $0xb8;
	[tilespmem:$0x1A900] =	vst v63  }
0x180: {  	_ =	swait.ge [sflag:s0], $0x2800  }
0x181: {  	[sflag:s0] =	ssyncset.done $0x0  }
0x182: {  	s14 =	simm.s32 $0xC80;
	[sflag:s0] =	ssyncadd.s32 $0xFFFFD800  }
0x183: {  	[spmem:s2] =	stream.indirect.scatter.add.f32 [tilespmem:s30], [sflag:$0x3], $0x80, s14, s29, $0xb8;
	[tilespmem:$0x1A900] =	vst v63  }
0x184: {  	_ =	swait.ge [sflag:s26], $0x2800  }
0x185: {  	[sflag:s26] =	ssyncset.done $0x0  }
0x186: {  	s15 =	simm.s32 $0xA0;
	[sflag:s26] =	ssyncadd.s32 $0xFFFFD800  }
0x187: {  	[tilespmem:s30], [sflag:$0x1] =	stream.indirect.gather [hbm4b:s4+s29], $0x80, s15, s29, $0xb8;
	[tilespmem:$0x1A900] =	vst v63  }
0x188: {  	_ =	swait.ge [sflag:s1], $0x2800  }
0x189: {  	[sflag:s1] =	ssyncset.done $0x0  }
0x18a: {  	s16 =	simm.s32 $0xD00;
	[sflag:s1] =	ssyncadd.s32 $0xFFFFD800  }
0x18b: {  	[spmem:s2] =	stream.indirect.scatter.add.f32 [tilespmem:s31], [sflag:$0x3], $0x80, s16, s29, $0xb8;
	[tilespmem:$0x1A900] =	vst v63  }
0x18c: {  	s12 =	simm.s32 $0x140;
	_ =	swait.ge [sflag:s26], $0x2800  }
0x18d: {  	s13 =	simm.s32 $0x400;
	s14 =	simm.s32 $0x800;
	[sflag:s26] =	ssyncset.done $0x0  }
.LBB2_20:
0x18e: {  	p1 =	sne.s32 s14, $0x4800;
	s15 =	sadd.s32 $0xFFFFFFB0, s12;
	[sflag:s26] =	ssyncadd.s32 $0xFFFFD800  }
0x18f: {  	[tilespmem:s31], [sflag:$0x2] =	stream.indirect.gather [hbm4b:s4+s29], $0x80, s15, s29, $0xb8;
	[tilespmem:$0x1A900] =	vst v63  }
0x190: {  	s15 =	smov.u32 s14;
	s14 =	sadd.s32 $0x400, s14;
	_ =	swait.ge [sflag:s0], $0x2800  }
0x191: {  	s16 =	sshra.s32 s13, $0x2;
	s13 =	smov.u32 s15;
	[sflag:s0] =	ssyncset.done $0x0  }
0x192: {  	s15 =	sadd.s32 $0xC80, s16;
	[sflag:s0] =	ssyncadd.s32 $0xFFFFD800  }
0x193: {  	[spmem:s2] =	stream.indirect.scatter.add.f32 [tilespmem:s30], [sflag:$0x3], $0x80, s15, s29, $0xb8;
	[tilespmem:$0x1A900] =	vst v63  }
0x194: {  	_ =	swait.ge [sflag:s26], $0x2800  }
0x195: {  	[sflag:s26] =	ssyncset.done $0x0  }
0x196: {  	[sflag:s26] =	ssyncadd.s32 $0xFFFFD800  }
0x197: {  	[tilespmem:s30], [sflag:$0x1] =	stream.indirect.gather [hbm4b:s4+s29], $0x80, s12, s29, $0xb8;
	[tilespmem:$0x1A900] =	vst v63  }
0x198: {  	_ =	swait.ge [sflag:s1], $0x2800  }
.Ltmp9:
0x199: {  	[sflag:s1] =	ssyncset.done $0x0;
	(pc) =	sbr.rel @p1 .LBB2_20-.Ltmp9, $4  }
0x19a: {  	s15 =	sadd.s32 $0xD00, s16;
	[sflag:s1] =	ssyncadd.s32 $0xFFFFD800  }
0x19b: {  	[spmem:s2] =	stream.indirect.scatter.add.f32 [tilespmem:s31], [sflag:$0x3], $0x80, s15, s29, $0xb8;
	[tilespmem:$0x1A900] =	vst v63  }
0x19c: {  	_ =	swait.ge [sflag:s26], $0x2800  }
0x19d: {  	s12 =	sadd.s32 $0xA0, s12;
	[sflag:s26] =	ssyncset.done $0x0  }
0x19e: {  	s14 =	sadd.s32 $0xFFFFFFB0, s12;
	[sflag:s26] =	ssyncadd.s32 $0xFFFFD800  }
0x19f: {  	[tilespmem:s31], [sflag:$0x2] =	stream.indirect.gather [hbm4b:s4+s29], $0x80, s14, s29, $0xb8;
	[tilespmem:$0x1A900] =	vst v63  }
0x1a0: {  	_ =	swait.ge [sflag:s0], $0x2800  }
0x1a1: {  	s13 =	sshra.s32 s13, $0x2;
	[sflag:s0] =	ssyncset.done $0x0  }
0x1a2: {  	s16 =	sadd.s32 $0xC80, s13;
	[sflag:s0] =	ssyncadd.s32 $0xFFFFD800  }
0x1a3: {  	[spmem:s2] =	stream.indirect.scatter.add.f32 [tilespmem:s30], [sflag:$0x3], $0x80, s16, s29, $0xb8;
	[tilespmem:$0x1A900] =	vst v63  }
0x1a4: {  	_ =	swait.ge [sflag:s26], $0x2800  }
0x1a5: {  	[sflag:s26] =	ssyncset.done $0x0  }
0x1a6: {  	[sflag:s26] =	ssyncadd.s32 $0xFFFFD800  }
0x1a7: {  	[tilespmem:s30], [sflag:$0x1] =	stream.indirect.gather [hbm4b:s4+s29], $0x80, s12, s29, $0xb8;
	[tilespmem:$0x1A900] =	vst v63  }
0x1a8: {  	_ =	swait.ge [sflag:s1], $0x2800  }
0x1a9: {  	[sflag:s1] =	ssyncset.done $0x0  }
0x1aa: {  	s15 =	sadd.s32 $0xD00, s13;
	[sflag:s1] =	ssyncadd.s32 $0xFFFFD800  }
0x1ab: {  	[spmem:s2] =	stream.indirect.scatter.add.f32 [tilespmem:s31], [sflag:$0x3], $0x80, s15, s29, $0xb8;
	[tilespmem:$0x1A900] =	vst v63  }
0x1ac: {  	_ =	swait.ge [sflag:s26], $0x2800  }
0x1ad: {  	[sflag:s26] =	ssyncset.done $0x0  }
0x1ae: {  	[sflag:s26] =	ssyncadd.s32 $0xFFFFD800  }
0x1af: {  	[tilespmem:s31], [sflag:$0x2] =	stream.indirect.gather [hbm4b:s4+s29], $0x80, s5, s29, $0xb8;
	[tilespmem:$0x1A900] =	vst v63  }
0x1b0: {  	_ =	swait.ge [sflag:s0], $0x2800  }
0x1b1: {  	[sflag:s0] =	ssyncset.done $0x0  }
0x1b2: {  	[sflag:s0] =	ssyncadd.s32 $0xFFFFD800  }
0x1b3: {  	[spmem:s2] =	stream.indirect.scatter.add.f32 [tilespmem:s30], [sflag:$0x3], $0x80, s6, s29, $0xb8;
	[tilespmem:$0x1A900] =	vst v63  }
0x1b4: {  	_ =	swait.ge [sflag:s26], $0x2800  }
0x1b5: {  	[sflag:s26] =	ssyncset.done $0x0  }
0x1b6: {  	[sflag:s26] =	ssyncadd.s32 $0xFFFFD800  }
0x1b7: {  	_ =	swait.ge [sflag:s1], $0x2800  }
0x1b8: {  	[sflag:s1] =	ssyncset.done $0x0  }
0x1b9: {  	[sflag:s1] =	ssyncadd.s32 $0xFFFFD800  }
0x1ba: {  	[spmem:s2] =	stream.indirect.scatter.add.f32 [tilespmem:s31], [sflag:$0x3], $0x80, s7, s29, $0xb8;
	[tilespmem:$0x1A900] =	vst v63  }
0x1bb: {  	_ =	swait.ge [sflag:s26], $0x2800  }
0x1bc: {  	[sflag:s26] =	ssyncset.done $0x0  }
0x1bd: {  	s16 =	simm.s32 $0x0;
	[sflag:s26] =	ssyncadd.s32 $0xFFFFD800  }
0x1be: {  	[tilespmem:s16], [sflag:$0x3] =	stream.linear.gather [hbm4b:s18+s16], $0xC80, $0x38;
	[tilespmem:$0x1A900] =	vst v63  }
0x1bf: {  	_ =	swait.ge [sflag:s26], $0xC80  }
0x1c0: {  	[sflag:s26] =	ssyncset.done $0x0  }
0x1c1: {  	[sflag:s26] =	ssyncadd.s32 $0xFFFFF380  }
0x1c2: {  	[tilespmem:s28], [sflag:$0x3] =	stream.linear.gather [hbm4b:s20+s16], $0x1400, $0x38;
	[tilespmem:$0x1A900] =	vst v63  }
0x1c3: {  	_ =	swait.ge [sflag:s26], $0x1400  }
0x1c4: {  	[sflag:s26] =	ssyncset.done $0x0  }
0x1c5: {  	s13 =	simm.s32 $0x40;
	s12 =	simm.s32 $0x0;
	[sflag:s26] =	ssyncadd.s32 $0xFFFFEC00  }
.LBB2_22:
0x1c6: {  	p1 =	sne.s32 s13, $0x31C0;
	v1 =	vld [tilespmem:s12+$0x0];
	_ =	sdelay $0x1  }
.Ltmp10:
0x1c7: {  	(pc) =	sbr.rel @p1 .LBB2_22-.Ltmp10, $3  }
0x1c8: {  	_ =	sdelay $0x1  }
0x1c9: {  	v1 =	vadd.s32 v0, v1  }
0x1ca: {  	[tilespmem:s12+$0x0] =	vst v1;
	s12 =	sshra.s32 s13, $0x2;
	s13 =	sadd.s32 $0x40, s13  }
0x1cb: {  	v1 =	vld [tilespmem:s12+$0x0];
	_ =	sdelay $0x4  }
0x1cc: {  	v1 =	vadd.s32 v0, v1  }
0x1cd: {  	s16 =	simm.s32 $0x0;
	[tilespmem:s12+$0x0] =	vst v1  }
0x1ce: {  	[tilespmem:s30], [sflag:$0x1] =	stream.indirect.gather [hbm4b:s4+s29], $0x80, s16, s29, $0xb8;
	[tilespmem:$0x1A900] =	vst v63  }
0x1cf: {  	s13 =	simm.s32 $0x50  }
0x1d0: {  	[tilespmem:s31], [sflag:$0x2] =	stream.indirect.gather [hbm4b:s4+s29], $0x80, s13, s29, $0xb8;
	[tilespmem:$0x1A900] =	vst v63  }
0x1d1: {  	_ =	swait.ge [sflag:s0], $0x2800  }
0x1d2: {  	[sflag:s0] =	ssyncset.done $0x0  }
0x1d3: {  	s14 =	simm.s32 $0xC80;
	[sflag:s0] =	ssyncadd.s32 $0xFFFFD800  }
0x1d4: {  	[spmem:s2] =	stream.indirect.scatter.add.f32 [tilespmem:s30], [sflag:$0x3], $0x80, s14, s29, $0xb8;
	[tilespmem:$0x1A900] =	vst v63  }
0x1d5: {  	_ =	swait.ge [sflag:s26], $0x2800  }
0x1d6: {  	[sflag:s26] =	ssyncset.done $0x0  }
0x1d7: {  	s15 =	simm.s32 $0xA0;
	[sflag:s26] =	ssyncadd.s32 $0xFFFFD800  }
0x1d8: {  	[tilespmem:s30], [sflag:$0x1] =	stream.indirect.gather [hbm4b:s4+s29], $0x80, s15, s29, $0xb8;
	[tilespmem:$0x1A900] =	vst v63  }
0x1d9: {  	_ =	swait.ge [sflag:s1], $0x2800  }
0x1da: {  	[sflag:s1] =	ssyncset.done $0x0  }
0x1db: {  	s16 =	simm.s32 $0xD00;
	[sflag:s1] =	ssyncadd.s32 $0xFFFFD800  }
0x1dc: {  	[spmem:s2] =	stream.indirect.scatter.add.f32 [tilespmem:s31], [sflag:$0x3], $0x80, s16, s29, $0xb8;
	[tilespmem:$0x1A900] =	vst v63  }
0x1dd: {  	s12 =	simm.s32 $0x140;
	_ =	swait.ge [sflag:s26], $0x2800  }
0x1de: {  	s13 =	simm.s32 $0x400;
	s14 =	simm.s32 $0x800;
	[sflag:s26] =	ssyncset.done $0x0  }
.LBB2_24:
0x1df: {  	p1 =	sne.s32 s14, $0x4800;
	s15 =	sadd.s32 $0xFFFFFFB0, s12;
	[sflag:s26] =	ssyncadd.s32 $0xFFFFD800  }
0x1e0: {  	[tilespmem:s31], [sflag:$0x2] =	stream.indirect.gather [hbm4b:s4+s29], $0x80, s15, s29, $0xb8;
	[tilespmem:$0x1A900] =	vst v63  }
0x1e1: {  	s15 =	smov.u32 s14;
	s14 =	sadd.s32 $0x400, s14;
	_ =	swait.ge [sflag:s0], $0x2800  }
0x1e2: {  	s16 =	sshra.s32 s13, $0x2;
	s13 =	smov.u32 s15;
	[sflag:s0] =	ssyncset.done $0x0  }
0x1e3: {  	s15 =	sadd.s32 $0xC80, s16;
	[sflag:s0] =	ssyncadd.s32 $0xFFFFD800  }
0x1e4: {  	[spmem:s2] =	stream.indirect.scatter.add.f32 [tilespmem:s30], [sflag:$0x3], $0x80, s15, s29, $0xb8;
	[tilespmem:$0x1A900] =	vst v63  }
0x1e5: {  	_ =	swait.ge [sflag:s26], $0x2800  }
0x1e6: {  	[sflag:s26] =	ssyncset.done $0x0  }
0x1e7: {  	[sflag:s26] =	ssyncadd.s32 $0xFFFFD800  }
0x1e8: {  	[tilespmem:s30], [sflag:$0x1] =	stream.indirect.gather [hbm4b:s4+s29], $0x80, s12, s29, $0xb8;
	[tilespmem:$0x1A900] =	vst v63  }
0x1e9: {  	_ =	swait.ge [sflag:s1], $0x2800  }
.Ltmp11:
0x1ea: {  	[sflag:s1] =	ssyncset.done $0x0;
	(pc) =	sbr.rel @p1 .LBB2_24-.Ltmp11, $4  }
0x1eb: {  	s15 =	sadd.s32 $0xD00, s16;
	[sflag:s1] =	ssyncadd.s32 $0xFFFFD800  }
0x1ec: {  	[spmem:s2] =	stream.indirect.scatter.add.f32 [tilespmem:s31], [sflag:$0x3], $0x80, s15, s29, $0xb8;
	[tilespmem:$0x1A900] =	vst v63  }
0x1ed: {  	_ =	swait.ge [sflag:s26], $0x2800  }
0x1ee: {  	s12 =	sadd.s32 $0xA0, s12;
	[sflag:s26] =	ssyncset.done $0x0  }
0x1ef: {  	s14 =	sadd.s32 $0xFFFFFFB0, s12;
	[sflag:s26] =	ssyncadd.s32 $0xFFFFD800  }
0x1f0: {  	[tilespmem:s31], [sflag:$0x2] =	stream.indirect.gather [hbm4b:s4+s29], $0x80, s14, s29, $0xb8;
	[tilespmem:$0x1A900] =	vst v63  }
0x1f1: {  	_ =	swait.ge [sflag:s0], $0x2800  }
0x1f2: {  	s13 =	sshra.s32 s13, $0x2;
	[sflag:s0] =	ssyncset.done $0x0  }
0x1f3: {  	s16 =	sadd.s32 $0xC80, s13;
	[sflag:s0] =	ssyncadd.s32 $0xFFFFD800  }
0x1f4: {  	[spmem:s2] =	stream.indirect.scatter.add.f32 [tilespmem:s30], [sflag:$0x3], $0x80, s16, s29, $0xb8;
	[tilespmem:$0x1A900] =	vst v63  }
0x1f5: {  	_ =	swait.ge [sflag:s26], $0x2800  }
0x1f6: {  	[sflag:s26] =	ssyncset.done $0x0  }
0x1f7: {  	[sflag:s26] =	ssyncadd.s32 $0xFFFFD800  }
0x1f8: {  	[tilespmem:s30], [sflag:$0x1] =	stream.indirect.gather [hbm4b:s4+s29], $0x80, s12, s29, $0xb8;
	[tilespmem:$0x1A900] =	vst v63  }
0x1f9: {  	_ =	swait.ge [sflag:s1], $0x2800  }
0x1fa: {  	[sflag:s1] =	ssyncset.done $0x0  }
0x1fb: {  	s15 =	sadd.s32 $0xD00, s13;
	[sflag:s1] =	ssyncadd.s32 $0xFFFFD800  }
0x1fc: {  	[spmem:s2] =	stream.indirect.scatter.add.f32 [tilespmem:s31], [sflag:$0x3], $0x80, s15, s29, $0xb8;
	[tilespmem:$0x1A900] =	vst v63  }
0x1fd: {  	_ =	swait.ge [sflag:s26], $0x2800  }
0x1fe: {  	[sflag:s26] =	ssyncset.done $0x0  }
0x1ff: {  	[sflag:s26] =	ssyncadd.s32 $0xFFFFD800  }
0x200: {  	[tilespmem:s31], [sflag:$0x2] =	stream.indirect.gather [hbm4b:s4+s29], $0x80, s5, s29, $0xb8;
	[tilespmem:$0x1A900] =	vst v63  }
0x201: {  	_ =	swait.ge [sflag:s0], $0x2800  }
0x202: {  	[sflag:s0] =	ssyncset.done $0x0  }
0x203: {  	[sflag:s0] =	ssyncadd.s32 $0xFFFFD800  }
0x204: {  	[spmem:s2] =	stream.indirect.scatter.add.f32 [tilespmem:s30], [sflag:$0x3], $0x80, s6, s29, $0xb8;
	[tilespmem:$0x1A900] =	vst v63  }
0x205: {  	_ =	swait.ge [sflag:s26], $0x2800  }
0x206: {  	[sflag:s26] =	ssyncset.done $0x0  }
0x207: {  	[sflag:s26] =	ssyncadd.s32 $0xFFFFD800  }
0x208: {  	_ =	swait.ge [sflag:s1], $0x2800  }
0x209: {  	[sflag:s1] =	ssyncset.done $0x0  }
0x20a: {  	[sflag:s1] =	ssyncadd.s32 $0xFFFFD800  }
0x20b: {  	[spmem:s2] =	stream.indirect.scatter.add.f32 [tilespmem:s31], [sflag:$0x3], $0x80, s7, s29, $0xb8;
	[tilespmem:$0x1A900] =	vst v63  }
0x20c: {  	_ =	swait.ge [sflag:s26], $0x2800  }
0x20d: {  	[sflag:s26] =	ssyncset.done $0x0  }
0x20e: {  	s16 =	simm.s32 $0x0;
	[sflag:s26] =	ssyncadd.s32 $0xFFFFD800  }
0x20f: {  	[tilespmem:s16], [sflag:$0x3] =	stream.linear.gather [hbm4b:s21+s16], $0x320, $0x38;
	[tilespmem:$0x1A900] =	vst v63  }
0x210: {  	_ =	swait.ge [sflag:s26], $0x320  }
0x211: {  	[sflag:s26] =	ssyncset.done $0x0  }
0x212: {  	[sflag:s26] =	ssyncadd.s32 $0xFFFFFCE0  }
0x213: {  	[tilespmem:s28], [sflag:$0x3] =	stream.linear.gather [hbm4b:s22+s16], $0x500, $0x38;
	[tilespmem:$0x1A900] =	vst v63  }
0x214: {  	_ =	swait.ge [sflag:s26], $0x500  }
0x215: {  	[sflag:s26] =	ssyncset.done $0x0  }
0x216: {  	s13 =	simm.s32 $0x40;
	s12 =	simm.s32 $0x0;
	[sflag:s26] =	ssyncadd.s32 $0xFFFFFB00  }
.LBB2_26:
0x217: {  	p1 =	sne.s32 s13, $0xC40;
	v1 =	vld [tilespmem:s12+$0x0];
	_ =	sdelay $0x1  }
.Ltmp12:
0x218: {  	(pc) =	sbr.rel @p1 .LBB2_26-.Ltmp12, $3  }
0x219: {  	_ =	sdelay $0x1  }
0x21a: {  	v1 =	vadd.s32 v0, v1  }
0x21b: {  	[tilespmem:s12+$0x0] =	vst v1;
	s12 =	sshra.s32 s13, $0x2;
	s13 =	sadd.s32 $0x40, s13  }
0x21c: {  	v1 =	vld [tilespmem:s12+$0x0];
	_ =	sdelay $0x4  }
0x21d: {  	v1 =	vadd.s32 v0, v1  }
0x21e: {  	[tilespmem:s12+$0x0] =	vst v1  }
0x21f: {  	[tilespmem:s30], [sflag:$0x1] =	stream.indirect.gather [hbm4b:s4+s29], $0x80, s3, s29, $0xb8;
	[tilespmem:$0x1A900] =	vst v63  }
0x220: {  	_ = 	snop  }
0x221: {  	[tilespmem:s31], [sflag:$0x2] =	stream.indirect.gather [hbm4b:s4+s29], $0x80, s29, s29, $0xb8;
	[tilespmem:$0x1A900] =	vst v63  }
0x222: {  	_ =	swait.ge [sflag:s0], $0x2800  }
0x223: {  	[sflag:s0] =	ssyncset.done $0x0  }
0x224: {  	[sflag:s0] =	ssyncadd.s32 $0xFFFFD800  }
0x225: {  	[spmem:s2] =	stream.indirect.scatter.add.f32 [tilespmem:s30], [sflag:$0x3], $0x80, s28, s29, $0xb8;
	[tilespmem:$0x1A900] =	vst v63  }
0x226: {  	_ =	swait.ge [sflag:s26], $0x2800  }
0x227: {  	[sflag:s26] =	ssyncset.done $0x0  }
0x228: {  	s16 =	simm.s32 $0xA0;
	[sflag:s26] =	ssyncadd.s32 $0xFFFFD800  }
0x229: {  	[tilespmem:s30], [sflag:$0x1] =	stream.indirect.gather [hbm4b:s4+s29], $0x80, s16, s29, $0xb8;
	[tilespmem:$0x1A900] =	vst v63  }
0x22a: {  	_ =	swait.ge [sflag:s1], $0x2800  }
0x22b: {  	[sflag:s1] =	ssyncset.done $0x0  }
0x22c: {  	s13 =	simm.s32 $0xD00;
	[sflag:s1] =	ssyncadd.s32 $0xFFFFD800  }
0x22d: {  	[spmem:s2] =	stream.indirect.scatter.add.f32 [tilespmem:s31], [sflag:$0x3], $0x80, s13, s29, $0xb8;
	[tilespmem:$0x1A900] =	vst v63  }
0x22e: {  	_ =	swait.ge [sflag:s26], $0x2800  }
0x22f: {  	[sflag:s26] =	ssyncset.done $0x0  }
0x230: {  	s14 =	simm.s32 $0xF0;
	[sflag:s26] =	ssyncadd.s32 $0xFFFFD800  }
0x231: {  	[tilespmem:s31], [sflag:$0x2] =	stream.indirect.gather [hbm4b:s4+s29], $0x80, s14, s29, $0xb8;
	[tilespmem:$0x1A900] =	vst v63  }
0x232: {  	_ =	swait.ge [sflag:s0], $0x2800  }
0x233: {  	[sflag:s0] =	ssyncset.done $0x0  }
0x234: {  	s15 =	simm.s32 $0xD80;
	[sflag:s0] =	ssyncadd.s32 $0xFFFFD800  }
0x235: {  	[spmem:s2] =	stream.indirect.scatter.add.f32 [tilespmem:s30], [sflag:$0x3], $0x80, s15, s29, $0xb8;
	[tilespmem:$0x1A900] =	vst v63  }
0x236: {  	_ =	swait.ge [sflag:s26], $0x2800  }
0x237: {  	[sflag:s26] =	ssyncset.done $0x0  }
0x238: {  	s16 =	simm.s32 $0x140;
	[sflag:s26] =	ssyncadd.s32 $0xFFFFD800  }
0x239: {  	[tilespmem:s30], [sflag:$0x1] =	stream.indirect.gather [hbm4b:s4+s29], $0x80, s16, s29, $0xb8;
	[tilespmem:$0x1A900] =	vst v63  }
0x23a: {  	_ =	swait.ge [sflag:s1], $0x2800  }
0x23b: {  	[sflag:s1] =	ssyncset.done $0x0  }
0x23c: {  	s13 =	simm.s32 $0xE00;
	[sflag:s1] =	ssyncadd.s32 $0xFFFFD800  }
0x23d: {  	[spmem:s2] =	stream.indirect.scatter.add.f32 [tilespmem:s31], [sflag:$0x3], $0x80, s13, s29, $0xb8;
	[tilespmem:$0x1A900] =	vst v63  }
0x23e: {  	_ =	swait.ge [sflag:s26], $0x2800  }
0x23f: {  	[sflag:s26] =	ssyncset.done $0x0  }
0x240: {  	s14 =	simm.s32 $0x190;
	[sflag:s26] =	ssyncadd.s32 $0xFFFFD800  }
0x241: {  	[tilespmem:s31], [sflag:$0x2] =	stream.indirect.gather [hbm4b:s4+s29], $0x80, s14, s29, $0xb8;
	[tilespmem:$0x1A900] =	vst v63  }
0x242: {  	_ =	swait.ge [sflag:s0], $0x2800  }
0x243: {  	[sflag:s0] =	ssyncset.done $0x0  }
0x244: {  	s15 =	simm.s32 $0xE80;
	[sflag:s0] =	ssyncadd.s32 $0xFFFFD800  }
0x245: {  	[spmem:s2] =	stream.indirect.scatter.add.f32 [tilespmem:s30], [sflag:$0x3], $0x80, s15, s29, $0xb8;
	[tilespmem:$0x1A900] =	vst v63  }
0x246: {  	_ =	swait.ge [sflag:s26], $0x2800  }
0x247: {  	[sflag:s26] =	ssyncset.done $0x0  }
0x248: {  	s16 =	simm.s32 $0x1E0;
	[sflag:s26] =	ssyncadd.s32 $0xFFFFD800  }
0x249: {  	[tilespmem:s30], [sflag:$0x1] =	stream.indirect.gather [hbm4b:s4+s29], $0x80, s16, s29, $0xb8;
	[tilespmem:$0x1A900] =	vst v63  }
0x24a: {  	_ =	swait.ge [sflag:s1], $0x2800  }
0x24b: {  	[sflag:s1] =	ssyncset.done $0x0  }
0x24c: {  	s13 =	simm.s32 $0xF00;
	[sflag:s1] =	ssyncadd.s32 $0xFFFFD800  }
0x24d: {  	[spmem:s2] =	stream.indirect.scatter.add.f32 [tilespmem:s31], [sflag:$0x3], $0x80, s13, s29, $0xb8;
	[tilespmem:$0x1A900] =	vst v63  }
0x24e: {  	_ =	swait.ge [sflag:s26], $0x2800  }
0x24f: {  	[sflag:s26] =	ssyncset.done $0x0  }
0x250: {  	s14 =	simm.s32 $0x230;
	[sflag:s26] =	ssyncadd.s32 $0xFFFFD800  }
0x251: {  	[tilespmem:s31], [sflag:$0x2] =	stream.indirect.gather [hbm4b:s4+s29], $0x80, s14, s29, $0xb8;
	[tilespmem:$0x1A900] =	vst v63  }
0x252: {  	_ =	swait.ge [sflag:s0], $0x2800  }
0x253: {  	[sflag:s0] =	ssyncset.done $0x0  }
0x254: {  	s15 =	simm.s32 $0xF80;
	[sflag:s0] =	ssyncadd.s32 $0xFFFFD800  }
0x255: {  	[spmem:s2] =	stream.indirect.scatter.add.f32 [tilespmem:s30], [sflag:$0x3], $0x80, s15, s29, $0xb8;
	[tilespmem:$0x1A900] =	vst v63  }
0x256: {  	_ =	swait.ge [sflag:s26], $0x2800  }
0x257: {  	[sflag:s26] =	ssyncset.done $0x0  }
0x258: {  	s16 =	simm.s32 $0x280;
	[sflag:s26] =	ssyncadd.s32 $0xFFFFD800  }
0x259: {  	[tilespmem:s30], [sflag:$0x1] =	stream.indirect.gather [hbm4b:s4+s29], $0x80, s16, s29, $0xb8;
	[tilespmem:$0x1A900] =	vst v63  }
0x25a: {  	_ =	swait.ge [sflag:s1], $0x2800  }
0x25b: {  	[sflag:s1] =	ssyncset.done $0x0  }
0x25c: {  	s13 =	simm.s32 $0x1000;
	[sflag:s1] =	ssyncadd.s32 $0xFFFFD800  }
0x25d: {  	[spmem:s2] =	stream.indirect.scatter.add.f32 [tilespmem:s31], [sflag:$0x3], $0x80, s13, s29, $0xb8;
	[tilespmem:$0x1A900] =	vst v63  }
0x25e: {  	_ =	swait.ge [sflag:s26], $0x2800  }
0x25f: {  	[sflag:s26] =	ssyncset.done $0x0  }
0x260: {  	s14 =	simm.s32 $0x2D0;
	[sflag:s26] =	ssyncadd.s32 $0xFFFFD800  }
0x261: {  	[tilespmem:s31], [sflag:$0x2] =	stream.indirect.gather [hbm4b:s4+s29], $0x80, s14, s29, $0xb8;
	[tilespmem:$0x1A900] =	vst v63  }
0x262: {  	_ =	swait.ge [sflag:s0], $0x2800  }
0x263: {  	[sflag:s0] =	ssyncset.done $0x0  }
0x264: {  	s15 =	simm.s32 $0x1080;
	[sflag:s0] =	ssyncadd.s32 $0xFFFFD800  }
0x265: {  	[spmem:s2] =	stream.indirect.scatter.add.f32 [tilespmem:s30], [sflag:$0x3], $0x80, s15, s29, $0xb8;
	[tilespmem:$0x1A900] =	vst v63  }
0x266: {  	_ =	swait.ge [sflag:s26], $0x2800  }
0x267: {  	[sflag:s26] =	ssyncset.done $0x0  }
0x268: {  	[sflag:s26] =	ssyncadd.s32 $0xFFFFD800  }
0x269: {  	_ =	swait.ge [sflag:s1], $0x2800  }
0x26a: {  	[sflag:s1] =	ssyncset.done $0x0  }
0x26b: {  	s16 =	simm.s32 $0x1100;
	[sflag:s1] =	ssyncadd.s32 $0xFFFFD800  }
0x26c: {  	[spmem:s2] =	stream.indirect.scatter.add.f32 [tilespmem:s31], [sflag:$0x3], $0x80, s16, s29, $0xb8;
	[tilespmem:$0x1A900] =	vst v63  }
0x26d: {  	_ =	swait.ge [sflag:s26], $0x2800  }
0x26e: {  	[sflag:s26] =	ssyncset.done $0x0  }
0x26f: {  	[sflag:s26] =	ssyncadd.s32 $0xFFFFD800  }
0x270: {  	s12 =	simm.s32 @p0 $0x1FC3;
	[bflag:$0x0] =	sbarrier.arrive $0xFFFF  }
0x271: {  	[hbm:s23], [sflag:s12] =	dma.local @p0 [spmem:s9], $0x2080  }
0x272: {  	s9 =	simm.s32 @p0 $0x3  }
0x273: {  	s8 =	sadd.s32 $0x1, s8;
	_ =	swait.ge @p0 [sflag:s9], $0x2080  }
0x274: {  	p1 =	sne.s32 s8, s24;
	[sflag:s9] =	ssyncset.done @p0 $0x0  }
.Ltmp13:
0x275: {  	[sflag:s9] =	ssyncadd.s32 @p0 $0xFFFFDF80;
	s9 =	simm.s32 @!p0 $0x3;
	(pc) =	sbr.rel @p1 .LBB2_1-.Ltmp13, $4  }
0x276: {  	[hbm:s19], [sflag:s10] =	dma.local @!p0 [spmem:s11], $0x2780  }
0x277: {  	_ =	swait.ge @!p0 [sflag:s9], $0x2780  }
0x278: {  	[sflag:s9] =	ssyncset.done @!p0 $0x0  }
0x279: {  	[sflag:s9] =	ssyncadd.s32 @!p0 $0xFFFFD880  }
0x27a: {  	_ =	sfence.sel $0x180000  }
0x27b: {  	[bflag:$0x0] =	sbarrier.arrive $0xFFFF  }
0x27c: {  	_ =	strace $0x9000004D  }
0x27d: {  	s0 =	stileid.u32;
	[bflag:$0x2] =	sbarrier.arrive $0xFFFF  }
0x27e: {  	p0 =	sne.s32 s0, $0x0;
	s0 =	rddreg [dreg:$0x2]  }
0x27f: {  	s0 =	sadd.s32 @!p0 $0x100000, s0  }
0x280: {  	[sflag:s0] =	ssyncadd.tile.s32 @!p0 $0x1;
	_ =	shalt  }
.Lfunc_end2:
_tile_overlayer_lowered:
.L_overlay_start_2:
0x281: {  	(tag) =	ssettag $0x2  }
0x282: {  	s0 =	rddreg [dreg:$0x0];
	s2 =	stileid.u32  }
0x283: {  	s1 =	rddreg [dreg:$0x1];
	p0 =	sne.s32 s2, $0x0  }
0x284: {  	s3 =	rddreg [dreg:$0x2];
	[bflag:$0x3] =	sbarrier.arrive $0xFFFF;
	s2 =	simm.s32 @!p0 $0x1C03  }
0x285: {  	[timem:s3], [sflag:s2] =	dma.local @!p0 [hbm:s0], s1  }
0x286: {  	s0 =	simm.s32 @!p0 $0x3  }
0x287: {  	_ =	swait.ge @!p0 [sflag:s0], s1  }
0x288: {  	s1 =	ssub.s32 @!p0 $0x0, s1;
	[sflag:s0] =	ssyncset.done @!p0 $0x0  }
0x289: {  	[sflag:s0] =	ssyncadd.s32 @!p0 s1  }
0x28a: {  	[bflag:$0x3] =	sbarrier.arrive $0xFFFF  }
0x28b: {  	_ =	shalt  }

// kernel: kernel.8.cloned.1.call-start
scs
__scs_entry_jumppad:
0x0: {  	(pc) =	sbr.rel $0x88, $3  }
0x1: {  	(tag) =	ssettag $0x0;
	lr =	simm.s32 $0x1  }
0x2: {  	[smem:$0x3F90] =	sst lr;
	_ =	strace $0xD0000000  }
0x3: {  	_ = 	snop  }
0x4: {  	_ = 	snop  }
0x5: {  	_ = 	snop  }
0x6: {  	_ = 	snop  }
0x7: {  	_ = 	snop  }
__scs_overlays_trampoline_lowered:
0x8: {  	[smem:$0x3F9F] =	sst s0  }
0x9: {  	[smem:$0x3FA0] =	sst s1  }
0xa: {  	[smem:$0x3FA1] =	sst s2  }
0xb: {  	[smem:$0x3FA2] =	sst s3  }
0xc: {  	[smem:$0x3FA3] =	sst s4  }
0xd: {  	[smem:$0x3FA4] =	sst s5  }
0xe: {  	[smem:$0x3FA5] =	sst s6  }
0xf: {  	[smem:$0x3FA6] =	sst s7  }
0x10: {  	[smem:$0x3FA7] =	sst s8  }
0x11: {  	[smem:$0x3FA8] =	sst s9;
	s0 =	simm.s32 @!p0 $0x0  }
0x12: {  	s1 =	sld [smem:$0x3F8E];
	s0 =	simm.s32 @p0 $0x1  }
0x13: {  	[smem:$0x3FA9] =	sst s0;
	s0 =	simm.s32 @!p1 $0x0  }
0x14: {  	s2 =	sld [smem:$0x3F8D];
	s0 =	simm.s32 @p1 $0x1  }
0x15: {  	[smem:$0x3FAA] =	sst s0;
	s0 =	simm.s32 @!p2 $0x0  }
0x16: {  	s3 =	sld [smem:$0x3FDB];
	s0 =	simm.s32 @p2 $0x1  }
0x17: {  	s4 =	simm.s32 $0x1BF5;
	[smem:$0x3FAC] =	sst s0  }
0x18: {  	s0 =	sld [smem:$0x3F8F];
	_ =	swait.ge [sflag:s4], $0x0  }
0x19: {  	s7 =	sld [smem:$0x3F90]  }
0x1a: {  	s8 =	sadd.s32 $0xFFFFE003, lr  }
0x1b: {  	s9 =	sadd.s32 $0xFFFFFEF7, lr;
	s5 =	simm.s32 $0xFFFFFFFF;
	p2 =	slt.u32 s8, $0xFFFFF086  }
0x1c: {  	p1 =	slt.u32 s9, $0xF7A;
	s5 =	simm.s32 @!p2 $0x0  }
0x1d: {  	s5 =	simm.s32 @p1 $0x1;
	p0 =	seq.s32 s7, s2  }
0x1e: {  	s7 =	smul.u32 @!p0 $0xF7A, s2;
	p2 =	seq.s32 @!p0 s5, $0x0  }
0x1f: {  	s9 =	smul.u32 $0xF7A, s1;
	s8 =	simm.s32 @!p0 $0x1BF5;
	p2 =	por !p2, p0  }
0x20: {  	[sflag:s8] =	ssyncset.s32 @!p0 $0xFFFFF086;
	s6 =	sadd.s32 @!p0 s3, s7;
	s7 =	simm.s32 @!p0 $0x108  }
0x21: {  	s3 =	sadd.s32 s3, s9;
	s6 =	sadd.s32 @!p0 $0x88, s6;
	s7 =	simm.s32 @p2 $0x1082  }
0x22: {  	[simem:s7], [sflag:s8] =	dma.local @!p0 [hbm:s6], $0xF7A  }
0x23: {  	s9 =	sor.u32 $0xD0000000, s2;
	s6 =	simm.s32 $0x108;
	_ =	swait.ge @!p0 [sflag:s8], $0x0  }
0x24: {  	s3 =	sadd.s32 $0x88, s3;
	s6 =	simm.s32 @!p1 $0x1082;
	[sflag:s4] =	ssyncset.s32 $0xFFFFF086  }
0x25: {  	[simem:s6], [sflag:s4] =	dma.local [hbm:s3], $0xF7A  }
0x26: {  	[smem:$0x3F90] =	sst s1;
	(tag) =	ssettag s2;
	_ =	strace s9  }
0x27: {  	s1 =	sld [smem:$0x3FA0]  }
0x28: {  	s2 =	sld [smem:$0x3FA1]  }
0x29: {  	s4 =	sld [smem:$0x3FA3]  }
0x2a: {  	p0 =	seq.s32 s5, $0x0;
	s5 =	sld [smem:$0x3FA4]  }
0x2b: {  	s6 =	sld [smem:$0x3FA5]  }
0x2c: {  	s7 =	sld [smem:$0x3FA6]  }
0x2d: {  	s3 =	simm.s32 $0x108;
	s8 =	sld [smem:$0x3FA7]  }
0x2e: {  	s3 =	simm.s32 @!p0 $0x1082;
	s9 =	sld [smem:$0x3FA8]  }
0x2f: {  	lr =	sadd.s32 s0, s3;
	s0 =	sld [smem:$0x3F9F]  }
0x30: {  	s3 =	sld [smem:$0x3FA2]  }
0x31: {  	[smem:$0x3FAB] =	sst s10  }
0x32: {  	s10 =	sld [smem:$0x3FA9];
	_ =	sdelay $0x3  }
0x33: {  	p0 =	seq.s32 s10, $0x1;
	s10 =	sld [smem:$0x3FAB];
	_ =	sdelay $0x3  }
0x34: {  	[smem:$0x3FAB] =	sst s10  }
0x35: {  	s10 =	sld [smem:$0x3FAA];
	_ =	sdelay $0x3  }
0x36: {  	p1 =	seq.s32 s10, $0x1;
	s10 =	sld [smem:$0x3FAB];
	_ =	sdelay $0x3  }
0x37: {  	[smem:$0x3FAB] =	sst s10  }
0x38: {  	s10 =	sld [smem:$0x3FAC]  }
0x39: {  	_ = 	snop;
	(pc) =	sbr.ind lr, $3  }
0x3a: {  	_ = 	snop  }
0x3b: {  	_ = 	snop  }
0x3c: {  	p2 =	seq.s32 s10, $0x1;
	s10 =	sld [smem:$0x3FAB]  }
0x3d: {  	_ =	shalt  }
0x3e: {  	_ =	shalt  }
0x3f: {  	_ =	shalt  }
0x40: {  	_ =	shalt  }
0x41: {  	_ =	shalt  }
0x42: {  	_ =	shalt  }
0x43: {  	_ =	shalt  }
0x44: {  	_ =	shalt  }
0x45: {  	_ =	shalt  }
0x46: {  	_ =	shalt  }
0x47: {  	_ =	shalt  }
0x48: {  	_ =	shalt  }
0x49: {  	_ =	shalt  }
0x4a: {  	_ =	shalt  }
0x4b: {  	_ =	shalt  }
0x4c: {  	_ =	shalt  }
0x4d: {  	_ =	shalt  }
0x4e: {  	_ =	shalt  }
0x4f: {  	_ =	shalt  }
0x50: {  	_ =	shalt  }
0x51: {  	_ =	shalt  }
0x52: {  	_ =	shalt  }
0x53: {  	_ =	shalt  }
0x54: {  	_ =	shalt  }
0x55: {  	_ =	shalt  }
0x56: {  	_ =	shalt  }
0x57: {  	_ =	shalt  }
0x58: {  	_ =	shalt  }
0x59: {  	_ =	shalt  }
0x5a: {  	_ =	shalt  }
0x5b: {  	_ =	shalt  }
0x5c: {  	_ =	shalt  }
0x5d: {  	_ =	shalt  }
0x5e: {  	_ =	shalt  }
0x5f: {  	_ =	shalt  }
0x60: {  	_ =	shalt  }
0x61: {  	_ =	shalt  }
0x62: {  	_ =	shalt  }
0x63: {  	_ =	shalt  }
0x64: {  	_ =	shalt  }
0x65: {  	_ =	shalt  }
0x66: {  	_ =	shalt  }
0x67: {  	_ =	shalt  }
0x68: {  	_ =	shalt  }
0x69: {  	_ =	shalt  }
0x6a: {  	_ =	shalt  }
0x6b: {  	_ =	shalt  }
0x6c: {  	_ =	shalt  }
0x6d: {  	_ =	shalt  }
0x6e: {  	_ =	shalt  }
0x6f: {  	_ =	shalt  }
0x70: {  	_ =	shalt  }
0x71: {  	_ =	shalt  }
0x72: {  	_ =	shalt  }
0x73: {  	_ =	shalt  }
0x74: {  	_ =	shalt  }
0x75: {  	_ =	shalt  }
0x76: {  	_ =	shalt  }
0x77: {  	_ =	shalt  }
0x78: {  	_ =	shalt  }
0x79: {  	_ =	shalt  }
0x7a: {  	_ =	shalt  }
0x7b: {  	_ =	shalt  }
0x7c: {  	_ =	shalt  }
0x7d: {  	_ =	shalt  }
0x7e: {  	_ =	shalt  }
0x7f: {  	_ =	shalt  }
0x80: {  	_ =	shalt  }
0x81: {  	_ =	shalt  }
0x82: {  	_ =	shalt  }
0x83: {  	_ =	shalt  }
0x84: {  	_ =	shalt  }
0x85: {  	_ =	shalt  }
0x86: {  	_ =	shalt  }
0x87: {  	_ =	shalt  }
.Lfunc_end0:
.L_simem_size_0:
called_computation_lowered:
.L_overlay_start_0:
0x88: {  	s2 =	sld [smem:$0x3FD9]  }
0x89: {  	s3 =	sld [smem:$0x3FFE];
	_ =	sdelay $0x1  }
0x8a: {  	s1 =	srdreg.scid  }
0x8b: {  	s0 =	sand.u32 $0x1, s1  }
0x8c: {  	s16 =	sshll.u32 s0, $0xA;
	s2 =	sadd.s32 s3, s2  }
0x8d: {  	s2 =	sadd.s32 s2, s16  }
0x8e: {  	[smem:$0x3FB7] =	sst s2  }
0x8f: {  	_ = 	snop  }
0x90: {  	(tm) =	ssettm $0x1  }
0x91: {  	s17 =	sld [smem:$0x3FFB];
	_ =	sdelay $0x3  }
0x92: {  	_ =	strace s17  }
0x93: {  	s2 =	sld [smem:$0x3FFC];
	_ =	sdelay $0x3  }
0x94: {  	_ =	strace s2  }
0x95: {  	s2 =	sld [smem:$0x3FFD];
	_ =	sdelay $0x3  }
0x96: {  	_ =	strace s2  }
0x97: {  	_ =	strace $0x8FFFFFFF  }
0x98: {  	s18 =	sld [smem:$0x3FDB];
	_ =	sdelay $0x1  }
0x99: {  	s19 =	simm.s32 $_scs_section_size  }
0x9a: {  	s4 =	simm.s32 $_size__tile_overlayer_lowered;
	s5 =	simm.s32 $_tile_overlayer_lowered  }
0x9b: {  	s22 =	simm.s32 $0x1BFF;
	s21 =	sshll.u32 s5, $0x1;
	s2 =	sadd.s32 s19, s18  }
0x9c: {  	s6 =	simm.s32 $0x0;
	s20 =	sshll.u32 s4, $0x1;
	s4 =	sadd.s32 s21, s2  }
0x9d: {  	[timem:s6], [sflag:s22] =	dma.local [hbm:s4], s20  }
0x9e: {  	_ =	swait.ge [sflag:s22], s20  }
0x9f: {  	s3 =	ssub.s32 $0x0, s20;
	[sflag:s22] =	ssyncset.done $0x0  }
0xa0: {  	[sflag:s22] =	ssyncadd.s32 s3;
	_ =	sdelay $0x1  }
0xa1: {  	s23 =	simm.s32 $0x1B8B  }
0xa2: {  	_ =	swait.ge [sflag:s23], $0x1  }
0xa3: {  	[sflag:s23] =	ssyncset.done $0x0  }
0xa4: {  	s25 =	simm.s32 $0x1B8E;
	s24 =	sld [smem:$0x3FFE];
	[sflag:s23] =	ssyncadd.s32 $0xFFFFFFFF  }
0xa5: {  	s26 =	simm.s32 $execute0_lowered;
	[smem:$0x3FD2] =	sst s25  }
0xa6: {  	s4 =	sshll.u32 s26, $0x1;
	_ =	strace $0x80000046;
	[dreg:$0x1] =	wrdreg $0xFFFFFFFF  }
0xa7: {  	s28 =	simm.s32 $_size_execute0_lowered;
	s2 =	sadd.s32 s2, s4;
	[dreg:$0x0] =	wrdreg $0x0  }
0xa8: {  	s4 =	sshll.u32 s28, $0x1;
	[dreg:$0x2] =	wrdreg s2  }
0xa9: {  	[dreg:$0x3] =	wrdreg s4  }
0xaa: {  	[dreg:$0x4] =	wrdreg $0xC0  }
0xab: {  	_ =	task [dreg:s6], $0x5FFFF  }
0xac: {  	[dreg:$0x1] =	wrdreg $0xFFFFFFFF  }
0xad: {  	[dreg:$0x0] =	wrdreg $0x60  }
0xae: {  	[dreg:$0x2] =	wrdreg s24  }
0xaf: {  	[dreg:$0x3] =	wrdreg $0x9  }
0xb0: {  	_ =	task.clear_ibuf [dreg:s6], $0x4FFFF;
	_ =	strace $0x90000046  }
0xb1: {  	s29 =	simm.s32 $0x9;
	_ =	strace $0x80000048  }
0xb2: {  	_ =	swait.ge [sflag:s29], $0x1  }
0xb3: {  	[sflag:s29] =	ssyncadd.s32 $0xFFFFFFFF  }
0xb4: {  	_ =	strace $0x90000048  }
0xb5: {  	_ =	sfence  }
0xb6: {  	s30 =	sld [smem:$0x0];
	_ =	sdelay $0x2  }
0xb7: {  	s31 =	sshll.u32 s1, $0xD;
	s1 =	sshrl.u32 s1, $0x2  }
0xb8: {  	s3 =	sand.u32 $0x4000, s31;
	s1 =	sadd.s32 s1, s30  }
0xb9: {  	s0 =	sor.u32 s3, s0;
	s1 =	sshll.u32 s1, $0x11  }
0xba: {  	s0 =	sor.u32 s1, s0  }
0xbb: {  	s0 =	sadd.s32 $0x8F2B, s0  }
0xbc: {  	[sflag:s0] =	ssyncadd.remote.s32 $0x1  }
0xbd: {  	_ =	sfence.sel $0xFFFF  }
0xbe: {  	[dreg:$0x0] =	wrdreg $0xFFFFFFFF;
	(pc) =	sbr.abs _section_cstart, $3  }
0xbf: {  	[dreg:$0x1] =	wrdreg $0xFFFFFFFF  }
0xc0: {  	_ =	task.clear_ibuf [dreg:s6], $0x2FFFF;
	_ =	strace $0x9FFFFFFF  }
0xc1: {  	(tm) =	ssettm $0x7FFFFFFF  }
tec
execute0_lowered:
.L_overlay_start_1:
0x0: {  	(tag) =	ssettag $0x1  }
0x1: {  	s0 =	srdreg.scid  }
0x2: {  	s4 =	rddreg [dreg:$0x0];
	s3 =	sand.u32 $0x1, s0  }
0x3: {  	s1 =	stileid.u32;
	s2 =	simm.s32 $0x0;
	s5 =	sshll.u32 s3, $0x4  }
0x4: {  	s10 =	simm.s32 $0x4F00;
	s11 =	simm.s32 $0x7680;
	s5 =	sor.u32 s1, s5  }
0x5: {  	s12 =	simm.s32 $0x0;
	s0 =	rddreg [dreg:$0x1];
	s6 =	smul.u32 $0x4E2, s5  }
0x6: {  	[smem:$0x7FF] =	sst s2;
	s3 =	ssub.s32 $0x2, s3;
	s7 =	smul.u32 $0x2780, s5  }
0x7: {  	s8 =	sadd.s32 $0x16600, s4;
	s31 =	sshrl.u32 s3, $0x1;
	s5 =	smul.u32 $0x4F0, s5  }
0x8: {  	_ =	strace $0x80000047;
	s9 =	ssub.s32 s3, s31;
	s6 =	sadd.s32 s6, s4  }
0x9: {  	s7 =	sshrl.u32 s7, $0x3;
	s5 =	sadd.s32 s8, s5;
	s3 =	sadd.s32 $0xC800, s6  }
0xa: {  	s7 =	sadd.s32 s8, s7;
	s4 =	sadd.s32 $0x2A00, s6;
	s8 =	simm.s32 $0x1  }
0xb: {  	v0 =	vimm.f32 $0.0e+00;
	v1 =	vimm.f32 $1.000000000e+00;
	s6 =	sadd.s32 $0x9E00, s7;
	s7 =	smax.u32 s9, $0x1;
	s9 =	simm.s32 $0x2780  }
.LBB2_1:
0xc: {  	[tilespmem:s2], [sflag:$0x1] =	stream.linear.gather [hbm4b:s3+s2], $0x2710, $0x38;
	[tilespmem:$0x9E00] =	vst v63  }
0xd: {  	_ =	swait.ge [sflag:s8], $0x2710  }
0xe: {  	[sflag:s8] =	ssyncset.done $0x0  }
0xf: {  	[sflag:s8] =	ssyncadd.s32 $0xFFFFD8F0  }
0x10: {  	[tilespmem:s9], [sflag:$0x1] =	stream.linear.gather [hbm4b:s4+s2], $0x2710, $0x38;
	[tilespmem:$0x9E00] =	vst v63  }
0x11: {  	_ =	swait.ge [sflag:s8], $0x2710  }
0x12: {  	[sflag:s8] =	ssyncset.done $0x0  }
0x13: {  	s13 =	simm.s32 $0x0;
	[sflag:s8] =	ssyncadd.s32 $0xFFFFD8F0  }
.LBB2_2:
0x14: {  	p0 =	sne.s32 s13, $0x9C00  }
.Ltmp0:
0x15: {  	_ = 	snop;
	(pc) =	sbr.rel @p0 .LBB2_2-.Ltmp0, $4  }
0x16: {  	_ = 	snop  }
0x17: {  	s14 =	sshra.s32 s13, $0x2  }
0x18: {  	[tilespmem:s14+$0x4F00] =	vst v0  }
0x19: {  	s13 =	sadd.s32 $0x40, s13;
	[tilespmem:s14+$0x7680] =	vst v0  }
0x1a: {  	s14 =	simm.s32 $0x0;
	s13 =	simm.s32 $0x40  }
.LBB2_4:
0x1b: {  	p0 =	sne.s32 s13, $0x9C00;
	v2 =	vld [tilespmem:s14+$0x0];
	_ =	sdelay $0x7  }
0x1c: {  	[tilespmem:v2+s10+$0x0] =	vst.idx.add.f32.msk $0xffff, v1  }
0x1d: {  	v2 =	vld [tilespmem:s14+$0x2780];
	_ =	sdelay $0x3  }
.Ltmp1:
0x1e: {  	(pc) =	sbr.rel @p0 .LBB2_4-.Ltmp1, $2  }
0x1f: {  	_ =	sdelay $0x2  }
0x20: {  	s14 =	sshra.s32 s13, $0x2;
	s13 =	sadd.s32 $0x40, s13;
	[tilespmem:v2+s11+$0x0] =	vst.idx.add.f32.msk $0xffff, v1  }
0x21: {  	v2 =	vld [tilespmem:s14+$0x0];
	_ =	sdelay $0x7  }
0x22: {  	[tilespmem:v2+s10+$0x0] =	vst.idx.add.f32.msk $0xffff, v1  }
0x23: {  	v2 =	vld [tilespmem:s14+$0x2780];
	_ =	sdelay $0x7  }
0x24: {  	[tilespmem:v2+s11+$0x0] =	vst.idx.add.f32.msk $0xffff, v1  }
0x25: {  	[hbm4b:s5+s2] =	stream.linear.scatter [tilespmem:s10], [sflag:$0x1], $0x2780, $0x38;
	[tilespmem:$0x9E00] =	vst v63  }
0x26: {  	s12 =	sadd.s32 $0x1, s12;
	_ =	swait.ge [sflag:s8], $0x2780  }
0x27: {  	p0 =	sne.s32 s12, s7;
	[sflag:s8] =	ssyncset.done $0x0  }
.Ltmp2:
0x28: {  	[sflag:s8] =	ssyncadd.s32 $0xFFFFD880;
	(pc) =	sbr.rel @p0 .LBB2_1-.Ltmp2, $4  }
0x29: {  	[hbm4b:s6+s2] =	stream.linear.scatter [tilespmem:s11], [sflag:$0x1], $0x2780, $0x38;
	[tilespmem:$0x9E00] =	vst v63  }
0x2a: {  	_ =	swait.ge [sflag:s8], $0x2780  }
0x2b: {  	[sflag:s8] =	ssyncset.done $0x0  }
0x2c: {  	[sflag:s8] =	ssyncadd.s32 $0xFFFFD880  }
0x2d: {  	_ =	sfence.sel $0x180000  }
0x2e: {  	[bflag:$0x0] =	sbarrier.arrive $0xFFFF  }
0x2f: {  	p0 =	sne.s32 s1, $0x0;
	_ =	strace $0x90000047  }
0x30: {  	s0 =	sadd.s32 @!p0 $0x100000, s0;
	[bflag:$0x2] =	sbarrier.arrive $0xFFFF  }
0x31: {  	[sflag:s0] =	ssyncadd.tile.s32 @!p0 $0x1;
	_ =	shalt  }
.Lfunc_end2:
_tile_overlayer_lowered:
.L_overlay_start_2:
0x32: {  	(tag) =	ssettag $0x2  }
0x33: {  	s0 =	rddreg [dreg:$0x0];
	s2 =	stileid.u32  }
0x34: {  	s1 =	rddreg [dreg:$0x1];
	p0 =	sne.s32 s2, $0x0  }
0x35: {  	s3 =	rddreg [dreg:$0x2];
	[bflag:$0x3] =	sbarrier.arrive $0xFFFF;
	s2 =	simm.s32 @!p0 $0x1C01  }
0x36: {  	[timem:s3], [sflag:s2] =	dma.local @!p0 [hbm:s0], s1  }
0x37: {  	s0 =	simm.s32 @!p0 $0x1  }
0x38: {  	_ =	swait.ge @!p0 [sflag:s0], s1  }
0x39: {  	s1 =	ssub.s32 @!p0 $0x0, s1;
	[sflag:s0] =	ssyncset.done @!p0 $0x0  }
0x3a: {  	[sflag:s0] =	ssyncadd.s32 @!p0 s1  }
0x3b: {  	[bflag:$0x3] =	sbarrier.arrive $0xFFFF  }
0x3c: {  	_ =	shalt  }

</sc_bundles>
